<compile_context>
chip_gen: v7x
topology: tpu7x:2x2x1
jax: 0.10.2.dev20260603
libtpu: 0.0.44.dev20260713+nightly
codegen_flags: <defaults>
</compile_context>

<pallas_src>
import functools

import numpy as np
import jax
import jax.numpy as jnp
from jax import lax
from jax.experimental import pallas as pl
from jax.experimental.pallas import tpu as pltpu
from jax.experimental.pallas import tpu_sc as plsc

N = 10000
E = 160000
H = 128
VA = 32
NB = 8
NH = 4
DH = H // NH
TW = H + 3 * VA
PW = H + 16
S_BN = float(1.0 / np.sqrt(1.0 + 1e-5))
INV_SQRT_D = float(1.0 / np.sqrt(DH))

BE = 640
BN = 1000

NC = 2
NS = 16
NW = NC * NS
CH = 128
EA = 81920
EB = E - EA

_MESH = dict(core_axis_name="c", subcore_axis_name="s")


def _gelu(x):
    return x * 0.5 * (1.0 + lax.erf(x * float(1.0 / np.sqrt(2.0))))



def _sc_gather_pair(table, src, dst, width, lo, size):
    mesh = plsc.VectorSubcoreMesh(**_MESH)
    rounds = size // (NW * CH)
    rem = (size - rounds * NW * CH) // NW

    @functools.partial(
        pl.kernel,
        mesh=mesh,
        out_type=[jax.ShapeDtypeStruct((size, width), jnp.float32),
                  jax.ShapeDtypeStruct((size, width), jnp.float32)],
        scratch_types=[pltpu.VMEM((CH,), jnp.int32),
                       pltpu.VMEM((CH,), jnp.int32),
                       pltpu.VMEM((CH, width), jnp.float32),
                       pltpu.VMEM((CH, width), jnp.float32),
                       pltpu.SemaphoreType.DMA,
                       pltpu.SemaphoreType.DMA],
        compiler_params=pltpu.CompilerParams(use_tc_tiling_on_sc=False),
    )
    def gk(tab, s_idx, d_idx, out_s, out_d, idx_v, idx_v2, rows_v, rows_v2,
           sem, sem2):
        wid = lax.axis_index("s") * NC + lax.axis_index("c")

        def do(off, ch, iv, iv2, rv, rv2):
            pltpu.sync_copy(s_idx.at[pl.ds(lo + off, ch)], iv)
            pltpu.sync_copy(d_idx.at[pl.ds(lo + off, ch)], iv2)
            h1 = pltpu.async_copy(tab.at[iv], rv, sem)
            h2 = pltpu.async_copy(tab.at[iv2], rv2, sem2)
            h1.wait()
            pltpu.sync_copy(rv, out_s.at[pl.ds(off, ch)])
            h2.wait()
            pltpu.sync_copy(rv2, out_d.at[pl.ds(off, ch)])

        def round_body(r, carry):
            off = r * (NW * CH) + wid * CH
            do(off, CH, idx_v, idx_v2, rows_v, rows_v2)
            return carry

        lax.fori_loop(0, rounds, round_body, 0)
        if rem:
            off = rounds * NW * CH + wid * rem
            do(off, rem, idx_v.at[pl.ds(0, rem)], idx_v2.at[pl.ds(0, rem)],
               rows_v.at[pl.ds(0, rem)], rows_v2.at[pl.ds(0, rem)])

    return gk(table, src, dst)


def _sc_scatter_partials(pv_rows, ps_rows, src, zeros_v, zeros_s, lo, size):
    mesh = plsc.VectorSubcoreMesh(**_MESH)
    npt = N // NS
    rounds = size // (NW * CH)
    rem = (size - rounds * NW * CH) // NW

    @functools.partial(
        pl.kernel,
        mesh=mesh,
        out_type=[jax.ShapeDtypeStruct((NC * N, H), jnp.float32),
                  jax.ShapeDtypeStruct((NC * N, 16), jnp.float32)],
        scratch_types=[pltpu.VMEM((CH,), jnp.int32),
                       pltpu.VMEM((CH, H), jnp.float32),
                       pltpu.VMEM((CH, 16), jnp.float32),
                       pltpu.VMEM_SHARED((N, H), jnp.float32),
                       pltpu.VMEM_SHARED((N, 16), jnp.float32)],
        compiler_params=pltpu.CompilerParams(use_tc_tiling_on_sc=False),
    )
    def sk(pv_hbm, ps_hbm, src_hbm, zv_hbm, zs_hbm, out_v, out_s,
           idx_v, rv_v, rs_v, accv, accs):
        cid = lax.axis_index("c")
        sid = lax.axis_index("s")
        wid = sid * NC + cid
        pltpu.sync_copy(zv_hbm.at[pl.ds(sid * npt, npt)],
                        accv.at[pl.ds(sid * npt, npt)])
        pltpu.sync_copy(zs_hbm.at[pl.ds(sid * npt, npt)],
                        accs.at[pl.ds(sid * npt, npt)])
        plsc.subcore_barrier()

        def round_body(r, carry):
            off = r * (NW * CH) + wid * CH
            pltpu.sync_copy(src_hbm.at[pl.ds(lo + off, CH)], idx_v)
            pltpu.sync_copy(pv_hbm.at[pl.ds(off, CH)], rv_v)
            pltpu.sync_copy(ps_hbm.at[pl.ds(off, CH)], rs_v)
            pltpu.sync_copy(rv_v, accv.at[idx_v], add=True)
            pltpu.sync_copy(rs_v, accs.at[idx_v], add=True)
            return carry

        lax.fori_loop(0, rounds, round_body, 0)
        if rem:
            off = rounds * NW * CH + wid * rem
            iv = idx_v.at[pl.ds(0, rem)]
            pltpu.sync_copy(src_hbm.at[pl.ds(lo + off, rem)], iv)
            rv = rv_v.at[pl.ds(0, rem)]
            pltpu.sync_copy(pv_hbm.at[pl.ds(off, rem)], rv)
            pltpu.sync_copy(rv, accv.at[iv], add=True)
            rs = rs_v.at[pl.ds(0, rem)]
            pltpu.sync_copy(ps_hbm.at[pl.ds(off, rem)], rs)
            pltpu.sync_copy(rs, accs.at[iv], add=True)
        plsc.subcore_barrier()
        pltpu.sync_copy(accv.at[pl.ds(sid * npt, npt)],
                        out_v.at[pl.ds(cid * N + sid * npt, npt)])
        pltpu.sync_copy(accs.at[pl.ds(sid * npt, npt)],
                        out_s.at[pl.ds(cid * N + sid * npt, npt)])

    return sk(pv_rows, ps_rows, src, zeros_v, zeros_s)



def _mm(a, b):
    return jnp.dot(a.astype(jnp.bfloat16), b.astype(jnp.bfloat16),
                   preferred_element_type=jnp.float32)


def _tc_edge_main(h_E, gs, gd, geo, w, lo, size):
    ob = lo // BE

    def body(hE_ref, gs_ref, gd_ref, geo_ref,
             WvaT, bva, WvdT, bvd, Tm, Bm, Sm,
             W1ve, W1vls, W1qa, W1qb, W1g, W1qrk, b1, W2T, b2, W3T, b3,
             Wm1T, Wm2T, bm, B1aT, B1bT, B1cT, bb1, B2T, bb2, B3T, bb3,
             WVT, bV,
             hE1_ref, V_ref, w3_ref, M_ref):
        hE = hE_ref[...]
        hVs = gs_ref[...]
        hVd = gd_ref[...]
        vls = _mm(hVs, WvaT[...]) + bva[...]
        vld = _mm(hVd, WvaT[...]) + bva[...]
        g = geo_ref[...]

        ve = _mm(hE, WvdT[...]) + bvd[...]
        VE = _mm(ve, Tm[...])
        VL = _mm(vls, Tm[...])
        CA = _mm(g, Bm[...])
        TB = CA[:, 384:480]
        qtA = (CA[:, 0:96] * VE[:, 0:96]
               + CA[:, 128:224] * VE[:, 128:224]
               + CA[:, 256:352] * VE[:, 256:352] + TB)
        qtBn = (CA[:, 0:96] * VL[:, 0:96]
                + CA[:, 128:224] * VL[:, 128:224]
                + CA[:, 256:352] * VL[:, 256:352])
        qtB = qtBn + TB
        qrk = _mm(vld * qtBn, Sm[...])
        x = jnp.maximum(
            _mm(ve, W1ve[...]) + _mm(vls, W1vls[...]) + _mm(qtA, W1qa[...])
            + _mm(qtB, W1qb[...]) + _mm(g, W1g[...]) + _mm(qrk, W1qrk[...])
            + b1[...], 0.0)
        x = jnp.maximum(_mm(x, W2T[...]) + b2[...], 0.0)
        ge = _mm(x, W3T[...]) + b3[...]
        hE1 = _mm(hE, Wm1T[...]) + _mm(ge, Wm2T[...]) + bm[...]
        hE1_ref[...] = hE1.astype(jnp.bfloat16)

        wv = jnp.maximum(_mm(hVs, B1aT[...]) + _mm(hE1, B1bT[...])
                         + _mm(hVd, B1cT[...]) + bb1[...], 0.0)
        wv = jnp.maximum(_mm(wv, B2T[...]) + bb2[...], 0.0)
        w3 = (_mm(wv, B3T[...]) + bb3[...]) * INV_SQRT_D
        w3_ref[...] = w3.astype(jnp.bfloat16)
        V_ref[...] = _gelu(_mm(hE1, WVT[...]) + bV[...]).astype(jnp.bfloat16)

        @pl.when(pl.program_id(0) == 0)
        def _init():
            M_ref[...] = jnp.full((1, 1), -1e30, jnp.float32)

        M_ref[...] = jnp.maximum(M_ref[...], jnp.max(w3, keepdims=True))

    const = lambda i: (0, 0)
    wspecs = [pl.BlockSpec(a.shape, const) for a in w]
    return pl.pallas_call(
        body,
        grid=(size // BE,),
        in_specs=[pl.BlockSpec((BE, H), lambda i: (ob + i, 0)),
                  pl.BlockSpec((BE, H), lambda i: (i, 0)),
                  pl.BlockSpec((BE, H), lambda i: (i, 0)),
                  pl.BlockSpec((BE, 28), lambda i: (ob + i, 0))] + wspecs,
        out_specs=[pl.BlockSpec((BE, H), lambda i: (i, 0)),
                   pl.BlockSpec((BE, H), lambda i: (i, 0)),
                   pl.BlockSpec((BE, NH), lambda i: (i, 0)),
                   pl.BlockSpec((1, 1), const)],
        out_shape=[jax.ShapeDtypeStruct((size, H), jnp.bfloat16),
                   jax.ShapeDtypeStruct((size, H), jnp.bfloat16),
                   jax.ShapeDtypeStruct((size, NH), jnp.bfloat16),
                   jax.ShapeDtypeStruct((1, 1), jnp.float32)],
    )(h_E, gs, gd, geo, *w)


def _tc_softnum(w3, V, M):

    def body(w3_ref, V_ref, M_ref, Brep, Bsel, pv_ref, ps_ref):
        ex = jnp.exp(w3_ref[...].astype(jnp.float32) - M_ref[...])
        pv_ref[...] = _mm(ex, Brep[...]) * V_ref[...].astype(jnp.float32)
        ps_ref[...] = _mm(ex, Bsel[...])

    brep = np.zeros((NH, H), np.float32)
    for h in range(NH):
        brep[h, h * DH:(h + 1) * DH] = 1.0
    bsel = np.eye(NH, 16, dtype=np.float32)
    const = lambda i: (0, 0)
    size = w3.shape[0]
    return pl.pallas_call(
        body,
        grid=(size // BE,),
        in_specs=[pl.BlockSpec((BE, NH), lambda i: (i, 0)),
                  pl.BlockSpec((BE, H), lambda i: (i, 0)),
                  pl.BlockSpec((1, 1), lambda i: (0, 0)),
                  pl.BlockSpec((NH, H), const),
                  pl.BlockSpec((NH, 16), const)],
        out_specs=[pl.BlockSpec((BE, H), lambda i: (i, 0)),
                   pl.BlockSpec((BE, 16), lambda i: (i, 0))],
        out_shape=[jax.ShapeDtypeStruct((size, H), jnp.float32),
                   jax.ShapeDtypeStruct((size, 16), jnp.float32)],
    )(w3, V, M, jnp.asarray(brep, jnp.bfloat16), jnp.asarray(bsel, jnp.bfloat16))


def _tc_node_update(pvs, pss, Ms, h_V, bid_row, w):
    npv = len(pvs)

    def body(*refs):
        pv_refs = refs[:npv]
        ps_refs = refs[npv:2 * npv]
        m_refs = refs[2 * npv:2 * npv + len(Ms)]
        hv_ref, bid_ref, WgT, bg, WoT, Wd1T, bd1, Wd2T, bd2, \
            hv2_ref, csum_ref, ccnt_ref = refs[2 * npv + len(Ms):]
        mg = m_refs[0][...]
        for r in m_refs[1:]:
            mg = jnp.maximum(mg, r[...])
        scales = [jnp.exp(r[...] - mg) for r in m_refs]
        num = None
        s = None
        for k, r in enumerate(pv_refs):
            t = r[...] * scales[k // NC]
            num = t if num is None else num + t
        for k, r in enumerate(ps_refs):
            t = r[...][:, :NH] * scales[k // NC]
            s = t if s is None else s + t
        parts = []
        for h in range(NH):
            sh = s[:, h:h + 1]
            parts.append(num[:, h * DH:(h + 1) * DH]
                         / jnp.where(sh > 0.0, sh, 1.0))
        hagg = jnp.concatenate(parts, axis=1)
        gate = jax.nn.sigmoid(_mm(hagg, WgT[...]) + bg[...])
        hv1 = hv_ref[...] + _mm(hagg, WoT[...]) * gate
        x = jnp.maximum(_mm(hv1, Wd1T[...]) + bd1[...], 0.0)
        hv2 = hv1 + _mm(x, Wd2T[...]) + bd2[...]
        hv2_ref[...] = hv2
        bid = bid_ref[0]
        oh = (lax.broadcasted_iota(jnp.int32, (NB, BN), 0)
              == bid).astype(jnp.float32)

        @pl.when(pl.program_id(0) == 0)
        def _init():
            csum_ref[...] = jnp.zeros_like(csum_ref)
            ccnt_ref[...] = jnp.zeros_like(ccnt_ref)

        csum_ref[...] += _mm(oh, hv2)
        ccnt_ref[...] += _mm(oh, jnp.ones((BN, H), jnp.float32))

    const = lambda i: (0, 0)
    wspecs = [pl.BlockSpec(a.shape, const) for a in w]
    return pl.pallas_call(
        body,
        grid=(N // BN,),
        in_specs=[pl.BlockSpec((BN, H), lambda i: (i, 0))] * npv
                 + [pl.BlockSpec((BN, 16), lambda i: (i, 0))] * npv
                 + [pl.BlockSpec((1, 1), const)] * len(Ms)
                 + [pl.BlockSpec((BN, H), lambda i: (i, 0)),
                    pl.BlockSpec((1, 1, BN), lambda i: (i, 0, 0))] + wspecs,
        out_specs=[pl.BlockSpec((BN, H), lambda i: (i, 0)),
                   pl.BlockSpec((NB, H), const),
                   pl.BlockSpec((NB, H), const)],
        out_shape=[jax.ShapeDtypeStruct((N, H), jnp.float32),
                   jax.ShapeDtypeStruct((NB, H), jnp.float32),
                   jax.ShapeDtypeStruct((NB, H), jnp.float32)],
    )(*pvs, *pss, *Ms, h_V, bid_row, *w)


def _tc_node_gate(hv2, bid_col, csum, ccnt, w):
    def body(hv2_ref, bid_ref, csum_ref, ccnt_ref,
             V1T, c1, V2T, c2, V3T, c3, out_ref):
        cv = csum_ref[...] / jnp.maximum(ccnt_ref[...], 1.0)
        gg = jnp.maximum(_mm(cv, V1T[...]) + c1[...], 0.0)
        gg = jnp.maximum(_mm(gg, V2T[...]) + c2[...], 0.0)
        gg = _mm(gg, V3T[...]) + c3[...]
        sg = jax.nn.sigmoid(gg)
        oh = (lax.broadcasted_iota(jnp.int32, (BN, NB), 1)
              == bid_ref[...]).astype(jnp.float32)
        out_ref[...] = hv2_ref[...] * _mm(oh, sg)

    const = lambda i: (0, 0)
    wspecs = [pl.BlockSpec(a.shape, const) for a in w]
    return pl.pallas_call(
        body,
        grid=(N // BN,),
        in_specs=[pl.BlockSpec((BN, H), lambda i: (i, 0)),
                  pl.BlockSpec((BN, 1), lambda i: (i, 0)),
                  pl.BlockSpec((NB, H), const),
                  pl.BlockSpec((NB, H), const)] + wspecs,
        out_specs=pl.BlockSpec((BN, H), lambda i: (i, 0)),
        out_shape=jax.ShapeDtypeStruct((N, H), jnp.float32),
    )(hv2, bid_col, csum, ccnt, *w)


def _tc_edge_update(hE1, v3s, v3d, w):
    size = hE1.shape[0]
    def body(he1_ref, vs_ref, vd_ref,
             U1aT, U1bT, U1cT, bu1, U2T, bu2, U3T, bu3, out_ref):
        he1 = he1_ref[...]
        x = _gelu(_mm(vs_ref[...], U1aT[...]) + _mm(he1, U1bT[...])
                  + _mm(vd_ref[...], U1cT[...]) + bu1[...])
        x = _gelu(_mm(x, U2T[...]) + bu2[...])
        x = _mm(x, U3T[...]) + bu3[...]
        out_ref[...] = S_BN * (he1.astype(jnp.float32) + x)

    const = lambda i: (0, 0)
    wspecs = [pl.BlockSpec(a.shape, const) for a in w]
    return pl.pallas_call(
        body,
        grid=(size // BE,),
        in_specs=[pl.BlockSpec((BE, H), lambda i: (i, 0)),
                  pl.BlockSpec((BE, H), lambda i: (i, 0)),
                  pl.BlockSpec((BE, H), lambda i: (i, 0))] + wspecs,
        out_specs=pl.BlockSpec((BE, H), lambda i: (i, 0)),
        out_shape=jax.ShapeDtypeStruct((size, H), jnp.float32),
    )(hE1, v3s, v3d, *w)



def kernel(h_V, h_E, rot_mats, trans, rbf, edge_idx, batch_id, h_E_0, params):
    p = params
    b2d = lambda q: q["b"][None]
    pva = np.array([va * 3 + c for c in range(3) for va in range(VA)], np.int32)
    WvaT = p["virtual_atom"]["W"][pva].T
    bva = p["virtual_atom"]["b"][pva][None]
    WvdT = p["virtual_direct"]["W"][pva].T
    bvd = p["virtual_direct"]["b"][pva][None]
    W1s = p["we1"]["W"] * S_BN
    pidx = np.array([n * 3 + s for s in range(3) for n in range(VA)], np.int32)
    W1ve = W1s[:, pidx].T
    W1vls = W1s[:, 96 + pidx].T
    W1qa = W1s[:, 192 + pidx].T
    W1qb = W1s[:, 288 + pidx].T
    W1g = np.zeros((28, H), np.float32)
    W1g = jnp.asarray(W1g).at[0:9].set(W1s[:, 384:393].T)
    W1g = W1g.at[12:28].set(W1s[:, 393:409].T)
    W1qrk = W1s[:, 409:441].T
    b1 = (p["we1"]["b"] * S_BN)[None]
    Tm = np.zeros((96, 384), np.float32)
    Bm = np.zeros((28, 512), np.float32)
    Sm = np.zeros((96, 32), np.float32)
    for c in range(3):
        for s in range(3):
            Tm[c * 32:(c + 1) * 32, 128 * c + s * 32:128 * c + (s + 1) * 32] \
                += np.eye(32, dtype=np.float32)
            Bm[s * 3 + c, 128 * c + s * 32:128 * c + (s + 1) * 32] = 1.0
    for s in range(3):
        Bm[9 + s, 384 + s * 32:384 + (s + 1) * 32] = 1.0
        Sm[s * 32:(s + 1) * 32, :] += np.eye(32, dtype=np.float32)
    Tm = jnp.asarray(Tm, jnp.bfloat16)
    Bm = jnp.asarray(Bm, jnp.bfloat16)
    Sm = jnp.asarray(Sm, jnp.bfloat16)
    W2T = (p["we2"]["W"] * S_BN).T
    b2 = (p["we2"]["b"] * S_BN)[None]
    W3T = p["we3"]["W"].T
    b3 = b2d(p["we3"])
    Wm = p["merge"]["W"]
    Wm1T, Wm2T, bm = Wm[:, :H].T, Wm[:, H:].T, b2d(p["merge"])
    B1 = p["bias1"]["W"]
    B1aT, B1bT, B1cT = B1[:, :H].T, B1[:, H:2 * H].T, B1[:, 2 * H:].T
    bb1 = b2d(p["bias1"])
    B2T, bb2 = p["bias2"]["W"].T, b2d(p["bias2"])
    B3T, bb3 = p["bias3"]["W"].T, b2d(p["bias3"])
    WVT, bV = p["W_V"]["W"].T, b2d(p["W_V"])
    WgT, bg = p["gate"]["W"].T, b2d(p["gate"])
    WoT = p["W_O"]["W"].T
    Wd1T = p["dense1"]["W"].T * S_BN
    bd1 = b2d(p["dense1"])
    Wd2T = p["dense2"]["W"].T * S_BN
    bd2 = (p["dense2"]["b"] * S_BN)[None]
    V1T, c1 = p["vg1"]["W"].T, b2d(p["vg1"])
    V2T, c2 = p["vg2"]["W"].T, b2d(p["vg2"])
    V3T, c3 = p["vg3"]["W"].T, b2d(p["vg3"])
    U1 = p["ue1"]["W"]
    U1aT, U1bT, U1cT = U1[:, :H].T, U1[:, H:2 * H].T, U1[:, 2 * H:].T
    bu1 = b2d(p["ue1"])
    U2T, bu2 = p["ue2"]["W"].T, b2d(p["ue2"])
    U3T, bu3 = p["ue3"]["W"].T, b2d(p["ue3"])
    cb = lambda x: jnp.asarray(x).astype(jnp.bfloat16)
    (WvaT, WvdT, W1ve, W1vls, W1qa, W1qb, W1g, W1qrk, W2T, W3T, Wm1T, Wm2T,
     B1aT, B1bT, B1cT, B2T, B3T, WVT,
     WgT, WoT, Wd1T, Wd2T, V1T, V2T, V3T, U1aT, U1bT, U1cT, U2T, U3T) = map(
        cb, (WvaT, WvdT, W1ve, W1vls, W1qa, W1qb, W1g, W1qrk, W2T, W3T, Wm1T,
             Wm2T, B1aT, B1bT, B1cT, B2T, B3T, WVT, WgT, WoT, Wd1T, Wd2T,
             V1T, V2T, V3T, U1aT, U1bT, U1cT, U2T, U3T))

    src = edge_idx[0]
    dst = edge_idx[1]
    geo = jnp.concatenate(
        [rot_mats.reshape(E, 9), trans.reshape(E, 3), rbf], axis=1)

    wmain = (WvaT, bva, WvdT, bvd, Tm, Bm, Sm,
             W1ve, W1vls, W1qa, W1qb, W1g, W1qrk, b1, W2T, b2, W3T, b3,
             Wm1T, Wm2T, bm, B1aT, B1bT, B1cT, bb1, B2T, bb2, B3T, bb3,
             WVT, bV)
    slices = ((0, EA), (EA, EB))
    zv = jnp.zeros((N, H), jnp.float32)
    zs = jnp.zeros((N, 16), jnp.float32)

    gpairs = [_sc_gather_pair(h_V, src, dst, H, lo, sz) for lo, sz in slices]
    mains = [_tc_edge_main(h_E, gs_, gd_, geo, wmain, lo, sz)
             for (gs_, gd_), (lo, sz) in zip(gpairs, slices)]
    softs = [_tc_softnum(m[2], m[1], m[3]) for m in mains]
    scats = [_sc_scatter_partials(pv_, ps_, src, zv, zs, lo, sz)
             for (pv_, ps_), (lo, sz) in zip(softs, slices)]
    pvs, pss = [], []
    for pv_, ps_ in scats:
        pv_ = pv_.reshape(NC, N, H)
        ps_ = ps_.reshape(NC, N, 16)
        pvs += [pv_[0], pv_[1]]
        pss += [ps_[0], ps_[1]]
    hV2, csum, ccnt = _tc_node_update(
        pvs, pss, [m[3] for m in mains], h_V,
        batch_id.reshape(N // BN, 1, BN),
        (WgT, bg, WoT, Wd1T, bd1, Wd2T, bd2))
    hV3 = _tc_node_gate(hV2, batch_id.reshape(N, 1), csum, ccnt,
                        (V1T, c1, V2T, c2, V3T, c3))
    g2pairs = [_sc_gather_pair(hV3, src, dst, H, lo, sz) for lo, sz in slices]
    wue = (U1aT, U1bT, U1cT, bu1, U2T, bu2, U3T, bu3)
    hE2 = jnp.concatenate(
        [_tc_edge_update(m[0], v3s_, v3d_, wue)
         for m, (v3s_, v3d_) in zip(mains, g2pairs)], axis=0)
    return hV3, hE2

# --- scband reference (transcript-rebuilt; emitter-appended) ---
"""Pipeline reference for scband-general-gnn-15496242004737 (READ-ONLY COPY).

The authoritative reference and input builder live on the scoring server;
editing this copy changes nothing except your own understanding.
"""

import jax, jax.numpy as jnp
import numpy as np

N = 10000
E = 160000
H = 128
VA = 32
NB = 8
NH = 4


def _lin_init(key, fin, fout, bias=True):
    k1, k2 = jax.random.split(key)
    lim = float(1.0 / np.sqrt(fin))
    W = jax.random.uniform(k1, (fout, fin), jnp.float32, -lim, lim)
    b = jax.random.uniform(k2, (fout,), jnp.float32, -lim, lim) if bias else None
    return {"W": W, "b": b}


def setup_inputs(seed: int = 0):
    key = jax.random.key(seed)
    ks = jax.random.split(key, 32)
    inp = {}
    inp["h_V"] = jax.random.normal(ks[0], (N, H), jnp.float32)
    inp["h_E"] = jax.random.normal(ks[1], (E, H), jnp.float32)
    inp["rot_mats"] = jax.random.normal(ks[2], (E, 1, 3, 3), jnp.float32)
    inp["trans"] = jax.random.normal(ks[3], (E, 1, 3), jnp.float32)
    inp["rbf"] = jax.random.uniform(ks[4], (E, 16), jnp.float32)
    inp["edge_idx"] = jax.random.randint(ks[5], (2, E), 0, N, jnp.int32)
    inp["batch_id"] = jnp.sort(jax.random.randint(ks[6], (N,), 0, NB, jnp.int32))
    inp["h_E_0"] = jax.random.normal(ks[7], (E, H), jnp.float32)
    params = {}
    params["virtual_atom"] = _lin_init(ks[8], H, VA * 3)
    params["virtual_direct"] = _lin_init(ks[9], H, VA * 3)
    din = 4 * VA * 3 + 9 + 16 + VA
    params["we1"] = _lin_init(ks[10], din, H)
    params["we2"] = _lin_init(ks[11], H, H)
    params["we3"] = _lin_init(ks[12], H, H)
    params["merge"] = _lin_init(ks[13], 2 * H, H)
    params["W_V"] = _lin_init(ks[14], H, H)
    params["bias1"] = _lin_init(ks[15], 3 * H, H)
    params["bias2"] = _lin_init(ks[16], H, H)
    params["bias3"] = _lin_init(ks[17], H, NH)
    params["W_O"] = _lin_init(ks[18], H, H, bias=False)
    params["gate"] = _lin_init(ks[19], H, H)
    params["dense1"] = _lin_init(ks[20], H, 4 * H)
    params["dense2"] = _lin_init(ks[21], 4 * H, H)
    params["vg1"] = _lin_init(ks[22], H, H)
    params["vg2"] = _lin_init(ks[23], H, H)
    params["vg3"] = _lin_init(ks[24], H, H)
    params["ue1"] = _lin_init(ks[25], 3 * H, H)
    params["ue2"] = _lin_init(ks[26], H, H)
    params["ue3"] = _lin_init(ks[27], H, H)
    inp["params"] = params
    return inp


def _linear(x, p):
    y = x @ p["W"].T
    if p["b"] is not None:
        y = y + p["b"]
    return y


def _bn(x):
    # BatchNorm1d in eval mode at init: running_mean=0, running_var=1, gamma=1, beta=0
    return x * (1.0 / np.sqrt(1.0 + 1e-5))


def _forward(h_V, h_E, rot_mats, trans, rbf, h_E_0, params, edge_idx, batch_id):
    Nn = h_V.shape[0]
    Ee = h_E.shape[0]
    src = edge_idx[0]
    dst = edge_idx[1]
    # ---- GeoFeat ----
    V_local = _linear(h_V, params["virtual_atom"]).reshape(Nn, VA, 3)
    V_edge = _linear(h_E, params["virtual_direct"]).reshape(Ee, VA, 3)
    Ks = jnp.concatenate([V_edge, V_local[src]], axis=1)
    R = rot_mats[:, 0]
    Qt = jnp.einsum('eij,enj->eni', R, Ks) + trans
    Ks_f = Ks.reshape(Ee, -1)
    Qt_f = Qt.reshape(Ee, -1)
    quat_st = R.reshape(Ee, 9)
    RKs = jnp.einsum('eij,enj->eni', R, V_local[src])
    QRK = jnp.einsum('enj,enj->en', V_local[dst], RKs)
    Hcat = jnp.concatenate([Ks_f, Qt_f, quat_st, rbf, QRK], axis=1)
    x = jax.nn.relu(_bn(_linear(Hcat, params["we1"])))
    x = jax.nn.relu(_bn(_linear(x, params["we2"])))
    G_e = _linear(x, params["we3"])
    h_E1 = _linear(jnp.concatenate([h_E, G_e], axis=-1), params["merge"])
    # ---- PiFoldAttn ----
    w = jnp.concatenate([h_V[src], h_E1, h_V[dst]], axis=-1)
    w = jax.nn.relu(_linear(w, params["bias1"]))
    w = jax.nn.relu(_linear(w, params["bias2"]))
    w = _linear(w, params["bias3"]).reshape(Ee, NH, 1)
    d = H // NH
    logits = w / np.sqrt(d)
    V = jax.nn.gelu(_linear(h_E1, params["W_V"]), approximate=False).reshape(Ee, NH, d)
    m = jax.ops.segment_max(logits, src, num_segments=Nn)
    m = jnp.where(jnp.isfinite(m), m, 0.0)
    ex = jnp.exp(logits - m[src])
    s = jax.ops.segment_sum(ex, src, num_segments=Nn)
    attend = ex / s[src]
    h_agg = jax.ops.segment_sum(attend * V, src, num_segments=Nn).reshape(Nn, H)
    gate = jax.nn.sigmoid(_linear(h_agg, params["gate"]))
    dh = (h_agg @ params["W_O"]["W"].T) * gate
    h_V1 = h_V + dh
    # ---- UpdateNode ----
    x = _bn(h_V1)
    x = jax.nn.relu(_linear(x, params["dense1"]))
    x = _linear(x, params["dense2"])
    h_V2 = h_V1 + _bn(x)
    mat = (jnp.arange(NB)[:, None] == batch_id[None]).astype(h_V2.dtype)
    mat = mat / mat.sum(axis=1, keepdims=True)
    c_V = mat @ h_V2
    g = _linear(jax.nn.relu(_linear(jax.nn.relu(_linear(c_V, params["vg1"])), params["vg2"])), params["vg3"])
    h_V3 = h_V2 * jax.nn.sigmoid(g)[batch_id]
    # ---- UpdateEdge ----
    h_EV = jnp.concatenate([h_V3[src], h_E1, h_V3[dst]], axis=-1)
    x = jax.nn.gelu(_linear(h_EV, params["ue1"]), approximate=False)
    x = jax.nn.gelu(_linear(x, params["ue2"]), approximate=False)
    x = _linear(x, params["ue3"])
    h_E2 = _bn(h_E1 + x)
    return (h_V3, h_E2)


def reference(h_V, h_E, rot_mats, trans, rbf, edge_idx, batch_id, h_E_0, params):
    return _forward(h_V, h_E, rot_mats, trans, rbf, h_E_0, params, edge_idx, batch_id)

if __name__ == "__main__":
    import jax
    _d = setup_inputs()
    print(jax.jit(kernel)(*tuple(_d.values())))

</pallas_src>

<mosaic_0001>
#map = affine_map<(d0, d1) -> (0, 0)>
#map1 = affine_map<(d0, d1) -> (0)>
module attributes {stable_mosaic.version = 14 : i64} {
  func.func @gk(%arg0: i32, %arg1: i32, %arg2: memref<10000x128xf32, #tpu.memory_space<hbm>>, %arg3: memref<160000xi32, #tpu.memory_space<hbm>>, %arg4: memref<160000xi32, #tpu.memory_space<hbm>>, %arg5: memref<78080x128xf32, #tpu.memory_space<hbm>>, %arg6: memref<78080x128xf32, #tpu.memory_space<hbm>>, %arg7: memref<128xi32, #tpu.memory_space<vmem>>, %arg8: memref<128xi32, #tpu.memory_space<vmem>>, %arg9: memref<128x128xf32, #tpu.memory_space<vmem>>, %arg10: memref<128x128xf32, #tpu.memory_space<vmem>>, %arg11: memref<!tpu.dma_semaphore, #tpu.memory_space<semaphore_mem>>, %arg12: memref<!tpu.dma_semaphore, #tpu.memory_space<semaphore_mem>>) attributes {dimension_semantics = [#tpu.dimension_semantics<core_parallel>, #tpu.dimension_semantics<subcore_parallel>], iteration_bounds = array<i64: 2, 16>, scalar_prefetch = 0 : i64, scratch_operands = 6 : i64, tpu.core_type = #tpu.core_type<sc_vector_subcore>, window_params = [{transform_indices = #map}, {transform_indices = #map1}, {transform_indices = #map1}, {transform_indices = #map}, {transform_indices = #map}]} {
    %mul3A = arith.constant 2 : i32
    %mul3A_0 = arith.muli %arg1, %mul3A : i32
    %add3A = arith.addi %mul3A_0, %arg0 : i32
    %scan3A = arith.constant 0 : i32
    %scan3A_1 = arith.constant 0 : i32
    %scan3A_2 = arith.constant 19 : i32
    %scan3A_3 = arith.addi %scan3A_1, %scan3A_2 : i32
    %scan3A_4 = arith.constant 1 : i32
    scf.for %scan3A_44 = %scan3A_1 to %scan3A_3 step %scan3A_4  : i32 {
      %mul3A_45 = arith.constant 4096 : i32
      %mul3A_46 = arith.muli %scan3A_44, %mul3A_45 : i32
      %mul3A_47 = arith.constant 128 : i32
      %mul3A_48 = arith.muli %add3A, %mul3A_47 : i32
      %add3A_49 = arith.addi %mul3A_46, %mul3A_48 : i32
      %add3A_50 = arith.constant 81920 : i32
      %add3A_51 = arith.addi %add3A_50, %add3A_49 : i32
      "tpu.region"() ({
        %run_scoped3A = tpu.sem_alloc : memref<!tpu.dma_semaphore, #tpu.memory_space<semaphore_mem>>
        %dma_start3A_66 = tpu.memref_slice %arg3[%add3A_51] : memref<160000xi32, #tpu.memory_space<hbm>> -> memref<128xi32, #tpu.memory_space<hbm>>
        %dma_start3A_67 = tpu.memref_slice %arg3[%add3A_51] : memref<160000xi32, #tpu.memory_space<hbm>> -> memref<128xi32, #tpu.memory_space<hbm>>
        tpu.enqueue_dma source(%dma_start3A_67 : memref<128xi32, #tpu.memory_space<hbm>>) target(%arg7 : memref<128xi32, #tpu.memory_space<vmem>>) target_semaphore(%run_scoped3A : memref<!tpu.dma_semaphore, #tpu.memory_space<semaphore_mem>>)
        %dma_wait3A_68 = tpu.memref_slice %arg3[%add3A_51] : memref<160000xi32, #tpu.memory_space<hbm>> -> memref<128xi32, #tpu.memory_space<hbm>>
        %dma_wait3A_69 = tpu.memref_slice %arg3[%add3A_51] : memref<160000xi32, #tpu.memory_space<hbm>> -> memref<128xi32, #tpu.memory_space<hbm>>
        tpu.wait_dma2 semaphore(%run_scoped3A : memref<!tpu.dma_semaphore, #tpu.memory_space<semaphore_mem>>) src(%dma_wait3A_69 : memref<128xi32, #tpu.memory_space<hbm>>) dst(%arg7 : memref<128xi32, #tpu.memory_space<vmem>>)
        tpu.yield
      }) : () -> ()
      %add3A_52 = arith.constant 81920 : i32
      %add3A_53 = arith.addi %add3A_52, %add3A_49 : i32
      "tpu.region"() ({
        %run_scoped3A = tpu.sem_alloc : memref<!tpu.dma_semaphore, #tpu.memory_space<semaphore_mem>>
        %dma_start3A_66 = tpu.memref_slice %arg4[%add3A_53] : memref<160000xi32, #tpu.memory_space<hbm>> -> memref<128xi32, #tpu.memory_space<hbm>>
        %dma_start3A_67 = tpu.memref_slice %arg4[%add3A_53] : memref<160000xi32, #tpu.memory_space<hbm>> -> memref<128xi32, #tpu.memory_space<hbm>>
        tpu.enqueue_dma source(%dma_start3A_67 : memref<128xi32, #tpu.memory_space<hbm>>) target(%arg8 : memref<128xi32, #tpu.memory_space<vmem>>) target_semaphore(%run_scoped3A : memref<!tpu.dma_semaphore, #tpu.memory_space<semaphore_mem>>)
        %dma_wait3A_68 = tpu.memref_slice %arg4[%add3A_53] : memref<160000xi32, #tpu.memory_space<hbm>> -> memref<128xi32, #tpu.memory_space<hbm>>
        %dma_wait3A_69 = tpu.memref_slice %arg4[%add3A_53] : memref<160000xi32, #tpu.memory_space<hbm>> -> memref<128xi32, #tpu.memory_space<hbm>>
        tpu.wait_dma2 semaphore(%run_scoped3A : memref<!tpu.dma_semaphore, #tpu.memory_space<semaphore_mem>>) src(%dma_wait3A_69 : memref<128xi32, #tpu.memory_space<hbm>>) dst(%arg8 : memref<128xi32, #tpu.memory_space<vmem>>)
        tpu.yield
      }) : () -> ()
      %dma_start3A_54 = arith.constant 0 : i32
      %dma_start3A_55 = arith.constant 0 : i32
      %dma_start3A_56 = tpu.memref_slice %arg2[%dma_start3A_54, %dma_start3A_55] : memref<10000x128xf32, #tpu.memory_space<hbm>> -> memref<10000x128xf32, #tpu.memory_space<hbm>>
      tpu.enqueue_indirect_dma source(%dma_start3A_56 : memref<10000x128xf32, #tpu.memory_space<hbm>>) target(%arg9 : memref<128x128xf32, #tpu.memory_space<vmem>>) offsets(%arg7 : memref<128xi32, #tpu.memory_space<vmem>>) semaphore(%arg11 : memref<!tpu.dma_semaphore, #tpu.memory_space<semaphore_mem>>)
      %dma_start3A_57 = arith.constant 0 : i32
      %dma_start3A_58 = arith.constant 0 : i32
      %dma_start3A_59 = tpu.memref_slice %arg2[%dma_start3A_57, %dma_start3A_58] : memref<10000x128xf32, #tpu.memory_space<hbm>> -> memref<10000x128xf32, #tpu.memory_space<hbm>>
      tpu.enqueue_indirect_dma source(%dma_start3A_59 : memref<10000x128xf32, #tpu.memory_space<hbm>>) target(%arg10 : memref<128x128xf32, #tpu.memory_space<vmem>>) offsets(%arg8 : memref<128xi32, #tpu.memory_space<vmem>>) semaphore(%arg12 : memref<!tpu.dma_semaphore, #tpu.memory_space<semaphore_mem>>)
      %dma_wait3A_60 = arith.constant 0 : i32
      %dma_wait3A_61 = arith.constant 0 : i32
      %dma_wait3A_62 = tpu.memref_slice %arg2[%dma_wait3A_60, %dma_wait3A_61] : memref<10000x128xf32, #tpu.memory_space<hbm>> -> memref<10000x128xf32, #tpu.memory_space<hbm>>
      tpu.wait_indirect_dma semaphore(%arg11 : memref<!tpu.dma_semaphore, #tpu.memory_space<semaphore_mem>>) src(%dma_wait3A_62 : memref<10000x128xf32, #tpu.memory_space<hbm>>) dst(%arg9 : memref<128x128xf32, #tpu.memory_space<vmem>>)
      "tpu.region"() ({
        %run_scoped3A = tpu.sem_alloc : memref<!tpu.dma_semaphore, #tpu.memory_space<semaphore_mem>>
        %dma_start3A_66 = arith.constant 0 : i32
        %dma_start3A_67 = tpu.memref_slice %arg5[%add3A_49, %dma_start3A_66] : memref<78080x128xf32, #tpu.memory_space<hbm>> -> memref<128x128xf32, #tpu.memory_space<hbm>>
        %dma_start3A_68 = arith.constant 0 : i32
        %dma_start3A_69 = tpu.memref_slice %arg5[%add3A_49, %dma_start3A_68] : memref<78080x128xf32, #tpu.memory_space<hbm>> -> memref<128x128xf32, #tpu.memory_space<hbm>>
        tpu.enqueue_dma source(%arg9 : memref<128x128xf32, #tpu.memory_space<vmem>>) target(%dma_start3A_69 : memref<128x128xf32, #tpu.memory_space<hbm>>) target_semaphore(%run_scoped3A : memref<!tpu.dma_semaphore, #tpu.memory_space<semaphore_mem>>)
        %dma_wait3A_70 = arith.constant 0 : i32
        %dma_wait3A_71 = tpu.memref_slice %arg5[%add3A_49, %dma_wait3A_70] : memref<78080x128xf32, #tpu.memory_space<hbm>> -> memref<128x128xf32, #tpu.memory_space<hbm>>
        %dma_wait3A_72 = arith.constant 0 : i32
        %dma_wait3A_73 = tpu.memref_slice %arg5[%add3A_49, %dma_wait3A_72] : memref<78080x128xf32, #tpu.memory_space<hbm>> -> memref<128x128xf32, #tpu.memory_space<hbm>>
        tpu.wait_dma2 semaphore(%run_scoped3A : memref<!tpu.dma_semaphore, #tpu.memory_space<semaphore_mem>>) src(%arg9 : memref<128x128xf32, #tpu.memory_space<vmem>>) dst(%dma_wait3A_73 : memref<128x128xf32, #tpu.memory_space<hbm>>)
        tpu.yield
      }) : () -> ()
      %dma_wait3A_63 = arith.constant 0 : i32
      %dma_wait3A_64 = arith.constant 0 : i32
      %dma_wait3A_65 = tpu.memref_slice %arg2[%dma_wait3A_63, %dma_wait3A_64] : memref<10000x128xf32, #tpu.memory_space<hbm>> -> memref<10000x128xf32, #tpu.memory_space<hbm>>
      tpu.wait_indirect_dma semaphore(%arg12 : memref<!tpu.dma_semaphore, #tpu.memory_space<semaphore_mem>>) src(%dma_wait3A_65 : memref<10000x128xf32, #tpu.memory_space<hbm>>) dst(%arg10 : memref<128x128xf32, #tpu.memory_space<vmem>>)
      "tpu.region"() ({
        %run_scoped3A = tpu.sem_alloc : memref<!tpu.dma_semaphore, #tpu.memory_space<semaphore_mem>>
        %dma_start3A_66 = arith.constant 0 : i32
        %dma_start3A_67 = tpu.memref_slice %arg6[%add3A_49, %dma_start3A_66] : memref<78080x128xf32, #tpu.memory_space<hbm>> -> memref<128x128xf32, #tpu.memory_space<hbm>>
        %dma_start3A_68 = arith.constant 0 : i32
        %dma_start3A_69 = tpu.memref_slice %arg6[%add3A_49, %dma_start3A_68] : memref<78080x128xf32, #tpu.memory_space<hbm>> -> memref<128x128xf32, #tpu.memory_space<hbm>>
        tpu.enqueue_dma source(%arg10 : memref<128x128xf32, #tpu.memory_space<vmem>>) target(%dma_start3A_69 : memref<128x128xf32, #tpu.memory_space<hbm>>) target_semaphore(%run_scoped3A : memref<!tpu.dma_semaphore, #tpu.memory_space<semaphore_mem>>)
        %dma_wait3A_70 = arith.constant 0 : i32
        %dma_wait3A_71 = tpu.memref_slice %arg6[%add3A_49, %dma_wait3A_70] : memref<78080x128xf32, #tpu.memory_space<hbm>> -> memref<128x128xf32, #tpu.memory_space<hbm>>
        %dma_wait3A_72 = arith.constant 0 : i32
        %dma_wait3A_73 = tpu.memref_slice %arg6[%add3A_49, %dma_wait3A_72] : memref<78080x128xf32, #tpu.memory_space<hbm>> -> memref<128x128xf32, #tpu.memory_space<hbm>>
        tpu.wait_dma2 semaphore(%run_scoped3A : memref<!tpu.dma_semaphore, #tpu.memory_space<semaphore_mem>>) src(%arg10 : memref<128x128xf32, #tpu.memory_space<vmem>>) dst(%dma_wait3A_73 : memref<128x128xf32, #tpu.memory_space<hbm>>)
        tpu.yield
      }) : () -> ()
    }
    %scan3A_5 = arith.constant 19 : i32
    %mul3A_6 = arith.constant 8 : i32
    %mul3A_7 = arith.muli %add3A, %mul3A_6 : i32
    %add3A_8 = arith.constant 77824 : i32
    %add3A_9 = arith.addi %add3A_8, %mul3A_7 : i32
    %add3A_10 = arith.constant 81920 : i32
    %add3A_11 = arith.addi %add3A_10, %add3A_9 : i32
    "tpu.region"() ({
      %run_scoped3A = tpu.sem_alloc : memref<!tpu.dma_semaphore, #tpu.memory_space<semaphore_mem>>
      %dma_start3A_44 = arith.constant 0 : i32
      %dma_start3A_45 = tpu.memref_slice %arg7[%dma_start3A_44] : memref<128xi32, #tpu.memory_space<vmem>> -> memref<8xi32, #tpu.memory_space<vmem>>
      %dma_start3A_46 = tpu.memref_slice %arg3[%add3A_11] : memref<160000xi32, #tpu.memory_space<hbm>> -> memref<8xi32, #tpu.memory_space<hbm>>
      %dma_start3A_47 = arith.constant 0 : i32
      %dma_start3A_48 = tpu.memref_slice %arg7[%dma_start3A_47] : memref<128xi32, #tpu.memory_space<vmem>> -> memref<8xi32, #tpu.memory_space<vmem>>
      %dma_start3A_49 = tpu.memref_slice %arg3[%add3A_11] : memref<160000xi32, #tpu.memory_space<hbm>> -> memref<8xi32, #tpu.memory_space<hbm>>
      tpu.enqueue_dma source(%dma_start3A_49 : memref<8xi32, #tpu.memory_space<hbm>>) target(%dma_start3A_48 : memref<8xi32, #tpu.memory_space<vmem>>) target_semaphore(%run_scoped3A : memref<!tpu.dma_semaphore, #tpu.memory_space<semaphore_mem>>)
      %dma_wait3A_50 = arith.constant 0 : i32
      %dma_wait3A_51 = tpu.memref_slice %arg7[%dma_wait3A_50] : memref<128xi32, #tpu.memory_space<vmem>> -> memref<8xi32, #tpu.memory_space<vmem>>
      %dma_wait3A_52 = tpu.memref_slice %arg3[%add3A_11] : memref<160000xi32, #tpu.memory_space<hbm>> -> memref<8xi32, #tpu.memory_space<hbm>>
      %dma_wait3A_53 = arith.constant 0 : i32
      %dma_wait3A_54 = tpu.memref_slice %arg7[%dma_wait3A_53] : memref<128xi32, #tpu.memory_space<vmem>> -> memref<8xi32, #tpu.memory_space<vmem>>
      %dma_wait3A_55 = tpu.memref_slice %arg3[%add3A_11] : memref<160000xi32, #tpu.memory_space<hbm>> -> memref<8xi32, #tpu.memory_space<hbm>>
      tpu.wait_dma2 semaphore(%run_scoped3A : memref<!tpu.dma_semaphore, #tpu.memory_space<semaphore_mem>>) src(%dma_wait3A_55 : memref<8xi32, #tpu.memory_space<hbm>>) dst(%dma_wait3A_54 : memref<8xi32, #tpu.memory_space<vmem>>)
      tpu.yield
    }) : () -> ()
    %add3A_12 = arith.constant 81920 : i32
    %add3A_13 = arith.addi %add3A_12, %add3A_9 : i32
    "tpu.region"() ({
      %run_scoped3A = tpu.sem_alloc : memref<!tpu.dma_semaphore, #tpu.memory_space<semaphore_mem>>
      %dma_start3A_44 = arith.constant 0 : i32
      %dma_start3A_45 = tpu.memref_slice %arg8[%dma_start3A_44] : memref<128xi32, #tpu.memory_space<vmem>> -> memref<8xi32, #tpu.memory_space<vmem>>
      %dma_start3A_46 = tpu.memref_slice %arg4[%add3A_13] : memref<160000xi32, #tpu.memory_space<hbm>> -> memref<8xi32, #tpu.memory_space<hbm>>
      %dma_start3A_47 = arith.constant 0 : i32
      %dma_start3A_48 = tpu.memref_slice %arg8[%dma_start3A_47] : memref<128xi32, #tpu.memory_space<vmem>> -> memref<8xi32, #tpu.memory_space<vmem>>
      %dma_start3A_49 = tpu.memref_slice %arg4[%add3A_13] : memref<160000xi32, #tpu.memory_space<hbm>> -> memref<8xi32, #tpu.memory_space<hbm>>
      tpu.enqueue_dma source(%dma_start3A_49 : memref<8xi32, #tpu.memory_space<hbm>>) target(%dma_start3A_48 : memref<8xi32, #tpu.memory_space<vmem>>) target_semaphore(%run_scoped3A : memref<!tpu.dma_semaphore, #tpu.memory_space<semaphore_mem>>)
      %dma_wait3A_50 = arith.constant 0 : i32
      %dma_wait3A_51 = tpu.memref_slice %arg8[%dma_wait3A_50] : memref<128xi32, #tpu.memory_space<vmem>> -> memref<8xi32, #tpu.memory_space<vmem>>
      %dma_wait3A_52 = tpu.memref_slice %arg4[%add3A_13] : memref<160000xi32, #tpu.memory_space<hbm>> -> memref<8xi32, #tpu.memory_space<hbm>>
      %dma_wait3A_53 = arith.constant 0 : i32
      %dma_wait3A_54 = tpu.memref_slice %arg8[%dma_wait3A_53] : memref<128xi32, #tpu.memory_space<vmem>> -> memref<8xi32, #tpu.memory_space<vmem>>
      %dma_wait3A_55 = tpu.memref_slice %arg4[%add3A_13] : memref<160000xi32, #tpu.memory_space<hbm>> -> memref<8xi32, #tpu.memory_space<hbm>>
      tpu.wait_dma2 semaphore(%run_scoped3A : memref<!tpu.dma_semaphore, #tpu.memory_space<semaphore_mem>>) src(%dma_wait3A_55 : memref<8xi32, #tpu.memory_space<hbm>>) dst(%dma_wait3A_54 : memref<8xi32, #tpu.memory_space<vmem>>)
      tpu.yield
    }) : () -> ()
    %dma_start3A = arith.constant 0 : i32
    %dma_start3A_14 = arith.constant 0 : i32
    %dma_start3A_15 = tpu.memref_slice %arg9[%dma_start3A, %dma_start3A_14] : memref<128x128xf32, #tpu.memory_space<vmem>> -> memref<8x128xf32, #tpu.memory_space<vmem>>
    %dma_start3A_16 = arith.constant 0 : i32
    %dma_start3A_17 = tpu.memref_slice %arg7[%dma_start3A_16] : memref<128xi32, #tpu.memory_space<vmem>> -> memref<8xi32, #tpu.memory_space<vmem>>
    %dma_start3A_18 = arith.constant 0 : i32
    %dma_start3A_19 = arith.constant 0 : i32
    %dma_start3A_20 = tpu.memref_slice %arg2[%dma_start3A_18, %dma_start3A_19] : memref<10000x128xf32, #tpu.memory_space<hbm>> -> memref<10000x128xf32, #tpu.memory_space<hbm>>
    tpu.enqueue_indirect_dma source(%dma_start3A_20 : memref<10000x128xf32, #tpu.memory_space<hbm>>) target(%dma_start3A_15 : memref<8x128xf32, #tpu.memory_space<vmem>>) offsets(%dma_start3A_17 : memref<8xi32, #tpu.memory_space<vmem>>) semaphore(%arg11 : memref<!tpu.dma_semaphore, #tpu.memory_space<semaphore_mem>>)
    %dma_start3A_21 = arith.constant 0 : i32
    %dma_start3A_22 = arith.constant 0 : i32
    %dma_start3A_23 = tpu.memref_slice %arg10[%dma_start3A_21, %dma_start3A_22] : memref<128x128xf32, #tpu.memory_space<vmem>> -> memref<8x128xf32, #tpu.memory_space<vmem>>
    %dma_start3A_24 = arith.constant 0 : i32
    %dma_start3A_25 = tpu.memref_slice %arg8[%dma_start3A_24] : memref<128xi32, #tpu.memory_space<vmem>> -> memref<8xi32, #tpu.memory_space<vmem>>
    %dma_start3A_26 = arith.constant 0 : i32
    %dma_start3A_27 = arith.constant 0 : i32
    %dma_start3A_28 = tpu.memref_slice %arg2[%dma_start3A_26, %dma_start3A_27] : memref<10000x128xf32, #tpu.memory_space<hbm>> -> memref<10000x128xf32, #tpu.memory_space<hbm>>
    tpu.enqueue_indirect_dma source(%dma_start3A_28 : memref<10000x128xf32, #tpu.memory_space<hbm>>) target(%dma_start3A_23 : memref<8x128xf32, #tpu.memory_space<vmem>>) offsets(%dma_start3A_25 : memref<8xi32, #tpu.memory_space<vmem>>) semaphore(%arg12 : memref<!tpu.dma_semaphore, #tpu.memory_space<semaphore_mem>>)
    %dma_wait3A = arith.constant 0 : i32
    %dma_wait3A_29 = arith.constant 0 : i32
    %dma_wait3A_30 = tpu.memref_slice %arg9[%dma_wait3A, %dma_wait3A_29] : memref<128x128xf32, #tpu.memory_space<vmem>> -> memref<8x128xf32, #tpu.memory_space<vmem>>
    %dma_wait3A_31 = arith.constant 0 : i32
    %dma_wait3A_32 = tpu.memref_slice %arg7[%dma_wait3A_31] : memref<128xi32, #tpu.memory_space<vmem>> -> memref<8xi32, #tpu.memory_space<vmem>>
    %dma_wait3A_33 = arith.constant 0 : i32
    %dma_wait3A_34 = arith.constant 0 : i32
    %dma_wait3A_35 = tpu.memref_slice %arg2[%dma_wait3A_33, %dma_wait3A_34] : memref<10000x128xf32, #tpu.memory_space<hbm>> -> memref<10000x128xf32, #tpu.memory_space<hbm>>
    tpu.wait_indirect_dma semaphore(%arg11 : memref<!tpu.dma_semaphore, #tpu.memory_space<semaphore_mem>>) src(%dma_wait3A_35 : memref<10000x128xf32, #tpu.memory_space<hbm>>) dst(%dma_wait3A_30 : memref<8x128xf32, #tpu.memory_space<vmem>>)
    "tpu.region"() ({
      %run_scoped3A = tpu.sem_alloc : memref<!tpu.dma_semaphore, #tpu.memory_space<semaphore_mem>>
      %dma_start3A_44 = arith.constant 0 : i32
      %dma_start3A_45 = arith.constant 0 : i32
      %dma_start3A_46 = tpu.memref_slice %arg9[%dma_start3A_44, %dma_start3A_45] : memref<128x128xf32, #tpu.memory_space<vmem>> -> memref<8x128xf32, #tpu.memory_space<vmem>>
      %dma_start3A_47 = arith.constant 0 : i32
      %dma_start3A_48 = tpu.memref_slice %arg5[%add3A_9, %dma_start3A_47] : memref<78080x128xf32, #tpu.memory_space<hbm>> -> memref<8x128xf32, #tpu.memory_space<hbm>>
      %dma_start3A_49 = arith.constant 0 : i32
      %dma_start3A_50 = tpu.memref_slice %arg5[%add3A_9, %dma_start3A_49] : memref<78080x128xf32, #tpu.memory_space<hbm>> -> memref<8x128xf32, #tpu.memory_space<hbm>>
      %dma_start3A_51 = arith.constant 0 : i32
      %dma_start3A_52 = arith.constant 0 : i32
      %dma_start3A_53 = tpu.memref_slice %arg9[%dma_start3A_51, %dma_start3A_52] : memref<128x128xf32, #tpu.memory_space<vmem>> -> memref<8x128xf32, #tpu.memory_space<vmem>>
      tpu.enqueue_dma source(%dma_start3A_53 : memref<8x128xf32, #tpu.memory_space<vmem>>) target(%dma_start3A_50 : memref<8x128xf32, #tpu.memory_space<hbm>>) target_semaphore(%run_scoped3A : memref<!tpu.dma_semaphore, #tpu.memory_space<semaphore_mem>>)
      %dma_wait3A_54 = arith.constant 0 : i32
      %dma_wait3A_55 = arith.constant 0 : i32
      %dma_wait3A_56 = tpu.memref_slice %arg9[%dma_wait3A_54, %dma_wait3A_55] : memref<128x128xf32, #tpu.memory_space<vmem>> -> memref<8x128xf32, #tpu.memory_space<vmem>>
      %dma_wait3A_57 = arith.constant 0 : i32
      %dma_wait3A_58 = tpu.memref_slice %arg5[%add3A_9, %dma_wait3A_57] : memref<78080x128xf32, #tpu.memory_space<hbm>> -> memref<8x128xf32, #tpu.memory_space<hbm>>
      %dma_wait3A_59 = arith.constant 0 : i32
      %dma_wait3A_60 = tpu.memref_slice %arg5[%add3A_9, %dma_wait3A_59] : memref<78080x128xf32, #tpu.memory_space<hbm>> -> memref<8x128xf32, #tpu.memory_space<hbm>>
      %dma_wait3A_61 = arith.constant 0 : i32
      %dma_wait3A_62 = arith.constant 0 : i32
      %dma_wait3A_63 = tpu.memref_slice %arg9[%dma_wait3A_61, %dma_wait3A_62] : memref<128x128xf32, #tpu.memory_space<vmem>> -> memref<8x128xf32, #tpu.memory_space<vmem>>
      tpu.wait_dma2 semaphore(%run_scoped3A : memref<!tpu.dma_semaphore, #tpu.memory_space<semaphore_mem>>) src(%dma_wait3A_63 : memref<8x128xf32, #tpu.memory_space<vmem>>) dst(%dma_wait3A_60 : memref<8x128xf32, #tpu.memory_space<hbm>>)
      tpu.yield
    }) : () -> ()
    %dma_wait3A_36 = arith.constant 0 : i32
    %dma_wait3A_37 = arith.constant 0 : i32
    %dma_wait3A_38 = tpu.memref_slice %arg10[%dma_wait3A_36, %dma_wait3A_37] : memref<128x128xf32, #tpu.memory_space<vmem>> -> memref<8x128xf32, #tpu.memory_space<vmem>>
    %dma_wait3A_39 = arith.constant 0 : i32
    %dma_wait3A_40 = tpu.memref_slice %arg8[%dma_wait3A_39] : memref<128xi32, #tpu.memory_space<vmem>> -> memref<8xi32, #tpu.memory_space<vmem>>
    %dma_wait3A_41 = arith.constant 0 : i32
    %dma_wait3A_42 = arith.constant 0 : i32
    %dma_wait3A_43 = tpu.memref_slice %arg2[%dma_wait3A_41, %dma_wait3A_42] : memref<10000x128xf32, #tpu.memory_space<hbm>> -> memref<10000x128xf32, #tpu.memory_space<hbm>>
    tpu.wait_indirect_dma semaphore(%arg12 : memref<!tpu.dma_semaphore, #tpu.memory_space<semaphore_mem>>) src(%dma_wait3A_43 : memref<10000x128xf32, #tpu.memory_space<hbm>>) dst(%dma_wait3A_38 : memref<8x128xf32, #tpu.memory_space<vmem>>)
    "tpu.region"() ({
      %run_scoped3A = tpu.sem_alloc : memref<!tpu.dma_semaphore, #tpu.memory_space<semaphore_mem>>
      %dma_start3A_44 = arith.constant 0 : i32
      %dma_start3A_45 = arith.constant 0 : i32
      %dma_start3A_46 = tpu.memref_slice %arg10[%dma_start3A_44, %dma_start3A_45] : memref<128x128xf32, #tpu.memory_space<vmem>> -> memref<8x128xf32, #tpu.memory_space<vmem>>
      %dma_start3A_47 = arith.constant 0 : i32
      %dma_start3A_48 = tpu.memref_slice %arg6[%add3A_9, %dma_start3A_47] : memref<78080x128xf32, #tpu.memory_space<hbm>> -> memref<8x128xf32, #tpu.memory_space<hbm>>
      %dma_start3A_49 = arith.constant 0 : i32
      %dma_start3A_50 = tpu.memref_slice %arg6[%add3A_9, %dma_start3A_49] : memref<78080x128xf32, #tpu.memory_space<hbm>> -> memref<8x128xf32, #tpu.memory_space<hbm>>
      %dma_start3A_51 = arith.constant 0 : i32
      %dma_start3A_52 = arith.constant 0 : i32
      %dma_start3A_53 = tpu.memref_slice %arg10[%dma_start3A_51, %dma_start3A_52] : memref<128x128xf32, #tpu.memory_space<vmem>> -> memref<8x128xf32, #tpu.memory_space<vmem>>
      tpu.enqueue_dma source(%dma_start3A_53 : memref<8x128xf32, #tpu.memory_space<vmem>>) target(%dma_start3A_50 : memref<8x128xf32, #tpu.memory_space<hbm>>) target_semaphore(%run_scoped3A : memref<!tpu.dma_semaphore, #tpu.memory_space<semaphore_mem>>)
      %dma_wait3A_54 = arith.constant 0 : i32
      %dma_wait3A_55 = arith.constant 0 : i32
      %dma_wait3A_56 = tpu.memref_slice %arg10[%dma_wait3A_54, %dma_wait3A_55] : memref<128x128xf32, #tpu.memory_space<vmem>> -> memref<8x128xf32, #tpu.memory_space<vmem>>
      %dma_wait3A_57 = arith.constant 0 : i32
      %dma_wait3A_58 = tpu.memref_slice %arg6[%add3A_9, %dma_wait3A_57] : memref<78080x128xf32, #tpu.memory_space<hbm>> -> memref<8x128xf32, #tpu.memory_space<hbm>>
      %dma_wait3A_59 = arith.constant 0 : i32
      %dma_wait3A_60 = tpu.memref_slice %arg6[%add3A_9, %dma_wait3A_59] : memref<78080x128xf32, #tpu.memory_space<hbm>> -> memref<8x128xf32, #tpu.memory_space<hbm>>
      %dma_wait3A_61 = arith.constant 0 : i32
      %dma_wait3A_62 = arith.constant 0 : i32
      %dma_wait3A_63 = tpu.memref_slice %arg10[%dma_wait3A_61, %dma_wait3A_62] : memref<128x128xf32, #tpu.memory_space<vmem>> -> memref<8x128xf32, #tpu.memory_space<vmem>>
      tpu.wait_dma2 semaphore(%run_scoped3A : memref<!tpu.dma_semaphore, #tpu.memory_space<semaphore_mem>>) src(%dma_wait3A_63 : memref<8x128xf32, #tpu.memory_space<vmem>>) dst(%dma_wait3A_60 : memref<8x128xf32, #tpu.memory_space<hbm>>)
      tpu.yield
    }) : () -> ()
    return
  }
}

#map = affine_map<(d0, d1) -> (0, 0)>
#map1 = affine_map<(d0, d1) -> (0)>
module attributes {stable_mosaic.version = 14 : i64} {
  func.func @gk(%arg0: i32, %arg1: i32, %arg2: memref<10000x128xf32, #tpu.memory_space<hbm>>, %arg3: memref<160000xi32, #tpu.memory_space<hbm>>, %arg4: memref<160000xi32, #tpu.memory_space<hbm>>, %arg5: memref<81920x128xf32, #tpu.memory_space<hbm>>, %arg6: memref<81920x128xf32, #tpu.memory_space<hbm>>, %arg7: memref<128xi32, #tpu.memory_space<vmem>>, %arg8: memref<128xi32, #tpu.memory_space<vmem>>, %arg9: memref<128x128xf32, #tpu.memory_space<vmem>>, %arg10: memref<128x128xf32, #tpu.memory_space<vmem>>, %arg11: memref<!tpu.dma_semaphore, #tpu.memory_space<semaphore_mem>>, %arg12: memref<!tpu.dma_semaphore, #tpu.memory_space<semaphore_mem>>) attributes {dimension_semantics = [#tpu.dimension_semantics<core_parallel>, #tpu.dimension_semantics<subcore_parallel>], iteration_bounds = array<i64: 2, 16>, scalar_prefetch = 0 : i64, scratch_operands = 6 : i64, tpu.core_type = #tpu.core_type<sc_vector_subcore>, window_params = [{transform_indices = #map}, {transform_indices = #map1}, {transform_indices = #map1}, {transform_indices = #map}, {transform_indices = #map}]} {
    %mul3A = arith.constant 2 : i32
    %mul3A_0 = arith.muli %arg1, %mul3A : i32
    %add3A = arith.addi %mul3A_0, %arg0 : i32
    %scan3A = arith.constant 0 : i32
    %scan3A_1 = arith.constant 0 : i32
    %scan3A_2 = arith.constant 20 : i32
    %scan3A_3 = arith.addi %scan3A_1, %scan3A_2 : i32
    %scan3A_4 = arith.constant 1 : i32
    scf.for %scan3A_6 = %scan3A_1 to %scan3A_3 step %scan3A_4  : i32 {
      %mul3A_7 = arith.constant 4096 : i32
      %mul3A_8 = arith.muli %scan3A_6, %mul3A_7 : i32
      %mul3A_9 = arith.constant 128 : i32
      %mul3A_10 = arith.muli %add3A, %mul3A_9 : i32
      %add3A_11 = arith.addi %mul3A_8, %mul3A_10 : i32
      %add3A_12 = arith.constant 0 : i32
      %add3A_13 = arith.addi %add3A_12, %add3A_11 : i32
      "tpu.region"() ({
        %run_scoped3A = tpu.sem_alloc : memref<!tpu.dma_semaphore, #tpu.memory_space<semaphore_mem>>
        %dma_start3A_26 = tpu.memref_slice %arg3[%add3A_13] : memref<160000xi32, #tpu.memory_space<hbm>> -> memref<128xi32, #tpu.memory_space<hbm>>
        %dma_start3A_27 = tpu.memref_slice %arg3[%add3A_13] : memref<160000xi32, #tpu.memory_space<hbm>> -> memref<128xi32, #tpu.memory_space<hbm>>
        tpu.enqueue_dma source(%dma_start3A_27 : memref<128xi32, #tpu.memory_space<hbm>>) target(%arg7 : memref<128xi32, #tpu.memory_space<vmem>>) target_semaphore(%run_scoped3A : memref<!tpu.dma_semaphore, #tpu.memory_space<semaphore_mem>>)
        %dma_wait3A_28 = tpu.memref_slice %arg3[%add3A_13] : memref<160000xi32, #tpu.memory_space<hbm>> -> memref<128xi32, #tpu.memory_space<hbm>>
        %dma_wait3A_29 = tpu.memref_slice %arg3[%add3A_13] : memref<160000xi32, #tpu.memory_space<hbm>> -> memref<128xi32, #tpu.memory_space<hbm>>
        tpu.wait_dma2 semaphore(%run_scoped3A : memref<!tpu.dma_semaphore, #tpu.memory_space<semaphore_mem>>) src(%dma_wait3A_29 : memref<128xi32, #tpu.memory_space<hbm>>) dst(%arg7 : memref<128xi32, #tpu.memory_space<vmem>>)
        tpu.yield
      }) : () -> ()
      %add3A_14 = arith.constant 0 : i32
      %add3A_15 = arith.addi %add3A_14, %add3A_11 : i32
      "tpu.region"() ({
        %run_scoped3A = tpu.sem_alloc : memref<!tpu.dma_semaphore, #tpu.memory_space<semaphore_mem>>
        %dma_start3A_26 = tpu.memref_slice %arg4[%add3A_15] : memref<160000xi32, #tpu.memory_space<hbm>> -> memref<128xi32, #tpu.memory_space<hbm>>
        %dma_start3A_27 = tpu.memref_slice %arg4[%add3A_15] : memref<160000xi32, #tpu.memory_space<hbm>> -> memref<128xi32, #tpu.memory_space<hbm>>
        tpu.enqueue_dma source(%dma_start3A_27 : memref<128xi32, #tpu.memory_space<hbm>>) target(%arg8 : memref<128xi32, #tpu.memory_space<vmem>>) target_semaphore(%run_scoped3A : memref<!tpu.dma_semaphore, #tpu.memory_space<semaphore_mem>>)
        %dma_wait3A_28 = tpu.memref_slice %arg4[%add3A_15] : memref<160000xi32, #tpu.memory_space<hbm>> -> memref<128xi32, #tpu.memory_space<hbm>>
        %dma_wait3A_29 = tpu.memref_slice %arg4[%add3A_15] : memref<160000xi32, #tpu.memory_space<hbm>> -> memref<128xi32, #tpu.memory_space<hbm>>
        tpu.wait_dma2 semaphore(%run_scoped3A : memref<!tpu.dma_semaphore, #tpu.memory_space<semaphore_mem>>) src(%dma_wait3A_29 : memref<128xi32, #tpu.memory_space<hbm>>) dst(%arg8 : memref<128xi32, #tpu.memory_space<vmem>>)
        tpu.yield
      }) : () -> ()
      %dma_start3A = arith.constant 0 : i32
      %dma_start3A_16 = arith.constant 0 : i32
      %dma_start3A_17 = tpu.memref_slice %arg2[%dma_start3A, %dma_start3A_16] : memref<10000x128xf32, #tpu.memory_space<hbm>> -> memref<10000x128xf32, #tpu.memory_space<hbm>>
      tpu.enqueue_indirect_dma source(%dma_start3A_17 : memref<10000x128xf32, #tpu.memory_space<hbm>>) target(%arg9 : memref<128x128xf32, #tpu.memory_space<vmem>>) offsets(%arg7 : memref<128xi32, #tpu.memory_space<vmem>>) semaphore(%arg11 : memref<!tpu.dma_semaphore, #tpu.memory_space<semaphore_mem>>)
      %dma_start3A_18 = arith.constant 0 : i32
      %dma_start3A_19 = arith.constant 0 : i32
      %dma_start3A_20 = tpu.memref_slice %arg2[%dma_start3A_18, %dma_start3A_19] : memref<10000x128xf32, #tpu.memory_space<hbm>> -> memref<10000x128xf32, #tpu.memory_space<hbm>>
      tpu.enqueue_indirect_dma source(%dma_start3A_20 : memref<10000x128xf32, #tpu.memory_space<hbm>>) target(%arg10 : memref<128x128xf32, #tpu.memory_space<vmem>>) offsets(%arg8 : memref<128xi32, #tpu.memory_space<vmem>>) semaphore(%arg12 : memref<!tpu.dma_semaphore, #tpu.memory_space<semaphore_mem>>)
      %dma_wait3A = arith.constant 0 : i32
      %dma_wait3A_21 = arith.constant 0 : i32
      %dma_wait3A_22 = tpu.memref_slice %arg2[%dma_wait3A, %dma_wait3A_21] : memref<10000x128xf32, #tpu.memory_space<hbm>> -> memref<10000x128xf32, #tpu.memory_space<hbm>>
      tpu.wait_indirect_dma semaphore(%arg11 : memref<!tpu.dma_semaphore, #tpu.memory_space<semaphore_mem>>) src(%dma_wait3A_22 : memref<10000x128xf32, #tpu.memory_space<hbm>>) dst(%arg9 : memref<128x128xf32, #tpu.memory_space<vmem>>)
      "tpu.region"() ({
        %run_scoped3A = tpu.sem_alloc : memref<!tpu.dma_semaphore, #tpu.memory_space<semaphore_mem>>
        %dma_start3A_26 = arith.constant 0 : i32
        %dma_start3A_27 = tpu.memref_slice %arg5[%add3A_11, %dma_start3A_26] : memref<81920x128xf32, #tpu.memory_space<hbm>> -> memref<128x128xf32, #tpu.memory_space<hbm>>
        %dma_start3A_28 = arith.constant 0 : i32
        %dma_start3A_29 = tpu.memref_slice %arg5[%add3A_11, %dma_start3A_28] : memref<81920x128xf32, #tpu.memory_space<hbm>> -> memref<128x128xf32, #tpu.memory_space<hbm>>
        tpu.enqueue_dma source(%arg9 : memref<128x128xf32, #tpu.memory_space<vmem>>) target(%dma_start3A_29 : memref<128x128xf32, #tpu.memory_space<hbm>>) target_semaphore(%run_scoped3A : memref<!tpu.dma_semaphore, #tpu.memory_space<semaphore_mem>>)
        %dma_wait3A_30 = arith.constant 0 : i32
        %dma_wait3A_31 = tpu.memref_slice %arg5[%add3A_11, %dma_wait3A_30] : memref<81920x128xf32, #tpu.memory_space<hbm>> -> memref<128x128xf32, #tpu.memory_space<hbm>>
        %dma_wait3A_32 = arith.constant 0 : i32
        %dma_wait3A_33 = tpu.memref_slice %arg5[%add3A_11, %dma_wait3A_32] : memref<81920x128xf32, #tpu.memory_space<hbm>> -> memref<128x128xf32, #tpu.memory_space<hbm>>
        tpu.wait_dma2 semaphore(%run_scoped3A : memref<!tpu.dma_semaphore, #tpu.memory_space<semaphore_mem>>) src(%arg9 : memref<128x128xf32, #tpu.memory_space<vmem>>) dst(%dma_wait3A_33 : memref<128x128xf32, #tpu.memory_space<hbm>>)
        tpu.yield
      }) : () -> ()
      %dma_wait3A_23 = arith.constant 0 : i32
      %dma_wait3A_24 = arith.constant 0 : i32
      %dma_wait3A_25 = tpu.memref_slice %arg2[%dma_wait3A_23, %dma_wait3A_24] : memref<10000x128xf32, #tpu.memory_space<hbm>> -> memref<10000x128xf32, #tpu.memory_space<hbm>>
      tpu.wait_indirect_dma semaphore(%arg12 : memref<!tpu.dma_semaphore, #tpu.memory_space<semaphore_mem>>) src(%dma_wait3A_25 : memref<10000x128xf32, #tpu.memory_space<hbm>>) dst(%arg10 : memref<128x128xf32, #tpu.memory_space<vmem>>)
      "tpu.region"() ({
        %run_scoped3A = tpu.sem_alloc : memref<!tpu.dma_semaphore, #tpu.memory_space<semaphore_mem>>
        %dma_start3A_26 = arith.constant 0 : i32
        %dma_start3A_27 = tpu.memref_slice %arg6[%add3A_11, %dma_start3A_26] : memref<81920x128xf32, #tpu.memory_space<hbm>> -> memref<128x128xf32, #tpu.memory_space<hbm>>
        %dma_start3A_28 = arith.constant 0 : i32
        %dma_start3A_29 = tpu.memref_slice %arg6[%add3A_11, %dma_start3A_28] : memref<81920x128xf32, #tpu.memory_space<hbm>> -> memref<128x128xf32, #tpu.memory_space<hbm>>
        tpu.enqueue_dma source(%arg10 : memref<128x128xf32, #tpu.memory_space<vmem>>) target(%dma_start3A_29 : memref<128x128xf32, #tpu.memory_space<hbm>>) target_semaphore(%run_scoped3A : memref<!tpu.dma_semaphore, #tpu.memory_space<semaphore_mem>>)
        %dma_wait3A_30 = arith.constant 0 : i32
        %dma_wait3A_31 = tpu.memref_slice %arg6[%add3A_11, %dma_wait3A_30] : memref<81920x128xf32, #tpu.memory_space<hbm>> -> memref<128x128xf32, #tpu.memory_space<hbm>>
        %dma_wait3A_32 = arith.constant 0 : i32
        %dma_wait3A_33 = tpu.memref_slice %arg6[%add3A_11, %dma_wait3A_32] : memref<81920x128xf32, #tpu.memory_space<hbm>> -> memref<128x128xf32, #tpu.memory_space<hbm>>
        tpu.wait_dma2 semaphore(%run_scoped3A : memref<!tpu.dma_semaphore, #tpu.memory_space<semaphore_mem>>) src(%arg10 : memref<128x128xf32, #tpu.memory_space<vmem>>) dst(%dma_wait3A_33 : memref<128x128xf32, #tpu.memory_space<hbm>>)
        tpu.yield
      }) : () -> ()
    }
    %scan3A_5 = arith.constant 20 : i32
    return
  }
}

#map = affine_map<(d0, d1) -> (0, 0)>
#map1 = affine_map<(d0, d1) -> (0)>
module attributes {stable_mosaic.version = 14 : i64} {
  func.func @sk(%arg0: i32, %arg1: i32, %arg2: memref<78080x128xf32, #tpu.memory_space<hbm>>, %arg3: memref<78080x16xf32, #tpu.memory_space<hbm>>, %arg4: memref<160000xi32, #tpu.memory_space<hbm>>, %arg5: memref<10000x128xf32, #tpu.memory_space<hbm>>, %arg6: memref<10000x16xf32, #tpu.memory_space<hbm>>, %arg7: memref<20000x128xf32, #tpu.memory_space<hbm>>, %arg8: memref<20000x16xf32, #tpu.memory_space<hbm>>, %arg9: memref<128xi32, #tpu.memory_space<vmem>>, %arg10: memref<128x128xf32, #tpu.memory_space<vmem>>, %arg11: memref<128x16xf32, #tpu.memory_space<vmem>>, %arg12: memref<10000x128xf32, #tpu.memory_space<vmem_shared>>, %arg13: memref<10000x16xf32, #tpu.memory_space<vmem_shared>>) attributes {dimension_semantics = [#tpu.dimension_semantics<core_parallel>, #tpu.dimension_semantics<subcore_parallel>], iteration_bounds = array<i64: 2, 16>, scalar_prefetch = 0 : i64, scratch_operands = 5 : i64, tpu.core_type = #tpu.core_type<sc_vector_subcore>, window_params = [{transform_indices = #map}, {transform_indices = #map}, {transform_indices = #map1}, {transform_indices = #map}, {transform_indices = #map}, {transform_indices = #map}, {transform_indices = #map}]} {
    %mul3A = arith.constant 2 : i32
    %mul3A_0 = arith.muli %arg1, %mul3A : i32
    %add3A = arith.addi %mul3A_0, %arg0 : i32
    %mul3A_1 = arith.constant 625 : i32
    %mul3A_2 = arith.muli %arg1, %mul3A_1 : i32
    %mul3A_3 = arith.constant 625 : i32
    %mul3A_4 = arith.muli %arg1, %mul3A_3 : i32
    "tpu.region"() ({
      %run_scoped3A = tpu.sem_alloc : memref<!tpu.dma_semaphore, #tpu.memory_space<semaphore_mem>>
      %dma_start3A = arith.constant 0 : i32
      %dma_start3A_35 = tpu.memref_slice %arg12[%mul3A_4, %dma_start3A] : memref<10000x128xf32, #tpu.memory_space<vmem_shared>> -> memref<625x128xf32, #tpu.memory_space<vmem_shared>>
      %dma_start3A_36 = arith.constant 0 : i32
      %dma_start3A_37 = tpu.memref_slice %arg5[%mul3A_2, %dma_start3A_36] : memref<10000x128xf32, #tpu.memory_space<hbm>> -> memref<625x128xf32, #tpu.memory_space<hbm>>
      tpu.enqueue_dma source(%dma_start3A_37 : memref<625x128xf32, #tpu.memory_space<hbm>>) target(%dma_start3A_35 : memref<625x128xf32, #tpu.memory_space<vmem_shared>>) target_semaphore(%run_scoped3A : memref<!tpu.dma_semaphore, #tpu.memory_space<semaphore_mem>>)
      %dma_wait3A = arith.constant 0 : i32
      %dma_wait3A_38 = tpu.memref_slice %arg12[%mul3A_4, %dma_wait3A] : memref<10000x128xf32, #tpu.memory_space<vmem_shared>> -> memref<625x128xf32, #tpu.memory_space<vmem_shared>>
      %dma_wait3A_39 = arith.constant 0 : i32
      %dma_wait3A_40 = tpu.memref_slice %arg5[%mul3A_2, %dma_wait3A_39] : memref<10000x128xf32, #tpu.memory_space<hbm>> -> memref<625x128xf32, #tpu.memory_space<hbm>>
      tpu.wait_dma2 semaphore(%run_scoped3A : memref<!tpu.dma_semaphore, #tpu.memory_space<semaphore_mem>>) src(%dma_wait3A_40 : memref<625x128xf32, #tpu.memory_space<hbm>>) dst(%dma_wait3A_38 : memref<625x128xf32, #tpu.memory_space<vmem_shared>>)
      tpu.yield
    }) : () -> ()
    %mul3A_5 = arith.constant 625 : i32
    %mul3A_6 = arith.muli %arg1, %mul3A_5 : i32
    %mul3A_7 = arith.constant 625 : i32
    %mul3A_8 = arith.muli %arg1, %mul3A_7 : i32
    "tpu.region"() ({
      %run_scoped3A = tpu.sem_alloc : memref<!tpu.dma_semaphore, #tpu.memory_space<semaphore_mem>>
      %dma_start3A = arith.constant 0 : i32
      %dma_start3A_35 = tpu.memref_slice %arg13[%mul3A_8, %dma_start3A] : memref<10000x16xf32, #tpu.memory_space<vmem_shared>> -> memref<625x16xf32, #tpu.memory_space<vmem_shared>>
      %dma_start3A_36 = arith.constant 0 : i32
      %dma_start3A_37 = tpu.memref_slice %arg6[%mul3A_6, %dma_start3A_36] : memref<10000x16xf32, #tpu.memory_space<hbm>> -> memref<625x16xf32, #tpu.memory_space<hbm>>
      tpu.enqueue_dma source(%dma_start3A_37 : memref<625x16xf32, #tpu.memory_space<hbm>>) target(%dma_start3A_35 : memref<625x16xf32, #tpu.memory_space<vmem_shared>>) target_semaphore(%run_scoped3A : memref<!tpu.dma_semaphore, #tpu.memory_space<semaphore_mem>>)
      %dma_wait3A = arith.constant 0 : i32
      %dma_wait3A_38 = tpu.memref_slice %arg13[%mul3A_8, %dma_wait3A] : memref<10000x16xf32, #tpu.memory_space<vmem_shared>> -> memref<625x16xf32, #tpu.memory_space<vmem_shared>>
      %dma_wait3A_39 = arith.constant 0 : i32
      %dma_wait3A_40 = tpu.memref_slice %arg6[%mul3A_6, %dma_wait3A_39] : memref<10000x16xf32, #tpu.memory_space<hbm>> -> memref<625x16xf32, #tpu.memory_space<hbm>>
      tpu.wait_dma2 semaphore(%run_scoped3A : memref<!tpu.dma_semaphore, #tpu.memory_space<semaphore_mem>>) src(%dma_wait3A_40 : memref<625x16xf32, #tpu.memory_space<hbm>>) dst(%dma_wait3A_38 : memref<625x16xf32, #tpu.memory_space<vmem_shared>>)
      tpu.yield
    }) : () -> ()
    %barrier3A = arith.constant 0 : index
    tpu.barrier barrier_id(%barrier3A)
    %scan3A = arith.constant 0 : i32
    %scan3A_9 = arith.constant 0 : i32
    %scan3A_10 = arith.constant 19 : i32
    %scan3A_11 = arith.addi %scan3A_9, %scan3A_10 : i32
    %scan3A_12 = arith.constant 1 : i32
    scf.for %scan3A_35 = %scan3A_9 to %scan3A_11 step %scan3A_12  : i32 {
      %mul3A_36 = arith.constant 4096 : i32
      %mul3A_37 = arith.muli %scan3A_35, %mul3A_36 : i32
      %mul3A_38 = arith.constant 128 : i32
      %mul3A_39 = arith.muli %add3A, %mul3A_38 : i32
      %add3A_40 = arith.addi %mul3A_37, %mul3A_39 : i32
      %add3A_41 = arith.constant 81920 : i32
      %add3A_42 = arith.addi %add3A_41, %add3A_40 : i32
      "tpu.region"() ({
        %run_scoped3A = tpu.sem_alloc : memref<!tpu.dma_semaphore, #tpu.memory_space<semaphore_mem>>
        %dma_start3A = tpu.memref_slice %arg4[%add3A_42] : memref<160000xi32, #tpu.memory_space<hbm>> -> memref<128xi32, #tpu.memory_space<hbm>>
        %dma_start3A_43 = tpu.memref_slice %arg4[%add3A_42] : memref<160000xi32, #tpu.memory_space<hbm>> -> memref<128xi32, #tpu.memory_space<hbm>>
        tpu.enqueue_dma source(%dma_start3A_43 : memref<128xi32, #tpu.memory_space<hbm>>) target(%arg9 : memref<128xi32, #tpu.memory_space<vmem>>) target_semaphore(%run_scoped3A : memref<!tpu.dma_semaphore, #tpu.memory_space<semaphore_mem>>)
        %dma_wait3A = tpu.memref_slice %arg4[%add3A_42] : memref<160000xi32, #tpu.memory_space<hbm>> -> memref<128xi32, #tpu.memory_space<hbm>>
        %dma_wait3A_44 = tpu.memref_slice %arg4[%add3A_42] : memref<160000xi32, #tpu.memory_space<hbm>> -> memref<128xi32, #tpu.memory_space<hbm>>
        tpu.wait_dma2 semaphore(%run_scoped3A : memref<!tpu.dma_semaphore, #tpu.memory_space<semaphore_mem>>) src(%dma_wait3A_44 : memref<128xi32, #tpu.memory_space<hbm>>) dst(%arg9 : memref<128xi32, #tpu.memory_space<vmem>>)
        tpu.yield
      }) : () -> ()
      "tpu.region"() ({
        %run_scoped3A = tpu.sem_alloc : memref<!tpu.dma_semaphore, #tpu.memory_space<semaphore_mem>>
        %dma_start3A = arith.constant 0 : i32
        %dma_start3A_43 = tpu.memref_slice %arg2[%add3A_40, %dma_start3A] : memref<78080x128xf32, #tpu.memory_space<hbm>> -> memref<128x128xf32, #tpu.memory_space<hbm>>
        %dma_start3A_44 = arith.constant 0 : i32
        %dma_start3A_45 = tpu.memref_slice %arg2[%add3A_40, %dma_start3A_44] : memref<78080x128xf32, #tpu.memory_space<hbm>> -> memref<128x128xf32, #tpu.memory_space<hbm>>
        tpu.enqueue_dma source(%dma_start3A_45 : memref<128x128xf32, #tpu.memory_space<hbm>>) target(%arg10 : memref<128x128xf32, #tpu.memory_space<vmem>>) target_semaphore(%run_scoped3A : memref<!tpu.dma_semaphore, #tpu.memory_space<semaphore_mem>>)
        %dma_wait3A = arith.constant 0 : i32
        %dma_wait3A_46 = tpu.memref_slice %arg2[%add3A_40, %dma_wait3A] : memref<78080x128xf32, #tpu.memory_space<hbm>> -> memref<128x128xf32, #tpu.memory_space<hbm>>
        %dma_wait3A_47 = arith.constant 0 : i32
        %dma_wait3A_48 = tpu.memref_slice %arg2[%add3A_40, %dma_wait3A_47] : memref<78080x128xf32, #tpu.memory_space<hbm>> -> memref<128x128xf32, #tpu.memory_space<hbm>>
        tpu.wait_dma2 semaphore(%run_scoped3A : memref<!tpu.dma_semaphore, #tpu.memory_space<semaphore_mem>>) src(%dma_wait3A_48 : memref<128x128xf32, #tpu.memory_space<hbm>>) dst(%arg10 : memref<128x128xf32, #tpu.memory_space<vmem>>)
        tpu.yield
      }) : () -> ()
      "tpu.region"() ({
        %run_scoped3A = tpu.sem_alloc : memref<!tpu.dma_semaphore, #tpu.memory_space<semaphore_mem>>
        %dma_start3A = arith.constant 0 : i32
        %dma_start3A_43 = tpu.memref_slice %arg3[%add3A_40, %dma_start3A] : memref<78080x16xf32, #tpu.memory_space<hbm>> -> memref<128x16xf32, #tpu.memory_space<hbm>>
        %dma_start3A_44 = arith.constant 0 : i32
        %dma_start3A_45 = tpu.memref_slice %arg3[%add3A_40, %dma_start3A_44] : memref<78080x16xf32, #tpu.memory_space<hbm>> -> memref<128x16xf32, #tpu.memory_space<hbm>>
        tpu.enqueue_dma source(%dma_start3A_45 : memref<128x16xf32, #tpu.memory_space<hbm>>) target(%arg11 : memref<128x16xf32, #tpu.memory_space<vmem>>) target_semaphore(%run_scoped3A : memref<!tpu.dma_semaphore, #tpu.memory_space<semaphore_mem>>)
        %dma_wait3A = arith.constant 0 : i32
        %dma_wait3A_46 = tpu.memref_slice %arg3[%add3A_40, %dma_wait3A] : memref<78080x16xf32, #tpu.memory_space<hbm>> -> memref<128x16xf32, #tpu.memory_space<hbm>>
        %dma_wait3A_47 = arith.constant 0 : i32
        %dma_wait3A_48 = tpu.memref_slice %arg3[%add3A_40, %dma_wait3A_47] : memref<78080x16xf32, #tpu.memory_space<hbm>> -> memref<128x16xf32, #tpu.memory_space<hbm>>
        tpu.wait_dma2 semaphore(%run_scoped3A : memref<!tpu.dma_semaphore, #tpu.memory_space<semaphore_mem>>) src(%dma_wait3A_48 : memref<128x16xf32, #tpu.memory_space<hbm>>) dst(%arg11 : memref<128x16xf32, #tpu.memory_space<vmem>>)
        tpu.yield
      }) : () -> ()
      "tpu.region"() ({
        %run_scoped3A = tpu.sem_alloc : memref<!tpu.dma_semaphore, #tpu.memory_space<semaphore_mem>>
        %dma_start3A = arith.constant 0 : i32
        %dma_start3A_43 = arith.constant 0 : i32
        %dma_start3A_44 = tpu.memref_slice %arg12[%dma_start3A, %dma_start3A_43] : memref<10000x128xf32, #tpu.memory_space<vmem_shared>> -> memref<10000x128xf32, #tpu.memory_space<vmem_shared>>
        tpu.enqueue_indirect_dma source(%arg10 : memref<128x128xf32, #tpu.memory_space<vmem>>) target(%dma_start3A_44 : memref<10000x128xf32, #tpu.memory_space<vmem_shared>>) offsets(%arg9 : memref<128xi32, #tpu.memory_space<vmem>>) semaphore(%run_scoped3A : memref<!tpu.dma_semaphore, #tpu.memory_space<semaphore_mem>>) {add = true}
        %dma_wait3A = arith.constant 0 : i32
        %dma_wait3A_45 = arith.constant 0 : i32
        %dma_wait3A_46 = tpu.memref_slice %arg12[%dma_wait3A, %dma_wait3A_45] : memref<10000x128xf32, #tpu.memory_space<vmem_shared>> -> memref<10000x128xf32, #tpu.memory_space<vmem_shared>>
        tpu.wait_indirect_dma semaphore(%run_scoped3A : memref<!tpu.dma_semaphore, #tpu.memory_space<semaphore_mem>>) src(%arg10 : memref<128x128xf32, #tpu.memory_space<vmem>>) dst(%dma_wait3A_46 : memref<10000x128xf32, #tpu.memory_space<vmem_shared>>)
        tpu.yield
      }) : () -> ()
      "tpu.region"() ({
        %run_scoped3A = tpu.sem_alloc : memref<!tpu.dma_semaphore, #tpu.memory_space<semaphore_mem>>
        %dma_start3A = arith.constant 0 : i32
        %dma_start3A_43 = arith.constant 0 : i32
        %dma_start3A_44 = tpu.memref_slice %arg13[%dma_start3A, %dma_start3A_43] : memref<10000x16xf32, #tpu.memory_space<vmem_shared>> -> memref<10000x16xf32, #tpu.memory_space<vmem_shared>>
        tpu.enqueue_indirect_dma source(%arg11 : memref<128x16xf32, #tpu.memory_space<vmem>>) target(%dma_start3A_44 : memref<10000x16xf32, #tpu.memory_space<vmem_shared>>) offsets(%arg9 : memref<128xi32, #tpu.memory_space<vmem>>) semaphore(%run_scoped3A : memref<!tpu.dma_semaphore, #tpu.memory_space<semaphore_mem>>) {add = true}
        %dma_wait3A = arith.constant 0 : i32
        %dma_wait3A_45 = arith.constant 0 : i32
        %dma_wait3A_46 = tpu.memref_slice %arg13[%dma_wait3A, %dma_wait3A_45] : memref<10000x16xf32, #tpu.memory_space<vmem_shared>> -> memref<10000x16xf32, #tpu.memory_space<vmem_shared>>
        tpu.wait_indirect_dma semaphore(%run_scoped3A : memref<!tpu.dma_semaphore, #tpu.memory_space<semaphore_mem>>) src(%arg11 : memref<128x16xf32, #tpu.memory_space<vmem>>) dst(%dma_wait3A_46 : memref<10000x16xf32, #tpu.memory_space<vmem_shared>>)
        tpu.yield
      }) : () -> ()
    }
    %scan3A_13 = arith.constant 19 : i32
    %mul3A_14 = arith.constant 8 : i32
    %mul3A_15 = arith.muli %add3A, %mul3A_14 : i32
    %add3A_16 = arith.constant 77824 : i32
    %add3A_17 = arith.addi %add3A_16, %mul3A_15 : i32
    %add3A_18 = arith.constant 81920 : i32
    %add3A_19 = arith.addi %add3A_18, %add3A_17 : i32
    "tpu.region"() ({
      %run_scoped3A = tpu.sem_alloc : memref<!tpu.dma_semaphore, #tpu.memory_space<semaphore_mem>>
      %dma_start3A = arith.constant 0 : i32
      %dma_start3A_35 = tpu.memref_slice %arg9[%dma_start3A] : memref<128xi32, #tpu.memory_space<vmem>> -> memref<8xi32, #tpu.memory_space<vmem>>
      %dma_start3A_36 = tpu.memref_slice %arg4[%add3A_19] : memref<160000xi32, #tpu.memory_space<hbm>> -> memref<8xi32, #tpu.memory_space<hbm>>
      %dma_start3A_37 = arith.constant 0 : i32
      %dma_start3A_38 = tpu.memref_slice %arg9[%dma_start3A_37] : memref<128xi32, #tpu.memory_space<vmem>> -> memref<8xi32, #tpu.memory_space<vmem>>
      %dma_start3A_39 = tpu.memref_slice %arg4[%add3A_19] : memref<160000xi32, #tpu.memory_space<hbm>> -> memref<8xi32, #tpu.memory_space<hbm>>
      tpu.enqueue_dma source(%dma_start3A_39 : memref<8xi32, #tpu.memory_space<hbm>>) target(%dma_start3A_38 : memref<8xi32, #tpu.memory_space<vmem>>) target_semaphore(%run_scoped3A : memref<!tpu.dma_semaphore, #tpu.memory_space<semaphore_mem>>)
      %dma_wait3A = arith.constant 0 : i32
      %dma_wait3A_40 = tpu.memref_slice %arg9[%dma_wait3A] : memref<128xi32, #tpu.memory_space<vmem>> -> memref<8xi32, #tpu.memory_space<vmem>>
      %dma_wait3A_41 = tpu.memref_slice %arg4[%add3A_19] : memref<160000xi32, #tpu.memory_space<hbm>> -> memref<8xi32, #tpu.memory_space<hbm>>
      %dma_wait3A_42 = arith.constant 0 : i32
      %dma_wait3A_43 = tpu.memref_slice %arg9[%dma_wait3A_42] : memref<128xi32, #tpu.memory_space<vmem>> -> memref<8xi32, #tpu.memory_space<vmem>>
      %dma_wait3A_44 = tpu.memref_slice %arg4[%add3A_19] : memref<160000xi32, #tpu.memory_space<hbm>> -> memref<8xi32, #tpu.memory_space<hbm>>
      tpu.wait_dma2 semaphore(%run_scoped3A : memref<!tpu.dma_semaphore, #tpu.memory_space<semaphore_mem>>) src(%dma_wait3A_44 : memref<8xi32, #tpu.memory_space<hbm>>) dst(%dma_wait3A_43 : memref<8xi32, #tpu.memory_space<vmem>>)
      tpu.yield
    }) : () -> ()
    "tpu.region"() ({
      %run_scoped3A = tpu.sem_alloc : memref<!tpu.dma_semaphore, #tpu.memory_space<semaphore_mem>>
      %dma_start3A = arith.constant 0 : i32
      %dma_start3A_35 = arith.constant 0 : i32
      %dma_start3A_36 = tpu.memref_slice %arg10[%dma_start3A, %dma_start3A_35] : memref<128x128xf32, #tpu.memory_space<vmem>> -> memref<8x128xf32, #tpu.memory_space<vmem>>
      %dma_start3A_37 = arith.constant 0 : i32
      %dma_start3A_38 = tpu.memref_slice %arg2[%add3A_17, %dma_start3A_37] : memref<78080x128xf32, #tpu.memory_space<hbm>> -> memref<8x128xf32, #tpu.memory_space<hbm>>
      %dma_start3A_39 = arith.constant 0 : i32
      %dma_start3A_40 = arith.constant 0 : i32
      %dma_start3A_41 = tpu.memref_slice %arg10[%dma_start3A_39, %dma_start3A_40] : memref<128x128xf32, #tpu.memory_space<vmem>> -> memref<8x128xf32, #tpu.memory_space<vmem>>
      %dma_start3A_42 = arith.constant 0 : i32
      %dma_start3A_43 = tpu.memref_slice %arg2[%add3A_17, %dma_start3A_42] : memref<78080x128xf32, #tpu.memory_space<hbm>> -> memref<8x128xf32, #tpu.memory_space<hbm>>
      tpu.enqueue_dma source(%dma_start3A_43 : memref<8x128xf32, #tpu.memory_space<hbm>>) target(%dma_start3A_41 : memref<8x128xf32, #tpu.memory_space<vmem>>) target_semaphore(%run_scoped3A : memref<!tpu.dma_semaphore, #tpu.memory_space<semaphore_mem>>)
      %dma_wait3A = arith.constant 0 : i32
      %dma_wait3A_44 = arith.constant 0 : i32
      %dma_wait3A_45 = tpu.memref_slice %arg10[%dma_wait3A, %dma_wait3A_44] : memref<128x128xf32, #tpu.memory_space<vmem>> -> memref<8x128xf32, #tpu.memory_space<vmem>>
      %dma_wait3A_46 = arith.constant 0 : i32
      %dma_wait3A_47 = tpu.memref_slice %arg2[%add3A_17, %dma_wait3A_46] : memref<78080x128xf32, #tpu.memory_space<hbm>> -> memref<8x128xf32, #tpu.memory_space<hbm>>
      %dma_wait3A_48 = arith.constant 0 : i32
      %dma_wait3A_49 = arith.constant 0 : i32
      %dma_wait3A_50 = tpu.memref_slice %arg10[%dma_wait3A_48, %dma_wait3A_49] : memref<128x128xf32, #tpu.memory_space<vmem>> -> memref<8x128xf32, #tpu.memory_space<vmem>>
      %dma_wait3A_51 = arith.constant 0 : i32
      %dma_wait3A_52 = tpu.memref_slice %arg2[%add3A_17, %dma_wait3A_51] : memref<78080x128xf32, #tpu.memory_space<hbm>> -> memref<8x128xf32, #tpu.memory_space<hbm>>
      tpu.wait_dma2 semaphore(%run_scoped3A : memref<!tpu.dma_semaphore, #tpu.memory_space<semaphore_mem>>) src(%dma_wait3A_52 : memref<8x128xf32, #tpu.memory_space<hbm>>) dst(%dma_wait3A_50 : memref<8x128xf32, #tpu.memory_space<vmem>>)
      tpu.yield
    }) : () -> ()
    "tpu.region"() ({
      %run_scoped3A = tpu.sem_alloc : memref<!tpu.dma_semaphore, #tpu.memory_space<semaphore_mem>>
      %dma_start3A = arith.constant 0 : i32
      %dma_start3A_35 = arith.constant 0 : i32
      %dma_start3A_36 = tpu.memref_slice %arg10[%dma_start3A, %dma_start3A_35] : memref<128x128xf32, #tpu.memory_space<vmem>> -> memref<8x128xf32, #tpu.memory_space<vmem>>
      %dma_start3A_37 = arith.constant 0 : i32
      %dma_start3A_38 = tpu.memref_slice %arg9[%dma_start3A_37] : memref<128xi32, #tpu.memory_space<vmem>> -> memref<8xi32, #tpu.memory_space<vmem>>
      %dma_start3A_39 = arith.constant 0 : i32
      %dma_start3A_40 = arith.constant 0 : i32
      %dma_start3A_41 = tpu.memref_slice %arg12[%dma_start3A_39, %dma_start3A_40] : memref<10000x128xf32, #tpu.memory_space<vmem_shared>> -> memref<10000x128xf32, #tpu.memory_space<vmem_shared>>
      tpu.enqueue_indirect_dma source(%dma_start3A_36 : memref<8x128xf32, #tpu.memory_space<vmem>>) target(%dma_start3A_41 : memref<10000x128xf32, #tpu.memory_space<vmem_shared>>) offsets(%dma_start3A_38 : memref<8xi32, #tpu.memory_space<vmem>>) semaphore(%run_scoped3A : memref<!tpu.dma_semaphore, #tpu.memory_space<semaphore_mem>>) {add = true}
      %dma_wait3A = arith.constant 0 : i32
      %dma_wait3A_42 = arith.constant 0 : i32
      %dma_wait3A_43 = tpu.memref_slice %arg10[%dma_wait3A, %dma_wait3A_42] : memref<128x128xf32, #tpu.memory_space<vmem>> -> memref<8x128xf32, #tpu.memory_space<vmem>>
      %dma_wait3A_44 = arith.constant 0 : i32
      %dma_wait3A_45 = tpu.memref_slice %arg9[%dma_wait3A_44] : memref<128xi32, #tpu.memory_space<vmem>> -> memref<8xi32, #tpu.memory_space<vmem>>
      %dma_wait3A_46 = arith.constant 0 : i32
      %dma_wait3A_47 = arith.constant 0 : i32
      %dma_wait3A_48 = tpu.memref_slice %arg12[%dma_wait3A_46, %dma_wait3A_47] : memref<10000x128xf32, #tpu.memory_space<vmem_shared>> -> memref<10000x128xf32, #tpu.memory_space<vmem_shared>>
      tpu.wait_indirect_dma semaphore(%run_scoped3A : memref<!tpu.dma_semaphore, #tpu.memory_space<semaphore_mem>>) src(%dma_wait3A_43 : memref<8x128xf32, #tpu.memory_space<vmem>>) dst(%dma_wait3A_48 : memref<10000x128xf32, #tpu.memory_space<vmem_shared>>)
      tpu.yield
    }) : () -> ()
    "tpu.region"() ({
      %run_scoped3A = tpu.sem_alloc : memref<!tpu.dma_semaphore, #tpu.memory_space<semaphore_mem>>
      %dma_start3A = arith.constant 0 : i32
      %dma_start3A_35 = arith.constant 0 : i32
      %dma_start3A_36 = tpu.memref_slice %arg11[%dma_start3A, %dma_start3A_35] : memref<128x16xf32, #tpu.memory_space<vmem>> -> memref<8x16xf32, #tpu.memory_space<vmem>>
      %dma_start3A_37 = arith.constant 0 : i32
      %dma_start3A_38 = tpu.memref_slice %arg3[%add3A_17, %dma_start3A_37] : memref<78080x16xf32, #tpu.memory_space<hbm>> -> memref<8x16xf32, #tpu.memory_space<hbm>>
      %dma_start3A_39 = arith.constant 0 : i32
      %dma_start3A_40 = arith.constant 0 : i32
      %dma_start3A_41 = tpu.memref_slice %arg11[%dma_start3A_39, %dma_start3A_40] : memref<128x16xf32, #tpu.memory_space<vmem>> -> memref<8x16xf32, #tpu.memory_space<vmem>>
      %dma_start3A_42 = arith.constant 0 : i32
      %dma_start3A_43 = tpu.memref_slice %arg3[%add3A_17, %dma_start3A_42] : memref<78080x16xf32, #tpu.memory_space<hbm>> -> memref<8x16xf32, #tpu.memory_space<hbm>>
      tpu.enqueue_dma source(%dma_start3A_43 : memref<8x16xf32, #tpu.memory_space<hbm>>) target(%dma_start3A_41 : memref<8x16xf32, #tpu.memory_space<vmem>>) target_semaphore(%run_scoped3A : memref<!tpu.dma_semaphore, #tpu.memory_space<semaphore_mem>>)
      %dma_wait3A = arith.constant 0 : i32
      %dma_wait3A_44 = arith.constant 0 : i32
      %dma_wait3A_45 = tpu.memref_slice %arg11[%dma_wait3A, %dma_wait3A_44] : memref<128x16xf32, #tpu.memory_space<vmem>> -> memref<8x16xf32, #tpu.memory_space<vmem>>
      %dma_wait3A_46 = arith.constant 0 : i32
      %dma_wait3A_47 = tpu.memref_slice %arg3[%add3A_17, %dma_wait3A_46] : memref<78080x16xf32, #tpu.memory_space<hbm>> -> memref<8x16xf32, #tpu.memory_space<hbm>>
      %dma_wait3A_48 = arith.constant 0 : i32
      %dma_wait3A_49 = arith.constant 0 : i32
      %dma_wait3A_50 = tpu.memref_slice %arg11[%dma_wait3A_48, %dma_wait3A_49] : memref<128x16xf32, #tpu.memory_space<vmem>> -> memref<8x16xf32, #tpu.memory_space<vmem>>
      %dma_wait3A_51 = arith.constant 0 : i32
      %dma_wait3A_52 = tpu.memref_slice %arg3[%add3A_17, %dma_wait3A_51] : memref<78080x16xf32, #tpu.memory_space<hbm>> -> memref<8x16xf32, #tpu.memory_space<hbm>>
      tpu.wait_dma2 semaphore(%run_scoped3A : memref<!tpu.dma_semaphore, #tpu.memory_space<semaphore_mem>>) src(%dma_wait3A_52 : memref<8x16xf32, #tpu.memory_space<hbm>>) dst(%dma_wait3A_50 : memref<8x16xf32, #tpu.memory_space<vmem>>)
      tpu.yield
    }) : () -> ()
    "tpu.region"() ({
      %run_scoped3A = tpu.sem_alloc : memref<!tpu.dma_semaphore, #tpu.memory_space<semaphore_mem>>
      %dma_start3A = arith.constant 0 : i32
      %dma_start3A_35 = arith.constant 0 : i32
      %dma_start3A_36 = tpu.memref_slice %arg11[%dma_start3A, %dma_start3A_35] : memref<128x16xf32, #tpu.memory_space<vmem>> -> memref<8x16xf32, #tpu.memory_space<vmem>>
      %dma_start3A_37 = arith.constant 0 : i32
      %dma_start3A_38 = tpu.memref_slice %arg9[%dma_start3A_37] : memref<128xi32, #tpu.memory_space<vmem>> -> memref<8xi32, #tpu.memory_space<vmem>>
      %dma_start3A_39 = arith.constant 0 : i32
      %dma_start3A_40 = arith.constant 0 : i32
      %dma_start3A_41 = tpu.memref_slice %arg13[%dma_start3A_39, %dma_start3A_40] : memref<10000x16xf32, #tpu.memory_space<vmem_shared>> -> memref<10000x16xf32, #tpu.memory_space<vmem_shared>>
      tpu.enqueue_indirect_dma source(%dma_start3A_36 : memref<8x16xf32, #tpu.memory_space<vmem>>) target(%dma_start3A_41 : memref<10000x16xf32, #tpu.memory_space<vmem_shared>>) offsets(%dma_start3A_38 : memref<8xi32, #tpu.memory_space<vmem>>) semaphore(%run_scoped3A : memref<!tpu.dma_semaphore, #tpu.memory_space<semaphore_mem>>) {add = true}
      %dma_wait3A = arith.constant 0 : i32
      %dma_wait3A_42 = arith.constant 0 : i32
      %dma_wait3A_43 = tpu.memref_slice %arg11[%dma_wait3A, %dma_wait3A_42] : memref<128x16xf32, #tpu.memory_space<vmem>> -> memref<8x16xf32, #tpu.memory_space<vmem>>
      %dma_wait3A_44 = arith.constant 0 : i32
      %dma_wait3A_45 = tpu.memref_slice %arg9[%dma_wait3A_44] : memref<128xi32, #tpu.memory_space<vmem>> -> memref<8xi32, #tpu.memory_space<vmem>>
      %dma_wait3A_46 = arith.constant 0 : i32
      %dma_wait3A_47 = arith.constant 0 : i32
      %dma_wait3A_48 = tpu.memref_slice %arg13[%dma_wait3A_46, %dma_wait3A_47] : memref<10000x16xf32, #tpu.memory_space<vmem_shared>> -> memref<10000x16xf32, #tpu.memory_space<vmem_shared>>
      tpu.wait_indirect_dma semaphore(%run_scoped3A : memref<!tpu.dma_semaphore, #tpu.memory_space<semaphore_mem>>) src(%dma_wait3A_43 : memref<8x16xf32, #tpu.memory_space<vmem>>) dst(%dma_wait3A_48 : memref<10000x16xf32, #tpu.memory_space<vmem_shared>>)
      tpu.yield
    }) : () -> ()
    %barrier3A_20 = arith.constant 0 : index
    tpu.barrier barrier_id(%barrier3A_20)
    %mul3A_21 = arith.constant 625 : i32
    %mul3A_22 = arith.muli %arg1, %mul3A_21 : i32
    %mul3A_23 = arith.constant 10000 : i32
    %mul3A_24 = arith.muli %arg0, %mul3A_23 : i32
    %mul3A_25 = arith.constant 625 : i32
    %mul3A_26 = arith.muli %arg1, %mul3A_25 : i32
    %add3A_27 = arith.addi %mul3A_24, %mul3A_26 : i32
    "tpu.region"() ({
      %run_scoped3A = tpu.sem_alloc : memref<!tpu.dma_semaphore, #tpu.memory_space<semaphore_mem>>
      %dma_start3A = arith.constant 0 : i32
      %dma_start3A_35 = tpu.memref_slice %arg7[%add3A_27, %dma_start3A] : memref<20000x128xf32, #tpu.memory_space<hbm>> -> memref<625x128xf32, #tpu.memory_space<hbm>>
      %dma_start3A_36 = arith.constant 0 : i32
      %dma_start3A_37 = tpu.memref_slice %arg12[%mul3A_22, %dma_start3A_36] : memref<10000x128xf32, #tpu.memory_space<vmem_shared>> -> memref<625x128xf32, #tpu.memory_space<vmem_shared>>
      tpu.enqueue_dma source(%dma_start3A_37 : memref<625x128xf32, #tpu.memory_space<vmem_shared>>) target(%dma_start3A_35 : memref<625x128xf32, #tpu.memory_space<hbm>>) target_semaphore(%run_scoped3A : memref<!tpu.dma_semaphore, #tpu.memory_space<semaphore_mem>>)
      %dma_wait3A = arith.constant 0 : i32
      %dma_wait3A_38 = tpu.memref_slice %arg7[%add3A_27, %dma_wait3A] : memref<20000x128xf32, #tpu.memory_space<hbm>> -> memref<625x128xf32, #tpu.memory_space<hbm>>
      %dma_wait3A_39 = arith.constant 0 : i32
      %dma_wait3A_40 = tpu.memref_slice %arg12[%mul3A_22, %dma_wait3A_39] : memref<10000x128xf32, #tpu.memory_space<vmem_shared>> -> memref<625x128xf32, #tpu.memory_space<vmem_shared>>
      tpu.wait_dma2 semaphore(%run_scoped3A : memref<!tpu.dma_semaphore, #tpu.memory_space<semaphore_mem>>) src(%dma_wait3A_40 : memref<625x128xf32, #tpu.memory_space<vmem_shared>>) dst(%dma_wait3A_38 : memref<625x128xf32, #tpu.memory_space<hbm>>)
      tpu.yield
    }) : () -> ()
    %mul3A_28 = arith.constant 625 : i32
    %mul3A_29 = arith.muli %arg1, %mul3A_28 : i32
    %mul3A_30 = arith.constant 10000 : i32
    %mul3A_31 = arith.muli %arg0, %mul3A_30 : i32
    %mul3A_32 = arith.constant 625 : i32
    %mul3A_33 = arith.muli %arg1, %mul3A_32 : i32
    %add3A_34 = arith.addi %mul3A_31, %mul3A_33 : i32
    "tpu.region"() ({
      %run_scoped3A = tpu.sem_alloc : memref<!tpu.dma_semaphore, #tpu.memory_space<semaphore_mem>>
      %dma_start3A = arith.constant 0 : i32
      %dma_start3A_35 = tpu.memref_slice %arg8[%add3A_34, %dma_start3A] : memref<20000x16xf32, #tpu.memory_space<hbm>> -> memref<625x16xf32, #tpu.memory_space<hbm>>
      %dma_start3A_36 = arith.constant 0 : i32
      %dma_start3A_37 = tpu.memref_slice %arg13[%mul3A_29, %dma_start3A_36] : memref<10000x16xf32, #tpu.memory_space<vmem_shared>> -> memref<625x16xf32, #tpu.memory_space<vmem_shared>>
      tpu.enqueue_dma source(%dma_start3A_37 : memref<625x16xf32, #tpu.memory_space<vmem_shared>>) target(%dma_start3A_35 : memref<625x16xf32, #tpu.memory_space<hbm>>) target_semaphore(%run_scoped3A : memref<!tpu.dma_semaphore, #tpu.memory_space<semaphore_mem>>)
      %dma_wait3A = arith.constant 0 : i32
      %dma_wait3A_38 = tpu.memref_slice %arg8[%add3A_34, %dma_wait3A] : memref<20000x16xf32, #tpu.memory_space<hbm>> -> memref<625x16xf32, #tpu.memory_space<hbm>>
      %dma_wait3A_39 = arith.constant 0 : i32
      %dma_wait3A_40 = tpu.memref_slice %arg13[%mul3A_29, %dma_wait3A_39] : memref<10000x16xf32, #tpu.memory_space<vmem_shared>> -> memref<625x16xf32, #tpu.memory_space<vmem_shared>>
      tpu.wait_dma2 semaphore(%run_scoped3A : memref<!tpu.dma_semaphore, #tpu.memory_space<semaphore_mem>>) src(%dma_wait3A_40 : memref<625x16xf32, #tpu.memory_space<vmem_shared>>) dst(%dma_wait3A_38 : memref<625x16xf32, #tpu.memory_space<hbm>>)
      tpu.yield
    }) : () -> ()
    return
  }
}

#map = affine_map<(d0, d1) -> (0, 0)>
#map1 = affine_map<(d0, d1) -> (0)>
module attributes {stable_mosaic.version = 14 : i64} {
  func.func @sk(%arg0: i32, %arg1: i32, %arg2: memref<81920x128xf32, #tpu.memory_space<hbm>>, %arg3: memref<81920x16xf32, #tpu.memory_space<hbm>>, %arg4: memref<160000xi32, #tpu.memory_space<hbm>>, %arg5: memref<10000x128xf32, #tpu.memory_space<hbm>>, %arg6: memref<10000x16xf32, #tpu.memory_space<hbm>>, %arg7: memref<20000x128xf32, #tpu.memory_space<hbm>>, %arg8: memref<20000x16xf32, #tpu.memory_space<hbm>>, %arg9: memref<128xi32, #tpu.memory_space<vmem>>, %arg10: memref<128x128xf32, #tpu.memory_space<vmem>>, %arg11: memref<128x16xf32, #tpu.memory_space<vmem>>, %arg12: memref<10000x128xf32, #tpu.memory_space<vmem_shared>>, %arg13: memref<10000x16xf32, #tpu.memory_space<vmem_shared>>) attributes {dimension_semantics = [#tpu.dimension_semantics<core_parallel>, #tpu.dimension_semantics<subcore_parallel>], iteration_bounds = array<i64: 2, 16>, scalar_prefetch = 0 : i64, scratch_operands = 5 : i64, tpu.core_type = #tpu.core_type<sc_vector_subcore>, window_params = [{transform_indices = #map}, {transform_indices = #map}, {transform_indices = #map1}, {transform_indices = #map}, {transform_indices = #map}, {transform_indices = #map}, {transform_indices = #map}]} {
    %mul3A = arith.constant 2 : i32
    %mul3A_0 = arith.muli %arg1, %mul3A : i32
    %add3A = arith.addi %mul3A_0, %arg0 : i32
    %mul3A_1 = arith.constant 625 : i32
    %mul3A_2 = arith.muli %arg1, %mul3A_1 : i32
    %mul3A_3 = arith.constant 625 : i32
    %mul3A_4 = arith.muli %arg1, %mul3A_3 : i32
    "tpu.region"() ({
      %run_scoped3A = tpu.sem_alloc : memref<!tpu.dma_semaphore, #tpu.memory_space<semaphore_mem>>
      %dma_start3A = arith.constant 0 : i32
      %dma_start3A_29 = tpu.memref_slice %arg12[%mul3A_4, %dma_start3A] : memref<10000x128xf32, #tpu.memory_space<vmem_shared>> -> memref<625x128xf32, #tpu.memory_space<vmem_shared>>
      %dma_start3A_30 = arith.constant 0 : i32
      %dma_start3A_31 = tpu.memref_slice %arg5[%mul3A_2, %dma_start3A_30] : memref<10000x128xf32, #tpu.memory_space<hbm>> -> memref<625x128xf32, #tpu.memory_space<hbm>>
      tpu.enqueue_dma source(%dma_start3A_31 : memref<625x128xf32, #tpu.memory_space<hbm>>) target(%dma_start3A_29 : memref<625x128xf32, #tpu.memory_space<vmem_shared>>) target_semaphore(%run_scoped3A : memref<!tpu.dma_semaphore, #tpu.memory_space<semaphore_mem>>)
      %dma_wait3A = arith.constant 0 : i32
      %dma_wait3A_32 = tpu.memref_slice %arg12[%mul3A_4, %dma_wait3A] : memref<10000x128xf32, #tpu.memory_space<vmem_shared>> -> memref<625x128xf32, #tpu.memory_space<vmem_shared>>
      %dma_wait3A_33 = arith.constant 0 : i32
      %dma_wait3A_34 = tpu.memref_slice %arg5[%mul3A_2, %dma_wait3A_33] : memref<10000x128xf32, #tpu.memory_space<hbm>> -> memref<625x128xf32, #tpu.memory_space<hbm>>
      tpu.wait_dma2 semaphore(%run_scoped3A : memref<!tpu.dma_semaphore, #tpu.memory_space<semaphore_mem>>) src(%dma_wait3A_34 : memref<625x128xf32, #tpu.memory_space<hbm>>) dst(%dma_wait3A_32 : memref<625x128xf32, #tpu.memory_space<vmem_shared>>)
      tpu.yield
    }) : () -> ()
    %mul3A_5 = arith.constant 625 : i32
    %mul3A_6 = arith.muli %arg1, %mul3A_5 : i32
    %mul3A_7 = arith.constant 625 : i32
    %mul3A_8 = arith.muli %arg1, %mul3A_7 : i32
    "tpu.region"() ({
      %run_scoped3A = tpu.sem_alloc : memref<!tpu.dma_semaphore, #tpu.memory_space<semaphore_mem>>
      %dma_start3A = arith.constant 0 : i32
      %dma_start3A_29 = tpu.memref_slice %arg13[%mul3A_8, %dma_start3A] : memref<10000x16xf32, #tpu.memory_space<vmem_shared>> -> memref<625x16xf32, #tpu.memory_space<vmem_shared>>
      %dma_start3A_30 = arith.constant 0 : i32
      %dma_start3A_31 = tpu.memref_slice %arg6[%mul3A_6, %dma_start3A_30] : memref<10000x16xf32, #tpu.memory_space<hbm>> -> memref<625x16xf32, #tpu.memory_space<hbm>>
      tpu.enqueue_dma source(%dma_start3A_31 : memref<625x16xf32, #tpu.memory_space<hbm>>) target(%dma_start3A_29 : memref<625x16xf32, #tpu.memory_space<vmem_shared>>) target_semaphore(%run_scoped3A : memref<!tpu.dma_semaphore, #tpu.memory_space<semaphore_mem>>)
      %dma_wait3A = arith.constant 0 : i32
      %dma_wait3A_32 = tpu.memref_slice %arg13[%mul3A_8, %dma_wait3A] : memref<10000x16xf32, #tpu.memory_space<vmem_shared>> -> memref<625x16xf32, #tpu.memory_space<vmem_shared>>
      %dma_wait3A_33 = arith.constant 0 : i32
      %dma_wait3A_34 = tpu.memref_slice %arg6[%mul3A_6, %dma_wait3A_33] : memref<10000x16xf32, #tpu.memory_space<hbm>> -> memref<625x16xf32, #tpu.memory_space<hbm>>
      tpu.wait_dma2 semaphore(%run_scoped3A : memref<!tpu.dma_semaphore, #tpu.memory_space<semaphore_mem>>) src(%dma_wait3A_34 : memref<625x16xf32, #tpu.memory_space<hbm>>) dst(%dma_wait3A_32 : memref<625x16xf32, #tpu.memory_space<vmem_shared>>)
      tpu.yield
    }) : () -> ()
    %barrier3A = arith.constant 0 : index
    tpu.barrier barrier_id(%barrier3A)
    %scan3A = arith.constant 0 : i32
    %scan3A_9 = arith.constant 0 : i32
    %scan3A_10 = arith.constant 20 : i32
    %scan3A_11 = arith.addi %scan3A_9, %scan3A_10 : i32
    %scan3A_12 = arith.constant 1 : i32
    scf.for %scan3A_29 = %scan3A_9 to %scan3A_11 step %scan3A_12  : i32 {
      %mul3A_30 = arith.constant 4096 : i32
      %mul3A_31 = arith.muli %scan3A_29, %mul3A_30 : i32
      %mul3A_32 = arith.constant 128 : i32
      %mul3A_33 = arith.muli %add3A, %mul3A_32 : i32
      %add3A_34 = arith.addi %mul3A_31, %mul3A_33 : i32
      %add3A_35 = arith.constant 0 : i32
      %add3A_36 = arith.addi %add3A_35, %add3A_34 : i32
      "tpu.region"() ({
        %run_scoped3A = tpu.sem_alloc : memref<!tpu.dma_semaphore, #tpu.memory_space<semaphore_mem>>
        %dma_start3A = tpu.memref_slice %arg4[%add3A_36] : memref<160000xi32, #tpu.memory_space<hbm>> -> memref<128xi32, #tpu.memory_space<hbm>>
        %dma_start3A_37 = tpu.memref_slice %arg4[%add3A_36] : memref<160000xi32, #tpu.memory_space<hbm>> -> memref<128xi32, #tpu.memory_space<hbm>>
        tpu.enqueue_dma source(%dma_start3A_37 : memref<128xi32, #tpu.memory_space<hbm>>) target(%arg9 : memref<128xi32, #tpu.memory_space<vmem>>) target_semaphore(%run_scoped3A : memref<!tpu.dma_semaphore, #tpu.memory_space<semaphore_mem>>)
        %dma_wait3A = tpu.memref_slice %arg4[%add3A_36] : memref<160000xi32, #tpu.memory_space<hbm>> -> memref<128xi32, #tpu.memory_space<hbm>>
        %dma_wait3A_38 = tpu.memref_slice %arg4[%add3A_36] : memref<160000xi32, #tpu.memory_space<hbm>> -> memref<128xi32, #tpu.memory_space<hbm>>
        tpu.wait_dma2 semaphore(%run_scoped3A : memref<!tpu.dma_semaphore, #tpu.memory_space<semaphore_mem>>) src(%dma_wait3A_38 : memref<128xi32, #tpu.memory_space<hbm>>) dst(%arg9 : memref<128xi32, #tpu.memory_space<vmem>>)
        tpu.yield
      }) : () -> ()
      "tpu.region"() ({
        %run_scoped3A = tpu.sem_alloc : memref<!tpu.dma_semaphore, #tpu.memory_space<semaphore_mem>>
        %dma_start3A = arith.constant 0 : i32
        %dma_start3A_37 = tpu.memref_slice %arg2[%add3A_34, %dma_start3A] : memref<81920x128xf32, #tpu.memory_space<hbm>> -> memref<128x128xf32, #tpu.memory_space<hbm>>
        %dma_start3A_38 = arith.constant 0 : i32
        %dma_start3A_39 = tpu.memref_slice %arg2[%add3A_34, %dma_start3A_38] : memref<81920x128xf32, #tpu.memory_space<hbm>> -> memref<128x128xf32, #tpu.memory_space<hbm>>
        tpu.enqueue_dma source(%dma_start3A_39 : memref<128x128xf32, #tpu.memory_space<hbm>>) target(%arg10 : memref<128x128xf32, #tpu.memory_space<vmem>>) target_semaphore(%run_scoped3A : memref<!tpu.dma_semaphore, #tpu.memory_space<semaphore_mem>>)
        %dma_wait3A = arith.constant 0 : i32
        %dma_wait3A_40 = tpu.memref_slice %arg2[%add3A_34, %dma_wait3A] : memref<81920x128xf32, #tpu.memory_space<hbm>> -> memref<128x128xf32, #tpu.memory_space<hbm>>
        %dma_wait3A_41 = arith.constant 0 : i32
        %dma_wait3A_42 = tpu.memref_slice %arg2[%add3A_34, %dma_wait3A_41] : memref<81920x128xf32, #tpu.memory_space<hbm>> -> memref<128x128xf32, #tpu.memory_space<hbm>>
        tpu.wait_dma2 semaphore(%run_scoped3A : memref<!tpu.dma_semaphore, #tpu.memory_space<semaphore_mem>>) src(%dma_wait3A_42 : memref<128x128xf32, #tpu.memory_space<hbm>>) dst(%arg10 : memref<128x128xf32, #tpu.memory_space<vmem>>)
        tpu.yield
      }) : () -> ()
      "tpu.region"() ({
        %run_scoped3A = tpu.sem_alloc : memref<!tpu.dma_semaphore, #tpu.memory_space<semaphore_mem>>
        %dma_start3A = arith.constant 0 : i32
        %dma_start3A_37 = tpu.memref_slice %arg3[%add3A_34, %dma_start3A] : memref<81920x16xf32, #tpu.memory_space<hbm>> -> memref<128x16xf32, #tpu.memory_space<hbm>>
        %dma_start3A_38 = arith.constant 0 : i32
        %dma_start3A_39 = tpu.memref_slice %arg3[%add3A_34, %dma_start3A_38] : memref<81920x16xf32, #tpu.memory_space<hbm>> -> memref<128x16xf32, #tpu.memory_space<hbm>>
        tpu.enqueue_dma source(%dma_start3A_39 : memref<128x16xf32, #tpu.memory_space<hbm>>) target(%arg11 : memref<128x16xf32, #tpu.memory_space<vmem>>) target_semaphore(%run_scoped3A : memref<!tpu.dma_semaphore, #tpu.memory_space<semaphore_mem>>)
        %dma_wait3A = arith.constant 0 : i32
        %dma_wait3A_40 = tpu.memref_slice %arg3[%add3A_34, %dma_wait3A] : memref<81920x16xf32, #tpu.memory_space<hbm>> -> memref<128x16xf32, #tpu.memory_space<hbm>>
        %dma_wait3A_41 = arith.constant 0 : i32
        %dma_wait3A_42 = tpu.memref_slice %arg3[%add3A_34, %dma_wait3A_41] : memref<81920x16xf32, #tpu.memory_space<hbm>> -> memref<128x16xf32, #tpu.memory_space<hbm>>
        tpu.wait_dma2 semaphore(%run_scoped3A : memref<!tpu.dma_semaphore, #tpu.memory_space<semaphore_mem>>) src(%dma_wait3A_42 : memref<128x16xf32, #tpu.memory_space<hbm>>) dst(%arg11 : memref<128x16xf32, #tpu.memory_space<vmem>>)
        tpu.yield
      }) : () -> ()
      "tpu.region"() ({
        %run_scoped3A = tpu.sem_alloc : memref<!tpu.dma_semaphore, #tpu.memory_space<semaphore_mem>>
        %dma_start3A = arith.constant 0 : i32
        %dma_start3A_37 = arith.constant 0 : i32
        %dma_start3A_38 = tpu.memref_slice %arg12[%dma_start3A, %dma_start3A_37] : memref<10000x128xf32, #tpu.memory_space<vmem_shared>> -> memref<10000x128xf32, #tpu.memory_space<vmem_shared>>
        tpu.enqueue_indirect_dma source(%arg10 : memref<128x128xf32, #tpu.memory_space<vmem>>) target(%dma_start3A_38 : memref<10000x128xf32, #tpu.memory_space<vmem_shared>>) offsets(%arg9 : memref<128xi32, #tpu.memory_space<vmem>>) semaphore(%run_scoped3A : memref<!tpu.dma_semaphore, #tpu.memory_space<semaphore_mem>>) {add = true}
        %dma_wait3A = arith.constant 0 : i32
        %dma_wait3A_39 = arith.constant 0 : i32
        %dma_wait3A_40 = tpu.memref_slice %arg12[%dma_wait3A, %dma_wait3A_39] : memref<10000x128xf32, #tpu.memory_space<vmem_shared>> -> memref<10000x128xf32, #tpu.memory_space<vmem_shared>>
        tpu.wait_indirect_dma semaphore(%run_scoped3A : memref<!tpu.dma_semaphore, #tpu.memory_space<semaphore_mem>>) src(%arg10 : memref<128x128xf32, #tpu.memory_space<vmem>>) dst(%dma_wait3A_40 : memref<10000x128xf32, #tpu.memory_space<vmem_shared>>)
        tpu.yield
      }) : () -> ()
      "tpu.region"() ({
        %run_scoped3A = tpu.sem_alloc : memref<!tpu.dma_semaphore, #tpu.memory_space<semaphore_mem>>
        %dma_start3A = arith.constant 0 : i32
        %dma_start3A_37 = arith.constant 0 : i32
        %dma_start3A_38 = tpu.memref_slice %arg13[%dma_start3A, %dma_start3A_37] : memref<10000x16xf32, #tpu.memory_space<vmem_shared>> -> memref<10000x16xf32, #tpu.memory_space<vmem_shared>>
        tpu.enqueue_indirect_dma source(%arg11 : memref<128x16xf32, #tpu.memory_space<vmem>>) target(%dma_start3A_38 : memref<10000x16xf32, #tpu.memory_space<vmem_shared>>) offsets(%arg9 : memref<128xi32, #tpu.memory_space<vmem>>) semaphore(%run_scoped3A : memref<!tpu.dma_semaphore, #tpu.memory_space<semaphore_mem>>) {add = true}
        %dma_wait3A = arith.constant 0 : i32
        %dma_wait3A_39 = arith.constant 0 : i32
        %dma_wait3A_40 = tpu.memref_slice %arg13[%dma_wait3A, %dma_wait3A_39] : memref<10000x16xf32, #tpu.memory_space<vmem_shared>> -> memref<10000x16xf32, #tpu.memory_space<vmem_shared>>
        tpu.wait_indirect_dma semaphore(%run_scoped3A : memref<!tpu.dma_semaphore, #tpu.memory_space<semaphore_mem>>) src(%arg11 : memref<128x16xf32, #tpu.memory_space<vmem>>) dst(%dma_wait3A_40 : memref<10000x16xf32, #tpu.memory_space<vmem_shared>>)
        tpu.yield
      }) : () -> ()
    }
    %scan3A_13 = arith.constant 20 : i32
    %barrier3A_14 = arith.constant 0 : index
    tpu.barrier barrier_id(%barrier3A_14)
    %mul3A_15 = arith.constant 625 : i32
    %mul3A_16 = arith.muli %arg1, %mul3A_15 : i32
    %mul3A_17 = arith.constant 10000 : i32
    %mul3A_18 = arith.muli %arg0, %mul3A_17 : i32
    %mul3A_19 = arith.constant 625 : i32
    %mul3A_20 = arith.muli %arg1, %mul3A_19 : i32
    %add3A_21 = arith.addi %mul3A_18, %mul3A_20 : i32
    "tpu.region"() ({
      %run_scoped3A = tpu.sem_alloc : memref<!tpu.dma_semaphore, #tpu.memory_space<semaphore_mem>>
      %dma_start3A = arith.constant 0 : i32
      %dma_start3A_29 = tpu.memref_slice %arg7[%add3A_21, %dma_start3A] : memref<20000x128xf32, #tpu.memory_space<hbm>> -> memref<625x128xf32, #tpu.memory_space<hbm>>
      %dma_start3A_30 = arith.constant 0 : i32
      %dma_start3A_31 = tpu.memref_slice %arg12[%mul3A_16, %dma_start3A_30] : memref<10000x128xf32, #tpu.memory_space<vmem_shared>> -> memref<625x128xf32, #tpu.memory_space<vmem_shared>>
      tpu.enqueue_dma source(%dma_start3A_31 : memref<625x128xf32, #tpu.memory_space<vmem_shared>>) target(%dma_start3A_29 : memref<625x128xf32, #tpu.memory_space<hbm>>) target_semaphore(%run_scoped3A : memref<!tpu.dma_semaphore, #tpu.memory_space<semaphore_mem>>)
      %dma_wait3A = arith.constant 0 : i32
      %dma_wait3A_32 = tpu.memref_slice %arg7[%add3A_21, %dma_wait3A] : memref<20000x128xf32, #tpu.memory_space<hbm>> -> memref<625x128xf32, #tpu.memory_space<hbm>>
      %dma_wait3A_33 = arith.constant 0 : i32
      %dma_wait3A_34 = tpu.memref_slice %arg12[%mul3A_16, %dma_wait3A_33] : memref<10000x128xf32, #tpu.memory_space<vmem_shared>> -> memref<625x128xf32, #tpu.memory_space<vmem_shared>>
      tpu.wait_dma2 semaphore(%run_scoped3A : memref<!tpu.dma_semaphore, #tpu.memory_space<semaphore_mem>>) src(%dma_wait3A_34 : memref<625x128xf32, #tpu.memory_space<vmem_shared>>) dst(%dma_wait3A_32 : memref<625x128xf32, #tpu.memory_space<hbm>>)
      tpu.yield
    }) : () -> ()
    %mul3A_22 = arith.constant 625 : i32
    %mul3A_23 = arith.muli %arg1, %mul3A_22 : i32
    %mul3A_24 = arith.constant 10000 : i32
    %mul3A_25 = arith.muli %arg0, %mul3A_24 : i32
    %mul3A_26 = arith.constant 625 : i32
    %mul3A_27 = arith.muli %arg1, %mul3A_26 : i32
    %add3A_28 = arith.addi %mul3A_25, %mul3A_27 : i32
    "tpu.region"() ({
      %run_scoped3A = tpu.sem_alloc : memref<!tpu.dma_semaphore, #tpu.memory_space<semaphore_mem>>
      %dma_start3A = arith.constant 0 : i32
      %dma_start3A_29 = tpu.memref_slice %arg8[%add3A_28, %dma_start3A] : memref<20000x16xf32, #tpu.memory_space<hbm>> -> memref<625x16xf32, #tpu.memory_space<hbm>>
      %dma_start3A_30 = arith.constant 0 : i32
      %dma_start3A_31 = tpu.memref_slice %arg13[%mul3A_23, %dma_start3A_30] : memref<10000x16xf32, #tpu.memory_space<vmem_shared>> -> memref<625x16xf32, #tpu.memory_space<vmem_shared>>
      tpu.enqueue_dma source(%dma_start3A_31 : memref<625x16xf32, #tpu.memory_space<vmem_shared>>) target(%dma_start3A_29 : memref<625x16xf32, #tpu.memory_space<hbm>>) target_semaphore(%run_scoped3A : memref<!tpu.dma_semaphore, #tpu.memory_space<semaphore_mem>>)
      %dma_wait3A = arith.constant 0 : i32
      %dma_wait3A_32 = tpu.memref_slice %arg8[%add3A_28, %dma_wait3A] : memref<20000x16xf32, #tpu.memory_space<hbm>> -> memref<625x16xf32, #tpu.memory_space<hbm>>
      %dma_wait3A_33 = arith.constant 0 : i32
      %dma_wait3A_34 = tpu.memref_slice %arg13[%mul3A_23, %dma_wait3A_33] : memref<10000x16xf32, #tpu.memory_space<vmem_shared>> -> memref<625x16xf32, #tpu.memory_space<vmem_shared>>
      tpu.wait_dma2 semaphore(%run_scoped3A : memref<!tpu.dma_semaphore, #tpu.memory_space<semaphore_mem>>) src(%dma_wait3A_34 : memref<625x16xf32, #tpu.memory_space<vmem_shared>>) dst(%dma_wait3A_32 : memref<625x16xf32, #tpu.memory_space<hbm>>)
      tpu.yield
    }) : () -> ()
    return
  }
}

#map = affine_map<(d0, d1) -> (0, 0)>
#map1 = affine_map<(d0, d1) -> (0)>
module attributes {stable_mosaic.version = 14 : i64} {
  func.func @gk(%arg0: i32, %arg1: i32, %arg2: memref<10000x128xf32, #tpu.memory_space<hbm>>, %arg3: memref<160000xi32, #tpu.memory_space<hbm>>, %arg4: memref<160000xi32, #tpu.memory_space<hbm>>, %arg5: memref<78080x128xf32, #tpu.memory_space<hbm>>, %arg6: memref<78080x128xf32, #tpu.memory_space<hbm>>, %arg7: memref<128xi32, #tpu.memory_space<vmem>>, %arg8: memref<128xi32, #tpu.memory_space<vmem>>, %arg9: memref<128x128xf32, #tpu.memory_space<vmem>>, %arg10: memref<128x128xf32, #tpu.memory_space<vmem>>, %arg11: memref<!tpu.dma_semaphore, #tpu.memory_space<semaphore_mem>>, %arg12: memref<!tpu.dma_semaphore, #tpu.memory_space<semaphore_mem>>) attributes {dimension_semantics = [#tpu.dimension_semantics<core_parallel>, #tpu.dimension_semantics<subcore_parallel>], iteration_bounds = array<i64: 2, 16>, scalar_prefetch = 0 : i64, scratch_operands = 6 : i64, tpu.core_type = #tpu.core_type<sc_vector_subcore>, window_params = [{transform_indices = #map}, {transform_indices = #map1}, {transform_indices = #map1}, {transform_indices = #map}, {transform_indices = #map}]} {
    %mul3A = arith.constant 2 : i32
    %mul3A_0 = arith.muli %arg1, %mul3A : i32
    %add3A = arith.addi %mul3A_0, %arg0 : i32
    %scan3A = arith.constant 0 : i32
    %scan3A_1 = arith.constant 0 : i32
    %scan3A_2 = arith.constant 19 : i32
    %scan3A_3 = arith.addi %scan3A_1, %scan3A_2 : i32
    %scan3A_4 = arith.constant 1 : i32
    scf.for %scan3A_44 = %scan3A_1 to %scan3A_3 step %scan3A_4  : i32 {
      %mul3A_45 = arith.constant 4096 : i32
      %mul3A_46 = arith.muli %scan3A_44, %mul3A_45 : i32
      %mul3A_47 = arith.constant 128 : i32
      %mul3A_48 = arith.muli %add3A, %mul3A_47 : i32
      %add3A_49 = arith.addi %mul3A_46, %mul3A_48 : i32
      %add3A_50 = arith.constant 81920 : i32
      %add3A_51 = arith.addi %add3A_50, %add3A_49 : i32
      "tpu.region"() ({
        %run_scoped3A = tpu.sem_alloc : memref<!tpu.dma_semaphore, #tpu.memory_space<semaphore_mem>>
        %dma_start3A_66 = tpu.memref_slice %arg3[%add3A_51] : memref<160000xi32, #tpu.memory_space<hbm>> -> memref<128xi32, #tpu.memory_space<hbm>>
        %dma_start3A_67 = tpu.memref_slice %arg3[%add3A_51] : memref<160000xi32, #tpu.memory_space<hbm>> -> memref<128xi32, #tpu.memory_space<hbm>>
        tpu.enqueue_dma source(%dma_start3A_67 : memref<128xi32, #tpu.memory_space<hbm>>) target(%arg7 : memref<128xi32, #tpu.memory_space<vmem>>) target_semaphore(%run_scoped3A : memref<!tpu.dma_semaphore, #tpu.memory_space<semaphore_mem>>)
        %dma_wait3A_68 = tpu.memref_slice %arg3[%add3A_51] : memref<160000xi32, #tpu.memory_space<hbm>> -> memref<128xi32, #tpu.memory_space<hbm>>
        %dma_wait3A_69 = tpu.memref_slice %arg3[%add3A_51] : memref<160000xi32, #tpu.memory_space<hbm>> -> memref<128xi32, #tpu.memory_space<hbm>>
        tpu.wait_dma2 semaphore(%run_scoped3A : memref<!tpu.dma_semaphore, #tpu.memory_space<semaphore_mem>>) src(%dma_wait3A_69 : memref<128xi32, #tpu.memory_space<hbm>>) dst(%arg7 : memref<128xi32, #tpu.memory_space<vmem>>)
        tpu.yield
      }) : () -> ()
      %add3A_52 = arith.constant 81920 : i32
      %add3A_53 = arith.addi %add3A_52, %add3A_49 : i32
      "tpu.region"() ({
        %run_scoped3A = tpu.sem_alloc : memref<!tpu.dma_semaphore, #tpu.memory_space<semaphore_mem>>
        %dma_start3A_66 = tpu.memref_slice %arg4[%add3A_53] : memref<160000xi32, #tpu.memory_space<hbm>> -> memref<128xi32, #tpu.memory_space<hbm>>
        %dma_start3A_67 = tpu.memref_slice %arg4[%add3A_53] : memref<160000xi32, #tpu.memory_space<hbm>> -> memref<128xi32, #tpu.memory_space<hbm>>
        tpu.enqueue_dma source(%dma_start3A_67 : memref<128xi32, #tpu.memory_space<hbm>>) target(%arg8 : memref<128xi32, #tpu.memory_space<vmem>>) target_semaphore(%run_scoped3A : memref<!tpu.dma_semaphore, #tpu.memory_space<semaphore_mem>>)
        %dma_wait3A_68 = tpu.memref_slice %arg4[%add3A_53] : memref<160000xi32, #tpu.memory_space<hbm>> -> memref<128xi32, #tpu.memory_space<hbm>>
        %dma_wait3A_69 = tpu.memref_slice %arg4[%add3A_53] : memref<160000xi32, #tpu.memory_space<hbm>> -> memref<128xi32, #tpu.memory_space<hbm>>
        tpu.wait_dma2 semaphore(%run_scoped3A : memref<!tpu.dma_semaphore, #tpu.memory_space<semaphore_mem>>) src(%dma_wait3A_69 : memref<128xi32, #tpu.memory_space<hbm>>) dst(%arg8 : memref<128xi32, #tpu.memory_space<vmem>>)
        tpu.yield
      }) : () -> ()
      %dma_start3A_54 = arith.constant 0 : i32
      %dma_start3A_55 = arith.constant 0 : i32
      %dma_start3A_56 = tpu.memref_slice %arg2[%dma_start3A_54, %dma_start3A_55] : memref<10000x128xf32, #tpu.memory_space<hbm>> -> memref<10000x128xf32, #tpu.memory_space<hbm>>
      tpu.enqueue_indirect_dma source(%dma_start3A_56 : memref<10000x128xf32, #tpu.memory_space<hbm>>) target(%arg9 : memref<128x128xf32, #tpu.memory_space<vmem>>) offsets(%arg7 : memref<128xi32, #tpu.memory_space<vmem>>) semaphore(%arg11 : memref<!tpu.dma_semaphore, #tpu.memory_space<semaphore_mem>>)
      %dma_start3A_57 = arith.constant 0 : i32
      %dma_start3A_58 = arith.constant 0 : i32
      %dma_start3A_59 = tpu.memref_slice %arg2[%dma_start3A_57, %dma_start3A_58] : memref<10000x128xf32, #tpu.memory_space<hbm>> -> memref<10000x128xf32, #tpu.memory_space<hbm>>
      tpu.enqueue_indirect_dma source(%dma_start3A_59 : memref<10000x128xf32, #tpu.memory_space<hbm>>) target(%arg10 : memref<128x128xf32, #tpu.memory_space<vmem>>) offsets(%arg8 : memref<128xi32, #tpu.memory_space<vmem>>) semaphore(%arg12 : memref<!tpu.dma_semaphore, #tpu.memory_space<semaphore_mem>>)
      %dma_wait3A_60 = arith.constant 0 : i32
      %dma_wait3A_61 = arith.constant 0 : i32
      %dma_wait3A_62 = tpu.memref_slice %arg2[%dma_wait3A_60, %dma_wait3A_61] : memref<10000x128xf32, #tpu.memory_space<hbm>> -> memref<10000x128xf32, #tpu.memory_space<hbm>>
      tpu.wait_indirect_dma semaphore(%arg11 : memref<!tpu.dma_semaphore, #tpu.memory_space<semaphore_mem>>) src(%dma_wait3A_62 : memref<10000x128xf32, #tpu.memory_space<hbm>>) dst(%arg9 : memref<128x128xf32, #tpu.memory_space<vmem>>)
      "tpu.region"() ({
        %run_scoped3A = tpu.sem_alloc : memref<!tpu.dma_semaphore, #tpu.memory_space<semaphore_mem>>
        %dma_start3A_66 = arith.constant 0 : i32
        %dma_start3A_67 = tpu.memref_slice %arg5[%add3A_49, %dma_start3A_66] : memref<78080x128xf32, #tpu.memory_space<hbm>> -> memref<128x128xf32, #tpu.memory_space<hbm>>
        %dma_start3A_68 = arith.constant 0 : i32
        %dma_start3A_69 = tpu.memref_slice %arg5[%add3A_49, %dma_start3A_68] : memref<78080x128xf32, #tpu.memory_space<hbm>> -> memref<128x128xf32, #tpu.memory_space<hbm>>
        tpu.enqueue_dma source(%arg9 : memref<128x128xf32, #tpu.memory_space<vmem>>) target(%dma_start3A_69 : memref<128x128xf32, #tpu.memory_space<hbm>>) target_semaphore(%run_scoped3A : memref<!tpu.dma_semaphore, #tpu.memory_space<semaphore_mem>>)
        %dma_wait3A_70 = arith.constant 0 : i32
        %dma_wait3A_71 = tpu.memref_slice %arg5[%add3A_49, %dma_wait3A_70] : memref<78080x128xf32, #tpu.memory_space<hbm>> -> memref<128x128xf32, #tpu.memory_space<hbm>>
        %dma_wait3A_72 = arith.constant 0 : i32
        %dma_wait3A_73 = tpu.memref_slice %arg5[%add3A_49, %dma_wait3A_72] : memref<78080x128xf32, #tpu.memory_space<hbm>> -> memref<128x128xf32, #tpu.memory_space<hbm>>
        tpu.wait_dma2 semaphore(%run_scoped3A : memref<!tpu.dma_semaphore, #tpu.memory_space<semaphore_mem>>) src(%arg9 : memref<128x128xf32, #tpu.memory_space<vmem>>) dst(%dma_wait3A_73 : memref<128x128xf32, #tpu.memory_space<hbm>>)
        tpu.yield
      }) : () -> ()
      %dma_wait3A_63 = arith.constant 0 : i32
      %dma_wait3A_64 = arith.constant 0 : i32
      %dma_wait3A_65 = tpu.memref_slice %arg2[%dma_wait3A_63, %dma_wait3A_64] : memref<10000x128xf32, #tpu.memory_space<hbm>> -> memref<10000x128xf32, #tpu.memory_space<hbm>>
      tpu.wait_indirect_dma semaphore(%arg12 : memref<!tpu.dma_semaphore, #tpu.memory_space<semaphore_mem>>) src(%dma_wait3A_65 : memref<10000x128xf32, #tpu.memory_space<hbm>>) dst(%arg10 : memref<128x128xf32, #tpu.memory_space<vmem>>)
      "tpu.region"() ({
        %run_scoped3A = tpu.sem_alloc : memref<!tpu.dma_semaphore, #tpu.memory_space<semaphore_mem>>
        %dma_start3A_66 = arith.constant 0 : i32
        %dma_start3A_67 = tpu.memref_slice %arg6[%add3A_49, %dma_start3A_66] : memref<78080x128xf32, #tpu.memory_space<hbm>> -> memref<128x128xf32, #tpu.memory_space<hbm>>
        %dma_start3A_68 = arith.constant 0 : i32
        %dma_start3A_69 = tpu.memref_slice %arg6[%add3A_49, %dma_start3A_68] : memref<78080x128xf32, #tpu.memory_space<hbm>> -> memref<128x128xf32, #tpu.memory_space<hbm>>
        tpu.enqueue_dma source(%arg10 : memref<128x128xf32, #tpu.memory_space<vmem>>) target(%dma_start3A_69 : memref<128x128xf32, #tpu.memory_space<hbm>>) target_semaphore(%run_scoped3A : memref<!tpu.dma_semaphore, #tpu.memory_space<semaphore_mem>>)
        %dma_wait3A_70 = arith.constant 0 : i32
        %dma_wait3A_71 = tpu.memref_slice %arg6[%add3A_49, %dma_wait3A_70] : memref<78080x128xf32, #tpu.memory_space<hbm>> -> memref<128x128xf32, #tpu.memory_space<hbm>>
        %dma_wait3A_72 = arith.constant 0 : i32
        %dma_wait3A_73 = tpu.memref_slice %arg6[%add3A_49, %dma_wait3A_72] : memref<78080x128xf32, #tpu.memory_space<hbm>> -> memref<128x128xf32, #tpu.memory_space<hbm>>
        tpu.wait_dma2 semaphore(%run_scoped3A : memref<!tpu.dma_semaphore, #tpu.memory_space<semaphore_mem>>) src(%arg10 : memref<128x128xf32, #tpu.memory_space<vmem>>) dst(%dma_wait3A_73 : memref<128x128xf32, #tpu.memory_space<hbm>>)
        tpu.yield
      }) : () -> ()
    }
    %scan3A_5 = arith.constant 19 : i32
    %mul3A_6 = arith.constant 8 : i32
    %mul3A_7 = arith.muli %add3A, %mul3A_6 : i32
    %add3A_8 = arith.constant 77824 : i32
    %add3A_9 = arith.addi %add3A_8, %mul3A_7 : i32
    %add3A_10 = arith.constant 81920 : i32
    %add3A_11 = arith.addi %add3A_10, %add3A_9 : i32
    "tpu.region"() ({
      %run_scoped3A = tpu.sem_alloc : memref<!tpu.dma_semaphore, #tpu.memory_space<semaphore_mem>>
      %dma_start3A_44 = arith.constant 0 : i32
      %dma_start3A_45 = tpu.memref_slice %arg7[%dma_start3A_44] : memref<128xi32, #tpu.memory_space<vmem>> -> memref<8xi32, #tpu.memory_space<vmem>>
      %dma_start3A_46 = tpu.memref_slice %arg3[%add3A_11] : memref<160000xi32, #tpu.memory_space<hbm>> -> memref<8xi32, #tpu.memory_space<hbm>>
      %dma_start3A_47 = arith.constant 0 : i32
      %dma_start3A_48 = tpu.memref_slice %arg7[%dma_start3A_47] : memref<128xi32, #tpu.memory_space<vmem>> -> memref<8xi32, #tpu.memory_space<vmem>>
      %dma_start3A_49 = tpu.memref_slice %arg3[%add3A_11] : memref<160000xi32, #tpu.memory_space<hbm>> -> memref<8xi32, #tpu.memory_space<hbm>>
      tpu.enqueue_dma source(%dma_start3A_49 : memref<8xi32, #tpu.memory_space<hbm>>) target(%dma_start3A_48 : memref<8xi32, #tpu.memory_space<vmem>>) target_semaphore(%run_scoped3A : memref<!tpu.dma_semaphore, #tpu.memory_space<semaphore_mem>>)
      %dma_wait3A_50 = arith.constant 0 : i32
      %dma_wait3A_51 = tpu.memref_slice %arg7[%dma_wait3A_50] : memref<128xi32, #tpu.memory_space<vmem>> -> memref<8xi32, #tpu.memory_space<vmem>>
      %dma_wait3A_52 = tpu.memref_slice %arg3[%add3A_11] : memref<160000xi32, #tpu.memory_space<hbm>> -> memref<8xi32, #tpu.memory_space<hbm>>
      %dma_wait3A_53 = arith.constant 0 : i32
      %dma_wait3A_54 = tpu.memref_slice %arg7[%dma_wait3A_53] : memref<128xi32, #tpu.memory_space<vmem>> -> memref<8xi32, #tpu.memory_space<vmem>>
      %dma_wait3A_55 = tpu.memref_slice %arg3[%add3A_11] : memref<160000xi32, #tpu.memory_space<hbm>> -> memref<8xi32, #tpu.memory_space<hbm>>
      tpu.wait_dma2 semaphore(%run_scoped3A : memref<!tpu.dma_semaphore, #tpu.memory_space<semaphore_mem>>) src(%dma_wait3A_55 : memref<8xi32, #tpu.memory_space<hbm>>) dst(%dma_wait3A_54 : memref<8xi32, #tpu.memory_space<vmem>>)
      tpu.yield
    }) : () -> ()
    %add3A_12 = arith.constant 81920 : i32
    %add3A_13 = arith.addi %add3A_12, %add3A_9 : i32
    "tpu.region"() ({
      %run_scoped3A = tpu.sem_alloc : memref<!tpu.dma_semaphore, #tpu.memory_space<semaphore_mem>>
      %dma_start3A_44 = arith.constant 0 : i32
      %dma_start3A_45 = tpu.memref_slice %arg8[%dma_start3A_44] : memref<128xi32, #tpu.memory_space<vmem>> -> memref<8xi32, #tpu.memory_space<vmem>>
      %dma_start3A_46 = tpu.memref_slice %arg4[%add3A_13] : memref<160000xi32, #tpu.memory_space<hbm>> -> memref<8xi32, #tpu.memory_space<hbm>>
      %dma_start3A_47 = arith.constant 0 : i32
      %dma_start3A_48 = tpu.memref_slice %arg8[%dma_start3A_47] : memref<128xi32, #tpu.memory_space<vmem>> -> memref<8xi32, #tpu.memory_space<vmem>>
      %dma_start3A_49 = tpu.memref_slice %arg4[%add3A_13] : memref<160000xi32, #tpu.memory_space<hbm>> -> memref<8xi32, #tpu.memory_space<hbm>>
      tpu.enqueue_dma source(%dma_start3A_49 : memref<8xi32, #tpu.memory_space<hbm>>) target(%dma_start3A_48 : memref<8xi32, #tpu.memory_space<vmem>>) target_semaphore(%run_scoped3A : memref<!tpu.dma_semaphore, #tpu.memory_space<semaphore_mem>>)
      %dma_wait3A_50 = arith.constant 0 : i32
      %dma_wait3A_51 = tpu.memref_slice %arg8[%dma_wait3A_50] : memref<128xi32, #tpu.memory_space<vmem>> -> memref<8xi32, #tpu.memory_space<vmem>>
      %dma_wait3A_52 = tpu.memref_slice %arg4[%add3A_13] : memref<160000xi32, #tpu.memory_space<hbm>> -> memref<8xi32, #tpu.memory_space<hbm>>
      %dma_wait3A_53 = arith.constant 0 : i32
      %dma_wait3A_54 = tpu.memref_slice %arg8[%dma_wait3A_53] : memref<128xi32, #tpu.memory_space<vmem>> -> memref<8xi32, #tpu.memory_space<vmem>>
      %dma_wait3A_55 = tpu.memref_slice %arg4[%add3A_13] : memref<160000xi32, #tpu.memory_space<hbm>> -> memref<8xi32, #tpu.memory_space<hbm>>
      tpu.wait_dma2 semaphore(%run_scoped3A : memref<!tpu.dma_semaphore, #tpu.memory_space<semaphore_mem>>) src(%dma_wait3A_55 : memref<8xi32, #tpu.memory_space<hbm>>) dst(%dma_wait3A_54 : memref<8xi32, #tpu.memory_space<vmem>>)
      tpu.yield
    }) : () -> ()
    %dma_start3A = arith.constant 0 : i32
    %dma_start3A_14 = arith.constant 0 : i32
    %dma_start3A_15 = tpu.memref_slice %arg9[%dma_start3A, %dma_start3A_14] : memref<128x128xf32, #tpu.memory_space<vmem>> -> memref<8x128xf32, #tpu.memory_space<vmem>>
    %dma_start3A_16 = arith.constant 0 : i32
    %dma_start3A_17 = tpu.memref_slice %arg7[%dma_start3A_16] : memref<128xi32, #tpu.memory_space<vmem>> -> memref<8xi32, #tpu.memory_space<vmem>>
    %dma_start3A_18 = arith.constant 0 : i32
    %dma_start3A_19 = arith.constant 0 : i32
    %dma_start3A_20 = tpu.memref_slice %arg2[%dma_start3A_18, %dma_start3A_19] : memref<10000x128xf32, #tpu.memory_space<hbm>> -> memref<10000x128xf32, #tpu.memory_space<hbm>>
    tpu.enqueue_indirect_dma source(%dma_start3A_20 : memref<10000x128xf32, #tpu.memory_space<hbm>>) target(%dma_start3A_15 : memref<8x128xf32, #tpu.memory_space<vmem>>) offsets(%dma_start3A_17 : memref<8xi32, #tpu.memory_space<vmem>>) semaphore(%arg11 : memref<!tpu.dma_semaphore, #tpu.memory_space<semaphore_mem>>)
    %dma_start3A_21 = arith.constant 0 : i32
    %dma_start3A_22 = arith.constant 0 : i32
    %dma_start3A_23 = tpu.memref_slice %arg10[%dma_start3A_21, %dma_start3A_22] : memref<128x128xf32, #tpu.memory_space<vmem>> -> memref<8x128xf32, #tpu.memory_space<vmem>>
    %dma_start3A_24 = arith.constant 0 : i32
    %dma_start3A_25 = tpu.memref_slice %arg8[%dma_start3A_24] : memref<128xi32, #tpu.memory_space<vmem>> -> memref<8xi32, #tpu.memory_space<vmem>>
    %dma_start3A_26 = arith.constant 0 : i32
    %dma_start3A_27 = arith.constant 0 : i32
    %dma_start3A_28 = tpu.memref_slice %arg2[%dma_start3A_26, %dma_start3A_27] : memref<10000x128xf32, #tpu.memory_space<hbm>> -> memref<10000x128xf32, #tpu.memory_space<hbm>>
    tpu.enqueue_indirect_dma source(%dma_start3A_28 : memref<10000x128xf32, #tpu.memory_space<hbm>>) target(%dma_start3A_23 : memref<8x128xf32, #tpu.memory_space<vmem>>) offsets(%dma_start3A_25 : memref<8xi32, #tpu.memory_space<vmem>>) semaphore(%arg12 : memref<!tpu.dma_semaphore, #tpu.memory_space<semaphore_mem>>)
    %dma_wait3A = arith.constant 0 : i32
    %dma_wait3A_29 = arith.constant 0 : i32
    %dma_wait3A_30 = tpu.memref_slice %arg9[%dma_wait3A, %dma_wait3A_29] : memref<128x128xf32, #tpu.memory_space<vmem>> -> memref<8x128xf32, #tpu.memory_space<vmem>>
    %dma_wait3A_31 = arith.constant 0 : i32
    %dma_wait3A_32 = tpu.memref_slice %arg7[%dma_wait3A_31] : memref<128xi32, #tpu.memory_space<vmem>> -> memref<8xi32, #tpu.memory_space<vmem>>
    %dma_wait3A_33 = arith.constant 0 : i32
    %dma_wait3A_34 = arith.constant 0 : i32
    %dma_wait3A_35 = tpu.memref_slice %arg2[%dma_wait3A_33, %dma_wait3A_34] : memref<10000x128xf32, #tpu.memory_space<hbm>> -> memref<10000x128xf32, #tpu.memory_space<hbm>>
    tpu.wait_indirect_dma semaphore(%arg11 : memref<!tpu.dma_semaphore, #tpu.memory_space<semaphore_mem>>) src(%dma_wait3A_35 : memref<10000x128xf32, #tpu.memory_space<hbm>>) dst(%dma_wait3A_30 : memref<8x128xf32, #tpu.memory_space<vmem>>)
    "tpu.region"() ({
      %run_scoped3A = tpu.sem_alloc : memref<!tpu.dma_semaphore, #tpu.memory_space<semaphore_mem>>
      %dma_start3A_44 = arith.constant 0 : i32
      %dma_start3A_45 = arith.constant 0 : i32
      %dma_start3A_46 = tpu.memref_slice %arg9[%dma_start3A_44, %dma_start3A_45] : memref<128x128xf32, #tpu.memory_space<vmem>> -> memref<8x128xf32, #tpu.memory_space<vmem>>
      %dma_start3A_47 = arith.constant 0 : i32
      %dma_start3A_48 = tpu.memref_slice %arg5[%add3A_9, %dma_start3A_47] : memref<78080x128xf32, #tpu.memory_space<hbm>> -> memref<8x128xf32, #tpu.memory_space<hbm>>
      %dma_start3A_49 = arith.constant 0 : i32
      %dma_start3A_50 = tpu.memref_slice %arg5[%add3A_9, %dma_start3A_49] : memref<78080x128xf32, #tpu.memory_space<hbm>> -> memref<8x128xf32, #tpu.memory_space<hbm>>
      %dma_start3A_51 = arith.constant 0 : i32
      %dma_start3A_52 = arith.constant 0 : i32
      %dma_start3A_53 = tpu.memref_slice %arg9[%dma_start3A_51, %dma_start3A_52] : memref<128x128xf32, #tpu.memory_space<vmem>> -> memref<8x128xf32, #tpu.memory_space<vmem>>
      tpu.enqueue_dma source(%dma_start3A_53 : memref<8x128xf32, #tpu.memory_space<vmem>>) target(%dma_start3A_50 : memref<8x128xf32, #tpu.memory_space<hbm>>) target_semaphore(%run_scoped3A : memref<!tpu.dma_semaphore, #tpu.memory_space<semaphore_mem>>)
      %dma_wait3A_54 = arith.constant 0 : i32
      %dma_wait3A_55 = arith.constant 0 : i32
      %dma_wait3A_56 = tpu.memref_slice %arg9[%dma_wait3A_54, %dma_wait3A_55] : memref<128x128xf32, #tpu.memory_space<vmem>> -> memref<8x128xf32, #tpu.memory_space<vmem>>
      %dma_wait3A_57 = arith.constant 0 : i32
      %dma_wait3A_58 = tpu.memref_slice %arg5[%add3A_9, %dma_wait3A_57] : memref<78080x128xf32, #tpu.memory_space<hbm>> -> memref<8x128xf32, #tpu.memory_space<hbm>>
      %dma_wait3A_59 = arith.constant 0 : i32
      %dma_wait3A_60 = tpu.memref_slice %arg5[%add3A_9, %dma_wait3A_59] : memref<78080x128xf32, #tpu.memory_space<hbm>> -> memref<8x128xf32, #tpu.memory_space<hbm>>
      %dma_wait3A_61 = arith.constant 0 : i32
      %dma_wait3A_62 = arith.constant 0 : i32
      %dma_wait3A_63 = tpu.memref_slice %arg9[%dma_wait3A_61, %dma_wait3A_62] : memref<128x128xf32, #tpu.memory_space<vmem>> -> memref<8x128xf32, #tpu.memory_space<vmem>>
      tpu.wait_dma2 semaphore(%run_scoped3A : memref<!tpu.dma_semaphore, #tpu.memory_space<semaphore_mem>>) src(%dma_wait3A_63 : memref<8x128xf32, #tpu.memory_space<vmem>>) dst(%dma_wait3A_60 : memref<8x128xf32, #tpu.memory_space<hbm>>)
      tpu.yield
    }) : () -> ()
    %dma_wait3A_36 = arith.constant 0 : i32
    %dma_wait3A_37 = arith.constant 0 : i32
    %dma_wait3A_38 = tpu.memref_slice %arg10[%dma_wait3A_36, %dma_wait3A_37] : memref<128x128xf32, #tpu.memory_space<vmem>> -> memref<8x128xf32, #tpu.memory_space<vmem>>
    %dma_wait3A_39 = arith.constant 0 : i32
    %dma_wait3A_40 = tpu.memref_slice %arg8[%dma_wait3A_39] : memref<128xi32, #tpu.memory_space<vmem>> -> memref<8xi32, #tpu.memory_space<vmem>>
    %dma_wait3A_41 = arith.constant 0 : i32
    %dma_wait3A_42 = arith.constant 0 : i32
    %dma_wait3A_43 = tpu.memref_slice %arg2[%dma_wait3A_41, %dma_wait3A_42] : memref<10000x128xf32, #tpu.memory_space<hbm>> -> memref<10000x128xf32, #tpu.memory_space<hbm>>
    tpu.wait_indirect_dma semaphore(%arg12 : memref<!tpu.dma_semaphore, #tpu.memory_space<semaphore_mem>>) src(%dma_wait3A_43 : memref<10000x128xf32, #tpu.memory_space<hbm>>) dst(%dma_wait3A_38 : memref<8x128xf32, #tpu.memory_space<vmem>>)
    "tpu.region"() ({
      %run_scoped3A = tpu.sem_alloc : memref<!tpu.dma_semaphore, #tpu.memory_space<semaphore_mem>>
      %dma_start3A_44 = arith.constant 0 : i32
      %dma_start3A_45 = arith.constant 0 : i32
      %dma_start3A_46 = tpu.memref_slice %arg10[%dma_start3A_44, %dma_start3A_45] : memref<128x128xf32, #tpu.memory_space<vmem>> -> memref<8x128xf32, #tpu.memory_space<vmem>>
      %dma_start3A_47 = arith.constant 0 : i32
      %dma_start3A_48 = tpu.memref_slice %arg6[%add3A_9, %dma_start3A_47] : memref<78080x128xf32, #tpu.memory_space<hbm>> -> memref<8x128xf32, #tpu.memory_space<hbm>>
      %dma_start3A_49 = arith.constant 0 : i32
      %dma_start3A_50 = tpu.memref_slice %arg6[%add3A_9, %dma_start3A_49] : memref<78080x128xf32, #tpu.memory_space<hbm>> -> memref<8x128xf32, #tpu.memory_space<hbm>>
      %dma_start3A_51 = arith.constant 0 : i32
      %dma_start3A_52 = arith.constant 0 : i32
      %dma_start3A_53 = tpu.memref_slice %arg10[%dma_start3A_51, %dma_start3A_52] : memref<128x128xf32, #tpu.memory_space<vmem>> -> memref<8x128xf32, #tpu.memory_space<vmem>>
      tpu.enqueue_dma source(%dma_start3A_53 : memref<8x128xf32, #tpu.memory_space<vmem>>) target(%dma_start3A_50 : memref<8x128xf32, #tpu.memory_space<hbm>>) target_semaphore(%run_scoped3A : memref<!tpu.dma_semaphore, #tpu.memory_space<semaphore_mem>>)
      %dma_wait3A_54 = arith.constant 0 : i32
      %dma_wait3A_55 = arith.constant 0 : i32
      %dma_wait3A_56 = tpu.memref_slice %arg10[%dma_wait3A_54, %dma_wait3A_55] : memref<128x128xf32, #tpu.memory_space<vmem>> -> memref<8x128xf32, #tpu.memory_space<vmem>>
      %dma_wait3A_57 = arith.constant 0 : i32
      %dma_wait3A_58 = tpu.memref_slice %arg6[%add3A_9, %dma_wait3A_57] : memref<78080x128xf32, #tpu.memory_space<hbm>> -> memref<8x128xf32, #tpu.memory_space<hbm>>
      %dma_wait3A_59 = arith.constant 0 : i32
      %dma_wait3A_60 = tpu.memref_slice %arg6[%add3A_9, %dma_wait3A_59] : memref<78080x128xf32, #tpu.memory_space<hbm>> -> memref<8x128xf32, #tpu.memory_space<hbm>>
      %dma_wait3A_61 = arith.constant 0 : i32
      %dma_wait3A_62 = arith.constant 0 : i32
      %dma_wait3A_63 = tpu.memref_slice %arg10[%dma_wait3A_61, %dma_wait3A_62] : memref<128x128xf32, #tpu.memory_space<vmem>> -> memref<8x128xf32, #tpu.memory_space<vmem>>
      tpu.wait_dma2 semaphore(%run_scoped3A : memref<!tpu.dma_semaphore, #tpu.memory_space<semaphore_mem>>) src(%dma_wait3A_63 : memref<8x128xf32, #tpu.memory_space<vmem>>) dst(%dma_wait3A_60 : memref<8x128xf32, #tpu.memory_space<hbm>>)
      tpu.yield
    }) : () -> ()
    return
  }
}

#map = affine_map<(d0, d1) -> (0, 0)>
#map1 = affine_map<(d0, d1) -> (0)>
module attributes {stable_mosaic.version = 14 : i64} {
  func.func @gk(%arg0: i32, %arg1: i32, %arg2: memref<10000x128xf32, #tpu.memory_space<hbm>>, %arg3: memref<160000xi32, #tpu.memory_space<hbm>>, %arg4: memref<160000xi32, #tpu.memory_space<hbm>>, %arg5: memref<81920x128xf32, #tpu.memory_space<hbm>>, %arg6: memref<81920x128xf32, #tpu.memory_space<hbm>>, %arg7: memref<128xi32, #tpu.memory_space<vmem>>, %arg8: memref<128xi32, #tpu.memory_space<vmem>>, %arg9: memref<128x128xf32, #tpu.memory_space<vmem>>, %arg10: memref<128x128xf32, #tpu.memory_space<vmem>>, %arg11: memref<!tpu.dma_semaphore, #tpu.memory_space<semaphore_mem>>, %arg12: memref<!tpu.dma_semaphore, #tpu.memory_space<semaphore_mem>>) attributes {dimension_semantics = [#tpu.dimension_semantics<core_parallel>, #tpu.dimension_semantics<subcore_parallel>], iteration_bounds = array<i64: 2, 16>, scalar_prefetch = 0 : i64, scratch_operands = 6 : i64, tpu.core_type = #tpu.core_type<sc_vector_subcore>, window_params = [{transform_indices = #map}, {transform_indices = #map1}, {transform_indices = #map1}, {transform_indices = #map}, {transform_indices = #map}]} {
    %mul3A = arith.constant 2 : i32
    %mul3A_0 = arith.muli %arg1, %mul3A : i32
    %add3A = arith.addi %mul3A_0, %arg0 : i32
    %scan3A = arith.constant 0 : i32
    %scan3A_1 = arith.constant 0 : i32
    %scan3A_2 = arith.constant 20 : i32
    %scan3A_3 = arith.addi %scan3A_1, %scan3A_2 : i32
    %scan3A_4 = arith.constant 1 : i32
    scf.for %scan3A_6 = %scan3A_1 to %scan3A_3 step %scan3A_4  : i32 {
      %mul3A_7 = arith.constant 4096 : i32
      %mul3A_8 = arith.muli %scan3A_6, %mul3A_7 : i32
      %mul3A_9 = arith.constant 128 : i32
      %mul3A_10 = arith.muli %add3A, %mul3A_9 : i32
      %add3A_11 = arith.addi %mul3A_8, %mul3A_10 : i32
      %add3A_12 = arith.constant 0 : i32
      %add3A_13 = arith.addi %add3A_12, %add3A_11 : i32
      "tpu.region"() ({
        %run_scoped3A = tpu.sem_alloc : memref<!tpu.dma_semaphore, #tpu.memory_space<semaphore_mem>>
        %dma_start3A_26 = tpu.memref_slice %arg3[%add3A_13] : memref<160000xi32, #tpu.memory_space<hbm>> -> memref<128xi32, #tpu.memory_space<hbm>>
        %dma_start3A_27 = tpu.memref_slice %arg3[%add3A_13] : memref<160000xi32, #tpu.memory_space<hbm>> -> memref<128xi32, #tpu.memory_space<hbm>>
        tpu.enqueue_dma source(%dma_start3A_27 : memref<128xi32, #tpu.memory_space<hbm>>) target(%arg7 : memref<128xi32, #tpu.memory_space<vmem>>) target_semaphore(%run_scoped3A : memref<!tpu.dma_semaphore, #tpu.memory_space<semaphore_mem>>)
        %dma_wait3A_28 = tpu.memref_slice %arg3[%add3A_13] : memref<160000xi32, #tpu.memory_space<hbm>> -> memref<128xi32, #tpu.memory_space<hbm>>
        %dma_wait3A_29 = tpu.memref_slice %arg3[%add3A_13] : memref<160000xi32, #tpu.memory_space<hbm>> -> memref<128xi32, #tpu.memory_space<hbm>>
        tpu.wait_dma2 semaphore(%run_scoped3A : memref<!tpu.dma_semaphore, #tpu.memory_space<semaphore_mem>>) src(%dma_wait3A_29 : memref<128xi32, #tpu.memory_space<hbm>>) dst(%arg7 : memref<128xi32, #tpu.memory_space<vmem>>)
        tpu.yield
      }) : () -> ()
      %add3A_14 = arith.constant 0 : i32
      %add3A_15 = arith.addi %add3A_14, %add3A_11 : i32
      "tpu.region"() ({
        %run_scoped3A = tpu.sem_alloc : memref<!tpu.dma_semaphore, #tpu.memory_space<semaphore_mem>>
        %dma_start3A_26 = tpu.memref_slice %arg4[%add3A_15] : memref<160000xi32, #tpu.memory_space<hbm>> -> memref<128xi32, #tpu.memory_space<hbm>>
        %dma_start3A_27 = tpu.memref_slice %arg4[%add3A_15] : memref<160000xi32, #tpu.memory_space<hbm>> -> memref<128xi32, #tpu.memory_space<hbm>>
        tpu.enqueue_dma source(%dma_start3A_27 : memref<128xi32, #tpu.memory_space<hbm>>) target(%arg8 : memref<128xi32, #tpu.memory_space<vmem>>) target_semaphore(%run_scoped3A : memref<!tpu.dma_semaphore, #tpu.memory_space<semaphore_mem>>)
        %dma_wait3A_28 = tpu.memref_slice %arg4[%add3A_15] : memref<160000xi32, #tpu.memory_space<hbm>> -> memref<128xi32, #tpu.memory_space<hbm>>
        %dma_wait3A_29 = tpu.memref_slice %arg4[%add3A_15] : memref<160000xi32, #tpu.memory_space<hbm>> -> memref<128xi32, #tpu.memory_space<hbm>>
        tpu.wait_dma2 semaphore(%run_scoped3A : memref<!tpu.dma_semaphore, #tpu.memory_space<semaphore_mem>>) src(%dma_wait3A_29 : memref<128xi32, #tpu.memory_space<hbm>>) dst(%arg8 : memref<128xi32, #tpu.memory_space<vmem>>)
        tpu.yield
      }) : () -> ()
      %dma_start3A = arith.constant 0 : i32
      %dma_start3A_16 = arith.constant 0 : i32
      %dma_start3A_17 = tpu.memref_slice %arg2[%dma_start3A, %dma_start3A_16] : memref<10000x128xf32, #tpu.memory_space<hbm>> -> memref<10000x128xf32, #tpu.memory_space<hbm>>
      tpu.enqueue_indirect_dma source(%dma_start3A_17 : memref<10000x128xf32, #tpu.memory_space<hbm>>) target(%arg9 : memref<128x128xf32, #tpu.memory_space<vmem>>) offsets(%arg7 : memref<128xi32, #tpu.memory_space<vmem>>) semaphore(%arg11 : memref<!tpu.dma_semaphore, #tpu.memory_space<semaphore_mem>>)
      %dma_start3A_18 = arith.constant 0 : i32
      %dma_start3A_19 = arith.constant 0 : i32
      %dma_start3A_20 = tpu.memref_slice %arg2[%dma_start3A_18, %dma_start3A_19] : memref<10000x128xf32, #tpu.memory_space<hbm>> -> memref<10000x128xf32, #tpu.memory_space<hbm>>
      tpu.enqueue_indirect_dma source(%dma_start3A_20 : memref<10000x128xf32, #tpu.memory_space<hbm>>) target(%arg10 : memref<128x128xf32, #tpu.memory_space<vmem>>) offsets(%arg8 : memref<128xi32, #tpu.memory_space<vmem>>) semaphore(%arg12 : memref<!tpu.dma_semaphore, #tpu.memory_space<semaphore_mem>>)
      %dma_wait3A = arith.constant 0 : i32
      %dma_wait3A_21 = arith.constant 0 : i32
      %dma_wait3A_22 = tpu.memref_slice %arg2[%dma_wait3A, %dma_wait3A_21] : memref<10000x128xf32, #tpu.memory_space<hbm>> -> memref<10000x128xf32, #tpu.memory_space<hbm>>
      tpu.wait_indirect_dma semaphore(%arg11 : memref<!tpu.dma_semaphore, #tpu.memory_space<semaphore_mem>>) src(%dma_wait3A_22 : memref<10000x128xf32, #tpu.memory_space<hbm>>) dst(%arg9 : memref<128x128xf32, #tpu.memory_space<vmem>>)
      "tpu.region"() ({
        %run_scoped3A = tpu.sem_alloc : memref<!tpu.dma_semaphore, #tpu.memory_space<semaphore_mem>>
        %dma_start3A_26 = arith.constant 0 : i32
        %dma_start3A_27 = tpu.memref_slice %arg5[%add3A_11, %dma_start3A_26] : memref<81920x128xf32, #tpu.memory_space<hbm>> -> memref<128x128xf32, #tpu.memory_space<hbm>>
        %dma_start3A_28 = arith.constant 0 : i32
        %dma_start3A_29 = tpu.memref_slice %arg5[%add3A_11, %dma_start3A_28] : memref<81920x128xf32, #tpu.memory_space<hbm>> -> memref<128x128xf32, #tpu.memory_space<hbm>>
        tpu.enqueue_dma source(%arg9 : memref<128x128xf32, #tpu.memory_space<vmem>>) target(%dma_start3A_29 : memref<128x128xf32, #tpu.memory_space<hbm>>) target_semaphore(%run_scoped3A : memref<!tpu.dma_semaphore, #tpu.memory_space<semaphore_mem>>)
        %dma_wait3A_30 = arith.constant 0 : i32
        %dma_wait3A_31 = tpu.memref_slice %arg5[%add3A_11, %dma_wait3A_30] : memref<81920x128xf32, #tpu.memory_space<hbm>> -> memref<128x128xf32, #tpu.memory_space<hbm>>
        %dma_wait3A_32 = arith.constant 0 : i32
        %dma_wait3A_33 = tpu.memref_slice %arg5[%add3A_11, %dma_wait3A_32] : memref<81920x128xf32, #tpu.memory_space<hbm>> -> memref<128x128xf32, #tpu.memory_space<hbm>>
        tpu.wait_dma2 semaphore(%run_scoped3A : memref<!tpu.dma_semaphore, #tpu.memory_space<semaphore_mem>>) src(%arg9 : memref<128x128xf32, #tpu.memory_space<vmem>>) dst(%dma_wait3A_33 : memref<128x128xf32, #tpu.memory_space<hbm>>)
        tpu.yield
      }) : () -> ()
      %dma_wait3A_23 = arith.constant 0 : i32
      %dma_wait3A_24 = arith.constant 0 : i32
      %dma_wait3A_25 = tpu.memref_slice %arg2[%dma_wait3A_23, %dma_wait3A_24] : memref<10000x128xf32, #tpu.memory_space<hbm>> -> memref<10000x128xf32, #tpu.memory_space<hbm>>
      tpu.wait_indirect_dma semaphore(%arg12 : memref<!tpu.dma_semaphore, #tpu.memory_space<semaphore_mem>>) src(%dma_wait3A_25 : memref<10000x128xf32, #tpu.memory_space<hbm>>) dst(%arg10 : memref<128x128xf32, #tpu.memory_space<vmem>>)
      "tpu.region"() ({
        %run_scoped3A = tpu.sem_alloc : memref<!tpu.dma_semaphore, #tpu.memory_space<semaphore_mem>>
        %dma_start3A_26 = arith.constant 0 : i32
        %dma_start3A_27 = tpu.memref_slice %arg6[%add3A_11, %dma_start3A_26] : memref<81920x128xf32, #tpu.memory_space<hbm>> -> memref<128x128xf32, #tpu.memory_space<hbm>>
        %dma_start3A_28 = arith.constant 0 : i32
        %dma_start3A_29 = tpu.memref_slice %arg6[%add3A_11, %dma_start3A_28] : memref<81920x128xf32, #tpu.memory_space<hbm>> -> memref<128x128xf32, #tpu.memory_space<hbm>>
        tpu.enqueue_dma source(%arg10 : memref<128x128xf32, #tpu.memory_space<vmem>>) target(%dma_start3A_29 : memref<128x128xf32, #tpu.memory_space<hbm>>) target_semaphore(%run_scoped3A : memref<!tpu.dma_semaphore, #tpu.memory_space<semaphore_mem>>)
        %dma_wait3A_30 = arith.constant 0 : i32
        %dma_wait3A_31 = tpu.memref_slice %arg6[%add3A_11, %dma_wait3A_30] : memref<81920x128xf32, #tpu.memory_space<hbm>> -> memref<128x128xf32, #tpu.memory_space<hbm>>
        %dma_wait3A_32 = arith.constant 0 : i32
        %dma_wait3A_33 = tpu.memref_slice %arg6[%add3A_11, %dma_wait3A_32] : memref<81920x128xf32, #tpu.memory_space<hbm>> -> memref<128x128xf32, #tpu.memory_space<hbm>>
        tpu.wait_dma2 semaphore(%run_scoped3A : memref<!tpu.dma_semaphore, #tpu.memory_space<semaphore_mem>>) src(%arg10 : memref<128x128xf32, #tpu.memory_space<vmem>>) dst(%dma_wait3A_33 : memref<128x128xf32, #tpu.memory_space<hbm>>)
        tpu.yield
      }) : () -> ()
    }
    %scan3A_5 = arith.constant 20 : i32
    return
  }
}

module attributes {stable_mosaic.version = 14 : i64} {
  func.func @body(%arg0: i32, %arg1: memref<640x128xf32, #tpu.memory_space<vmem>>, %arg2: memref<640x128xf32, #tpu.memory_space<vmem>>, %arg3: memref<640x128xf32, #tpu.memory_space<vmem>>, %arg4: memref<640x28xf32, #tpu.memory_space<vmem>>, %arg5: memref<128x96xbf16, #tpu.memory_space<vmem>>, %arg6: memref<1x96xf32, #tpu.memory_space<vmem>>, %arg7: memref<128x96xbf16, #tpu.memory_space<vmem>>, %arg8: memref<1x96xf32, #tpu.memory_space<vmem>>, %arg9: memref<96x384xbf16, #tpu.memory_space<vmem>>, %arg10: memref<28x512xbf16, #tpu.memory_space<vmem>>, %arg11: memref<96x32xbf16, #tpu.memory_space<vmem>>, %arg12: memref<96x128xbf16, #tpu.memory_space<vmem>>, %arg13: memref<96x128xbf16, #tpu.memory_space<vmem>>, %arg14: memref<96x128xbf16, #tpu.memory_space<vmem>>, %arg15: memref<96x128xbf16, #tpu.memory_space<vmem>>, %arg16: memref<28x128xbf16, #tpu.memory_space<vmem>>, %arg17: memref<32x128xbf16, #tpu.memory_space<vmem>>, %arg18: memref<1x128xf32, #tpu.memory_space<vmem>>, %arg19: memref<128x128xbf16, #tpu.memory_space<vmem>>, %arg20: memref<1x128xf32, #tpu.memory_space<vmem>>, %arg21: memref<128x128xbf16, #tpu.memory_space<vmem>>, %arg22: memref<1x128xf32, #tpu.memory_space<vmem>>, %arg23: memref<128x128xbf16, #tpu.memory_space<vmem>>, %arg24: memref<128x128xbf16, #tpu.memory_space<vmem>>, %arg25: memref<1x128xf32, #tpu.memory_space<vmem>>, %arg26: memref<128x128xbf16, #tpu.memory_space<vmem>>, %arg27: memref<128x128xbf16, #tpu.memory_space<vmem>>, %arg28: memref<128x128xbf16, #tpu.memory_space<vmem>>, %arg29: memref<1x128xf32, #tpu.memory_space<vmem>>, %arg30: memref<128x128xbf16, #tpu.memory_space<vmem>>, %arg31: memref<1x128xf32, #tpu.memory_space<vmem>>, %arg32: memref<128x4xbf16, #tpu.memory_space<vmem>>, %arg33: memref<1x4xf32, #tpu.memory_space<vmem>>, %arg34: memref<128x128xbf16, #tpu.memory_space<vmem>>, %arg35: memref<1x128xf32, #tpu.memory_space<vmem>>, %arg36: memref<640x128xbf16, #tpu.memory_space<vmem>>, %arg37: memref<640x128xbf16, #tpu.memory_space<vmem>>, %arg38: memref<640x4xbf16, #tpu.memory_space<vmem>>, %arg39: memref<1x1xf32, #tpu.memory_space<vmem>>) attributes {dimension_semantics = [#tpu.dimension_semantics<arbitrary>], iteration_bounds = array<i64: 128>, scalar_prefetch = 0 : i64, scratch_operands = 0 : i64, tpu.core_type = #tpu.core_type<tc>, window_params = [{transform_indices = @transform_0, window_bounds = array<i64: 640, 128>}, {transform_indices = @transform_1, window_bounds = array<i64: 640, 128>}, {transform_indices = @transform_2, window_bounds = array<i64: 640, 128>}, {transform_indices = @transform_3, window_bounds = array<i64: 640, 28>}, {pipeline_mode = #tpu.pipeline_mode<synchronous>, transform_indices = @transform_4, window_bounds = array<i64: 128, 96>}, {pipeline_mode = #tpu.pipeline_mode<synchronous>, transform_indices = @transform_5, window_bounds = array<i64: 1, 96>}, {pipeline_mode = #tpu.pipeline_mode<synchronous>, transform_indices = @transform_6, window_bounds = array<i64: 128, 96>}, {pipeline_mode = #tpu.pipeline_mode<synchronous>, transform_indices = @transform_7, window_bounds = array<i64: 1, 96>}, {pipeline_mode = #tpu.pipeline_mode<synchronous>, transform_indices = @transform_8, window_bounds = array<i64: 96, 384>}, {pipeline_mode = #tpu.pipeline_mode<synchronous>, transform_indices = @transform_9, window_bounds = array<i64: 28, 512>}, {pipeline_mode = #tpu.pipeline_mode<synchronous>, transform_indices = @transform_10, window_bounds = array<i64: 96, 32>}, {pipeline_mode = #tpu.pipeline_mode<synchronous>, transform_indices = @transform_11, window_bounds = array<i64: 96, 128>}, {pipeline_mode = #tpu.pipeline_mode<synchronous>, transform_indices = @transform_12, window_bounds = array<i64: 96, 128>}, {pipeline_mode = #tpu.pipeline_mode<synchronous>, transform_indices = @transform_13, window_bounds = array<i64: 96, 128>}, {pipeline_mode = #tpu.pipeline_mode<synchronous>, transform_indices = @transform_14, window_bounds = array<i64: 96, 128>}, {pipeline_mode = #tpu.pipeline_mode<synchronous>, transform_indices = @transform_15, window_bounds = array<i64: 28, 128>}, {pipeline_mode = #tpu.pipeline_mode<synchronous>, transform_indices = @transform_16, window_bounds = array<i64: 32, 128>}, {pipeline_mode = #tpu.pipeline_mode<synchronous>, transform_indices = @transform_17, window_bounds = array<i64: 1, 128>}, {pipeline_mode = #tpu.pipeline_mode<synchronous>, transform_indices = @transform_18, window_bounds = array<i64: 128, 128>}, {pipeline_mode = #tpu.pipeline_mode<synchronous>, transform_indices = @transform_19, window_bounds = array<i64: 1, 128>}, {pipeline_mode = #tpu.pipeline_mode<synchronous>, transform_indices = @transform_20, window_bounds = array<i64: 128, 128>}, {pipeline_mode = #tpu.pipeline_mode<synchronous>, transform_indices = @transform_21, window_bounds = array<i64: 1, 128>}, {pipeline_mode = #tpu.pipeline_mode<synchronous>, transform_indices = @transform_22, window_bounds = array<i64: 128, 128>}, {pipeline_mode = #tpu.pipeline_mode<synchronous>, transform_indices = @transform_23, window_bounds = array<i64: 128, 128>}, {pipeline_mode = #tpu.pipeline_mode<synchronous>, transform_indices = @transform_24, window_bounds = array<i64: 1, 128>}, {pipeline_mode = #tpu.pipeline_mode<synchronous>, transform_indices = @transform_25, window_bounds = array<i64: 128, 128>}, {pipeline_mode = #tpu.pipeline_mode<synchronous>, transform_indices = @transform_26, window_bounds = array<i64: 128, 128>}, {pipeline_mode = #tpu.pipeline_mode<synchronous>, transform_indices = @transform_27, window_bounds = array<i64: 128, 128>}, {pipeline_mode = #tpu.pipeline_mode<synchronous>, transform_indices = @transform_28, window_bounds = array<i64: 1, 128>}, {pipeline_mode = #tpu.pipeline_mode<synchronous>, transform_indices = @transform_29, window_bounds = array<i64: 128, 128>}, {pipeline_mode = #tpu.pipeline_mode<synchronous>, transform_indices = @transform_30, window_bounds = array<i64: 1, 128>}, {pipeline_mode = #tpu.pipeline_mode<synchronous>, transform_indices = @transform_31, window_bounds = array<i64: 128, 4>}, {pipeline_mode = #tpu.pipeline_mode<synchronous>, transform_indices = @transform_32, window_bounds = array<i64: 1, 4>}, {pipeline_mode = #tpu.pipeline_mode<synchronous>, transform_indices = @transform_33, window_bounds = array<i64: 128, 128>}, {pipeline_mode = #tpu.pipeline_mode<synchronous>, transform_indices = @transform_34, window_bounds = array<i64: 1, 128>}, {transform_indices = @transform_35, window_bounds = array<i64: 640, 128>}, {transform_indices = @transform_36, window_bounds = array<i64: 640, 128>}, {transform_indices = @transform_37, window_bounds = array<i64: 640, 4>}, {pipeline_mode = #tpu.pipeline_mode<synchronous>, transform_indices = @transform_38, window_bounds = array<i64: 1, 1>}]} {
    %get3A = arith.constant 0 : index
    %get3A_0 = arith.constant 0 : index
    %get3A_1 = vector.load %arg1[%get3A, %get3A_0] : memref<640x128xf32, #tpu.memory_space<vmem>>, vector<640x128xf32>
    %get3A_2 = arith.constant 0 : index
    %get3A_3 = arith.constant 0 : index
    %get3A_4 = vector.load %arg2[%get3A_2, %get3A_3] : memref<640x128xf32, #tpu.memory_space<vmem>>, vector<640x128xf32>
    %get3A_5 = arith.constant 0 : index
    %get3A_6 = arith.constant 0 : index
    %get3A_7 = vector.load %arg3[%get3A_5, %get3A_6] : memref<640x128xf32, #tpu.memory_space<vmem>>, vector<640x128xf32>
    %get3A_8 = arith.constant 0 : index
    %get3A_9 = arith.constant 0 : index
    %get3A_10 = vector.load %arg5[%get3A_8, %get3A_9] : memref<128x96xbf16, #tpu.memory_space<vmem>>, vector<128x96xbf16>
    %convert_element_type3A = arith.truncf %get3A_4 : vector<640x128xf32> to vector<640x128xbf16>
    %dot_general3A = arith.constant dense<0.000000e+00> : vector<640x96xf32>
    %dot_general3A_11 = tpu.matmul %convert_element_type3A, %get3A_10, %dot_general3A {dimension_numbers = #tpu.dot_dimension_numbers<[1], [0], [0], [1], [0, 0, 1, 1], [], []>, transpose_lhs_hint = false} : vector<640x128xbf16>, vector<128x96xbf16>, vector<640x96xf32> -> vector<640x96xf32>
    %get3A_12 = arith.constant 0 : index
    %get3A_13 = arith.constant 0 : index
    %get3A_14 = vector.load %arg6[%get3A_12, %get3A_13] : memref<1x96xf32, #tpu.memory_space<vmem>>, vector<1x96xf32>
    %add3A = vector.broadcast %get3A_14 : vector<1x96xf32> to vector<640x96xf32>
    %add3A_15 = arith.addf %dot_general3A_11, %add3A : vector<640x96xf32>
    %get3A_16 = arith.constant 0 : index
    %get3A_17 = arith.constant 0 : index
    %get3A_18 = vector.load %arg5[%get3A_16, %get3A_17] : memref<128x96xbf16, #tpu.memory_space<vmem>>, vector<128x96xbf16>
    %convert_element_type3A_19 = arith.truncf %get3A_7 : vector<640x128xf32> to vector<640x128xbf16>
    %dot_general3A_20 = arith.constant dense<0.000000e+00> : vector<640x96xf32>
    %dot_general3A_21 = tpu.matmul %convert_element_type3A_19, %get3A_18, %dot_general3A_20 {dimension_numbers = #tpu.dot_dimension_numbers<[1], [0], [0], [1], [0, 0, 1, 1], [], []>, transpose_lhs_hint = false} : vector<640x128xbf16>, vector<128x96xbf16>, vector<640x96xf32> -> vector<640x96xf32>
    %get3A_22 = arith.constant 0 : index
    %get3A_23 = arith.constant 0 : index
    %get3A_24 = vector.load %arg6[%get3A_22, %get3A_23] : memref<1x96xf32, #tpu.memory_space<vmem>>, vector<1x96xf32>
    %add3A_25 = vector.broadcast %get3A_24 : vector<1x96xf32> to vector<640x96xf32>
    %add3A_26 = arith.addf %dot_general3A_21, %add3A_25 : vector<640x96xf32>
    %get3A_27 = arith.constant 0 : index
    %get3A_28 = arith.constant 0 : index
    %get3A_29 = vector.load %arg4[%get3A_27, %get3A_28] : memref<640x28xf32, #tpu.memory_space<vmem>>, vector<640x28xf32>
    %get3A_30 = arith.constant 0 : index
    %get3A_31 = arith.constant 0 : index
    %get3A_32 = vector.load %arg7[%get3A_30, %get3A_31] : memref<128x96xbf16, #tpu.memory_space<vmem>>, vector<128x96xbf16>
    %convert_element_type3A_33 = arith.truncf %get3A_1 : vector<640x128xf32> to vector<640x128xbf16>
    %dot_general3A_34 = arith.constant dense<0.000000e+00> : vector<640x96xf32>
    %dot_general3A_35 = tpu.matmul %convert_element_type3A_33, %get3A_32, %dot_general3A_34 {dimension_numbers = #tpu.dot_dimension_numbers<[1], [0], [0], [1], [0, 0, 1, 1], [], []>, transpose_lhs_hint = false} : vector<640x128xbf16>, vector<128x96xbf16>, vector<640x96xf32> -> vector<640x96xf32>
    %get3A_36 = arith.constant 0 : index
    %get3A_37 = arith.constant 0 : index
    %get3A_38 = vector.load %arg8[%get3A_36, %get3A_37] : memref<1x96xf32, #tpu.memory_space<vmem>>, vector<1x96xf32>
    %add3A_39 = vector.broadcast %get3A_38 : vector<1x96xf32> to vector<640x96xf32>
    %add3A_40 = arith.addf %dot_general3A_35, %add3A_39 : vector<640x96xf32>
    %get3A_41 = arith.constant 0 : index
    %get3A_42 = arith.constant 0 : index
    %get3A_43 = vector.load %arg9[%get3A_41, %get3A_42] : memref<96x384xbf16, #tpu.memory_space<vmem>>, vector<96x384xbf16>
    %convert_element_type3A_44 = arith.truncf %add3A_40 : vector<640x96xf32> to vector<640x96xbf16>
    %dot_general3A_45 = arith.constant dense<0.000000e+00> : vector<640x384xf32>
    %dot_general3A_46 = tpu.matmul %convert_element_type3A_44, %get3A_43, %dot_general3A_45 {dimension_numbers = #tpu.dot_dimension_numbers<[1], [0], [0], [1], [0, 0, 1, 1], [], []>, transpose_lhs_hint = false} : vector<640x96xbf16>, vector<96x384xbf16>, vector<640x384xf32> -> vector<640x384xf32>
    %get3A_47 = arith.constant 0 : index
    %get3A_48 = arith.constant 0 : index
    %get3A_49 = vector.load %arg9[%get3A_47, %get3A_48] : memref<96x384xbf16, #tpu.memory_space<vmem>>, vector<96x384xbf16>
    %convert_element_type3A_50 = arith.truncf %add3A_15 : vector<640x96xf32> to vector<640x96xbf16>
    %dot_general3A_51 = arith.constant dense<0.000000e+00> : vector<640x384xf32>
    %dot_general3A_52 = tpu.matmul %convert_element_type3A_50, %get3A_49, %dot_general3A_51 {dimension_numbers = #tpu.dot_dimension_numbers<[1], [0], [0], [1], [0, 0, 1, 1], [], []>, transpose_lhs_hint = false} : vector<640x96xbf16>, vector<96x384xbf16>, vector<640x384xf32> -> vector<640x384xf32>
    %get3A_53 = arith.constant 0 : index
    %get3A_54 = arith.constant 0 : index
    %get3A_55 = vector.load %arg10[%get3A_53, %get3A_54] : memref<28x512xbf16, #tpu.memory_space<vmem>>, vector<28x512xbf16>
    %convert_element_type3A_56 = arith.truncf %get3A_29 : vector<640x28xf32> to vector<640x28xbf16>
    %dot_general3A_57 = arith.constant dense<0.000000e+00> : vector<640x512xf32>
    %dot_general3A_58 = tpu.matmul %convert_element_type3A_56, %get3A_55, %dot_general3A_57 {dimension_numbers = #tpu.dot_dimension_numbers<[1], [0], [0], [1], [0, 0, 1, 1], [], []>, transpose_lhs_hint = false} : vector<640x28xbf16>, vector<28x512xbf16>, vector<640x512xf32> -> vector<640x512xf32>
    %slice3A = vector.extract_strided_slice %dot_general3A_58 {offsets = [0, 384], sizes = [640, 96], strides = [1, 1]} : vector<640x512xf32> to vector<640x96xf32>
    %slice3A_59 = vector.extract_strided_slice %dot_general3A_58 {offsets = [0, 0], sizes = [640, 96], strides = [1, 1]} : vector<640x512xf32> to vector<640x96xf32>
    %slice3A_60 = vector.extract_strided_slice %dot_general3A_46 {offsets = [0, 0], sizes = [640, 96], strides = [1, 1]} : vector<640x384xf32> to vector<640x96xf32>
    %mul3A = arith.mulf %slice3A_59, %slice3A_60 : vector<640x96xf32>
    %slice3A_61 = vector.extract_strided_slice %dot_general3A_58 {offsets = [0, 128], sizes = [640, 96], strides = [1, 1]} : vector<640x512xf32> to vector<640x96xf32>
    %slice3A_62 = vector.extract_strided_slice %dot_general3A_46 {offsets = [0, 128], sizes = [640, 96], strides = [1, 1]} : vector<640x384xf32> to vector<640x96xf32>
    %mul3A_63 = arith.mulf %slice3A_61, %slice3A_62 : vector<640x96xf32>
    %add3A_64 = arith.addf %mul3A, %mul3A_63 : vector<640x96xf32>
    %slice3A_65 = vector.extract_strided_slice %dot_general3A_58 {offsets = [0, 256], sizes = [640, 96], strides = [1, 1]} : vector<640x512xf32> to vector<640x96xf32>
    %slice3A_66 = vector.extract_strided_slice %dot_general3A_46 {offsets = [0, 256], sizes = [640, 96], strides = [1, 1]} : vector<640x384xf32> to vector<640x96xf32>
    %mul3A_67 = arith.mulf %slice3A_65, %slice3A_66 : vector<640x96xf32>
    %add3A_68 = arith.addf %add3A_64, %mul3A_67 : vector<640x96xf32>
    %add3A_69 = arith.addf %add3A_68, %slice3A : vector<640x96xf32>
    %slice3A_70 = vector.extract_strided_slice %dot_general3A_58 {offsets = [0, 0], sizes = [640, 96], strides = [1, 1]} : vector<640x512xf32> to vector<640x96xf32>
    %slice3A_71 = vector.extract_strided_slice %dot_general3A_52 {offsets = [0, 0], sizes = [640, 96], strides = [1, 1]} : vector<640x384xf32> to vector<640x96xf32>
    %mul3A_72 = arith.mulf %slice3A_70, %slice3A_71 : vector<640x96xf32>
    %slice3A_73 = vector.extract_strided_slice %dot_general3A_58 {offsets = [0, 128], sizes = [640, 96], strides = [1, 1]} : vector<640x512xf32> to vector<640x96xf32>
    %slice3A_74 = vector.extract_strided_slice %dot_general3A_52 {offsets = [0, 128], sizes = [640, 96], strides = [1, 1]} : vector<640x384xf32> to vector<640x96xf32>
    %mul3A_75 = arith.mulf %slice3A_73, %slice3A_74 : vector<640x96xf32>
    %add3A_76 = arith.addf %mul3A_72, %mul3A_75 : vector<640x96xf32>
    %slice3A_77 = vector.extract_strided_slice %dot_general3A_58 {offsets = [0, 256], sizes = [640, 96], strides = [1, 1]} : vector<640x512xf32> to vector<640x96xf32>
    %slice3A_78 = vector.extract_strided_slice %dot_general3A_52 {offsets = [0, 256], sizes = [640, 96], strides = [1, 1]} : vector<640x384xf32> to vector<640x96xf32>
    %mul3A_79 = arith.mulf %slice3A_77, %slice3A_78 : vector<640x96xf32>
    %add3A_80 = arith.addf %add3A_76, %mul3A_79 : vector<640x96xf32>
    %add3A_81 = arith.addf %add3A_80, %slice3A : vector<640x96xf32>
    %mul3A_82 = arith.mulf %add3A_26, %add3A_80 : vector<640x96xf32>
    %get3A_83 = arith.constant 0 : index
    %get3A_84 = arith.constant 0 : index
    %get3A_85 = vector.load %arg11[%get3A_83, %get3A_84] : memref<96x32xbf16, #tpu.memory_space<vmem>>, vector<96x32xbf16>
    %convert_element_type3A_86 = arith.truncf %mul3A_82 : vector<640x96xf32> to vector<640x96xbf16>
    %dot_general3A_87 = arith.constant dense<0.000000e+00> : vector<640x32xf32>
    %dot_general3A_88 = tpu.matmul %convert_element_type3A_86, %get3A_85, %dot_general3A_87 {dimension_numbers = #tpu.dot_dimension_numbers<[1], [0], [0], [1], [0, 0, 1, 1], [], []>, transpose_lhs_hint = false} : vector<640x96xbf16>, vector<96x32xbf16>, vector<640x32xf32> -> vector<640x32xf32>
    %get3A_89 = arith.constant 0 : index
    %get3A_90 = arith.constant 0 : index
    %get3A_91 = vector.load %arg12[%get3A_89, %get3A_90] : memref<96x128xbf16, #tpu.memory_space<vmem>>, vector<96x128xbf16>
    %convert_element_type3A_92 = arith.truncf %add3A_40 : vector<640x96xf32> to vector<640x96xbf16>
    %dot_general3A_93 = arith.constant dense<0.000000e+00> : vector<640x128xf32>
    %dot_general3A_94 = tpu.matmul %convert_element_type3A_92, %get3A_91, %dot_general3A_93 {dimension_numbers = #tpu.dot_dimension_numbers<[1], [0], [0], [1], [0, 0, 1, 1], [], []>, transpose_lhs_hint = false} : vector<640x96xbf16>, vector<96x128xbf16>, vector<640x128xf32> -> vector<640x128xf32>
    %get3A_95 = arith.constant 0 : index
    %get3A_96 = arith.constant 0 : index
    %get3A_97 = vector.load %arg13[%get3A_95, %get3A_96] : memref<96x128xbf16, #tpu.memory_space<vmem>>, vector<96x128xbf16>
    %convert_element_type3A_98 = arith.truncf %add3A_15 : vector<640x96xf32> to vector<640x96xbf16>
    %dot_general3A_99 = arith.constant dense<0.000000e+00> : vector<640x128xf32>
    %dot_general3A_100 = tpu.matmul %convert_element_type3A_98, %get3A_97, %dot_general3A_99 {dimension_numbers = #tpu.dot_dimension_numbers<[1], [0], [0], [1], [0, 0, 1, 1], [], []>, transpose_lhs_hint = false} : vector<640x96xbf16>, vector<96x128xbf16>, vector<640x128xf32> -> vector<640x128xf32>
    %add3A_101 = arith.addf %dot_general3A_94, %dot_general3A_100 : vector<640x128xf32>
    %get3A_102 = arith.constant 0 : index
    %get3A_103 = arith.constant 0 : index
    %get3A_104 = vector.load %arg14[%get3A_102, %get3A_103] : memref<96x128xbf16, #tpu.memory_space<vmem>>, vector<96x128xbf16>
    %convert_element_type3A_105 = arith.truncf %add3A_69 : vector<640x96xf32> to vector<640x96xbf16>
    %dot_general3A_106 = arith.constant dense<0.000000e+00> : vector<640x128xf32>
    %dot_general3A_107 = tpu.matmul %convert_element_type3A_105, %get3A_104, %dot_general3A_106 {dimension_numbers = #tpu.dot_dimension_numbers<[1], [0], [0], [1], [0, 0, 1, 1], [], []>, transpose_lhs_hint = false} : vector<640x96xbf16>, vector<96x128xbf16>, vector<640x128xf32> -> vector<640x128xf32>
    %add3A_108 = arith.addf %add3A_101, %dot_general3A_107 : vector<640x128xf32>
    %get3A_109 = arith.constant 0 : index
    %get3A_110 = arith.constant 0 : index
    %get3A_111 = vector.load %arg15[%get3A_109, %get3A_110] : memref<96x128xbf16, #tpu.memory_space<vmem>>, vector<96x128xbf16>
    %convert_element_type3A_112 = arith.truncf %add3A_81 : vector<640x96xf32> to vector<640x96xbf16>
    %dot_general3A_113 = arith.constant dense<0.000000e+00> : vector<640x128xf32>
    %dot_general3A_114 = tpu.matmul %convert_element_type3A_112, %get3A_111, %dot_general3A_113 {dimension_numbers = #tpu.dot_dimension_numbers<[1], [0], [0], [1], [0, 0, 1, 1], [], []>, transpose_lhs_hint = false} : vector<640x96xbf16>, vector<96x128xbf16>, vector<640x128xf32> -> vector<640x128xf32>
    %add3A_115 = arith.addf %add3A_108, %dot_general3A_114 : vector<640x128xf32>
    %get3A_116 = arith.constant 0 : index
    %get3A_117 = arith.constant 0 : index
    %get3A_118 = vector.load %arg16[%get3A_116, %get3A_117] : memref<28x128xbf16, #tpu.memory_space<vmem>>, vector<28x128xbf16>
    %convert_element_type3A_119 = arith.truncf %get3A_29 : vector<640x28xf32> to vector<640x28xbf16>
    %dot_general3A_120 = arith.constant dense<0.000000e+00> : vector<640x128xf32>
    %dot_general3A_121 = tpu.matmul %convert_element_type3A_119, %get3A_118, %dot_general3A_120 {dimension_numbers = #tpu.dot_dimension_numbers<[1], [0], [0], [1], [0, 0, 1, 1], [], []>, transpose_lhs_hint = false} : vector<640x28xbf16>, vector<28x128xbf16>, vector<640x128xf32> -> vector<640x128xf32>
    %add3A_122 = arith.addf %add3A_115, %dot_general3A_121 : vector<640x128xf32>
    %get3A_123 = arith.constant 0 : index
    %get3A_124 = arith.constant 0 : index
    %get3A_125 = vector.load %arg17[%get3A_123, %get3A_124] : memref<32x128xbf16, #tpu.memory_space<vmem>>, vector<32x128xbf16>
    %convert_element_type3A_126 = arith.truncf %dot_general3A_88 : vector<640x32xf32> to vector<640x32xbf16>
    %dot_general3A_127 = arith.constant dense<0.000000e+00> : vector<640x128xf32>
    %dot_general3A_128 = tpu.matmul %convert_element_type3A_126, %get3A_125, %dot_general3A_127 {dimension_numbers = #tpu.dot_dimension_numbers<[1], [0], [0], [1], [0, 0, 1, 1], [], []>, transpose_lhs_hint = false} : vector<640x32xbf16>, vector<32x128xbf16>, vector<640x128xf32> -> vector<640x128xf32>
    %add3A_129 = arith.addf %add3A_122, %dot_general3A_128 : vector<640x128xf32>
    %get3A_130 = arith.constant 0 : index
    %get3A_131 = arith.constant 0 : index
    %get3A_132 = vector.load %arg18[%get3A_130, %get3A_131] : memref<1x128xf32, #tpu.memory_space<vmem>>, vector<1x128xf32>
    %add3A_133 = vector.broadcast %get3A_132 : vector<1x128xf32> to vector<640x128xf32>
    %add3A_134 = arith.addf %add3A_129, %add3A_133 : vector<640x128xf32>
    %max3A = arith.constant 0.000000e+00 : f32
    %max3A_135 = vector.broadcast %max3A : f32 to vector<640x128xf32>
    %max3A_136 = arith.maximumf %add3A_134, %max3A_135 : vector<640x128xf32>
    %get3A_137 = arith.constant 0 : index
    %get3A_138 = arith.constant 0 : index
    %get3A_139 = vector.load %arg19[%get3A_137, %get3A_138] : memref<128x128xbf16, #tpu.memory_space<vmem>>, vector<128x128xbf16>
    %convert_element_type3A_140 = arith.truncf %max3A_136 : vector<640x128xf32> to vector<640x128xbf16>
    %dot_general3A_141 = arith.constant dense<0.000000e+00> : vector<640x128xf32>
    %dot_general3A_142 = tpu.matmul %convert_element_type3A_140, %get3A_139, %dot_general3A_141 {dimension_numbers = #tpu.dot_dimension_numbers<[1], [0], [0], [1], [0, 0, 1, 1], [], []>, transpose_lhs_hint = false} : vector<640x128xbf16>, vector<128x128xbf16>, vector<640x128xf32> -> vector<640x128xf32>
    %get3A_143 = arith.constant 0 : index
    %get3A_144 = arith.constant 0 : index
    %get3A_145 = vector.load %arg20[%get3A_143, %get3A_144] : memref<1x128xf32, #tpu.memory_space<vmem>>, vector<1x128xf32>
    %add3A_146 = vector.broadcast %get3A_145 : vector<1x128xf32> to vector<640x128xf32>
    %add3A_147 = arith.addf %dot_general3A_142, %add3A_146 : vector<640x128xf32>
    %max3A_148 = arith.constant 0.000000e+00 : f32
    %max3A_149 = vector.broadcast %max3A_148 : f32 to vector<640x128xf32>
    %max3A_150 = arith.maximumf %add3A_147, %max3A_149 : vector<640x128xf32>
    %get3A_151 = arith.constant 0 : index
    %get3A_152 = arith.constant 0 : index
    %get3A_153 = vector.load %arg21[%get3A_151, %get3A_152] : memref<128x128xbf16, #tpu.memory_space<vmem>>, vector<128x128xbf16>
    %convert_element_type3A_154 = arith.truncf %max3A_150 : vector<640x128xf32> to vector<640x128xbf16>
    %dot_general3A_155 = arith.constant dense<0.000000e+00> : vector<640x128xf32>
    %dot_general3A_156 = tpu.matmul %convert_element_type3A_154, %get3A_153, %dot_general3A_155 {dimension_numbers = #tpu.dot_dimension_numbers<[1], [0], [0], [1], [0, 0, 1, 1], [], []>, transpose_lhs_hint = false} : vector<640x128xbf16>, vector<128x128xbf16>, vector<640x128xf32> -> vector<640x128xf32>
    %get3A_157 = arith.constant 0 : index
    %get3A_158 = arith.constant 0 : index
    %get3A_159 = vector.load %arg22[%get3A_157, %get3A_158] : memref<1x128xf32, #tpu.memory_space<vmem>>, vector<1x128xf32>
    %add3A_160 = vector.broadcast %get3A_159 : vector<1x128xf32> to vector<640x128xf32>
    %add3A_161 = arith.addf %dot_general3A_156, %add3A_160 : vector<640x128xf32>
    %get3A_162 = arith.constant 0 : index
    %get3A_163 = arith.constant 0 : index
    %get3A_164 = vector.load %arg23[%get3A_162, %get3A_163] : memref<128x128xbf16, #tpu.memory_space<vmem>>, vector<128x128xbf16>
    %convert_element_type3A_165 = arith.truncf %get3A_1 : vector<640x128xf32> to vector<640x128xbf16>
    %dot_general3A_166 = arith.constant dense<0.000000e+00> : vector<640x128xf32>
    %dot_general3A_167 = tpu.matmul %convert_element_type3A_165, %get3A_164, %dot_general3A_166 {dimension_numbers = #tpu.dot_dimension_numbers<[1], [0], [0], [1], [0, 0, 1, 1], [], []>, transpose_lhs_hint = false} : vector<640x128xbf16>, vector<128x128xbf16>, vector<640x128xf32> -> vector<640x128xf32>
    %get3A_168 = arith.constant 0 : index
    %get3A_169 = arith.constant 0 : index
    %get3A_170 = vector.load %arg24[%get3A_168, %get3A_169] : memref<128x128xbf16, #tpu.memory_space<vmem>>, vector<128x128xbf16>
    %convert_element_type3A_171 = arith.truncf %add3A_161 : vector<640x128xf32> to vector<640x128xbf16>
    %dot_general3A_172 = arith.constant dense<0.000000e+00> : vector<640x128xf32>
    %dot_general3A_173 = tpu.matmul %convert_element_type3A_171, %get3A_170, %dot_general3A_172 {dimension_numbers = #tpu.dot_dimension_numbers<[1], [0], [0], [1], [0, 0, 1, 1], [], []>, transpose_lhs_hint = false} : vector<640x128xbf16>, vector<128x128xbf16>, vector<640x128xf32> -> vector<640x128xf32>
    %add3A_174 = arith.addf %dot_general3A_167, %dot_general3A_173 : vector<640x128xf32>
    %get3A_175 = arith.constant 0 : index
    %get3A_176 = arith.constant 0 : index
    %get3A_177 = vector.load %arg25[%get3A_175, %get3A_176] : memref<1x128xf32, #tpu.memory_space<vmem>>, vector<1x128xf32>
    %add3A_178 = vector.broadcast %get3A_177 : vector<1x128xf32> to vector<640x128xf32>
    %add3A_179 = arith.addf %add3A_174, %add3A_178 : vector<640x128xf32>
    %convert_element_type3A_180 = arith.truncf %add3A_179 : vector<640x128xf32> to vector<640x128xbf16>
    %swap3A = arith.constant 0 : index
    %swap3A_181 = arith.constant 0 : index
    %swap3A_182 = vector.load %arg36[%swap3A, %swap3A_181] : memref<640x128xbf16, #tpu.memory_space<vmem>>, vector<640x128xbf16>
    tpu.vector_store %arg36[%swap3A, %swap3A_181], %convert_element_type3A_180 {strides = array<i32>} : memref<640x128xbf16, #tpu.memory_space<vmem>>, vector<640x128xbf16>,
    %get3A_183 = arith.constant 0 : index
    %get3A_184 = arith.constant 0 : index
    %get3A_185 = vector.load %arg26[%get3A_183, %get3A_184] : memref<128x128xbf16, #tpu.memory_space<vmem>>, vector<128x128xbf16>
    %convert_element_type3A_186 = arith.truncf %get3A_4 : vector<640x128xf32> to vector<640x128xbf16>
    %dot_general3A_187 = arith.constant dense<0.000000e+00> : vector<640x128xf32>
    %dot_general3A_188 = tpu.matmul %convert_element_type3A_186, %get3A_185, %dot_general3A_187 {dimension_numbers = #tpu.dot_dimension_numbers<[1], [0], [0], [1], [0, 0, 1, 1], [], []>, transpose_lhs_hint = false} : vector<640x128xbf16>, vector<128x128xbf16>, vector<640x128xf32> -> vector<640x128xf32>
    %get3A_189 = arith.constant 0 : index
    %get3A_190 = arith.constant 0 : index
    %get3A_191 = vector.load %arg27[%get3A_189, %get3A_190] : memref<128x128xbf16, #tpu.memory_space<vmem>>, vector<128x128xbf16>
    %convert_element_type3A_192 = arith.truncf %add3A_179 : vector<640x128xf32> to vector<640x128xbf16>
    %dot_general3A_193 = arith.constant dense<0.000000e+00> : vector<640x128xf32>
    %dot_general3A_194 = tpu.matmul %convert_element_type3A_192, %get3A_191, %dot_general3A_193 {dimension_numbers = #tpu.dot_dimension_numbers<[1], [0], [0], [1], [0, 0, 1, 1], [], []>, transpose_lhs_hint = false} : vector<640x128xbf16>, vector<128x128xbf16>, vector<640x128xf32> -> vector<640x128xf32>
    %add3A_195 = arith.addf %dot_general3A_188, %dot_general3A_194 : vector<640x128xf32>
    %get3A_196 = arith.constant 0 : index
    %get3A_197 = arith.constant 0 : index
    %get3A_198 = vector.load %arg28[%get3A_196, %get3A_197] : memref<128x128xbf16, #tpu.memory_space<vmem>>, vector<128x128xbf16>
    %convert_element_type3A_199 = arith.truncf %get3A_7 : vector<640x128xf32> to vector<640x128xbf16>
    %dot_general3A_200 = arith.constant dense<0.000000e+00> : vector<640x128xf32>
    %dot_general3A_201 = tpu.matmul %convert_element_type3A_199, %get3A_198, %dot_general3A_200 {dimension_numbers = #tpu.dot_dimension_numbers<[1], [0], [0], [1], [0, 0, 1, 1], [], []>, transpose_lhs_hint = false} : vector<640x128xbf16>, vector<128x128xbf16>, vector<640x128xf32> -> vector<640x128xf32>
    %add3A_202 = arith.addf %add3A_195, %dot_general3A_201 : vector<640x128xf32>
    %get3A_203 = arith.constant 0 : index
    %get3A_204 = arith.constant 0 : index
    %get3A_205 = vector.load %arg29[%get3A_203, %get3A_204] : memref<1x128xf32, #tpu.memory_space<vmem>>, vector<1x128xf32>
    %add3A_206 = vector.broadcast %get3A_205 : vector<1x128xf32> to vector<640x128xf32>
    %add3A_207 = arith.addf %add3A_202, %add3A_206 : vector<640x128xf32>
    %max3A_208 = arith.constant 0.000000e+00 : f32
    %max3A_209 = vector.broadcast %max3A_208 : f32 to vector<640x128xf32>
    %max3A_210 = arith.maximumf %add3A_207, %max3A_209 : vector<640x128xf32>
    %get3A_211 = arith.constant 0 : index
    %get3A_212 = arith.constant 0 : index
    %get3A_213 = vector.load %arg30[%get3A_211, %get3A_212] : memref<128x128xbf16, #tpu.memory_space<vmem>>, vector<128x128xbf16>
    %convert_element_type3A_214 = arith.truncf %max3A_210 : vector<640x128xf32> to vector<640x128xbf16>
    %dot_general3A_215 = arith.constant dense<0.000000e+00> : vector<640x128xf32>
    %dot_general3A_216 = tpu.matmul %convert_element_type3A_214, %get3A_213, %dot_general3A_215 {dimension_numbers = #tpu.dot_dimension_numbers<[1], [0], [0], [1], [0, 0, 1, 1], [], []>, transpose_lhs_hint = false} : vector<640x128xbf16>, vector<128x128xbf16>, vector<640x128xf32> -> vector<640x128xf32>
    %get3A_217 = arith.constant 0 : index
    %get3A_218 = arith.constant 0 : index
    %get3A_219 = vector.load %arg31[%get3A_217, %get3A_218] : memref<1x128xf32, #tpu.memory_space<vmem>>, vector<1x128xf32>
    %add3A_220 = vector.broadcast %get3A_219 : vector<1x128xf32> to vector<640x128xf32>
    %add3A_221 = arith.addf %dot_general3A_216, %add3A_220 : vector<640x128xf32>
    %max3A_222 = arith.constant 0.000000e+00 : f32
    %max3A_223 = vector.broadcast %max3A_222 : f32 to vector<640x128xf32>
    %max3A_224 = arith.maximumf %add3A_221, %max3A_223 : vector<640x128xf32>
    %get3A_225 = arith.constant 0 : index
    %get3A_226 = arith.constant 0 : index
    %get3A_227 = vector.load %arg32[%get3A_225, %get3A_226] : memref<128x4xbf16, #tpu.memory_space<vmem>>, vector<128x4xbf16>
    %convert_element_type3A_228 = arith.truncf %max3A_224 : vector<640x128xf32> to vector<640x128xbf16>
    %dot_general3A_229 = arith.constant dense<0.000000e+00> : vector<640x4xf32>
    %dot_general3A_230 = tpu.matmul %convert_element_type3A_228, %get3A_227, %dot_general3A_229 {dimension_numbers = #tpu.dot_dimension_numbers<[1], [0], [0], [1], [0, 0, 1, 1], [], []>, transpose_lhs_hint = false} : vector<640x128xbf16>, vector<128x4xbf16>, vector<640x4xf32> -> vector<640x4xf32>
    %get3A_231 = arith.constant 0 : index
    %get3A_232 = arith.constant 0 : index
    %get3A_233 = vector.load %arg33[%get3A_231, %get3A_232] : memref<1x4xf32, #tpu.memory_space<vmem>>, vector<1x4xf32>
    %add3A_234 = vector.broadcast %get3A_233 : vector<1x4xf32> to vector<640x4xf32>
    %add3A_235 = arith.addf %dot_general3A_230, %add3A_234 : vector<640x4xf32>
    %mul3A_236 = arith.constant 0.176776692 : f32
    %mul3A_237 = vector.broadcast %mul3A_236 : f32 to vector<640x4xf32>
    %mul3A_238 = arith.mulf %add3A_235, %mul3A_237 : vector<640x4xf32>
    %convert_element_type3A_239 = arith.truncf %mul3A_238 : vector<640x4xf32> to vector<640x4xbf16>
    %swap3A_240 = arith.constant 0 : index
    %swap3A_241 = arith.constant 0 : index
    %swap3A_242 = vector.load %arg38[%swap3A_240, %swap3A_241] : memref<640x4xbf16, #tpu.memory_space<vmem>>, vector<640x4xbf16>
    tpu.vector_store %arg38[%swap3A_240, %swap3A_241], %convert_element_type3A_239 {strides = array<i32>} : memref<640x4xbf16, #tpu.memory_space<vmem>>, vector<640x4xbf16>,
    %get3A_243 = arith.constant 0 : index
    %get3A_244 = arith.constant 0 : index
    %get3A_245 = vector.load %arg34[%get3A_243, %get3A_244] : memref<128x128xbf16, #tpu.memory_space<vmem>>, vector<128x128xbf16>
    %convert_element_type3A_246 = arith.truncf %add3A_179 : vector<640x128xf32> to vector<640x128xbf16>
    %dot_general3A_247 = arith.constant dense<0.000000e+00> : vector<640x128xf32>
    %dot_general3A_248 = tpu.matmul %convert_element_type3A_246, %get3A_245, %dot_general3A_247 {dimension_numbers = #tpu.dot_dimension_numbers<[1], [0], [0], [1], [0, 0, 1, 1], [], []>, transpose_lhs_hint = false} : vector<640x128xbf16>, vector<128x128xbf16>, vector<640x128xf32> -> vector<640x128xf32>
    %get3A_249 = arith.constant 0 : index
    %get3A_250 = arith.constant 0 : index
    %get3A_251 = vector.load %arg35[%get3A_249, %get3A_250] : memref<1x128xf32, #tpu.memory_space<vmem>>, vector<1x128xf32>
    %add3A_252 = vector.broadcast %get3A_251 : vector<1x128xf32> to vector<640x128xf32>
    %add3A_253 = arith.addf %dot_general3A_248, %add3A_252 : vector<640x128xf32>
    %mul3A_254 = arith.constant 5.000000e-01 : f32
    %mul3A_255 = vector.broadcast %mul3A_254 : f32 to vector<640x128xf32>
    %mul3A_256 = arith.mulf %add3A_253, %mul3A_255 : vector<640x128xf32>
    %mul3A_257 = arith.constant 0.707106769 : f32
    %mul3A_258 = vector.broadcast %mul3A_257 : f32 to vector<640x128xf32>
    %mul3A_259 = arith.mulf %add3A_253, %mul3A_258 : vector<640x128xf32>
    %erf3A = math.erf %mul3A_259 : vector<640x128xf32>
    %add3A_260 = arith.constant 1.000000e+00 : f32
    %add3A_261 = vector.broadcast %add3A_260 : f32 to vector<640x128xf32>
    %add3A_262 = arith.addf %add3A_261, %erf3A : vector<640x128xf32>
    %mul3A_263 = arith.mulf %mul3A_256, %add3A_262 : vector<640x128xf32>
    %convert_element_type3A_264 = arith.truncf %mul3A_263 : vector<640x128xf32> to vector<640x128xbf16>
    %swap3A_265 = arith.constant 0 : index
    %swap3A_266 = arith.constant 0 : index
    %swap3A_267 = vector.load %arg37[%swap3A_265, %swap3A_266] : memref<640x128xbf16, #tpu.memory_space<vmem>>, vector<640x128xbf16>
    tpu.vector_store %arg37[%swap3A_265, %swap3A_266], %convert_element_type3A_264 {strides = array<i32>} : memref<640x128xbf16, #tpu.memory_space<vmem>>, vector<640x128xbf16>,
    %eq3A = arith.constant 0 : i32
    %eq3A_268 = arith.cmpi eq, %arg0, %eq3A : i32
    %convert_element_type3A_269 = arith.extui %eq3A_268 : i1 to i32
    %cond3A = arith.constant 0 : i32
    %cond3A_270 = arith.cmpi ne, %convert_element_type3A_269, %cond3A : i32
    scf.if %cond3A_270 {
      %broadcast_in_dim3A_282 = arith.constant -1.000000e+30 : f32
      %broadcast_in_dim3A_283 = vector.broadcast %broadcast_in_dim3A_282 : f32 to vector<1x1xf32>
      %swap3A_284 = arith.constant 0 : index
      %swap3A_285 = arith.constant 0 : index
      %swap3A_286 = vector.load %arg39[%swap3A_284, %swap3A_285] : memref<1x1xf32, #tpu.memory_space<vmem>>, vector<1x1xf32>
      tpu.vector_store %arg39[%swap3A_284, %swap3A_285], %broadcast_in_dim3A_283 {strides = array<i32>} : memref<1x1xf32, #tpu.memory_space<vmem>>, vector<1x1xf32>,
    } else {
    }
    %get3A_271 = arith.constant 0 : index
    %get3A_272 = arith.constant 0 : index
    %get3A_273 = vector.load %arg39[%get3A_271, %get3A_272] : memref<1x1xf32, #tpu.memory_space<vmem>>, vector<1x1xf32>
    %reduce_max3A = vector.shape_cast %mul3A_238 : vector<640x4xf32> to vector<1x640x4xf32>
    %reduce_max3A_274 = arith.constant dense<0xFF800000> : vector<1xf32>
    %reduce_max3A_275 = vector.multi_reduction <maximumf>, %reduce_max3A, %reduce_max3A_274 [1, 2] : vector<1x640x4xf32> to vector<1xf32>
    %reduce_max3A_276 = vector.shape_cast %reduce_max3A_275 : vector<1xf32> to vector<1x1x1xf32>
    %reduce_max3A_277 = vector.extract %reduce_max3A_276[0, 0, 0] : f32 from vector<1x1x1xf32>
    %broadcast_in_dim3A = vector.broadcast %reduce_max3A_277 : f32 to vector<1x1xf32>
    %max3A_278 = arith.maximumf %get3A_273, %broadcast_in_dim3A : vector<1x1xf32>
    %swap3A_279 = arith.constant 0 : index
    %swap3A_280 = arith.constant 0 : index
    %swap3A_281 = vector.load %arg39[%swap3A_279, %swap3A_280] : memref<1x1xf32, #tpu.memory_space<vmem>>, vector<1x1xf32>
    tpu.vector_store %arg39[%swap3A_279, %swap3A_280], %max3A_278 {strides = array<i32>} : memref<1x1xf32, #tpu.memory_space<vmem>>, vector<1x1xf32>,
    return
  }
  func.func @transform_0(%arg0: i32) -> (i32, i32) {
    %add3A = arith.constant 0 : i32
    %add3A_0 = arith.addi %add3A, %arg0 : i32
    %c0_i32 = arith.constant 0 : i32
    %c0_i32_1 = arith.constant 0 : i32
    return %add3A_0, %c0_i32 : i32, i32
  }
  func.func @transform_1(%arg0: i32) -> (i32, i32) {
    %c0_i32 = arith.constant 0 : i32
    %c0_i32_0 = arith.constant 0 : i32
    return %arg0, %c0_i32 : i32, i32
  }
  func.func @transform_2(%arg0: i32) -> (i32, i32) {
    %c0_i32 = arith.constant 0 : i32
    %c0_i32_0 = arith.constant 0 : i32
    return %arg0, %c0_i32 : i32, i32
  }
  func.func @transform_3(%arg0: i32) -> (i32, i32) {
    %add3A = arith.constant 0 : i32
    %add3A_0 = arith.addi %add3A, %arg0 : i32
    %c0_i32 = arith.constant 0 : i32
    %c0_i32_1 = arith.constant 0 : i32
    return %add3A_0, %c0_i32 : i32, i32
  }
  func.func @transform_4(%arg0: i32) -> (i32, i32) {
    %c0_i32 = arith.constant 0 : i32
    %c0_i32_0 = arith.constant 0 : i32
    %c0_i32_1 = arith.constant 0 : i32
    return %c0_i32, %c0_i32_0 : i32, i32
  }
  func.func @transform_5(%arg0: i32) -> (i32, i32) {
    %c0_i32 = arith.constant 0 : i32
    %c0_i32_0 = arith.constant 0 : i32
    %c0_i32_1 = arith.constant 0 : i32
    return %c0_i32, %c0_i32_0 : i32, i32
  }
  func.func @transform_6(%arg0: i32) -> (i32, i32) {
    %c0_i32 = arith.constant 0 : i32
    %c0_i32_0 = arith.constant 0 : i32
    %c0_i32_1 = arith.constant 0 : i32
    return %c0_i32, %c0_i32_0 : i32, i32
  }
  func.func @transform_7(%arg0: i32) -> (i32, i32) {
    %c0_i32 = arith.constant 0 : i32
    %c0_i32_0 = arith.constant 0 : i32
    %c0_i32_1 = arith.constant 0 : i32
    return %c0_i32, %c0_i32_0 : i32, i32
  }
  func.func @transform_8(%arg0: i32) -> (i32, i32) {
    %c0_i32 = arith.constant 0 : i32
    %c0_i32_0 = arith.constant 0 : i32
    %c0_i32_1 = arith.constant 0 : i32
    return %c0_i32, %c0_i32_0 : i32, i32
  }
  func.func @transform_9(%arg0: i32) -> (i32, i32) {
    %c0_i32 = arith.constant 0 : i32
    %c0_i32_0 = arith.constant 0 : i32
    %c0_i32_1 = arith.constant 0 : i32
    return %c0_i32, %c0_i32_0 : i32, i32
  }
  func.func @transform_10(%arg0: i32) -> (i32, i32) {
    %c0_i32 = arith.constant 0 : i32
    %c0_i32_0 = arith.constant 0 : i32
    %c0_i32_1 = arith.constant 0 : i32
    return %c0_i32, %c0_i32_0 : i32, i32
  }
  func.func @transform_11(%arg0: i32) -> (i32, i32) {
    %c0_i32 = arith.constant 0 : i32
    %c0_i32_0 = arith.constant 0 : i32
    %c0_i32_1 = arith.constant 0 : i32
    return %c0_i32, %c0_i32_0 : i32, i32
  }
  func.func @transform_12(%arg0: i32) -> (i32, i32) {
    %c0_i32 = arith.constant 0 : i32
    %c0_i32_0 = arith.constant 0 : i32
    %c0_i32_1 = arith.constant 0 : i32
    return %c0_i32, %c0_i32_0 : i32, i32
  }
  func.func @transform_13(%arg0: i32) -> (i32, i32) {
    %c0_i32 = arith.constant 0 : i32
    %c0_i32_0 = arith.constant 0 : i32
    %c0_i32_1 = arith.constant 0 : i32
    return %c0_i32, %c0_i32_0 : i32, i32
  }
  func.func @transform_14(%arg0: i32) -> (i32, i32) {
    %c0_i32 = arith.constant 0 : i32
    %c0_i32_0 = arith.constant 0 : i32
    %c0_i32_1 = arith.constant 0 : i32
    return %c0_i32, %c0_i32_0 : i32, i32
  }
  func.func @transform_15(%arg0: i32) -> (i32, i32) {
    %c0_i32 = arith.constant 0 : i32
    %c0_i32_0 = arith.constant 0 : i32
    %c0_i32_1 = arith.constant 0 : i32
    return %c0_i32, %c0_i32_0 : i32, i32
  }
  func.func @transform_16(%arg0: i32) -> (i32, i32) {
    %c0_i32 = arith.constant 0 : i32
    %c0_i32_0 = arith.constant 0 : i32
    %c0_i32_1 = arith.constant 0 : i32
    return %c0_i32, %c0_i32_0 : i32, i32
  }
  func.func @transform_17(%arg0: i32) -> (i32, i32) {
    %c0_i32 = arith.constant 0 : i32
    %c0_i32_0 = arith.constant 0 : i32
    %c0_i32_1 = arith.constant 0 : i32
    return %c0_i32, %c0_i32_0 : i32, i32
  }
  func.func @transform_18(%arg0: i32) -> (i32, i32) {
    %c0_i32 = arith.constant 0 : i32
    %c0_i32_0 = arith.constant 0 : i32
    %c0_i32_1 = arith.constant 0 : i32
    return %c0_i32, %c0_i32_0 : i32, i32
  }
  func.func @transform_19(%arg0: i32) -> (i32, i32) {
    %c0_i32 = arith.constant 0 : i32
    %c0_i32_0 = arith.constant 0 : i32
    %c0_i32_1 = arith.constant 0 : i32
    return %c0_i32, %c0_i32_0 : i32, i32
  }
  func.func @transform_20(%arg0: i32) -> (i32, i32) {
    %c0_i32 = arith.constant 0 : i32
    %c0_i32_0 = arith.constant 0 : i32
    %c0_i32_1 = arith.constant 0 : i32
    return %c0_i32, %c0_i32_0 : i32, i32
  }
  func.func @transform_21(%arg0: i32) -> (i32, i32) {
    %c0_i32 = arith.constant 0 : i32
    %c0_i32_0 = arith.constant 0 : i32
    %c0_i32_1 = arith.constant 0 : i32
    return %c0_i32, %c0_i32_0 : i32, i32
  }
  func.func @transform_22(%arg0: i32) -> (i32, i32) {
    %c0_i32 = arith.constant 0 : i32
    %c0_i32_0 = arith.constant 0 : i32
    %c0_i32_1 = arith.constant 0 : i32
    return %c0_i32, %c0_i32_0 : i32, i32
  }
  func.func @transform_23(%arg0: i32) -> (i32, i32) {
    %c0_i32 = arith.constant 0 : i32
    %c0_i32_0 = arith.constant 0 : i32
    %c0_i32_1 = arith.constant 0 : i32
    return %c0_i32, %c0_i32_0 : i32, i32
  }
  func.func @transform_24(%arg0: i32) -> (i32, i32) {
    %c0_i32 = arith.constant 0 : i32
    %c0_i32_0 = arith.constant 0 : i32
    %c0_i32_1 = arith.constant 0 : i32
    return %c0_i32, %c0_i32_0 : i32, i32
  }
  func.func @transform_25(%arg0: i32) -> (i32, i32) {
    %c0_i32 = arith.constant 0 : i32
    %c0_i32_0 = arith.constant 0 : i32
    %c0_i32_1 = arith.constant 0 : i32
    return %c0_i32, %c0_i32_0 : i32, i32
  }
  func.func @transform_26(%arg0: i32) -> (i32, i32) {
    %c0_i32 = arith.constant 0 : i32
    %c0_i32_0 = arith.constant 0 : i32
    %c0_i32_1 = arith.constant 0 : i32
    return %c0_i32, %c0_i32_0 : i32, i32
  }
  func.func @transform_27(%arg0: i32) -> (i32, i32) {
    %c0_i32 = arith.constant 0 : i32
    %c0_i32_0 = arith.constant 0 : i32
    %c0_i32_1 = arith.constant 0 : i32
    return %c0_i32, %c0_i32_0 : i32, i32
  }
  func.func @transform_28(%arg0: i32) -> (i32, i32) {
    %c0_i32 = arith.constant 0 : i32
    %c0_i32_0 = arith.constant 0 : i32
    %c0_i32_1 = arith.constant 0 : i32
    return %c0_i32, %c0_i32_0 : i32, i32
  }
  func.func @transform_29(%arg0: i32) -> (i32, i32) {
    %c0_i32 = arith.constant 0 : i32
    %c0_i32_0 = arith.constant 0 : i32
    %c0_i32_1 = arith.constant 0 : i32
    return %c0_i32, %c0_i32_0 : i32, i32
  }
  func.func @transform_30(%arg0: i32) -> (i32, i32) {
    %c0_i32 = arith.constant 0 : i32
    %c0_i32_0 = arith.constant 0 : i32
    %c0_i32_1 = arith.constant 0 : i32
    return %c0_i32, %c0_i32_0 : i32, i32
  }
  func.func @transform_31(%arg0: i32) -> (i32, i32) {
    %c0_i32 = arith.constant 0 : i32
    %c0_i32_0 = arith.constant 0 : i32
    %c0_i32_1 = arith.constant 0 : i32
    return %c0_i32, %c0_i32_0 : i32, i32
  }
  func.func @transform_32(%arg0: i32) -> (i32, i32) {
    %c0_i32 = arith.constant 0 : i32
    %c0_i32_0 = arith.constant 0 : i32
    %c0_i32_1 = arith.constant 0 : i32
    return %c0_i32, %c0_i32_0 : i32, i32
  }
  func.func @transform_33(%arg0: i32) -> (i32, i32) {
    %c0_i32 = arith.constant 0 : i32
    %c0_i32_0 = arith.constant 0 : i32
    %c0_i32_1 = arith.constant 0 : i32
    return %c0_i32, %c0_i32_0 : i32, i32
  }
  func.func @transform_34(%arg0: i32) -> (i32, i32) {
    %c0_i32 = arith.constant 0 : i32
    %c0_i32_0 = arith.constant 0 : i32
    %c0_i32_1 = arith.constant 0 : i32
    return %c0_i32, %c0_i32_0 : i32, i32
  }
  func.func @transform_35(%arg0: i32) -> (i32, i32) {
    %c0_i32 = arith.constant 0 : i32
    %c0_i32_0 = arith.constant 0 : i32
    return %arg0, %c0_i32 : i32, i32
  }
  func.func @transform_36(%arg0: i32) -> (i32, i32) {
    %c0_i32 = arith.constant 0 : i32
    %c0_i32_0 = arith.constant 0 : i32
    return %arg0, %c0_i32 : i32, i32
  }
  func.func @transform_37(%arg0: i32) -> (i32, i32) {
    %c0_i32 = arith.constant 0 : i32
    %c0_i32_0 = arith.constant 0 : i32
    return %arg0, %c0_i32 : i32, i32
  }
  func.func @transform_38(%arg0: i32) -> (i32, i32) {
    %c0_i32 = arith.constant 0 : i32
    %c0_i32_0 = arith.constant 0 : i32
    %c0_i32_1 = arith.constant 0 : i32
    return %c0_i32, %c0_i32_0 : i32, i32
  }
}

module attributes {stable_mosaic.version = 14 : i64} {
  func.func @body(%arg0: i32, %arg1: memref<640x4xbf16, #tpu.memory_space<vmem>>, %arg2: memref<640x128xbf16, #tpu.memory_space<vmem>>, %arg3: memref<1x1xf32, #tpu.memory_space<vmem>>, %arg4: memref<4x128xbf16, #tpu.memory_space<vmem>>, %arg5: memref<4x16xbf16, #tpu.memory_space<vmem>>, %arg6: memref<640x128xf32, #tpu.memory_space<vmem>>, %arg7: memref<640x16xf32, #tpu.memory_space<vmem>>) attributes {dimension_semantics = [#tpu.dimension_semantics<arbitrary>], iteration_bounds = array<i64: 128>, scalar_prefetch = 0 : i64, scratch_operands = 0 : i64, tpu.core_type = #tpu.core_type<tc>, window_params = [{transform_indices = @transform_0, window_bounds = array<i64: 640, 4>}, {transform_indices = @transform_1, window_bounds = array<i64: 640, 128>}, {pipeline_mode = #tpu.pipeline_mode<synchronous>, transform_indices = @transform_2, window_bounds = array<i64: 1, 1>}, {pipeline_mode = #tpu.pipeline_mode<synchronous>, transform_indices = @transform_3, window_bounds = array<i64: 4, 128>}, {pipeline_mode = #tpu.pipeline_mode<synchronous>, transform_indices = @transform_4, window_bounds = array<i64: 4, 16>}, {transform_indices = @transform_5, window_bounds = array<i64: 640, 128>}, {transform_indices = @transform_6, window_bounds = array<i64: 640, 16>}]} {
    %get3A = arith.constant 0 : index
    %get3A_0 = arith.constant 0 : index
    %get3A_1 = vector.load %arg1[%get3A, %get3A_0] : memref<640x4xbf16, #tpu.memory_space<vmem>>, vector<640x4xbf16>
    %convert_element_type3A = arith.extf %get3A_1 : vector<640x4xbf16> to vector<640x4xf32>
    %get3A_2 = arith.constant 0 : index
    %get3A_3 = arith.constant 0 : index
    %get3A_4 = vector.load %arg3[%get3A_2, %get3A_3] : memref<1x1xf32, #tpu.memory_space<vmem>>, vector<1x1xf32>
    %sub3A = vector.broadcast %get3A_4 : vector<1x1xf32> to vector<640x4xf32>
    %sub3A_5 = arith.subf %convert_element_type3A, %sub3A : vector<640x4xf32>
    %exp3A = math.exp %sub3A_5 : vector<640x4xf32>
    %get3A_6 = arith.constant 0 : index
    %get3A_7 = arith.constant 0 : index
    %get3A_8 = vector.load %arg4[%get3A_6, %get3A_7] : memref<4x128xbf16, #tpu.memory_space<vmem>>, vector<4x128xbf16>
    %convert_element_type3A_9 = arith.truncf %exp3A : vector<640x4xf32> to vector<640x4xbf16>
    %dot_general3A = arith.constant dense<0.000000e+00> : vector<640x128xf32>
    %dot_general3A_10 = tpu.matmul %convert_element_type3A_9, %get3A_8, %dot_general3A {dimension_numbers = #tpu.dot_dimension_numbers<[1], [0], [0], [1], [0, 0, 1, 1], [], []>, transpose_lhs_hint = false} : vector<640x4xbf16>, vector<4x128xbf16>, vector<640x128xf32> -> vector<640x128xf32>
    %get3A_11 = arith.constant 0 : index
    %get3A_12 = arith.constant 0 : index
    %get3A_13 = vector.load %arg2[%get3A_11, %get3A_12] : memref<640x128xbf16, #tpu.memory_space<vmem>>, vector<640x128xbf16>
    %convert_element_type3A_14 = arith.extf %get3A_13 : vector<640x128xbf16> to vector<640x128xf32>
    %mul3A = arith.mulf %dot_general3A_10, %convert_element_type3A_14 : vector<640x128xf32>
    %swap3A = arith.constant 0 : index
    %swap3A_15 = arith.constant 0 : index
    %swap3A_16 = vector.load %arg6[%swap3A, %swap3A_15] : memref<640x128xf32, #tpu.memory_space<vmem>>, vector<640x128xf32>
    tpu.vector_store %arg6[%swap3A, %swap3A_15], %mul3A {strides = array<i32>} : memref<640x128xf32, #tpu.memory_space<vmem>>, vector<640x128xf32>,
    %get3A_17 = arith.constant 0 : index
    %get3A_18 = arith.constant 0 : index
    %get3A_19 = vector.load %arg5[%get3A_17, %get3A_18] : memref<4x16xbf16, #tpu.memory_space<vmem>>, vector<4x16xbf16>
    %convert_element_type3A_20 = arith.truncf %exp3A : vector<640x4xf32> to vector<640x4xbf16>
    %dot_general3A_21 = arith.constant dense<0.000000e+00> : vector<640x16xf32>
    %dot_general3A_22 = tpu.matmul %convert_element_type3A_20, %get3A_19, %dot_general3A_21 {dimension_numbers = #tpu.dot_dimension_numbers<[1], [0], [0], [1], [0, 0, 1, 1], [], []>, transpose_lhs_hint = false} : vector<640x4xbf16>, vector<4x16xbf16>, vector<640x16xf32> -> vector<640x16xf32>
    %swap3A_23 = arith.constant 0 : index
    %swap3A_24 = arith.constant 0 : index
    %swap3A_25 = vector.load %arg7[%swap3A_23, %swap3A_24] : memref<640x16xf32, #tpu.memory_space<vmem>>, vector<640x16xf32>
    tpu.vector_store %arg7[%swap3A_23, %swap3A_24], %dot_general3A_22 {strides = array<i32>} : memref<640x16xf32, #tpu.memory_space<vmem>>, vector<640x16xf32>,
    return
  }
  func.func @transform_0(%arg0: i32) -> (i32, i32) {
    %c0_i32 = arith.constant 0 : i32
    %c0_i32_0 = arith.constant 0 : i32
    return %arg0, %c0_i32 : i32, i32
  }
  func.func @transform_1(%arg0: i32) -> (i32, i32) {
    %c0_i32 = arith.constant 0 : i32
    %c0_i32_0 = arith.constant 0 : i32
    return %arg0, %c0_i32 : i32, i32
  }
  func.func @transform_2(%arg0: i32) -> (i32, i32) {
    %c0_i32 = arith.constant 0 : i32
    %c0_i32_0 = arith.constant 0 : i32
    %c0_i32_1 = arith.constant 0 : i32
    return %c0_i32, %c0_i32_0 : i32, i32
  }
  func.func @transform_3(%arg0: i32) -> (i32, i32) {
    %c0_i32 = arith.constant 0 : i32
    %c0_i32_0 = arith.constant 0 : i32
    %c0_i32_1 = arith.constant 0 : i32
    return %c0_i32, %c0_i32_0 : i32, i32
  }
  func.func @transform_4(%arg0: i32) -> (i32, i32) {
    %c0_i32 = arith.constant 0 : i32
    %c0_i32_0 = arith.constant 0 : i32
    %c0_i32_1 = arith.constant 0 : i32
    return %c0_i32, %c0_i32_0 : i32, i32
  }
  func.func @transform_5(%arg0: i32) -> (i32, i32) {
    %c0_i32 = arith.constant 0 : i32
    %c0_i32_0 = arith.constant 0 : i32
    return %arg0, %c0_i32 : i32, i32
  }
  func.func @transform_6(%arg0: i32) -> (i32, i32) {
    %c0_i32 = arith.constant 0 : i32
    %c0_i32_0 = arith.constant 0 : i32
    return %arg0, %c0_i32 : i32, i32
  }
}

module attributes {stable_mosaic.version = 14 : i64} {
  func.func @body(%arg0: i32, %arg1: memref<640x128xf32, #tpu.memory_space<vmem>>, %arg2: memref<640x128xf32, #tpu.memory_space<vmem>>, %arg3: memref<640x128xf32, #tpu.memory_space<vmem>>, %arg4: memref<640x28xf32, #tpu.memory_space<vmem>>, %arg5: memref<128x96xbf16, #tpu.memory_space<vmem>>, %arg6: memref<1x96xf32, #tpu.memory_space<vmem>>, %arg7: memref<128x96xbf16, #tpu.memory_space<vmem>>, %arg8: memref<1x96xf32, #tpu.memory_space<vmem>>, %arg9: memref<96x384xbf16, #tpu.memory_space<vmem>>, %arg10: memref<28x512xbf16, #tpu.memory_space<vmem>>, %arg11: memref<96x32xbf16, #tpu.memory_space<vmem>>, %arg12: memref<96x128xbf16, #tpu.memory_space<vmem>>, %arg13: memref<96x128xbf16, #tpu.memory_space<vmem>>, %arg14: memref<96x128xbf16, #tpu.memory_space<vmem>>, %arg15: memref<96x128xbf16, #tpu.memory_space<vmem>>, %arg16: memref<28x128xbf16, #tpu.memory_space<vmem>>, %arg17: memref<32x128xbf16, #tpu.memory_space<vmem>>, %arg18: memref<1x128xf32, #tpu.memory_space<vmem>>, %arg19: memref<128x128xbf16, #tpu.memory_space<vmem>>, %arg20: memref<1x128xf32, #tpu.memory_space<vmem>>, %arg21: memref<128x128xbf16, #tpu.memory_space<vmem>>, %arg22: memref<1x128xf32, #tpu.memory_space<vmem>>, %arg23: memref<128x128xbf16, #tpu.memory_space<vmem>>, %arg24: memref<128x128xbf16, #tpu.memory_space<vmem>>, %arg25: memref<1x128xf32, #tpu.memory_space<vmem>>, %arg26: memref<128x128xbf16, #tpu.memory_space<vmem>>, %arg27: memref<128x128xbf16, #tpu.memory_space<vmem>>, %arg28: memref<128x128xbf16, #tpu.memory_space<vmem>>, %arg29: memref<1x128xf32, #tpu.memory_space<vmem>>, %arg30: memref<128x128xbf16, #tpu.memory_space<vmem>>, %arg31: memref<1x128xf32, #tpu.memory_space<vmem>>, %arg32: memref<128x4xbf16, #tpu.memory_space<vmem>>, %arg33: memref<1x4xf32, #tpu.memory_space<vmem>>, %arg34: memref<128x128xbf16, #tpu.memory_space<vmem>>, %arg35: memref<1x128xf32, #tpu.memory_space<vmem>>, %arg36: memref<640x128xbf16, #tpu.memory_space<vmem>>, %arg37: memref<640x128xbf16, #tpu.memory_space<vmem>>, %arg38: memref<640x4xbf16, #tpu.memory_space<vmem>>, %arg39: memref<1x1xf32, #tpu.memory_space<vmem>>) attributes {dimension_semantics = [#tpu.dimension_semantics<arbitrary>], iteration_bounds = array<i64: 122>, scalar_prefetch = 0 : i64, scratch_operands = 0 : i64, tpu.core_type = #tpu.core_type<tc>, window_params = [{transform_indices = @transform_0, window_bounds = array<i64: 640, 128>}, {transform_indices = @transform_1, window_bounds = array<i64: 640, 128>}, {transform_indices = @transform_2, window_bounds = array<i64: 640, 128>}, {transform_indices = @transform_3, window_bounds = array<i64: 640, 28>}, {pipeline_mode = #tpu.pipeline_mode<synchronous>, transform_indices = @transform_4, window_bounds = array<i64: 128, 96>}, {pipeline_mode = #tpu.pipeline_mode<synchronous>, transform_indices = @transform_5, window_bounds = array<i64: 1, 96>}, {pipeline_mode = #tpu.pipeline_mode<synchronous>, transform_indices = @transform_6, window_bounds = array<i64: 128, 96>}, {pipeline_mode = #tpu.pipeline_mode<synchronous>, transform_indices = @transform_7, window_bounds = array<i64: 1, 96>}, {pipeline_mode = #tpu.pipeline_mode<synchronous>, transform_indices = @transform_8, window_bounds = array<i64: 96, 384>}, {pipeline_mode = #tpu.pipeline_mode<synchronous>, transform_indices = @transform_9, window_bounds = array<i64: 28, 512>}, {pipeline_mode = #tpu.pipeline_mode<synchronous>, transform_indices = @transform_10, window_bounds = array<i64: 96, 32>}, {pipeline_mode = #tpu.pipeline_mode<synchronous>, transform_indices = @transform_11, window_bounds = array<i64: 96, 128>}, {pipeline_mode = #tpu.pipeline_mode<synchronous>, transform_indices = @transform_12, window_bounds = array<i64: 96, 128>}, {pipeline_mode = #tpu.pipeline_mode<synchronous>, transform_indices = @transform_13, window_bounds = array<i64: 96, 128>}, {pipeline_mode = #tpu.pipeline_mode<synchronous>, transform_indices = @transform_14, window_bounds = array<i64: 96, 128>}, {pipeline_mode = #tpu.pipeline_mode<synchronous>, transform_indices = @transform_15, window_bounds = array<i64: 28, 128>}, {pipeline_mode = #tpu.pipeline_mode<synchronous>, transform_indices = @transform_16, window_bounds = array<i64: 32, 128>}, {pipeline_mode = #tpu.pipeline_mode<synchronous>, transform_indices = @transform_17, window_bounds = array<i64: 1, 128>}, {pipeline_mode = #tpu.pipeline_mode<synchronous>, transform_indices = @transform_18, window_bounds = array<i64: 128, 128>}, {pipeline_mode = #tpu.pipeline_mode<synchronous>, transform_indices = @transform_19, window_bounds = array<i64: 1, 128>}, {pipeline_mode = #tpu.pipeline_mode<synchronous>, transform_indices = @transform_20, window_bounds = array<i64: 128, 128>}, {pipeline_mode = #tpu.pipeline_mode<synchronous>, transform_indices = @transform_21, window_bounds = array<i64: 1, 128>}, {pipeline_mode = #tpu.pipeline_mode<synchronous>, transform_indices = @transform_22, window_bounds = array<i64: 128, 128>}, {pipeline_mode = #tpu.pipeline_mode<synchronous>, transform_indices = @transform_23, window_bounds = array<i64: 128, 128>}, {pipeline_mode = #tpu.pipeline_mode<synchronous>, transform_indices = @transform_24, window_bounds = array<i64: 1, 128>}, {pipeline_mode = #tpu.pipeline_mode<synchronous>, transform_indices = @transform_25, window_bounds = array<i64: 128, 128>}, {pipeline_mode = #tpu.pipeline_mode<synchronous>, transform_indices = @transform_26, window_bounds = array<i64: 128, 128>}, {pipeline_mode = #tpu.pipeline_mode<synchronous>, transform_indices = @transform_27, window_bounds = array<i64: 128, 128>}, {pipeline_mode = #tpu.pipeline_mode<synchronous>, transform_indices = @transform_28, window_bounds = array<i64: 1, 128>}, {pipeline_mode = #tpu.pipeline_mode<synchronous>, transform_indices = @transform_29, window_bounds = array<i64: 128, 128>}, {pipeline_mode = #tpu.pipeline_mode<synchronous>, transform_indices = @transform_30, window_bounds = array<i64: 1, 128>}, {pipeline_mode = #tpu.pipeline_mode<synchronous>, transform_indices = @transform_31, window_bounds = array<i64: 128, 4>}, {pipeline_mode = #tpu.pipeline_mode<synchronous>, transform_indices = @transform_32, window_bounds = array<i64: 1, 4>}, {pipeline_mode = #tpu.pipeline_mode<synchronous>, transform_indices = @transform_33, window_bounds = array<i64: 128, 128>}, {pipeline_mode = #tpu.pipeline_mode<synchronous>, transform_indices = @transform_34, window_bounds = array<i64: 1, 128>}, {transform_indices = @transform_35, window_bounds = array<i64: 640, 128>}, {transform_indices = @transform_36, window_bounds = array<i64: 640, 128>}, {transform_indices = @transform_37, window_bounds = array<i64: 640, 4>}, {pipeline_mode = #tpu.pipeline_mode<synchronous>, transform_indices = @transform_38, window_bounds = array<i64: 1, 1>}]} {
    %get3A = arith.constant 0 : index
    %get3A_0 = arith.constant 0 : index
    %get3A_1 = vector.load %arg1[%get3A, %get3A_0] : memref<640x128xf32, #tpu.memory_space<vmem>>, vector<640x128xf32>
    %get3A_2 = arith.constant 0 : index
    %get3A_3 = arith.constant 0 : index
    %get3A_4 = vector.load %arg2[%get3A_2, %get3A_3] : memref<640x128xf32, #tpu.memory_space<vmem>>, vector<640x128xf32>
    %get3A_5 = arith.constant 0 : index
    %get3A_6 = arith.constant 0 : index
    %get3A_7 = vector.load %arg3[%get3A_5, %get3A_6] : memref<640x128xf32, #tpu.memory_space<vmem>>, vector<640x128xf32>
    %get3A_8 = arith.constant 0 : index
    %get3A_9 = arith.constant 0 : index
    %get3A_10 = vector.load %arg5[%get3A_8, %get3A_9] : memref<128x96xbf16, #tpu.memory_space<vmem>>, vector<128x96xbf16>
    %convert_element_type3A = arith.truncf %get3A_4 : vector<640x128xf32> to vector<640x128xbf16>
    %dot_general3A = arith.constant dense<0.000000e+00> : vector<640x96xf32>
    %dot_general3A_11 = tpu.matmul %convert_element_type3A, %get3A_10, %dot_general3A {dimension_numbers = #tpu.dot_dimension_numbers<[1], [0], [0], [1], [0, 0, 1, 1], [], []>, transpose_lhs_hint = false} : vector<640x128xbf16>, vector<128x96xbf16>, vector<640x96xf32> -> vector<640x96xf32>
    %get3A_12 = arith.constant 0 : index
    %get3A_13 = arith.constant 0 : index
    %get3A_14 = vector.load %arg6[%get3A_12, %get3A_13] : memref<1x96xf32, #tpu.memory_space<vmem>>, vector<1x96xf32>
    %add3A = vector.broadcast %get3A_14 : vector<1x96xf32> to vector<640x96xf32>
    %add3A_15 = arith.addf %dot_general3A_11, %add3A : vector<640x96xf32>
    %get3A_16 = arith.constant 0 : index
    %get3A_17 = arith.constant 0 : index
    %get3A_18 = vector.load %arg5[%get3A_16, %get3A_17] : memref<128x96xbf16, #tpu.memory_space<vmem>>, vector<128x96xbf16>
    %convert_element_type3A_19 = arith.truncf %get3A_7 : vector<640x128xf32> to vector<640x128xbf16>
    %dot_general3A_20 = arith.constant dense<0.000000e+00> : vector<640x96xf32>
    %dot_general3A_21 = tpu.matmul %convert_element_type3A_19, %get3A_18, %dot_general3A_20 {dimension_numbers = #tpu.dot_dimension_numbers<[1], [0], [0], [1], [0, 0, 1, 1], [], []>, transpose_lhs_hint = false} : vector<640x128xbf16>, vector<128x96xbf16>, vector<640x96xf32> -> vector<640x96xf32>
    %get3A_22 = arith.constant 0 : index
    %get3A_23 = arith.constant 0 : index
    %get3A_24 = vector.load %arg6[%get3A_22, %get3A_23] : memref<1x96xf32, #tpu.memory_space<vmem>>, vector<1x96xf32>
    %add3A_25 = vector.broadcast %get3A_24 : vector<1x96xf32> to vector<640x96xf32>
    %add3A_26 = arith.addf %dot_general3A_21, %add3A_25 : vector<640x96xf32>
    %get3A_27 = arith.constant 0 : index
    %get3A_28 = arith.constant 0 : index
    %get3A_29 = vector.load %arg4[%get3A_27, %get3A_28] : memref<640x28xf32, #tpu.memory_space<vmem>>, vector<640x28xf32>
    %get3A_30 = arith.constant 0 : index
    %get3A_31 = arith.constant 0 : index
    %get3A_32 = vector.load %arg7[%get3A_30, %get3A_31] : memref<128x96xbf16, #tpu.memory_space<vmem>>, vector<128x96xbf16>
    %convert_element_type3A_33 = arith.truncf %get3A_1 : vector<640x128xf32> to vector<640x128xbf16>
    %dot_general3A_34 = arith.constant dense<0.000000e+00> : vector<640x96xf32>
    %dot_general3A_35 = tpu.matmul %convert_element_type3A_33, %get3A_32, %dot_general3A_34 {dimension_numbers = #tpu.dot_dimension_numbers<[1], [0], [0], [1], [0, 0, 1, 1], [], []>, transpose_lhs_hint = false} : vector<640x128xbf16>, vector<128x96xbf16>, vector<640x96xf32> -> vector<640x96xf32>
    %get3A_36 = arith.constant 0 : index
    %get3A_37 = arith.constant 0 : index
    %get3A_38 = vector.load %arg8[%get3A_36, %get3A_37] : memref<1x96xf32, #tpu.memory_space<vmem>>, vector<1x96xf32>
    %add3A_39 = vector.broadcast %get3A_38 : vector<1x96xf32> to vector<640x96xf32>
    %add3A_40 = arith.addf %dot_general3A_35, %add3A_39 : vector<640x96xf32>
    %get3A_41 = arith.constant 0 : index
    %get3A_42 = arith.constant 0 : index
    %get3A_43 = vector.load %arg9[%get3A_41, %get3A_42] : memref<96x384xbf16, #tpu.memory_space<vmem>>, vector<96x384xbf16>
    %convert_element_type3A_44 = arith.truncf %add3A_40 : vector<640x96xf32> to vector<640x96xbf16>
    %dot_general3A_45 = arith.constant dense<0.000000e+00> : vector<640x384xf32>
    %dot_general3A_46 = tpu.matmul %convert_element_type3A_44, %get3A_43, %dot_general3A_45 {dimension_numbers = #tpu.dot_dimension_numbers<[1], [0], [0], [1], [0, 0, 1, 1], [], []>, transpose_lhs_hint = false} : vector<640x96xbf16>, vector<96x384xbf16>, vector<640x384xf32> -> vector<640x384xf32>
    %get3A_47 = arith.constant 0 : index
    %get3A_48 = arith.constant 0 : index
    %get3A_49 = vector.load %arg9[%get3A_47, %get3A_48] : memref<96x384xbf16, #tpu.memory_space<vmem>>, vector<96x384xbf16>
    %convert_element_type3A_50 = arith.truncf %add3A_15 : vector<640x96xf32> to vector<640x96xbf16>
    %dot_general3A_51 = arith.constant dense<0.000000e+00> : vector<640x384xf32>
    %dot_general3A_52 = tpu.matmul %convert_element_type3A_50, %get3A_49, %dot_general3A_51 {dimension_numbers = #tpu.dot_dimension_numbers<[1], [0], [0], [1], [0, 0, 1, 1], [], []>, transpose_lhs_hint = false} : vector<640x96xbf16>, vector<96x384xbf16>, vector<640x384xf32> -> vector<640x384xf32>
    %get3A_53 = arith.constant 0 : index
    %get3A_54 = arith.constant 0 : index
    %get3A_55 = vector.load %arg10[%get3A_53, %get3A_54] : memref<28x512xbf16, #tpu.memory_space<vmem>>, vector<28x512xbf16>
    %convert_element_type3A_56 = arith.truncf %get3A_29 : vector<640x28xf32> to vector<640x28xbf16>
    %dot_general3A_57 = arith.constant dense<0.000000e+00> : vector<640x512xf32>
    %dot_general3A_58 = tpu.matmul %convert_element_type3A_56, %get3A_55, %dot_general3A_57 {dimension_numbers = #tpu.dot_dimension_numbers<[1], [0], [0], [1], [0, 0, 1, 1], [], []>, transpose_lhs_hint = false} : vector<640x28xbf16>, vector<28x512xbf16>, vector<640x512xf32> -> vector<640x512xf32>
    %slice3A = vector.extract_strided_slice %dot_general3A_58 {offsets = [0, 384], sizes = [640, 96], strides = [1, 1]} : vector<640x512xf32> to vector<640x96xf32>
    %slice3A_59 = vector.extract_strided_slice %dot_general3A_58 {offsets = [0, 0], sizes = [640, 96], strides = [1, 1]} : vector<640x512xf32> to vector<640x96xf32>
    %slice3A_60 = vector.extract_strided_slice %dot_general3A_46 {offsets = [0, 0], sizes = [640, 96], strides = [1, 1]} : vector<640x384xf32> to vector<640x96xf32>
    %mul3A = arith.mulf %slice3A_59, %slice3A_60 : vector<640x96xf32>
    %slice3A_61 = vector.extract_strided_slice %dot_general3A_58 {offsets = [0, 128], sizes = [640, 96], strides = [1, 1]} : vector<640x512xf32> to vector<640x96xf32>
    %slice3A_62 = vector.extract_strided_slice %dot_general3A_46 {offsets = [0, 128], sizes = [640, 96], strides = [1, 1]} : vector<640x384xf32> to vector<640x96xf32>
    %mul3A_63 = arith.mulf %slice3A_61, %slice3A_62 : vector<640x96xf32>
    %add3A_64 = arith.addf %mul3A, %mul3A_63 : vector<640x96xf32>
    %slice3A_65 = vector.extract_strided_slice %dot_general3A_58 {offsets = [0, 256], sizes = [640, 96], strides = [1, 1]} : vector<640x512xf32> to vector<640x96xf32>
    %slice3A_66 = vector.extract_strided_slice %dot_general3A_46 {offsets = [0, 256], sizes = [640, 96], strides = [1, 1]} : vector<640x384xf32> to vector<640x96xf32>
    %mul3A_67 = arith.mulf %slice3A_65, %slice3A_66 : vector<640x96xf32>
    %add3A_68 = arith.addf %add3A_64, %mul3A_67 : vector<640x96xf32>
    %add3A_69 = arith.addf %add3A_68, %slice3A : vector<640x96xf32>
    %slice3A_70 = vector.extract_strided_slice %dot_general3A_58 {offsets = [0, 0], sizes = [640, 96], strides = [1, 1]} : vector<640x512xf32> to vector<640x96xf32>
    %slice3A_71 = vector.extract_strided_slice %dot_general3A_52 {offsets = [0, 0], sizes = [640, 96], strides = [1, 1]} : vector<640x384xf32> to vector<640x96xf32>
    %mul3A_72 = arith.mulf %slice3A_70, %slice3A_71 : vector<640x96xf32>
    %slice3A_73 = vector.extract_strided_slice %dot_general3A_58 {offsets = [0, 128], sizes = [640, 96], strides = [1, 1]} : vector<640x512xf32> to vector<640x96xf32>
    %slice3A_74 = vector.extract_strided_slice %dot_general3A_52 {offsets = [0, 128], sizes = [640, 96], strides = [1, 1]} : vector<640x384xf32> to vector<640x96xf32>
    %mul3A_75 = arith.mulf %slice3A_73, %slice3A_74 : vector<640x96xf32>
    %add3A_76 = arith.addf %mul3A_72, %mul3A_75 : vector<640x96xf32>
    %slice3A_77 = vector.extract_strided_slice %dot_general3A_58 {offsets = [0, 256], sizes = [640, 96], strides = [1, 1]} : vector<640x512xf32> to vector<640x96xf32>
    %slice3A_78 = vector.extract_strided_slice %dot_general3A_52 {offsets = [0, 256], sizes = [640, 96], strides = [1, 1]} : vector<640x384xf32> to vector<640x96xf32>
    %mul3A_79 = arith.mulf %slice3A_77, %slice3A_78 : vector<640x96xf32>
    %add3A_80 = arith.addf %add3A_76, %mul3A_79 : vector<640x96xf32>
    %add3A_81 = arith.addf %add3A_80, %slice3A : vector<640x96xf32>
    %mul3A_82 = arith.mulf %add3A_26, %add3A_80 : vector<640x96xf32>
    %get3A_83 = arith.constant 0 : index
    %get3A_84 = arith.constant 0 : index
    %get3A_85 = vector.load %arg11[%get3A_83, %get3A_84] : memref<96x32xbf16, #tpu.memory_space<vmem>>, vector<96x32xbf16>
    %convert_element_type3A_86 = arith.truncf %mul3A_82 : vector<640x96xf32> to vector<640x96xbf16>
    %dot_general3A_87 = arith.constant dense<0.000000e+00> : vector<640x32xf32>
    %dot_general3A_88 = tpu.matmul %convert_element_type3A_86, %get3A_85, %dot_general3A_87 {dimension_numbers = #tpu.dot_dimension_numbers<[1], [0], [0], [1], [0, 0, 1, 1], [], []>, transpose_lhs_hint = false} : vector<640x96xbf16>, vector<96x32xbf16>, vector<640x32xf32> -> vector<640x32xf32>
    %get3A_89 = arith.constant 0 : index
    %get3A_90 = arith.constant 0 : index
    %get3A_91 = vector.load %arg12[%get3A_89, %get3A_90] : memref<96x128xbf16, #tpu.memory_space<vmem>>, vector<96x128xbf16>
    %convert_element_type3A_92 = arith.truncf %add3A_40 : vector<640x96xf32> to vector<640x96xbf16>
    %dot_general3A_93 = arith.constant dense<0.000000e+00> : vector<640x128xf32>
    %dot_general3A_94 = tpu.matmul %convert_element_type3A_92, %get3A_91, %dot_general3A_93 {dimension_numbers = #tpu.dot_dimension_numbers<[1], [0], [0], [1], [0, 0, 1, 1], [], []>, transpose_lhs_hint = false} : vector<640x96xbf16>, vector<96x128xbf16>, vector<640x128xf32> -> vector<640x128xf32>
    %get3A_95 = arith.constant 0 : index
    %get3A_96 = arith.constant 0 : index
    %get3A_97 = vector.load %arg13[%get3A_95, %get3A_96] : memref<96x128xbf16, #tpu.memory_space<vmem>>, vector<96x128xbf16>
    %convert_element_type3A_98 = arith.truncf %add3A_15 : vector<640x96xf32> to vector<640x96xbf16>
    %dot_general3A_99 = arith.constant dense<0.000000e+00> : vector<640x128xf32>
    %dot_general3A_100 = tpu.matmul %convert_element_type3A_98, %get3A_97, %dot_general3A_99 {dimension_numbers = #tpu.dot_dimension_numbers<[1], [0], [0], [1], [0, 0, 1, 1], [], []>, transpose_lhs_hint = false} : vector<640x96xbf16>, vector<96x128xbf16>, vector<640x128xf32> -> vector<640x128xf32>
    %add3A_101 = arith.addf %dot_general3A_94, %dot_general3A_100 : vector<640x128xf32>
    %get3A_102 = arith.constant 0 : index
    %get3A_103 = arith.constant 0 : index
    %get3A_104 = vector.load %arg14[%get3A_102, %get3A_103] : memref<96x128xbf16, #tpu.memory_space<vmem>>, vector<96x128xbf16>
    %convert_element_type3A_105 = arith.truncf %add3A_69 : vector<640x96xf32> to vector<640x96xbf16>
    %dot_general3A_106 = arith.constant dense<0.000000e+00> : vector<640x128xf32>
    %dot_general3A_107 = tpu.matmul %convert_element_type3A_105, %get3A_104, %dot_general3A_106 {dimension_numbers = #tpu.dot_dimension_numbers<[1], [0], [0], [1], [0, 0, 1, 1], [], []>, transpose_lhs_hint = false} : vector<640x96xbf16>, vector<96x128xbf16>, vector<640x128xf32> -> vector<640x128xf32>
    %add3A_108 = arith.addf %add3A_101, %dot_general3A_107 : vector<640x128xf32>
    %get3A_109 = arith.constant 0 : index
    %get3A_110 = arith.constant 0 : index
    %get3A_111 = vector.load %arg15[%get3A_109, %get3A_110] : memref<96x128xbf16, #tpu.memory_space<vmem>>, vector<96x128xbf16>
    %convert_element_type3A_112 = arith.truncf %add3A_81 : vector<640x96xf32> to vector<640x96xbf16>
    %dot_general3A_113 = arith.constant dense<0.000000e+00> : vector<640x128xf32>
    %dot_general3A_114 = tpu.matmul %convert_element_type3A_112, %get3A_111, %dot_general3A_113 {dimension_numbers = #tpu.dot_dimension_numbers<[1], [0], [0], [1], [0, 0, 1, 1], [], []>, transpose_lhs_hint = false} : vector<640x96xbf16>, vector<96x128xbf16>, vector<640x128xf32> -> vector<640x128xf32>
    %add3A_115 = arith.addf %add3A_108, %dot_general3A_114 : vector<640x128xf32>
    %get3A_116 = arith.constant 0 : index
    %get3A_117 = arith.constant 0 : index
    %get3A_118 = vector.load %arg16[%get3A_116, %get3A_117] : memref<28x128xbf16, #tpu.memory_space<vmem>>, vector<28x128xbf16>
    %convert_element_type3A_119 = arith.truncf %get3A_29 : vector<640x28xf32> to vector<640x28xbf16>
    %dot_general3A_120 = arith.constant dense<0.000000e+00> : vector<640x128xf32>
    %dot_general3A_121 = tpu.matmul %convert_element_type3A_119, %get3A_118, %dot_general3A_120 {dimension_numbers = #tpu.dot_dimension_numbers<[1], [0], [0], [1], [0, 0, 1, 1], [], []>, transpose_lhs_hint = false} : vector<640x28xbf16>, vector<28x128xbf16>, vector<640x128xf32> -> vector<640x128xf32>
    %add3A_122 = arith.addf %add3A_115, %dot_general3A_121 : vector<640x128xf32>
    %get3A_123 = arith.constant 0 : index
    %get3A_124 = arith.constant 0 : index
    %get3A_125 = vector.load %arg17[%get3A_123, %get3A_124] : memref<32x128xbf16, #tpu.memory_space<vmem>>, vector<32x128xbf16>
    %convert_element_type3A_126 = arith.truncf %dot_general3A_88 : vector<640x32xf32> to vector<640x32xbf16>
    %dot_general3A_127 = arith.constant dense<0.000000e+00> : vector<640x128xf32>
    %dot_general3A_128 = tpu.matmul %convert_element_type3A_126, %get3A_125, %dot_general3A_127 {dimension_numbers = #tpu.dot_dimension_numbers<[1], [0], [0], [1], [0, 0, 1, 1], [], []>, transpose_lhs_hint = false} : vector<640x32xbf16>, vector<32x128xbf16>, vector<640x128xf32> -> vector<640x128xf32>
    %add3A_129 = arith.addf %add3A_122, %dot_general3A_128 : vector<640x128xf32>
    %get3A_130 = arith.constant 0 : index
    %get3A_131 = arith.constant 0 : index
    %get3A_132 = vector.load %arg18[%get3A_130, %get3A_131] : memref<1x128xf32, #tpu.memory_space<vmem>>, vector<1x128xf32>
    %add3A_133 = vector.broadcast %get3A_132 : vector<1x128xf32> to vector<640x128xf32>
    %add3A_134 = arith.addf %add3A_129, %add3A_133 : vector<640x128xf32>
    %max3A = arith.constant 0.000000e+00 : f32
    %max3A_135 = vector.broadcast %max3A : f32 to vector<640x128xf32>
    %max3A_136 = arith.maximumf %add3A_134, %max3A_135 : vector<640x128xf32>
    %get3A_137 = arith.constant 0 : index
    %get3A_138 = arith.constant 0 : index
    %get3A_139 = vector.load %arg19[%get3A_137, %get3A_138] : memref<128x128xbf16, #tpu.memory_space<vmem>>, vector<128x128xbf16>
    %convert_element_type3A_140 = arith.truncf %max3A_136 : vector<640x128xf32> to vector<640x128xbf16>
    %dot_general3A_141 = arith.constant dense<0.000000e+00> : vector<640x128xf32>
    %dot_general3A_142 = tpu.matmul %convert_element_type3A_140, %get3A_139, %dot_general3A_141 {dimension_numbers = #tpu.dot_dimension_numbers<[1], [0], [0], [1], [0, 0, 1, 1], [], []>, transpose_lhs_hint = false} : vector<640x128xbf16>, vector<128x128xbf16>, vector<640x128xf32> -> vector<640x128xf32>
    %get3A_143 = arith.constant 0 : index
    %get3A_144 = arith.constant 0 : index
    %get3A_145 = vector.load %arg20[%get3A_143, %get3A_144] : memref<1x128xf32, #tpu.memory_space<vmem>>, vector<1x128xf32>
    %add3A_146 = vector.broadcast %get3A_145 : vector<1x128xf32> to vector<640x128xf32>
    %add3A_147 = arith.addf %dot_general3A_142, %add3A_146 : vector<640x128xf32>
    %max3A_148 = arith.constant 0.000000e+00 : f32
    %max3A_149 = vector.broadcast %max3A_148 : f32 to vector<640x128xf32>
    %max3A_150 = arith.maximumf %add3A_147, %max3A_149 : vector<640x128xf32>
    %get3A_151 = arith.constant 0 : index
    %get3A_152 = arith.constant 0 : index
    %get3A_153 = vector.load %arg21[%get3A_151, %get3A_152] : memref<128x128xbf16, #tpu.memory_space<vmem>>, vector<128x128xbf16>
    %convert_element_type3A_154 = arith.truncf %max3A_150 : vector<640x128xf32> to vector<640x128xbf16>
    %dot_general3A_155 = arith.constant dense<0.000000e+00> : vector<640x128xf32>
    %dot_general3A_156 = tpu.matmul %convert_element_type3A_154, %get3A_153, %dot_general3A_155 {dimension_numbers = #tpu.dot_dimension_numbers<[1], [0], [0], [1], [0, 0, 1, 1], [], []>, transpose_lhs_hint = false} : vector<640x128xbf16>, vector<128x128xbf16>, vector<640x128xf32> -> vector<640x128xf32>
    %get3A_157 = arith.constant 0 : index
    %get3A_158 = arith.constant 0 : index
    %get3A_159 = vector.load %arg22[%get3A_157, %get3A_158] : memref<1x128xf32, #tpu.memory_space<vmem>>, vector<1x128xf32>
    %add3A_160 = vector.broadcast %get3A_159 : vector<1x128xf32> to vector<640x128xf32>
    %add3A_161 = arith.addf %dot_general3A_156, %add3A_160 : vector<640x128xf32>
    %get3A_162 = arith.constant 0 : index
    %get3A_163 = arith.constant 0 : index
    %get3A_164 = vector.load %arg23[%get3A_162, %get3A_163] : memref<128x128xbf16, #tpu.memory_space<vmem>>, vector<128x128xbf16>
    %convert_element_type3A_165 = arith.truncf %get3A_1 : vector<640x128xf32> to vector<640x128xbf16>
    %dot_general3A_166 = arith.constant dense<0.000000e+00> : vector<640x128xf32>
    %dot_general3A_167 = tpu.matmul %convert_element_type3A_165, %get3A_164, %dot_general3A_166 {dimension_numbers = #tpu.dot_dimension_numbers<[1], [0], [0], [1], [0, 0, 1, 1], [], []>, transpose_lhs_hint = false} : vector<640x128xbf16>, vector<128x128xbf16>, vector<640x128xf32> -> vector<640x128xf32>
    %get3A_168 = arith.constant 0 : index
    %get3A_169 = arith.constant 0 : index
    %get3A_170 = vector.load %arg24[%get3A_168, %get3A_169] : memref<128x128xbf16, #tpu.memory_space<vmem>>, vector<128x128xbf16>
    %convert_element_type3A_171 = arith.truncf %add3A_161 : vector<640x128xf32> to vector<640x128xbf16>
    %dot_general3A_172 = arith.constant dense<0.000000e+00> : vector<640x128xf32>
    %dot_general3A_173 = tpu.matmul %convert_element_type3A_171, %get3A_170, %dot_general3A_172 {dimension_numbers = #tpu.dot_dimension_numbers<[1], [0], [0], [1], [0, 0, 1, 1], [], []>, transpose_lhs_hint = false} : vector<640x128xbf16>, vector<128x128xbf16>, vector<640x128xf32> -> vector<640x128xf32>
    %add3A_174 = arith.addf %dot_general3A_167, %dot_general3A_173 : vector<640x128xf32>
    %get3A_175 = arith.constant 0 : index
    %get3A_176 = arith.constant 0 : index
    %get3A_177 = vector.load %arg25[%get3A_175, %get3A_176] : memref<1x128xf32, #tpu.memory_space<vmem>>, vector<1x128xf32>
    %add3A_178 = vector.broadcast %get3A_177 : vector<1x128xf32> to vector<640x128xf32>
    %add3A_179 = arith.addf %add3A_174, %add3A_178 : vector<640x128xf32>
    %convert_element_type3A_180 = arith.truncf %add3A_179 : vector<640x128xf32> to vector<640x128xbf16>
    %swap3A = arith.constant 0 : index
    %swap3A_181 = arith.constant 0 : index
    %swap3A_182 = vector.load %arg36[%swap3A, %swap3A_181] : memref<640x128xbf16, #tpu.memory_space<vmem>>, vector<640x128xbf16>
    tpu.vector_store %arg36[%swap3A, %swap3A_181], %convert_element_type3A_180 {strides = array<i32>} : memref<640x128xbf16, #tpu.memory_space<vmem>>, vector<640x128xbf16>,
    %get3A_183 = arith.constant 0 : index
    %get3A_184 = arith.constant 0 : index
    %get3A_185 = vector.load %arg26[%get3A_183, %get3A_184] : memref<128x128xbf16, #tpu.memory_space<vmem>>, vector<128x128xbf16>
    %convert_element_type3A_186 = arith.truncf %get3A_4 : vector<640x128xf32> to vector<640x128xbf16>
    %dot_general3A_187 = arith.constant dense<0.000000e+00> : vector<640x128xf32>
    %dot_general3A_188 = tpu.matmul %convert_element_type3A_186, %get3A_185, %dot_general3A_187 {dimension_numbers = #tpu.dot_dimension_numbers<[1], [0], [0], [1], [0, 0, 1, 1], [], []>, transpose_lhs_hint = false} : vector<640x128xbf16>, vector<128x128xbf16>, vector<640x128xf32> -> vector<640x128xf32>
    %get3A_189 = arith.constant 0 : index
    %get3A_190 = arith.constant 0 : index
    %get3A_191 = vector.load %arg27[%get3A_189, %get3A_190] : memref<128x128xbf16, #tpu.memory_space<vmem>>, vector<128x128xbf16>
    %convert_element_type3A_192 = arith.truncf %add3A_179 : vector<640x128xf32> to vector<640x128xbf16>
    %dot_general3A_193 = arith.constant dense<0.000000e+00> : vector<640x128xf32>
    %dot_general3A_194 = tpu.matmul %convert_element_type3A_192, %get3A_191, %dot_general3A_193 {dimension_numbers = #tpu.dot_dimension_numbers<[1], [0], [0], [1], [0, 0, 1, 1], [], []>, transpose_lhs_hint = false} : vector<640x128xbf16>, vector<128x128xbf16>, vector<640x128xf32> -> vector<640x128xf32>
    %add3A_195 = arith.addf %dot_general3A_188, %dot_general3A_194 : vector<640x128xf32>
    %get3A_196 = arith.constant 0 : index
    %get3A_197 = arith.constant 0 : index
    %get3A_198 = vector.load %arg28[%get3A_196, %get3A_197] : memref<128x128xbf16, #tpu.memory_space<vmem>>, vector<128x128xbf16>
    %convert_element_type3A_199 = arith.truncf %get3A_7 : vector<640x128xf32> to vector<640x128xbf16>
    %dot_general3A_200 = arith.constant dense<0.000000e+00> : vector<640x128xf32>
    %dot_general3A_201 = tpu.matmul %convert_element_type3A_199, %get3A_198, %dot_general3A_200 {dimension_numbers = #tpu.dot_dimension_numbers<[1], [0], [0], [1], [0, 0, 1, 1], [], []>, transpose_lhs_hint = false} : vector<640x128xbf16>, vector<128x128xbf16>, vector<640x128xf32> -> vector<640x128xf32>
    %add3A_202 = arith.addf %add3A_195, %dot_general3A_201 : vector<640x128xf32>
    %get3A_203 = arith.constant 0 : index
    %get3A_204 = arith.constant 0 : index
    %get3A_205 = vector.load %arg29[%get3A_203, %get3A_204] : memref<1x128xf32, #tpu.memory_space<vmem>>, vector<1x128xf32>
    %add3A_206 = vector.broadcast %get3A_205 : vector<1x128xf32> to vector<640x128xf32>
    %add3A_207 = arith.addf %add3A_202, %add3A_206 : vector<640x128xf32>
    %max3A_208 = arith.constant 0.000000e+00 : f32
    %max3A_209 = vector.broadcast %max3A_208 : f32 to vector<640x128xf32>
    %max3A_210 = arith.maximumf %add3A_207, %max3A_209 : vector<640x128xf32>
    %get3A_211 = arith.constant 0 : index
    %get3A_212 = arith.constant 0 : index
    %get3A_213 = vector.load %arg30[%get3A_211, %get3A_212] : memref<128x128xbf16, #tpu.memory_space<vmem>>, vector<128x128xbf16>
    %convert_element_type3A_214 = arith.truncf %max3A_210 : vector<640x128xf32> to vector<640x128xbf16>
    %dot_general3A_215 = arith.constant dense<0.000000e+00> : vector<640x128xf32>
    %dot_general3A_216 = tpu.matmul %convert_element_type3A_214, %get3A_213, %dot_general3A_215 {dimension_numbers = #tpu.dot_dimension_numbers<[1], [0], [0], [1], [0, 0, 1, 1], [], []>, transpose_lhs_hint = false} : vector<640x128xbf16>, vector<128x128xbf16>, vector<640x128xf32> -> vector<640x128xf32>
    %get3A_217 = arith.constant 0 : index
    %get3A_218 = arith.constant 0 : index
    %get3A_219 = vector.load %arg31[%get3A_217, %get3A_218] : memref<1x128xf32, #tpu.memory_space<vmem>>, vector<1x128xf32>
    %add3A_220 = vector.broadcast %get3A_219 : vector<1x128xf32> to vector<640x128xf32>
    %add3A_221 = arith.addf %dot_general3A_216, %add3A_220 : vector<640x128xf32>
    %max3A_222 = arith.constant 0.000000e+00 : f32
    %max3A_223 = vector.broadcast %max3A_222 : f32 to vector<640x128xf32>
    %max3A_224 = arith.maximumf %add3A_221, %max3A_223 : vector<640x128xf32>
    %get3A_225 = arith.constant 0 : index
    %get3A_226 = arith.constant 0 : index
    %get3A_227 = vector.load %arg32[%get3A_225, %get3A_226] : memref<128x4xbf16, #tpu.memory_space<vmem>>, vector<128x4xbf16>
    %convert_element_type3A_228 = arith.truncf %max3A_224 : vector<640x128xf32> to vector<640x128xbf16>
    %dot_general3A_229 = arith.constant dense<0.000000e+00> : vector<640x4xf32>
    %dot_general3A_230 = tpu.matmul %convert_element_type3A_228, %get3A_227, %dot_general3A_229 {dimension_numbers = #tpu.dot_dimension_numbers<[1], [0], [0], [1], [0, 0, 1, 1], [], []>, transpose_lhs_hint = false} : vector<640x128xbf16>, vector<128x4xbf16>, vector<640x4xf32> -> vector<640x4xf32>
    %get3A_231 = arith.constant 0 : index
    %get3A_232 = arith.constant 0 : index
    %get3A_233 = vector.load %arg33[%get3A_231, %get3A_232] : memref<1x4xf32, #tpu.memory_space<vmem>>, vector<1x4xf32>
    %add3A_234 = vector.broadcast %get3A_233 : vector<1x4xf32> to vector<640x4xf32>
    %add3A_235 = arith.addf %dot_general3A_230, %add3A_234 : vector<640x4xf32>
    %mul3A_236 = arith.constant 0.176776692 : f32
    %mul3A_237 = vector.broadcast %mul3A_236 : f32 to vector<640x4xf32>
    %mul3A_238 = arith.mulf %add3A_235, %mul3A_237 : vector<640x4xf32>
    %convert_element_type3A_239 = arith.truncf %mul3A_238 : vector<640x4xf32> to vector<640x4xbf16>
    %swap3A_240 = arith.constant 0 : index
    %swap3A_241 = arith.constant 0 : index
    %swap3A_242 = vector.load %arg38[%swap3A_240, %swap3A_241] : memref<640x4xbf16, #tpu.memory_space<vmem>>, vector<640x4xbf16>
    tpu.vector_store %arg38[%swap3A_240, %swap3A_241], %convert_element_type3A_239 {strides = array<i32>} : memref<640x4xbf16, #tpu.memory_space<vmem>>, vector<640x4xbf16>,
    %get3A_243 = arith.constant 0 : index
    %get3A_244 = arith.constant 0 : index
    %get3A_245 = vector.load %arg34[%get3A_243, %get3A_244] : memref<128x128xbf16, #tpu.memory_space<vmem>>, vector<128x128xbf16>
    %convert_element_type3A_246 = arith.truncf %add3A_179 : vector<640x128xf32> to vector<640x128xbf16>
    %dot_general3A_247 = arith.constant dense<0.000000e+00> : vector<640x128xf32>
    %dot_general3A_248 = tpu.matmul %convert_element_type3A_246, %get3A_245, %dot_general3A_247 {dimension_numbers = #tpu.dot_dimension_numbers<[1], [0], [0], [1], [0, 0, 1, 1], [], []>, transpose_lhs_hint = false} : vector<640x128xbf16>, vector<128x128xbf16>, vector<640x128xf32> -> vector<640x128xf32>
    %get3A_249 = arith.constant 0 : index
    %get3A_250 = arith.constant 0 : index
    %get3A_251 = vector.load %arg35[%get3A_249, %get3A_250] : memref<1x128xf32, #tpu.memory_space<vmem>>, vector<1x128xf32>
    %add3A_252 = vector.broadcast %get3A_251 : vector<1x128xf32> to vector<640x128xf32>
    %add3A_253 = arith.addf %dot_general3A_248, %add3A_252 : vector<640x128xf32>
    %mul3A_254 = arith.constant 5.000000e-01 : f32
    %mul3A_255 = vector.broadcast %mul3A_254 : f32 to vector<640x128xf32>
    %mul3A_256 = arith.mulf %add3A_253, %mul3A_255 : vector<640x128xf32>
    %mul3A_257 = arith.constant 0.707106769 : f32
    %mul3A_258 = vector.broadcast %mul3A_257 : f32 to vector<640x128xf32>
    %mul3A_259 = arith.mulf %add3A_253, %mul3A_258 : vector<640x128xf32>
    %erf3A = math.erf %mul3A_259 : vector<640x128xf32>
    %add3A_260 = arith.constant 1.000000e+00 : f32
    %add3A_261 = vector.broadcast %add3A_260 : f32 to vector<640x128xf32>
    %add3A_262 = arith.addf %add3A_261, %erf3A : vector<640x128xf32>
    %mul3A_263 = arith.mulf %mul3A_256, %add3A_262 : vector<640x128xf32>
    %convert_element_type3A_264 = arith.truncf %mul3A_263 : vector<640x128xf32> to vector<640x128xbf16>
    %swap3A_265 = arith.constant 0 : index
    %swap3A_266 = arith.constant 0 : index
    %swap3A_267 = vector.load %arg37[%swap3A_265, %swap3A_266] : memref<640x128xbf16, #tpu.memory_space<vmem>>, vector<640x128xbf16>
    tpu.vector_store %arg37[%swap3A_265, %swap3A_266], %convert_element_type3A_264 {strides = array<i32>} : memref<640x128xbf16, #tpu.memory_space<vmem>>, vector<640x128xbf16>,
    %eq3A = arith.constant 0 : i32
    %eq3A_268 = arith.cmpi eq, %arg0, %eq3A : i32
    %convert_element_type3A_269 = arith.extui %eq3A_268 : i1 to i32
    %cond3A = arith.constant 0 : i32
    %cond3A_270 = arith.cmpi ne, %convert_element_type3A_269, %cond3A : i32
    scf.if %cond3A_270 {
      %broadcast_in_dim3A_282 = arith.constant -1.000000e+30 : f32
      %broadcast_in_dim3A_283 = vector.broadcast %broadcast_in_dim3A_282 : f32 to vector<1x1xf32>
      %swap3A_284 = arith.constant 0 : index
      %swap3A_285 = arith.constant 0 : index
      %swap3A_286 = vector.load %arg39[%swap3A_284, %swap3A_285] : memref<1x1xf32, #tpu.memory_space<vmem>>, vector<1x1xf32>
      tpu.vector_store %arg39[%swap3A_284, %swap3A_285], %broadcast_in_dim3A_283 {strides = array<i32>} : memref<1x1xf32, #tpu.memory_space<vmem>>, vector<1x1xf32>,
    } else {
    }
    %get3A_271 = arith.constant 0 : index
    %get3A_272 = arith.constant 0 : index
    %get3A_273 = vector.load %arg39[%get3A_271, %get3A_272] : memref<1x1xf32, #tpu.memory_space<vmem>>, vector<1x1xf32>
    %reduce_max3A = vector.shape_cast %mul3A_238 : vector<640x4xf32> to vector<1x640x4xf32>
    %reduce_max3A_274 = arith.constant dense<0xFF800000> : vector<1xf32>
    %reduce_max3A_275 = vector.multi_reduction <maximumf>, %reduce_max3A, %reduce_max3A_274 [1, 2] : vector<1x640x4xf32> to vector<1xf32>
    %reduce_max3A_276 = vector.shape_cast %reduce_max3A_275 : vector<1xf32> to vector<1x1x1xf32>
    %reduce_max3A_277 = vector.extract %reduce_max3A_276[0, 0, 0] : f32 from vector<1x1x1xf32>
    %broadcast_in_dim3A = vector.broadcast %reduce_max3A_277 : f32 to vector<1x1xf32>
    %max3A_278 = arith.maximumf %get3A_273, %broadcast_in_dim3A : vector<1x1xf32>
    %swap3A_279 = arith.constant 0 : index
    %swap3A_280 = arith.constant 0 : index
    %swap3A_281 = vector.load %arg39[%swap3A_279, %swap3A_280] : memref<1x1xf32, #tpu.memory_space<vmem>>, vector<1x1xf32>
    tpu.vector_store %arg39[%swap3A_279, %swap3A_280], %max3A_278 {strides = array<i32>} : memref<1x1xf32, #tpu.memory_space<vmem>>, vector<1x1xf32>,
    return
  }
  func.func @transform_0(%arg0: i32) -> (i32, i32) {
    %add3A = arith.constant 128 : i32
    %add3A_0 = arith.addi %add3A, %arg0 : i32
    %c0_i32 = arith.constant 0 : i32
    %c0_i32_1 = arith.constant 0 : i32
    return %add3A_0, %c0_i32 : i32, i32
  }
  func.func @transform_1(%arg0: i32) -> (i32, i32) {
    %c0_i32 = arith.constant 0 : i32
    %c0_i32_0 = arith.constant 0 : i32
    return %arg0, %c0_i32 : i32, i32
  }
  func.func @transform_2(%arg0: i32) -> (i32, i32) {
    %c0_i32 = arith.constant 0 : i32
    %c0_i32_0 = arith.constant 0 : i32
    return %arg0, %c0_i32 : i32, i32
  }
  func.func @transform_3(%arg0: i32) -> (i32, i32) {
    %add3A = arith.constant 128 : i32
    %add3A_0 = arith.addi %add3A, %arg0 : i32
    %c0_i32 = arith.constant 0 : i32
    %c0_i32_1 = arith.constant 0 : i32
    return %add3A_0, %c0_i32 : i32, i32
  }
  func.func @transform_4(%arg0: i32) -> (i32, i32) {
    %c0_i32 = arith.constant 0 : i32
    %c0_i32_0 = arith.constant 0 : i32
    %c0_i32_1 = arith.constant 0 : i32
    return %c0_i32, %c0_i32_0 : i32, i32
  }
  func.func @transform_5(%arg0: i32) -> (i32, i32) {
    %c0_i32 = arith.constant 0 : i32
    %c0_i32_0 = arith.constant 0 : i32
    %c0_i32_1 = arith.constant 0 : i32
    return %c0_i32, %c0_i32_0 : i32, i32
  }
  func.func @transform_6(%arg0: i32) -> (i32, i32) {
    %c0_i32 = arith.constant 0 : i32
    %c0_i32_0 = arith.constant 0 : i32
    %c0_i32_1 = arith.constant 0 : i32
    return %c0_i32, %c0_i32_0 : i32, i32
  }
  func.func @transform_7(%arg0: i32) -> (i32, i32) {
    %c0_i32 = arith.constant 0 : i32
    %c0_i32_0 = arith.constant 0 : i32
    %c0_i32_1 = arith.constant 0 : i32
    return %c0_i32, %c0_i32_0 : i32, i32
  }
  func.func @transform_8(%arg0: i32) -> (i32, i32) {
    %c0_i32 = arith.constant 0 : i32
    %c0_i32_0 = arith.constant 0 : i32
    %c0_i32_1 = arith.constant 0 : i32
    return %c0_i32, %c0_i32_0 : i32, i32
  }
  func.func @transform_9(%arg0: i32) -> (i32, i32) {
    %c0_i32 = arith.constant 0 : i32
    %c0_i32_0 = arith.constant 0 : i32
    %c0_i32_1 = arith.constant 0 : i32
    return %c0_i32, %c0_i32_0 : i32, i32
  }
  func.func @transform_10(%arg0: i32) -> (i32, i32) {
    %c0_i32 = arith.constant 0 : i32
    %c0_i32_0 = arith.constant 0 : i32
    %c0_i32_1 = arith.constant 0 : i32
    return %c0_i32, %c0_i32_0 : i32, i32
  }
  func.func @transform_11(%arg0: i32) -> (i32, i32) {
    %c0_i32 = arith.constant 0 : i32
    %c0_i32_0 = arith.constant 0 : i32
    %c0_i32_1 = arith.constant 0 : i32
    return %c0_i32, %c0_i32_0 : i32, i32
  }
  func.func @transform_12(%arg0: i32) -> (i32, i32) {
    %c0_i32 = arith.constant 0 : i32
    %c0_i32_0 = arith.constant 0 : i32
    %c0_i32_1 = arith.constant 0 : i32
    return %c0_i32, %c0_i32_0 : i32, i32
  }
  func.func @transform_13(%arg0: i32) -> (i32, i32) {
    %c0_i32 = arith.constant 0 : i32
    %c0_i32_0 = arith.constant 0 : i32
    %c0_i32_1 = arith.constant 0 : i32
    return %c0_i32, %c0_i32_0 : i32, i32
  }
  func.func @transform_14(%arg0: i32) -> (i32, i32) {
    %c0_i32 = arith.constant 0 : i32
    %c0_i32_0 = arith.constant 0 : i32
    %c0_i32_1 = arith.constant 0 : i32
    return %c0_i32, %c0_i32_0 : i32, i32
  }
  func.func @transform_15(%arg0: i32) -> (i32, i32) {
    %c0_i32 = arith.constant 0 : i32
    %c0_i32_0 = arith.constant 0 : i32
    %c0_i32_1 = arith.constant 0 : i32
    return %c0_i32, %c0_i32_0 : i32, i32
  }
  func.func @transform_16(%arg0: i32) -> (i32, i32) {
    %c0_i32 = arith.constant 0 : i32
    %c0_i32_0 = arith.constant 0 : i32
    %c0_i32_1 = arith.constant 0 : i32
    return %c0_i32, %c0_i32_0 : i32, i32
  }
  func.func @transform_17(%arg0: i32) -> (i32, i32) {
    %c0_i32 = arith.constant 0 : i32
    %c0_i32_0 = arith.constant 0 : i32
    %c0_i32_1 = arith.constant 0 : i32
    return %c0_i32, %c0_i32_0 : i32, i32
  }
  func.func @transform_18(%arg0: i32) -> (i32, i32) {
    %c0_i32 = arith.constant 0 : i32
    %c0_i32_0 = arith.constant 0 : i32
    %c0_i32_1 = arith.constant 0 : i32
    return %c0_i32, %c0_i32_0 : i32, i32
  }
  func.func @transform_19(%arg0: i32) -> (i32, i32) {
    %c0_i32 = arith.constant 0 : i32
    %c0_i32_0 = arith.constant 0 : i32
    %c0_i32_1 = arith.constant 0 : i32
    return %c0_i32, %c0_i32_0 : i32, i32
  }
  func.func @transform_20(%arg0: i32) -> (i32, i32) {
    %c0_i32 = arith.constant 0 : i32
    %c0_i32_0 = arith.constant 0 : i32
    %c0_i32_1 = arith.constant 0 : i32
    return %c0_i32, %c0_i32_0 : i32, i32
  }
  func.func @transform_21(%arg0: i32) -> (i32, i32) {
    %c0_i32 = arith.constant 0 : i32
    %c0_i32_0 = arith.constant 0 : i32
    %c0_i32_1 = arith.constant 0 : i32
    return %c0_i32, %c0_i32_0 : i32, i32
  }
  func.func @transform_22(%arg0: i32) -> (i32, i32) {
    %c0_i32 = arith.constant 0 : i32
    %c0_i32_0 = arith.constant 0 : i32
    %c0_i32_1 = arith.constant 0 : i32
    return %c0_i32, %c0_i32_0 : i32, i32
  }
  func.func @transform_23(%arg0: i32) -> (i32, i32) {
    %c0_i32 = arith.constant 0 : i32
    %c0_i32_0 = arith.constant 0 : i32
    %c0_i32_1 = arith.constant 0 : i32
    return %c0_i32, %c0_i32_0 : i32, i32
  }
  func.func @transform_24(%arg0: i32) -> (i32, i32) {
    %c0_i32 = arith.constant 0 : i32
    %c0_i32_0 = arith.constant 0 : i32
    %c0_i32_1 = arith.constant 0 : i32
    return %c0_i32, %c0_i32_0 : i32, i32
  }
  func.func @transform_25(%arg0: i32) -> (i32, i32) {
    %c0_i32 = arith.constant 0 : i32
    %c0_i32_0 = arith.constant 0 : i32
    %c0_i32_1 = arith.constant 0 : i32
    return %c0_i32, %c0_i32_0 : i32, i32
  }
  func.func @transform_26(%arg0: i32) -> (i32, i32) {
    %c0_i32 = arith.constant 0 : i32
    %c0_i32_0 = arith.constant 0 : i32
    %c0_i32_1 = arith.constant 0 : i32
    return %c0_i32, %c0_i32_0 : i32, i32
  }
  func.func @transform_27(%arg0: i32) -> (i32, i32) {
    %c0_i32 = arith.constant 0 : i32
    %c0_i32_0 = arith.constant 0 : i32
    %c0_i32_1 = arith.constant 0 : i32
    return %c0_i32, %c0_i32_0 : i32, i32
  }
  func.func @transform_28(%arg0: i32) -> (i32, i32) {
    %c0_i32 = arith.constant 0 : i32
    %c0_i32_0 = arith.constant 0 : i32
    %c0_i32_1 = arith.constant 0 : i32
    return %c0_i32, %c0_i32_0 : i32, i32
  }
  func.func @transform_29(%arg0: i32) -> (i32, i32) {
    %c0_i32 = arith.constant 0 : i32
    %c0_i32_0 = arith.constant 0 : i32
    %c0_i32_1 = arith.constant 0 : i32
    return %c0_i32, %c0_i32_0 : i32, i32
  }
  func.func @transform_30(%arg0: i32) -> (i32, i32) {
    %c0_i32 = arith.constant 0 : i32
    %c0_i32_0 = arith.constant 0 : i32
    %c0_i32_1 = arith.constant 0 : i32
    return %c0_i32, %c0_i32_0 : i32, i32
  }
  func.func @transform_31(%arg0: i32) -> (i32, i32) {
    %c0_i32 = arith.constant 0 : i32
    %c0_i32_0 = arith.constant 0 : i32
    %c0_i32_1 = arith.constant 0 : i32
    return %c0_i32, %c0_i32_0 : i32, i32
  }
  func.func @transform_32(%arg0: i32) -> (i32, i32) {
    %c0_i32 = arith.constant 0 : i32
    %c0_i32_0 = arith.constant 0 : i32
    %c0_i32_1 = arith.constant 0 : i32
    return %c0_i32, %c0_i32_0 : i32, i32
  }
  func.func @transform_33(%arg0: i32) -> (i32, i32) {
    %c0_i32 = arith.constant 0 : i32
    %c0_i32_0 = arith.constant 0 : i32
    %c0_i32_1 = arith.constant 0 : i32
    return %c0_i32, %c0_i32_0 : i32, i32
  }
  func.func @transform_34(%arg0: i32) -> (i32, i32) {
    %c0_i32 = arith.constant 0 : i32
    %c0_i32_0 = arith.constant 0 : i32
    %c0_i32_1 = arith.constant 0 : i32
    return %c0_i32, %c0_i32_0 : i32, i32
  }
  func.func @transform_35(%arg0: i32) -> (i32, i32) {
    %c0_i32 = arith.constant 0 : i32
    %c0_i32_0 = arith.constant 0 : i32
    return %arg0, %c0_i32 : i32, i32
  }
  func.func @transform_36(%arg0: i32) -> (i32, i32) {
    %c0_i32 = arith.constant 0 : i32
    %c0_i32_0 = arith.constant 0 : i32
    return %arg0, %c0_i32 : i32, i32
  }
  func.func @transform_37(%arg0: i32) -> (i32, i32) {
    %c0_i32 = arith.constant 0 : i32
    %c0_i32_0 = arith.constant 0 : i32
    return %arg0, %c0_i32 : i32, i32
  }
  func.func @transform_38(%arg0: i32) -> (i32, i32) {
    %c0_i32 = arith.constant 0 : i32
    %c0_i32_0 = arith.constant 0 : i32
    %c0_i32_1 = arith.constant 0 : i32
    return %c0_i32, %c0_i32_0 : i32, i32
  }
}

module attributes {stable_mosaic.version = 14 : i64} {
  func.func @body(%arg0: i32, %arg1: memref<640x4xbf16, #tpu.memory_space<vmem>>, %arg2: memref<640x128xbf16, #tpu.memory_space<vmem>>, %arg3: memref<1x1xf32, #tpu.memory_space<vmem>>, %arg4: memref<4x128xbf16, #tpu.memory_space<vmem>>, %arg5: memref<4x16xbf16, #tpu.memory_space<vmem>>, %arg6: memref<640x128xf32, #tpu.memory_space<vmem>>, %arg7: memref<640x16xf32, #tpu.memory_space<vmem>>) attributes {dimension_semantics = [#tpu.dimension_semantics<arbitrary>], iteration_bounds = array<i64: 122>, scalar_prefetch = 0 : i64, scratch_operands = 0 : i64, tpu.core_type = #tpu.core_type<tc>, window_params = [{transform_indices = @transform_0, window_bounds = array<i64: 640, 4>}, {transform_indices = @transform_1, window_bounds = array<i64: 640, 128>}, {pipeline_mode = #tpu.pipeline_mode<synchronous>, transform_indices = @transform_2, window_bounds = array<i64: 1, 1>}, {pipeline_mode = #tpu.pipeline_mode<synchronous>, transform_indices = @transform_3, window_bounds = array<i64: 4, 128>}, {pipeline_mode = #tpu.pipeline_mode<synchronous>, transform_indices = @transform_4, window_bounds = array<i64: 4, 16>}, {transform_indices = @transform_5, window_bounds = array<i64: 640, 128>}, {transform_indices = @transform_6, window_bounds = array<i64: 640, 16>}]} {
    %get3A = arith.constant 0 : index
    %get3A_0 = arith.constant 0 : index
    %get3A_1 = vector.load %arg1[%get3A, %get3A_0] : memref<640x4xbf16, #tpu.memory_space<vmem>>, vector<640x4xbf16>
    %convert_element_type3A = arith.extf %get3A_1 : vector<640x4xbf16> to vector<640x4xf32>
    %get3A_2 = arith.constant 0 : index
    %get3A_3 = arith.constant 0 : index
    %get3A_4 = vector.load %arg3[%get3A_2, %get3A_3] : memref<1x1xf32, #tpu.memory_space<vmem>>, vector<1x1xf32>
    %sub3A = vector.broadcast %get3A_4 : vector<1x1xf32> to vector<640x4xf32>
    %sub3A_5 = arith.subf %convert_element_type3A, %sub3A : vector<640x4xf32>
    %exp3A = math.exp %sub3A_5 : vector<640x4xf32>
    %get3A_6 = arith.constant 0 : index
    %get3A_7 = arith.constant 0 : index
    %get3A_8 = vector.load %arg4[%get3A_6, %get3A_7] : memref<4x128xbf16, #tpu.memory_space<vmem>>, vector<4x128xbf16>
    %convert_element_type3A_9 = arith.truncf %exp3A : vector<640x4xf32> to vector<640x4xbf16>
    %dot_general3A = arith.constant dense<0.000000e+00> : vector<640x128xf32>
    %dot_general3A_10 = tpu.matmul %convert_element_type3A_9, %get3A_8, %dot_general3A {dimension_numbers = #tpu.dot_dimension_numbers<[1], [0], [0], [1], [0, 0, 1, 1], [], []>, transpose_lhs_hint = false} : vector<640x4xbf16>, vector<4x128xbf16>, vector<640x128xf32> -> vector<640x128xf32>
    %get3A_11 = arith.constant 0 : index
    %get3A_12 = arith.constant 0 : index
    %get3A_13 = vector.load %arg2[%get3A_11, %get3A_12] : memref<640x128xbf16, #tpu.memory_space<vmem>>, vector<640x128xbf16>
    %convert_element_type3A_14 = arith.extf %get3A_13 : vector<640x128xbf16> to vector<640x128xf32>
    %mul3A = arith.mulf %dot_general3A_10, %convert_element_type3A_14 : vector<640x128xf32>
    %swap3A = arith.constant 0 : index
    %swap3A_15 = arith.constant 0 : index
    %swap3A_16 = vector.load %arg6[%swap3A, %swap3A_15] : memref<640x128xf32, #tpu.memory_space<vmem>>, vector<640x128xf32>
    tpu.vector_store %arg6[%swap3A, %swap3A_15], %mul3A {strides = array<i32>} : memref<640x128xf32, #tpu.memory_space<vmem>>, vector<640x128xf32>,
    %get3A_17 = arith.constant 0 : index
    %get3A_18 = arith.constant 0 : index
    %get3A_19 = vector.load %arg5[%get3A_17, %get3A_18] : memref<4x16xbf16, #tpu.memory_space<vmem>>, vector<4x16xbf16>
    %convert_element_type3A_20 = arith.truncf %exp3A : vector<640x4xf32> to vector<640x4xbf16>
    %dot_general3A_21 = arith.constant dense<0.000000e+00> : vector<640x16xf32>
    %dot_general3A_22 = tpu.matmul %convert_element_type3A_20, %get3A_19, %dot_general3A_21 {dimension_numbers = #tpu.dot_dimension_numbers<[1], [0], [0], [1], [0, 0, 1, 1], [], []>, transpose_lhs_hint = false} : vector<640x4xbf16>, vector<4x16xbf16>, vector<640x16xf32> -> vector<640x16xf32>
    %swap3A_23 = arith.constant 0 : index
    %swap3A_24 = arith.constant 0 : index
    %swap3A_25 = vector.load %arg7[%swap3A_23, %swap3A_24] : memref<640x16xf32, #tpu.memory_space<vmem>>, vector<640x16xf32>
    tpu.vector_store %arg7[%swap3A_23, %swap3A_24], %dot_general3A_22 {strides = array<i32>} : memref<640x16xf32, #tpu.memory_space<vmem>>, vector<640x16xf32>,
    return
  }
  func.func @transform_0(%arg0: i32) -> (i32, i32) {
    %c0_i32 = arith.constant 0 : i32
    %c0_i32_0 = arith.constant 0 : i32
    return %arg0, %c0_i32 : i32, i32
  }
  func.func @transform_1(%arg0: i32) -> (i32, i32) {
    %c0_i32 = arith.constant 0 : i32
    %c0_i32_0 = arith.constant 0 : i32
    return %arg0, %c0_i32 : i32, i32
  }
  func.func @transform_2(%arg0: i32) -> (i32, i32) {
    %c0_i32 = arith.constant 0 : i32
    %c0_i32_0 = arith.constant 0 : i32
    %c0_i32_1 = arith.constant 0 : i32
    return %c0_i32, %c0_i32_0 : i32, i32
  }
  func.func @transform_3(%arg0: i32) -> (i32, i32) {
    %c0_i32 = arith.constant 0 : i32
    %c0_i32_0 = arith.constant 0 : i32
    %c0_i32_1 = arith.constant 0 : i32
    return %c0_i32, %c0_i32_0 : i32, i32
  }
  func.func @transform_4(%arg0: i32) -> (i32, i32) {
    %c0_i32 = arith.constant 0 : i32
    %c0_i32_0 = arith.constant 0 : i32
    %c0_i32_1 = arith.constant 0 : i32
    return %c0_i32, %c0_i32_0 : i32, i32
  }
  func.func @transform_5(%arg0: i32) -> (i32, i32) {
    %c0_i32 = arith.constant 0 : i32
    %c0_i32_0 = arith.constant 0 : i32
    return %arg0, %c0_i32 : i32, i32
  }
  func.func @transform_6(%arg0: i32) -> (i32, i32) {
    %c0_i32 = arith.constant 0 : i32
    %c0_i32_0 = arith.constant 0 : i32
    return %arg0, %c0_i32 : i32, i32
  }
}

module attributes {stable_mosaic.version = 14 : i64} {
  func.func @body(%arg0: i32, %arg1: memref<1000x128xf32, #tpu.memory_space<vmem>>, %arg2: memref<1000x128xf32, #tpu.memory_space<vmem>>, %arg3: memref<1000x128xf32, #tpu.memory_space<vmem>>, %arg4: memref<1000x128xf32, #tpu.memory_space<vmem>>, %arg5: memref<1000x16xf32, #tpu.memory_space<vmem>>, %arg6: memref<1000x16xf32, #tpu.memory_space<vmem>>, %arg7: memref<1000x16xf32, #tpu.memory_space<vmem>>, %arg8: memref<1000x16xf32, #tpu.memory_space<vmem>>, %arg9: memref<1x1xf32, #tpu.memory_space<vmem>>, %arg10: memref<1x1xf32, #tpu.memory_space<vmem>>, %arg11: memref<1000x128xf32, #tpu.memory_space<vmem>>, %arg12: memref<1x1x1000xi32, #tpu.memory_space<vmem>>, %arg13: memref<128x128xbf16, #tpu.memory_space<vmem>>, %arg14: memref<1x128xf32, #tpu.memory_space<vmem>>, %arg15: memref<128x128xbf16, #tpu.memory_space<vmem>>, %arg16: memref<128x512xbf16, #tpu.memory_space<vmem>>, %arg17: memref<1x512xf32, #tpu.memory_space<vmem>>, %arg18: memref<512x128xbf16, #tpu.memory_space<vmem>>, %arg19: memref<1x128xf32, #tpu.memory_space<vmem>>, %arg20: memref<1000x128xf32, #tpu.memory_space<vmem>>, %arg21: memref<8x128xf32, #tpu.memory_space<vmem>>, %arg22: memref<8x128xf32, #tpu.memory_space<vmem>>) attributes {dimension_semantics = [#tpu.dimension_semantics<arbitrary>], iteration_bounds = array<i64: 10>, scalar_prefetch = 0 : i64, scratch_operands = 0 : i64, tpu.core_type = #tpu.core_type<tc>, window_params = [{transform_indices = @transform_0, window_bounds = array<i64: 1000, 128>}, {transform_indices = @transform_1, window_bounds = array<i64: 1000, 128>}, {transform_indices = @transform_2, window_bounds = array<i64: 1000, 128>}, {transform_indices = @transform_3, window_bounds = array<i64: 1000, 128>}, {transform_indices = @transform_4, window_bounds = array<i64: 1000, 16>}, {transform_indices = @transform_5, window_bounds = array<i64: 1000, 16>}, {transform_indices = @transform_6, window_bounds = array<i64: 1000, 16>}, {transform_indices = @transform_7, window_bounds = array<i64: 1000, 16>}, {pipeline_mode = #tpu.pipeline_mode<synchronous>, transform_indices = @transform_8, window_bounds = array<i64: 1, 1>}, {pipeline_mode = #tpu.pipeline_mode<synchronous>, transform_indices = @transform_9, window_bounds = array<i64: 1, 1>}, {transform_indices = @transform_10, window_bounds = array<i64: 1000, 128>}, {transform_indices = @transform_11, window_bounds = array<i64: 1, 1, 1000>}, {pipeline_mode = #tpu.pipeline_mode<synchronous>, transform_indices = @transform_12, window_bounds = array<i64: 128, 128>}, {pipeline_mode = #tpu.pipeline_mode<synchronous>, transform_indices = @transform_13, window_bounds = array<i64: 1, 128>}, {pipeline_mode = #tpu.pipeline_mode<synchronous>, transform_indices = @transform_14, window_bounds = array<i64: 128, 128>}, {pipeline_mode = #tpu.pipeline_mode<synchronous>, transform_indices = @transform_15, window_bounds = array<i64: 128, 512>}, {pipeline_mode = #tpu.pipeline_mode<synchronous>, transform_indices = @transform_16, window_bounds = array<i64: 1, 512>}, {pipeline_mode = #tpu.pipeline_mode<synchronous>, transform_indices = @transform_17, window_bounds = array<i64: 512, 128>}, {pipeline_mode = #tpu.pipeline_mode<synchronous>, transform_indices = @transform_18, window_bounds = array<i64: 1, 128>}, {transform_indices = @transform_19, window_bounds = array<i64: 1000, 128>}, {pipeline_mode = #tpu.pipeline_mode<synchronous>, transform_indices = @transform_20, window_bounds = array<i64: 8, 128>}, {pipeline_mode = #tpu.pipeline_mode<synchronous>, transform_indices = @transform_21, window_bounds = array<i64: 8, 128>}]} {
    %get3A = arith.constant 0 : index
    %get3A_0 = arith.constant 0 : index
    %get3A_1 = vector.load %arg9[%get3A, %get3A_0] : memref<1x1xf32, #tpu.memory_space<vmem>>, vector<1x1xf32>
    %get3A_2 = arith.constant 0 : index
    %get3A_3 = arith.constant 0 : index
    %get3A_4 = vector.load %arg10[%get3A_2, %get3A_3] : memref<1x1xf32, #tpu.memory_space<vmem>>, vector<1x1xf32>
    %max3A = arith.maximumf %get3A_1, %get3A_4 : vector<1x1xf32>
    %get3A_5 = arith.constant 0 : index
    %get3A_6 = arith.constant 0 : index
    %get3A_7 = vector.load %arg9[%get3A_5, %get3A_6] : memref<1x1xf32, #tpu.memory_space<vmem>>, vector<1x1xf32>
    %sub3A = arith.subf %get3A_7, %max3A : vector<1x1xf32>
    %exp3A = math.exp %sub3A : vector<1x1xf32>
    %get3A_8 = arith.constant 0 : index
    %get3A_9 = arith.constant 0 : index
    %get3A_10 = vector.load %arg10[%get3A_8, %get3A_9] : memref<1x1xf32, #tpu.memory_space<vmem>>, vector<1x1xf32>
    %sub3A_11 = arith.subf %get3A_10, %max3A : vector<1x1xf32>
    %exp3A_12 = math.exp %sub3A_11 : vector<1x1xf32>
    %get3A_13 = arith.constant 0 : index
    %get3A_14 = arith.constant 0 : index
    %get3A_15 = vector.load %arg1[%get3A_13, %get3A_14] : memref<1000x128xf32, #tpu.memory_space<vmem>>, vector<1000x128xf32>
    %mul3A = vector.broadcast %exp3A : vector<1x1xf32> to vector<1000x128xf32>
    %mul3A_16 = arith.mulf %get3A_15, %mul3A : vector<1000x128xf32>
    %get3A_17 = arith.constant 0 : index
    %get3A_18 = arith.constant 0 : index
    %get3A_19 = vector.load %arg2[%get3A_17, %get3A_18] : memref<1000x128xf32, #tpu.memory_space<vmem>>, vector<1000x128xf32>
    %mul3A_20 = vector.broadcast %exp3A : vector<1x1xf32> to vector<1000x128xf32>
    %mul3A_21 = arith.mulf %get3A_19, %mul3A_20 : vector<1000x128xf32>
    %add3A = arith.addf %mul3A_16, %mul3A_21 : vector<1000x128xf32>
    %get3A_22 = arith.constant 0 : index
    %get3A_23 = arith.constant 0 : index
    %get3A_24 = vector.load %arg3[%get3A_22, %get3A_23] : memref<1000x128xf32, #tpu.memory_space<vmem>>, vector<1000x128xf32>
    %mul3A_25 = vector.broadcast %exp3A_12 : vector<1x1xf32> to vector<1000x128xf32>
    %mul3A_26 = arith.mulf %get3A_24, %mul3A_25 : vector<1000x128xf32>
    %add3A_27 = arith.addf %add3A, %mul3A_26 : vector<1000x128xf32>
    %get3A_28 = arith.constant 0 : index
    %get3A_29 = arith.constant 0 : index
    %get3A_30 = vector.load %arg4[%get3A_28, %get3A_29] : memref<1000x128xf32, #tpu.memory_space<vmem>>, vector<1000x128xf32>
    %mul3A_31 = vector.broadcast %exp3A_12 : vector<1x1xf32> to vector<1000x128xf32>
    %mul3A_32 = arith.mulf %get3A_30, %mul3A_31 : vector<1000x128xf32>
    %add3A_33 = arith.addf %add3A_27, %mul3A_32 : vector<1000x128xf32>
    %get3A_34 = arith.constant 0 : index
    %get3A_35 = arith.constant 0 : index
    %get3A_36 = vector.load %arg5[%get3A_34, %get3A_35] : memref<1000x16xf32, #tpu.memory_space<vmem>>, vector<1000x16xf32>
    %slice3A = vector.extract_strided_slice %get3A_36 {offsets = [0, 0], sizes = [1000, 4], strides = [1, 1]} : vector<1000x16xf32> to vector<1000x4xf32>
    %mul3A_37 = vector.broadcast %exp3A : vector<1x1xf32> to vector<1000x4xf32>
    %mul3A_38 = arith.mulf %slice3A, %mul3A_37 : vector<1000x4xf32>
    %get3A_39 = arith.constant 0 : index
    %get3A_40 = arith.constant 0 : index
    %get3A_41 = vector.load %arg6[%get3A_39, %get3A_40] : memref<1000x16xf32, #tpu.memory_space<vmem>>, vector<1000x16xf32>
    %slice3A_42 = vector.extract_strided_slice %get3A_41 {offsets = [0, 0], sizes = [1000, 4], strides = [1, 1]} : vector<1000x16xf32> to vector<1000x4xf32>
    %mul3A_43 = vector.broadcast %exp3A : vector<1x1xf32> to vector<1000x4xf32>
    %mul3A_44 = arith.mulf %slice3A_42, %mul3A_43 : vector<1000x4xf32>
    %add3A_45 = arith.addf %mul3A_38, %mul3A_44 : vector<1000x4xf32>
    %get3A_46 = arith.constant 0 : index
    %get3A_47 = arith.constant 0 : index
    %get3A_48 = vector.load %arg7[%get3A_46, %get3A_47] : memref<1000x16xf32, #tpu.memory_space<vmem>>, vector<1000x16xf32>
    %slice3A_49 = vector.extract_strided_slice %get3A_48 {offsets = [0, 0], sizes = [1000, 4], strides = [1, 1]} : vector<1000x16xf32> to vector<1000x4xf32>
    %mul3A_50 = vector.broadcast %exp3A_12 : vector<1x1xf32> to vector<1000x4xf32>
    %mul3A_51 = arith.mulf %slice3A_49, %mul3A_50 : vector<1000x4xf32>
    %add3A_52 = arith.addf %add3A_45, %mul3A_51 : vector<1000x4xf32>
    %get3A_53 = arith.constant 0 : index
    %get3A_54 = arith.constant 0 : index
    %get3A_55 = vector.load %arg8[%get3A_53, %get3A_54] : memref<1000x16xf32, #tpu.memory_space<vmem>>, vector<1000x16xf32>
    %slice3A_56 = vector.extract_strided_slice %get3A_55 {offsets = [0, 0], sizes = [1000, 4], strides = [1, 1]} : vector<1000x16xf32> to vector<1000x4xf32>
    %mul3A_57 = vector.broadcast %exp3A_12 : vector<1x1xf32> to vector<1000x4xf32>
    %mul3A_58 = arith.mulf %slice3A_56, %mul3A_57 : vector<1000x4xf32>
    %add3A_59 = arith.addf %add3A_52, %mul3A_58 : vector<1000x4xf32>
    %slice3A_60 = vector.extract_strided_slice %add3A_59 {offsets = [0, 0], sizes = [1000, 1], strides = [1, 1]} : vector<1000x4xf32> to vector<1000x1xf32>
    %slice3A_61 = vector.extract_strided_slice %add3A_33 {offsets = [0, 0], sizes = [1000, 32], strides = [1, 1]} : vector<1000x128xf32> to vector<1000x32xf32>
    %gt3A = arith.constant 0.000000e+00 : f32
    %gt3A_62 = vector.broadcast %gt3A : f32 to vector<1000x1xf32>
    %gt3A_63 = arith.cmpf ogt, %slice3A_60, %gt3A_62 : vector<1000x1xf32>
    %jit3A = arith.constant 1.000000e+00 : f32
    %broadcast_in_dim3A = vector.broadcast %jit3A : f32 to vector<1000x1xf32>
    %select_n3A = arith.select %gt3A_63, %slice3A_60, %broadcast_in_dim3A : vector<1000x1xi1>, vector<1000x1xf32>
    %div3A = vector.broadcast %select_n3A : vector<1000x1xf32> to vector<1000x32xf32>
    %div3A_64 = arith.divf %slice3A_61, %div3A : vector<1000x32xf32>
    %slice3A_65 = vector.extract_strided_slice %add3A_59 {offsets = [0, 1], sizes = [1000, 1], strides = [1, 1]} : vector<1000x4xf32> to vector<1000x1xf32>
    %slice3A_66 = vector.extract_strided_slice %add3A_33 {offsets = [0, 32], sizes = [1000, 32], strides = [1, 1]} : vector<1000x128xf32> to vector<1000x32xf32>
    %gt3A_67 = arith.constant 0.000000e+00 : f32
    %gt3A_68 = vector.broadcast %gt3A_67 : f32 to vector<1000x1xf32>
    %gt3A_69 = arith.cmpf ogt, %slice3A_65, %gt3A_68 : vector<1000x1xf32>
    %jit3A_70 = arith.constant 1.000000e+00 : f32
    %broadcast_in_dim3A_71 = vector.broadcast %jit3A_70 : f32 to vector<1000x1xf32>
    %select_n3A_72 = arith.select %gt3A_69, %slice3A_65, %broadcast_in_dim3A_71 : vector<1000x1xi1>, vector<1000x1xf32>
    %div3A_73 = vector.broadcast %select_n3A_72 : vector<1000x1xf32> to vector<1000x32xf32>
    %div3A_74 = arith.divf %slice3A_66, %div3A_73 : vector<1000x32xf32>
    %slice3A_75 = vector.extract_strided_slice %add3A_59 {offsets = [0, 2], sizes = [1000, 1], strides = [1, 1]} : vector<1000x4xf32> to vector<1000x1xf32>
    %slice3A_76 = vector.extract_strided_slice %add3A_33 {offsets = [0, 64], sizes = [1000, 32], strides = [1, 1]} : vector<1000x128xf32> to vector<1000x32xf32>
    %gt3A_77 = arith.constant 0.000000e+00 : f32
    %gt3A_78 = vector.broadcast %gt3A_77 : f32 to vector<1000x1xf32>
    %gt3A_79 = arith.cmpf ogt, %slice3A_75, %gt3A_78 : vector<1000x1xf32>
    %jit3A_80 = arith.constant 1.000000e+00 : f32
    %broadcast_in_dim3A_81 = vector.broadcast %jit3A_80 : f32 to vector<1000x1xf32>
    %select_n3A_82 = arith.select %gt3A_79, %slice3A_75, %broadcast_in_dim3A_81 : vector<1000x1xi1>, vector<1000x1xf32>
    %div3A_83 = vector.broadcast %select_n3A_82 : vector<1000x1xf32> to vector<1000x32xf32>
    %div3A_84 = arith.divf %slice3A_76, %div3A_83 : vector<1000x32xf32>
    %slice3A_85 = vector.extract_strided_slice %add3A_59 {offsets = [0, 3], sizes = [1000, 1], strides = [1, 1]} : vector<1000x4xf32> to vector<1000x1xf32>
    %slice3A_86 = vector.extract_strided_slice %add3A_33 {offsets = [0, 96], sizes = [1000, 32], strides = [1, 1]} : vector<1000x128xf32> to vector<1000x32xf32>
    %gt3A_87 = arith.constant 0.000000e+00 : f32
    %gt3A_88 = vector.broadcast %gt3A_87 : f32 to vector<1000x1xf32>
    %gt3A_89 = arith.cmpf ogt, %slice3A_85, %gt3A_88 : vector<1000x1xf32>
    %jit3A_90 = arith.constant 1.000000e+00 : f32
    %broadcast_in_dim3A_91 = vector.broadcast %jit3A_90 : f32 to vector<1000x1xf32>
    %select_n3A_92 = arith.select %gt3A_89, %slice3A_85, %broadcast_in_dim3A_91 : vector<1000x1xi1>, vector<1000x1xf32>
    %div3A_93 = vector.broadcast %select_n3A_92 : vector<1000x1xf32> to vector<1000x32xf32>
    %div3A_94 = arith.divf %slice3A_86, %div3A_93 : vector<1000x32xf32>
    %concatenate3A = tpu.concatenate %div3A_64, %div3A_74, %div3A_84, %div3A_94 in 1 : vector<1000x32xf32>, vector<1000x32xf32>, vector<1000x32xf32>, vector<1000x32xf32> -> vector<1000x128xf32>
    %get3A_95 = arith.constant 0 : index
    %get3A_96 = arith.constant 0 : index
    %get3A_97 = vector.load %arg13[%get3A_95, %get3A_96] : memref<128x128xbf16, #tpu.memory_space<vmem>>, vector<128x128xbf16>
    %convert_element_type3A = arith.truncf %concatenate3A : vector<1000x128xf32> to vector<1000x128xbf16>
    %dot_general3A = arith.constant dense<0.000000e+00> : vector<1000x128xf32>
    %dot_general3A_98 = tpu.matmul %convert_element_type3A, %get3A_97, %dot_general3A {dimension_numbers = #tpu.dot_dimension_numbers<[1], [0], [0], [1], [0, 0, 1, 1], [], []>, transpose_lhs_hint = false} : vector<1000x128xbf16>, vector<128x128xbf16>, vector<1000x128xf32> -> vector<1000x128xf32>
    %get3A_99 = arith.constant 0 : index
    %get3A_100 = arith.constant 0 : index
    %get3A_101 = vector.load %arg14[%get3A_99, %get3A_100] : memref<1x128xf32, #tpu.memory_space<vmem>>, vector<1x128xf32>
    %add3A_102 = vector.broadcast %get3A_101 : vector<1x128xf32> to vector<1000x128xf32>
    %add3A_103 = arith.addf %dot_general3A_98, %add3A_102 : vector<1000x128xf32>
    %logistic3A = arith.negf %add3A_103 : vector<1000x128xf32>
    %logistic3A_104 = math.exp %logistic3A : vector<1000x128xf32>
    %logistic3A_105 = arith.constant 1.000000e+00 : f32
    %logistic3A_106 = vector.broadcast %logistic3A_105 : f32 to vector<1000x128xf32>
    %logistic3A_107 = arith.addf %logistic3A_106, %logistic3A_104 : vector<1000x128xf32>
    %logistic3A_108 = arith.divf %logistic3A_106, %logistic3A_107 : vector<1000x128xf32>
    %get3A_109 = arith.constant 0 : index
    %get3A_110 = arith.constant 0 : index
    %get3A_111 = vector.load %arg11[%get3A_109, %get3A_110] : memref<1000x128xf32, #tpu.memory_space<vmem>>, vector<1000x128xf32>
    %get3A_112 = arith.constant 0 : index
    %get3A_113 = arith.constant 0 : index
    %get3A_114 = vector.load %arg15[%get3A_112, %get3A_113] : memref<128x128xbf16, #tpu.memory_space<vmem>>, vector<128x128xbf16>
    %convert_element_type3A_115 = arith.truncf %concatenate3A : vector<1000x128xf32> to vector<1000x128xbf16>
    %dot_general3A_116 = arith.constant dense<0.000000e+00> : vector<1000x128xf32>
    %dot_general3A_117 = tpu.matmul %convert_element_type3A_115, %get3A_114, %dot_general3A_116 {dimension_numbers = #tpu.dot_dimension_numbers<[1], [0], [0], [1], [0, 0, 1, 1], [], []>, transpose_lhs_hint = false} : vector<1000x128xbf16>, vector<128x128xbf16>, vector<1000x128xf32> -> vector<1000x128xf32>
    %mul3A_118 = arith.mulf %dot_general3A_117, %logistic3A_108 : vector<1000x128xf32>
    %add3A_119 = arith.addf %get3A_111, %mul3A_118 : vector<1000x128xf32>
    %get3A_120 = arith.constant 0 : index
    %get3A_121 = arith.constant 0 : index
    %get3A_122 = vector.load %arg16[%get3A_120, %get3A_121] : memref<128x512xbf16, #tpu.memory_space<vmem>>, vector<128x512xbf16>
    %convert_element_type3A_123 = arith.truncf %add3A_119 : vector<1000x128xf32> to vector<1000x128xbf16>
    %dot_general3A_124 = arith.constant dense<0.000000e+00> : vector<1000x512xf32>
    %dot_general3A_125 = tpu.matmul %convert_element_type3A_123, %get3A_122, %dot_general3A_124 {dimension_numbers = #tpu.dot_dimension_numbers<[1], [0], [0], [1], [0, 0, 1, 1], [], []>, transpose_lhs_hint = false} : vector<1000x128xbf16>, vector<128x512xbf16>, vector<1000x512xf32> -> vector<1000x512xf32>
    %get3A_126 = arith.constant 0 : index
    %get3A_127 = arith.constant 0 : index
    %get3A_128 = vector.load %arg17[%get3A_126, %get3A_127] : memref<1x512xf32, #tpu.memory_space<vmem>>, vector<1x512xf32>
    %add3A_129 = vector.broadcast %get3A_128 : vector<1x512xf32> to vector<1000x512xf32>
    %add3A_130 = arith.addf %dot_general3A_125, %add3A_129 : vector<1000x512xf32>
    %max3A_131 = arith.constant 0.000000e+00 : f32
    %max3A_132 = vector.broadcast %max3A_131 : f32 to vector<1000x512xf32>
    %max3A_133 = arith.maximumf %add3A_130, %max3A_132 : vector<1000x512xf32>
    %get3A_134 = arith.constant 0 : index
    %get3A_135 = arith.constant 0 : index
    %get3A_136 = vector.load %arg18[%get3A_134, %get3A_135] : memref<512x128xbf16, #tpu.memory_space<vmem>>, vector<512x128xbf16>
    %convert_element_type3A_137 = arith.truncf %max3A_133 : vector<1000x512xf32> to vector<1000x512xbf16>
    %dot_general3A_138 = arith.constant dense<0.000000e+00> : vector<1000x128xf32>
    %dot_general3A_139 = tpu.matmul %convert_element_type3A_137, %get3A_136, %dot_general3A_138 {dimension_numbers = #tpu.dot_dimension_numbers<[1], [0], [0], [1], [0, 0, 1, 1], [], []>, transpose_lhs_hint = false} : vector<1000x512xbf16>, vector<512x128xbf16>, vector<1000x128xf32> -> vector<1000x128xf32>
    %add3A_140 = arith.addf %add3A_119, %dot_general3A_139 : vector<1000x128xf32>
    %get3A_141 = arith.constant 0 : index
    %get3A_142 = arith.constant 0 : index
    %get3A_143 = vector.load %arg19[%get3A_141, %get3A_142] : memref<1x128xf32, #tpu.memory_space<vmem>>, vector<1x128xf32>
    %add3A_144 = vector.broadcast %get3A_143 : vector<1x128xf32> to vector<1000x128xf32>
    %add3A_145 = arith.addf %add3A_140, %add3A_144 : vector<1000x128xf32>
    %swap3A = arith.constant 0 : index
    %swap3A_146 = arith.constant 0 : index
    %swap3A_147 = vector.load %arg20[%swap3A, %swap3A_146] : memref<1000x128xf32, #tpu.memory_space<vmem>>, vector<1000x128xf32>
    tpu.vector_store %arg20[%swap3A, %swap3A_146], %add3A_145 {strides = array<i32>} : memref<1000x128xf32, #tpu.memory_space<vmem>>, vector<1000x128xf32>,
    %get3A_148 = arith.constant 0 : index
    %get3A_149 = arith.constant 0 : index
    %get3A_150 = arith.constant 0 : index
    %get3A_151 = vector.load %arg12[%get3A_148, %get3A_149, %get3A_150] : memref<1x1x1000xi32, #tpu.memory_space<vmem>>, vector<1x1x1000xi32>
    %get3A_152 = vector.shape_cast %get3A_151 : vector<1x1x1000xi32> to vector<1x1000xi32>
    %iota3A = tpu.iota {dimensions = array<i32: 0>} : vector<8x1000xi32>
    %eq3A = vector.broadcast %get3A_152 : vector<1x1000xi32> to vector<8x1000xi32>
    %eq3A_153 = arith.cmpi eq, %iota3A, %eq3A : vector<8x1000xi32>
    %convert_element_type3A_154 = arith.extui %eq3A_153 : vector<8x1000xi1> to vector<8x1000xi32>
    %convert_element_type3A_155 = arith.sitofp %convert_element_type3A_154 : vector<8x1000xi32> to vector<8x1000xf32>
    %eq3A_156 = arith.constant 0 : i32
    %eq3A_157 = arith.cmpi eq, %arg0, %eq3A_156 : i32
    %convert_element_type3A_158 = arith.extui %eq3A_157 : i1 to i32
    %cond3A = arith.constant 0 : i32
    %cond3A_159 = arith.cmpi ne, %convert_element_type3A_158, %cond3A : i32
    scf.if %cond3A_159 {
      %broadcast_in_dim3A_184 = arith.constant 0.000000e+00 : f32
      %broadcast_in_dim3A_185 = vector.broadcast %broadcast_in_dim3A_184 : f32 to vector<8x128xf32>
      %swap3A_186 = arith.constant 0 : index
      %swap3A_187 = arith.constant 0 : index
      %swap3A_188 = vector.load %arg21[%swap3A_186, %swap3A_187] : memref<8x128xf32, #tpu.memory_space<vmem>>, vector<8x128xf32>
      tpu.vector_store %arg21[%swap3A_186, %swap3A_187], %broadcast_in_dim3A_185 {strides = array<i32>} : memref<8x128xf32, #tpu.memory_space<vmem>>, vector<8x128xf32>,
      %broadcast_in_dim3A_189 = arith.constant 0.000000e+00 : f32
      %broadcast_in_dim3A_190 = vector.broadcast %broadcast_in_dim3A_189 : f32 to vector<8x128xf32>
      %swap3A_191 = arith.constant 0 : index
      %swap3A_192 = arith.constant 0 : index
      %swap3A_193 = vector.load %arg22[%swap3A_191, %swap3A_192] : memref<8x128xf32, #tpu.memory_space<vmem>>, vector<8x128xf32>
      tpu.vector_store %arg22[%swap3A_191, %swap3A_192], %broadcast_in_dim3A_190 {strides = array<i32>} : memref<8x128xf32, #tpu.memory_space<vmem>>, vector<8x128xf32>,
    } else {
    }
    %get3A_160 = arith.constant 0 : index
    %get3A_161 = arith.constant 0 : index
    %get3A_162 = vector.load %arg21[%get3A_160, %get3A_161] : memref<8x128xf32, #tpu.memory_space<vmem>>, vector<8x128xf32>
    %convert_element_type3A_163 = arith.truncf %convert_element_type3A_155 : vector<8x1000xf32> to vector<8x1000xbf16>
    %convert_element_type3A_164 = arith.truncf %add3A_145 : vector<1000x128xf32> to vector<1000x128xbf16>
    %dot_general3A_165 = arith.constant dense<0.000000e+00> : vector<8x128xf32>
    %dot_general3A_166 = tpu.matmul %convert_element_type3A_163, %convert_element_type3A_164, %dot_general3A_165 {dimension_numbers = #tpu.dot_dimension_numbers<[1], [0], [0], [1], [0, 0, 1, 1], [], []>, transpose_lhs_hint = false} : vector<8x1000xbf16>, vector<1000x128xbf16>, vector<8x128xf32> -> vector<8x128xf32>
    %add3A_167 = arith.addf %get3A_162, %dot_general3A_166 : vector<8x128xf32>
    %swap3A_168 = arith.constant 0 : index
    %swap3A_169 = arith.constant 0 : index
    %swap3A_170 = vector.load %arg21[%swap3A_168, %swap3A_169] : memref<8x128xf32, #tpu.memory_space<vmem>>, vector<8x128xf32>
    tpu.vector_store %arg21[%swap3A_168, %swap3A_169], %add3A_167 {strides = array<i32>} : memref<8x128xf32, #tpu.memory_space<vmem>>, vector<8x128xf32>,
    %get3A_171 = arith.constant 0 : index
    %get3A_172 = arith.constant 0 : index
    %get3A_173 = vector.load %arg22[%get3A_171, %get3A_172] : memref<8x128xf32, #tpu.memory_space<vmem>>, vector<8x128xf32>
    %broadcast_in_dim3A_174 = arith.constant 1.000000e+00 : f32
    %broadcast_in_dim3A_175 = vector.broadcast %broadcast_in_dim3A_174 : f32 to vector<1000x128xf32>
    %convert_element_type3A_176 = arith.truncf %convert_element_type3A_155 : vector<8x1000xf32> to vector<8x1000xbf16>
    %convert_element_type3A_177 = arith.truncf %broadcast_in_dim3A_175 : vector<1000x128xf32> to vector<1000x128xbf16>
    %dot_general3A_178 = arith.constant dense<0.000000e+00> : vector<8x128xf32>
    %dot_general3A_179 = tpu.matmul %convert_element_type3A_176, %convert_element_type3A_177, %dot_general3A_178 {dimension_numbers = #tpu.dot_dimension_numbers<[1], [0], [0], [1], [0, 0, 1, 1], [], []>, transpose_lhs_hint = false} : vector<8x1000xbf16>, vector<1000x128xbf16>, vector<8x128xf32> -> vector<8x128xf32>
    %add3A_180 = arith.addf %get3A_173, %dot_general3A_179 : vector<8x128xf32>
    %swap3A_181 = arith.constant 0 : index
    %swap3A_182 = arith.constant 0 : index
    %swap3A_183 = vector.load %arg22[%swap3A_181, %swap3A_182] : memref<8x128xf32, #tpu.memory_space<vmem>>, vector<8x128xf32>
    tpu.vector_store %arg22[%swap3A_181, %swap3A_182], %add3A_180 {strides = array<i32>} : memref<8x128xf32, #tpu.memory_space<vmem>>, vector<8x128xf32>,
    return
  }
  func.func @transform_0(%arg0: i32) -> (i32, i32) {
    %c0_i32 = arith.constant 0 : i32
    %c0_i32_0 = arith.constant 0 : i32
    return %arg0, %c0_i32 : i32, i32
  }
  func.func @transform_1(%arg0: i32) -> (i32, i32) {
    %c0_i32 = arith.constant 0 : i32
    %c0_i32_0 = arith.constant 0 : i32
    return %arg0, %c0_i32 : i32, i32
  }
  func.func @transform_2(%arg0: i32) -> (i32, i32) {
    %c0_i32 = arith.constant 0 : i32
    %c0_i32_0 = arith.constant 0 : i32
    return %arg0, %c0_i32 : i32, i32
  }
  func.func @transform_3(%arg0: i32) -> (i32, i32) {
    %c0_i32 = arith.constant 0 : i32
    %c0_i32_0 = arith.constant 0 : i32
    return %arg0, %c0_i32 : i32, i32
  }
  func.func @transform_4(%arg0: i32) -> (i32, i32) {
    %c0_i32 = arith.constant 0 : i32
    %c0_i32_0 = arith.constant 0 : i32
    return %arg0, %c0_i32 : i32, i32
  }
  func.func @transform_5(%arg0: i32) -> (i32, i32) {
    %c0_i32 = arith.constant 0 : i32
    %c0_i32_0 = arith.constant 0 : i32
    return %arg0, %c0_i32 : i32, i32
  }
  func.func @transform_6(%arg0: i32) -> (i32, i32) {
    %c0_i32 = arith.constant 0 : i32
    %c0_i32_0 = arith.constant 0 : i32
    return %arg0, %c0_i32 : i32, i32
  }
  func.func @transform_7(%arg0: i32) -> (i32, i32) {
    %c0_i32 = arith.constant 0 : i32
    %c0_i32_0 = arith.constant 0 : i32
    return %arg0, %c0_i32 : i32, i32
  }
  func.func @transform_8(%arg0: i32) -> (i32, i32) {
    %c0_i32 = arith.constant 0 : i32
    %c0_i32_0 = arith.constant 0 : i32
    %c0_i32_1 = arith.constant 0 : i32
    return %c0_i32, %c0_i32_0 : i32, i32
  }
  func.func @transform_9(%arg0: i32) -> (i32, i32) {
    %c0_i32 = arith.constant 0 : i32
    %c0_i32_0 = arith.constant 0 : i32
    %c0_i32_1 = arith.constant 0 : i32
    return %c0_i32, %c0_i32_0 : i32, i32
  }
  func.func @transform_10(%arg0: i32) -> (i32, i32) {
    %c0_i32 = arith.constant 0 : i32
    %c0_i32_0 = arith.constant 0 : i32
    return %arg0, %c0_i32 : i32, i32
  }
  func.func @transform_11(%arg0: i32) -> (i32, i32, i32) {
    %c0_i32 = arith.constant 0 : i32
    %c0_i32_0 = arith.constant 0 : i32
    %c0_i32_1 = arith.constant 0 : i32
    return %arg0, %c0_i32, %c0_i32_0 : i32, i32, i32
  }
  func.func @transform_12(%arg0: i32) -> (i32, i32) {
    %c0_i32 = arith.constant 0 : i32
    %c0_i32_0 = arith.constant 0 : i32
    %c0_i32_1 = arith.constant 0 : i32
    return %c0_i32, %c0_i32_0 : i32, i32
  }
  func.func @transform_13(%arg0: i32) -> (i32, i32) {
    %c0_i32 = arith.constant 0 : i32
    %c0_i32_0 = arith.constant 0 : i32
    %c0_i32_1 = arith.constant 0 : i32
    return %c0_i32, %c0_i32_0 : i32, i32
  }
  func.func @transform_14(%arg0: i32) -> (i32, i32) {
    %c0_i32 = arith.constant 0 : i32
    %c0_i32_0 = arith.constant 0 : i32
    %c0_i32_1 = arith.constant 0 : i32
    return %c0_i32, %c0_i32_0 : i32, i32
  }
  func.func @transform_15(%arg0: i32) -> (i32, i32) {
    %c0_i32 = arith.constant 0 : i32
    %c0_i32_0 = arith.constant 0 : i32
    %c0_i32_1 = arith.constant 0 : i32
    return %c0_i32, %c0_i32_0 : i32, i32
  }
  func.func @transform_16(%arg0: i32) -> (i32, i32) {
    %c0_i32 = arith.constant 0 : i32
    %c0_i32_0 = arith.constant 0 : i32
    %c0_i32_1 = arith.constant 0 : i32
    return %c0_i32, %c0_i32_0 : i32, i32
  }
  func.func @transform_17(%arg0: i32) -> (i32, i32) {
    %c0_i32 = arith.constant 0 : i32
    %c0_i32_0 = arith.constant 0 : i32
    %c0_i32_1 = arith.constant 0 : i32
    return %c0_i32, %c0_i32_0 : i32, i32
  }
  func.func @transform_18(%arg0: i32) -> (i32, i32) {
    %c0_i32 = arith.constant 0 : i32
    %c0_i32_0 = arith.constant 0 : i32
    %c0_i32_1 = arith.constant 0 : i32
    return %c0_i32, %c0_i32_0 : i32, i32
  }
  func.func @transform_19(%arg0: i32) -> (i32, i32) {
    %c0_i32 = arith.constant 0 : i32
    %c0_i32_0 = arith.constant 0 : i32
    return %arg0, %c0_i32 : i32, i32
  }
  func.func @transform_20(%arg0: i32) -> (i32, i32) {
    %c0_i32 = arith.constant 0 : i32
    %c0_i32_0 = arith.constant 0 : i32
    %c0_i32_1 = arith.constant 0 : i32
    return %c0_i32, %c0_i32_0 : i32, i32
  }
  func.func @transform_21(%arg0: i32) -> (i32, i32) {
    %c0_i32 = arith.constant 0 : i32
    %c0_i32_0 = arith.constant 0 : i32
    %c0_i32_1 = arith.constant 0 : i32
    return %c0_i32, %c0_i32_0 : i32, i32
  }
}

module attributes {stable_mosaic.version = 14 : i64} {
  func.func @body(%arg0: i32, %arg1: memref<1000x128xf32, #tpu.memory_space<vmem>>, %arg2: memref<1000x1xi32, #tpu.memory_space<vmem>>, %arg3: memref<8x128xf32, #tpu.memory_space<vmem>>, %arg4: memref<8x128xf32, #tpu.memory_space<vmem>>, %arg5: memref<128x128xbf16, #tpu.memory_space<vmem>>, %arg6: memref<1x128xf32, #tpu.memory_space<vmem>>, %arg7: memref<128x128xbf16, #tpu.memory_space<vmem>>, %arg8: memref<1x128xf32, #tpu.memory_space<vmem>>, %arg9: memref<128x128xbf16, #tpu.memory_space<vmem>>, %arg10: memref<1x128xf32, #tpu.memory_space<vmem>>, %arg11: memref<1000x128xf32, #tpu.memory_space<vmem>>) attributes {dimension_semantics = [#tpu.dimension_semantics<arbitrary>], iteration_bounds = array<i64: 10>, scalar_prefetch = 0 : i64, scratch_operands = 0 : i64, tpu.core_type = #tpu.core_type<tc>, window_params = [{transform_indices = @transform_0, window_bounds = array<i64: 1000, 128>}, {transform_indices = @transform_1, window_bounds = array<i64: 1000, 1>}, {pipeline_mode = #tpu.pipeline_mode<synchronous>, transform_indices = @transform_2, window_bounds = array<i64: 8, 128>}, {pipeline_mode = #tpu.pipeline_mode<synchronous>, transform_indices = @transform_3, window_bounds = array<i64: 8, 128>}, {pipeline_mode = #tpu.pipeline_mode<synchronous>, transform_indices = @transform_4, window_bounds = array<i64: 128, 128>}, {pipeline_mode = #tpu.pipeline_mode<synchronous>, transform_indices = @transform_5, window_bounds = array<i64: 1, 128>}, {pipeline_mode = #tpu.pipeline_mode<synchronous>, transform_indices = @transform_6, window_bounds = array<i64: 128, 128>}, {pipeline_mode = #tpu.pipeline_mode<synchronous>, transform_indices = @transform_7, window_bounds = array<i64: 1, 128>}, {pipeline_mode = #tpu.pipeline_mode<synchronous>, transform_indices = @transform_8, window_bounds = array<i64: 128, 128>}, {pipeline_mode = #tpu.pipeline_mode<synchronous>, transform_indices = @transform_9, window_bounds = array<i64: 1, 128>}, {transform_indices = @transform_10, window_bounds = array<i64: 1000, 128>}]} {
    %get3A = arith.constant 0 : index
    %get3A_0 = arith.constant 0 : index
    %get3A_1 = vector.load %arg3[%get3A, %get3A_0] : memref<8x128xf32, #tpu.memory_space<vmem>>, vector<8x128xf32>
    %get3A_2 = arith.constant 0 : index
    %get3A_3 = arith.constant 0 : index
    %get3A_4 = vector.load %arg4[%get3A_2, %get3A_3] : memref<8x128xf32, #tpu.memory_space<vmem>>, vector<8x128xf32>
    %max3A = arith.constant 1.000000e+00 : f32
    %max3A_5 = vector.broadcast %max3A : f32 to vector<8x128xf32>
    %max3A_6 = arith.maximumf %get3A_4, %max3A_5 : vector<8x128xf32>
    %div3A = arith.divf %get3A_1, %max3A_6 : vector<8x128xf32>
    %get3A_7 = arith.constant 0 : index
    %get3A_8 = arith.constant 0 : index
    %get3A_9 = vector.load %arg5[%get3A_7, %get3A_8] : memref<128x128xbf16, #tpu.memory_space<vmem>>, vector<128x128xbf16>
    %convert_element_type3A = arith.truncf %div3A : vector<8x128xf32> to vector<8x128xbf16>
    %dot_general3A = arith.constant dense<0.000000e+00> : vector<8x128xf32>
    %dot_general3A_10 = tpu.matmul %convert_element_type3A, %get3A_9, %dot_general3A {dimension_numbers = #tpu.dot_dimension_numbers<[1], [0], [0], [1], [0, 0, 1, 1], [], []>, transpose_lhs_hint = false} : vector<8x128xbf16>, vector<128x128xbf16>, vector<8x128xf32> -> vector<8x128xf32>
    %get3A_11 = arith.constant 0 : index
    %get3A_12 = arith.constant 0 : index
    %get3A_13 = vector.load %arg6[%get3A_11, %get3A_12] : memref<1x128xf32, #tpu.memory_space<vmem>>, vector<1x128xf32>
    %add3A = vector.broadcast %get3A_13 : vector<1x128xf32> to vector<8x128xf32>
    %add3A_14 = arith.addf %dot_general3A_10, %add3A : vector<8x128xf32>
    %max3A_15 = arith.constant 0.000000e+00 : f32
    %max3A_16 = vector.broadcast %max3A_15 : f32 to vector<8x128xf32>
    %max3A_17 = arith.maximumf %add3A_14, %max3A_16 : vector<8x128xf32>
    %get3A_18 = arith.constant 0 : index
    %get3A_19 = arith.constant 0 : index
    %get3A_20 = vector.load %arg7[%get3A_18, %get3A_19] : memref<128x128xbf16, #tpu.memory_space<vmem>>, vector<128x128xbf16>
    %convert_element_type3A_21 = arith.truncf %max3A_17 : vector<8x128xf32> to vector<8x128xbf16>
    %dot_general3A_22 = arith.constant dense<0.000000e+00> : vector<8x128xf32>
    %dot_general3A_23 = tpu.matmul %convert_element_type3A_21, %get3A_20, %dot_general3A_22 {dimension_numbers = #tpu.dot_dimension_numbers<[1], [0], [0], [1], [0, 0, 1, 1], [], []>, transpose_lhs_hint = false} : vector<8x128xbf16>, vector<128x128xbf16>, vector<8x128xf32> -> vector<8x128xf32>
    %get3A_24 = arith.constant 0 : index
    %get3A_25 = arith.constant 0 : index
    %get3A_26 = vector.load %arg8[%get3A_24, %get3A_25] : memref<1x128xf32, #tpu.memory_space<vmem>>, vector<1x128xf32>
    %add3A_27 = vector.broadcast %get3A_26 : vector<1x128xf32> to vector<8x128xf32>
    %add3A_28 = arith.addf %dot_general3A_23, %add3A_27 : vector<8x128xf32>
    %max3A_29 = arith.constant 0.000000e+00 : f32
    %max3A_30 = vector.broadcast %max3A_29 : f32 to vector<8x128xf32>
    %max3A_31 = arith.maximumf %add3A_28, %max3A_30 : vector<8x128xf32>
    %get3A_32 = arith.constant 0 : index
    %get3A_33 = arith.constant 0 : index
    %get3A_34 = vector.load %arg9[%get3A_32, %get3A_33] : memref<128x128xbf16, #tpu.memory_space<vmem>>, vector<128x128xbf16>
    %convert_element_type3A_35 = arith.truncf %max3A_31 : vector<8x128xf32> to vector<8x128xbf16>
    %dot_general3A_36 = arith.constant dense<0.000000e+00> : vector<8x128xf32>
    %dot_general3A_37 = tpu.matmul %convert_element_type3A_35, %get3A_34, %dot_general3A_36 {dimension_numbers = #tpu.dot_dimension_numbers<[1], [0], [0], [1], [0, 0, 1, 1], [], []>, transpose_lhs_hint = false} : vector<8x128xbf16>, vector<128x128xbf16>, vector<8x128xf32> -> vector<8x128xf32>
    %get3A_38 = arith.constant 0 : index
    %get3A_39 = arith.constant 0 : index
    %get3A_40 = vector.load %arg10[%get3A_38, %get3A_39] : memref<1x128xf32, #tpu.memory_space<vmem>>, vector<1x128xf32>
    %add3A_41 = vector.broadcast %get3A_40 : vector<1x128xf32> to vector<8x128xf32>
    %add3A_42 = arith.addf %dot_general3A_37, %add3A_41 : vector<8x128xf32>
    %logistic3A = arith.negf %add3A_42 : vector<8x128xf32>
    %logistic3A_43 = math.exp %logistic3A : vector<8x128xf32>
    %logistic3A_44 = arith.constant 1.000000e+00 : f32
    %logistic3A_45 = vector.broadcast %logistic3A_44 : f32 to vector<8x128xf32>
    %logistic3A_46 = arith.addf %logistic3A_45, %logistic3A_43 : vector<8x128xf32>
    %logistic3A_47 = arith.divf %logistic3A_45, %logistic3A_46 : vector<8x128xf32>
    %iota3A = tpu.iota {dimensions = array<i32: 1>} : vector<1000x8xi32>
    %get3A_48 = arith.constant 0 : index
    %get3A_49 = arith.constant 0 : index
    %get3A_50 = vector.load %arg2[%get3A_48, %get3A_49] : memref<1000x1xi32, #tpu.memory_space<vmem>>, vector<1000x1xi32>
    %eq3A = vector.broadcast %get3A_50 : vector<1000x1xi32> to vector<1000x8xi32>
    %eq3A_51 = arith.cmpi eq, %iota3A, %eq3A : vector<1000x8xi32>
    %convert_element_type3A_52 = arith.extui %eq3A_51 : vector<1000x8xi1> to vector<1000x8xi32>
    %convert_element_type3A_53 = arith.sitofp %convert_element_type3A_52 : vector<1000x8xi32> to vector<1000x8xf32>
    %get3A_54 = arith.constant 0 : index
    %get3A_55 = arith.constant 0 : index
    %get3A_56 = vector.load %arg1[%get3A_54, %get3A_55] : memref<1000x128xf32, #tpu.memory_space<vmem>>, vector<1000x128xf32>
    %convert_element_type3A_57 = arith.truncf %convert_element_type3A_53 : vector<1000x8xf32> to vector<1000x8xbf16>
    %convert_element_type3A_58 = arith.truncf %logistic3A_47 : vector<8x128xf32> to vector<8x128xbf16>
    %dot_general3A_59 = arith.constant dense<0.000000e+00> : vector<1000x128xf32>
    %dot_general3A_60 = tpu.matmul %convert_element_type3A_57, %convert_element_type3A_58, %dot_general3A_59 {dimension_numbers = #tpu.dot_dimension_numbers<[1], [0], [0], [1], [0, 0, 1, 1], [], []>, transpose_lhs_hint = false} : vector<1000x8xbf16>, vector<8x128xbf16>, vector<1000x128xf32> -> vector<1000x128xf32>
    %mul3A = arith.mulf %get3A_56, %dot_general3A_60 : vector<1000x128xf32>
    %swap3A = arith.constant 0 : index
    %swap3A_61 = arith.constant 0 : index
    %swap3A_62 = vector.load %arg11[%swap3A, %swap3A_61] : memref<1000x128xf32, #tpu.memory_space<vmem>>, vector<1000x128xf32>
    tpu.vector_store %arg11[%swap3A, %swap3A_61], %mul3A {strides = array<i32>} : memref<1000x128xf32, #tpu.memory_space<vmem>>, vector<1000x128xf32>,
    return
  }
  func.func @transform_0(%arg0: i32) -> (i32, i32) {
    %c0_i32 = arith.constant 0 : i32
    %c0_i32_0 = arith.constant 0 : i32
    return %arg0, %c0_i32 : i32, i32
  }
  func.func @transform_1(%arg0: i32) -> (i32, i32) {
    %c0_i32 = arith.constant 0 : i32
    %c0_i32_0 = arith.constant 0 : i32
    return %arg0, %c0_i32 : i32, i32
  }
  func.func @transform_2(%arg0: i32) -> (i32, i32) {
    %c0_i32 = arith.constant 0 : i32
    %c0_i32_0 = arith.constant 0 : i32
    %c0_i32_1 = arith.constant 0 : i32
    return %c0_i32, %c0_i32_0 : i32, i32
  }
  func.func @transform_3(%arg0: i32) -> (i32, i32) {
    %c0_i32 = arith.constant 0 : i32
    %c0_i32_0 = arith.constant 0 : i32
    %c0_i32_1 = arith.constant 0 : i32
    return %c0_i32, %c0_i32_0 : i32, i32
  }
  func.func @transform_4(%arg0: i32) -> (i32, i32) {
    %c0_i32 = arith.constant 0 : i32
    %c0_i32_0 = arith.constant 0 : i32
    %c0_i32_1 = arith.constant 0 : i32
    return %c0_i32, %c0_i32_0 : i32, i32
  }
  func.func @transform_5(%arg0: i32) -> (i32, i32) {
    %c0_i32 = arith.constant 0 : i32
    %c0_i32_0 = arith.constant 0 : i32
    %c0_i32_1 = arith.constant 0 : i32
    return %c0_i32, %c0_i32_0 : i32, i32
  }
  func.func @transform_6(%arg0: i32) -> (i32, i32) {
    %c0_i32 = arith.constant 0 : i32
    %c0_i32_0 = arith.constant 0 : i32
    %c0_i32_1 = arith.constant 0 : i32
    return %c0_i32, %c0_i32_0 : i32, i32
  }
  func.func @transform_7(%arg0: i32) -> (i32, i32) {
    %c0_i32 = arith.constant 0 : i32
    %c0_i32_0 = arith.constant 0 : i32
    %c0_i32_1 = arith.constant 0 : i32
    return %c0_i32, %c0_i32_0 : i32, i32
  }
  func.func @transform_8(%arg0: i32) -> (i32, i32) {
    %c0_i32 = arith.constant 0 : i32
    %c0_i32_0 = arith.constant 0 : i32
    %c0_i32_1 = arith.constant 0 : i32
    return %c0_i32, %c0_i32_0 : i32, i32
  }
  func.func @transform_9(%arg0: i32) -> (i32, i32) {
    %c0_i32 = arith.constant 0 : i32
    %c0_i32_0 = arith.constant 0 : i32
    %c0_i32_1 = arith.constant 0 : i32
    return %c0_i32, %c0_i32_0 : i32, i32
  }
  func.func @transform_10(%arg0: i32) -> (i32, i32) {
    %c0_i32 = arith.constant 0 : i32
    %c0_i32_0 = arith.constant 0 : i32
    return %arg0, %c0_i32 : i32, i32
  }
}

module attributes {stable_mosaic.version = 14 : i64} {
  func.func @body(%arg0: i32, %arg1: memref<640x128xbf16, #tpu.memory_space<vmem>>, %arg2: memref<640x128xf32, #tpu.memory_space<vmem>>, %arg3: memref<640x128xf32, #tpu.memory_space<vmem>>, %arg4: memref<128x128xbf16, #tpu.memory_space<vmem>>, %arg5: memref<128x128xbf16, #tpu.memory_space<vmem>>, %arg6: memref<128x128xbf16, #tpu.memory_space<vmem>>, %arg7: memref<1x128xf32, #tpu.memory_space<vmem>>, %arg8: memref<128x128xbf16, #tpu.memory_space<vmem>>, %arg9: memref<1x128xf32, #tpu.memory_space<vmem>>, %arg10: memref<128x128xbf16, #tpu.memory_space<vmem>>, %arg11: memref<1x128xf32, #tpu.memory_space<vmem>>, %arg12: memref<640x128xf32, #tpu.memory_space<vmem>>) attributes {dimension_semantics = [#tpu.dimension_semantics<arbitrary>], iteration_bounds = array<i64: 122>, scalar_prefetch = 0 : i64, scratch_operands = 0 : i64, tpu.core_type = #tpu.core_type<tc>, window_params = [{transform_indices = @transform_0, window_bounds = array<i64: 640, 128>}, {transform_indices = @transform_1, window_bounds = array<i64: 640, 128>}, {transform_indices = @transform_2, window_bounds = array<i64: 640, 128>}, {pipeline_mode = #tpu.pipeline_mode<synchronous>, transform_indices = @transform_3, window_bounds = array<i64: 128, 128>}, {pipeline_mode = #tpu.pipeline_mode<synchronous>, transform_indices = @transform_4, window_bounds = array<i64: 128, 128>}, {pipeline_mode = #tpu.pipeline_mode<synchronous>, transform_indices = @transform_5, window_bounds = array<i64: 128, 128>}, {pipeline_mode = #tpu.pipeline_mode<synchronous>, transform_indices = @transform_6, window_bounds = array<i64: 1, 128>}, {pipeline_mode = #tpu.pipeline_mode<synchronous>, transform_indices = @transform_7, window_bounds = array<i64: 128, 128>}, {pipeline_mode = #tpu.pipeline_mode<synchronous>, transform_indices = @transform_8, window_bounds = array<i64: 1, 128>}, {pipeline_mode = #tpu.pipeline_mode<synchronous>, transform_indices = @transform_9, window_bounds = array<i64: 128, 128>}, {pipeline_mode = #tpu.pipeline_mode<synchronous>, transform_indices = @transform_10, window_bounds = array<i64: 1, 128>}, {transform_indices = @transform_11, window_bounds = array<i64: 640, 128>}]} {
    %get3A = arith.constant 0 : index
    %get3A_0 = arith.constant 0 : index
    %get3A_1 = vector.load %arg1[%get3A, %get3A_0] : memref<640x128xbf16, #tpu.memory_space<vmem>>, vector<640x128xbf16>
    %get3A_2 = arith.constant 0 : index
    %get3A_3 = arith.constant 0 : index
    %get3A_4 = vector.load %arg2[%get3A_2, %get3A_3] : memref<640x128xf32, #tpu.memory_space<vmem>>, vector<640x128xf32>
    %get3A_5 = arith.constant 0 : index
    %get3A_6 = arith.constant 0 : index
    %get3A_7 = vector.load %arg4[%get3A_5, %get3A_6] : memref<128x128xbf16, #tpu.memory_space<vmem>>, vector<128x128xbf16>
    %convert_element_type3A = arith.truncf %get3A_4 : vector<640x128xf32> to vector<640x128xbf16>
    %dot_general3A = arith.constant dense<0.000000e+00> : vector<640x128xf32>
    %dot_general3A_8 = tpu.matmul %convert_element_type3A, %get3A_7, %dot_general3A {dimension_numbers = #tpu.dot_dimension_numbers<[1], [0], [0], [1], [0, 0, 1, 1], [], []>, transpose_lhs_hint = false} : vector<640x128xbf16>, vector<128x128xbf16>, vector<640x128xf32> -> vector<640x128xf32>
    %get3A_9 = arith.constant 0 : index
    %get3A_10 = arith.constant 0 : index
    %get3A_11 = vector.load %arg5[%get3A_9, %get3A_10] : memref<128x128xbf16, #tpu.memory_space<vmem>>, vector<128x128xbf16>
    %dot_general3A_12 = arith.constant dense<0.000000e+00> : vector<640x128xf32>
    %dot_general3A_13 = tpu.matmul %get3A_1, %get3A_11, %dot_general3A_12 {dimension_numbers = #tpu.dot_dimension_numbers<[1], [0], [0], [1], [0, 0, 1, 1], [], []>, transpose_lhs_hint = false} : vector<640x128xbf16>, vector<128x128xbf16>, vector<640x128xf32> -> vector<640x128xf32>
    %add3A = arith.addf %dot_general3A_8, %dot_general3A_13 : vector<640x128xf32>
    %get3A_14 = arith.constant 0 : index
    %get3A_15 = arith.constant 0 : index
    %get3A_16 = vector.load %arg3[%get3A_14, %get3A_15] : memref<640x128xf32, #tpu.memory_space<vmem>>, vector<640x128xf32>
    %get3A_17 = arith.constant 0 : index
    %get3A_18 = arith.constant 0 : index
    %get3A_19 = vector.load %arg6[%get3A_17, %get3A_18] : memref<128x128xbf16, #tpu.memory_space<vmem>>, vector<128x128xbf16>
    %convert_element_type3A_20 = arith.truncf %get3A_16 : vector<640x128xf32> to vector<640x128xbf16>
    %dot_general3A_21 = arith.constant dense<0.000000e+00> : vector<640x128xf32>
    %dot_general3A_22 = tpu.matmul %convert_element_type3A_20, %get3A_19, %dot_general3A_21 {dimension_numbers = #tpu.dot_dimension_numbers<[1], [0], [0], [1], [0, 0, 1, 1], [], []>, transpose_lhs_hint = false} : vector<640x128xbf16>, vector<128x128xbf16>, vector<640x128xf32> -> vector<640x128xf32>
    %add3A_23 = arith.addf %add3A, %dot_general3A_22 : vector<640x128xf32>
    %get3A_24 = arith.constant 0 : index
    %get3A_25 = arith.constant 0 : index
    %get3A_26 = vector.load %arg7[%get3A_24, %get3A_25] : memref<1x128xf32, #tpu.memory_space<vmem>>, vector<1x128xf32>
    %add3A_27 = vector.broadcast %get3A_26 : vector<1x128xf32> to vector<640x128xf32>
    %add3A_28 = arith.addf %add3A_23, %add3A_27 : vector<640x128xf32>
    %mul3A = arith.constant 5.000000e-01 : f32
    %mul3A_29 = vector.broadcast %mul3A : f32 to vector<640x128xf32>
    %mul3A_30 = arith.mulf %add3A_28, %mul3A_29 : vector<640x128xf32>
    %mul3A_31 = arith.constant 0.707106769 : f32
    %mul3A_32 = vector.broadcast %mul3A_31 : f32 to vector<640x128xf32>
    %mul3A_33 = arith.mulf %add3A_28, %mul3A_32 : vector<640x128xf32>
    %erf3A = math.erf %mul3A_33 : vector<640x128xf32>
    %add3A_34 = arith.constant 1.000000e+00 : f32
    %add3A_35 = vector.broadcast %add3A_34 : f32 to vector<640x128xf32>
    %add3A_36 = arith.addf %add3A_35, %erf3A : vector<640x128xf32>
    %mul3A_37 = arith.mulf %mul3A_30, %add3A_36 : vector<640x128xf32>
    %get3A_38 = arith.constant 0 : index
    %get3A_39 = arith.constant 0 : index
    %get3A_40 = vector.load %arg8[%get3A_38, %get3A_39] : memref<128x128xbf16, #tpu.memory_space<vmem>>, vector<128x128xbf16>
    %convert_element_type3A_41 = arith.truncf %mul3A_37 : vector<640x128xf32> to vector<640x128xbf16>
    %dot_general3A_42 = arith.constant dense<0.000000e+00> : vector<640x128xf32>
    %dot_general3A_43 = tpu.matmul %convert_element_type3A_41, %get3A_40, %dot_general3A_42 {dimension_numbers = #tpu.dot_dimension_numbers<[1], [0], [0], [1], [0, 0, 1, 1], [], []>, transpose_lhs_hint = false} : vector<640x128xbf16>, vector<128x128xbf16>, vector<640x128xf32> -> vector<640x128xf32>
    %get3A_44 = arith.constant 0 : index
    %get3A_45 = arith.constant 0 : index
    %get3A_46 = vector.load %arg9[%get3A_44, %get3A_45] : memref<1x128xf32, #tpu.memory_space<vmem>>, vector<1x128xf32>
    %add3A_47 = vector.broadcast %get3A_46 : vector<1x128xf32> to vector<640x128xf32>
    %add3A_48 = arith.addf %dot_general3A_43, %add3A_47 : vector<640x128xf32>
    %mul3A_49 = arith.constant 5.000000e-01 : f32
    %mul3A_50 = vector.broadcast %mul3A_49 : f32 to vector<640x128xf32>
    %mul3A_51 = arith.mulf %add3A_48, %mul3A_50 : vector<640x128xf32>
    %mul3A_52 = arith.constant 0.707106769 : f32
    %mul3A_53 = vector.broadcast %mul3A_52 : f32 to vector<640x128xf32>
    %mul3A_54 = arith.mulf %add3A_48, %mul3A_53 : vector<640x128xf32>
    %erf3A_55 = math.erf %mul3A_54 : vector<640x128xf32>
    %add3A_56 = arith.constant 1.000000e+00 : f32
    %add3A_57 = vector.broadcast %add3A_56 : f32 to vector<640x128xf32>
    %add3A_58 = arith.addf %add3A_57, %erf3A_55 : vector<640x128xf32>
    %mul3A_59 = arith.mulf %mul3A_51, %add3A_58 : vector<640x128xf32>
    %get3A_60 = arith.constant 0 : index
    %get3A_61 = arith.constant 0 : index
    %get3A_62 = vector.load %arg10[%get3A_60, %get3A_61] : memref<128x128xbf16, #tpu.memory_space<vmem>>, vector<128x128xbf16>
    %convert_element_type3A_63 = arith.truncf %mul3A_59 : vector<640x128xf32> to vector<640x128xbf16>
    %dot_general3A_64 = arith.constant dense<0.000000e+00> : vector<640x128xf32>
    %dot_general3A_65 = tpu.matmul %convert_element_type3A_63, %get3A_62, %dot_general3A_64 {dimension_numbers = #tpu.dot_dimension_numbers<[1], [0], [0], [1], [0, 0, 1, 1], [], []>, transpose_lhs_hint = false} : vector<640x128xbf16>, vector<128x128xbf16>, vector<640x128xf32> -> vector<640x128xf32>
    %get3A_66 = arith.constant 0 : index
    %get3A_67 = arith.constant 0 : index
    %get3A_68 = vector.load %arg11[%get3A_66, %get3A_67] : memref<1x128xf32, #tpu.memory_space<vmem>>, vector<1x128xf32>
    %add3A_69 = vector.broadcast %get3A_68 : vector<1x128xf32> to vector<640x128xf32>
    %add3A_70 = arith.addf %dot_general3A_65, %add3A_69 : vector<640x128xf32>
    %convert_element_type3A_71 = arith.extf %get3A_1 : vector<640x128xbf16> to vector<640x128xf32>
    %add3A_72 = arith.addf %convert_element_type3A_71, %add3A_70 : vector<640x128xf32>
    %mul3A_73 = arith.constant 0.999994993 : f32
    %mul3A_74 = vector.broadcast %mul3A_73 : f32 to vector<640x128xf32>
    %mul3A_75 = arith.mulf %mul3A_74, %add3A_72 : vector<640x128xf32>
    %swap3A = arith.constant 0 : index
    %swap3A_76 = arith.constant 0 : index
    %swap3A_77 = vector.load %arg12[%swap3A, %swap3A_76] : memref<640x128xf32, #tpu.memory_space<vmem>>, vector<640x128xf32>
    tpu.vector_store %arg12[%swap3A, %swap3A_76], %mul3A_75 {strides = array<i32>} : memref<640x128xf32, #tpu.memory_space<vmem>>, vector<640x128xf32>,
    return
  }
  func.func @transform_0(%arg0: i32) -> (i32, i32) {
    %c0_i32 = arith.constant 0 : i32
    %c0_i32_0 = arith.constant 0 : i32
    return %arg0, %c0_i32 : i32, i32
  }
  func.func @transform_1(%arg0: i32) -> (i32, i32) {
    %c0_i32 = arith.constant 0 : i32
    %c0_i32_0 = arith.constant 0 : i32
    return %arg0, %c0_i32 : i32, i32
  }
  func.func @transform_2(%arg0: i32) -> (i32, i32) {
    %c0_i32 = arith.constant 0 : i32
    %c0_i32_0 = arith.constant 0 : i32
    return %arg0, %c0_i32 : i32, i32
  }
  func.func @transform_3(%arg0: i32) -> (i32, i32) {
    %c0_i32 = arith.constant 0 : i32
    %c0_i32_0 = arith.constant 0 : i32
    %c0_i32_1 = arith.constant 0 : i32
    return %c0_i32, %c0_i32_0 : i32, i32
  }
  func.func @transform_4(%arg0: i32) -> (i32, i32) {
    %c0_i32 = arith.constant 0 : i32
    %c0_i32_0 = arith.constant 0 : i32
    %c0_i32_1 = arith.constant 0 : i32
    return %c0_i32, %c0_i32_0 : i32, i32
  }
  func.func @transform_5(%arg0: i32) -> (i32, i32) {
    %c0_i32 = arith.constant 0 : i32
    %c0_i32_0 = arith.constant 0 : i32
    %c0_i32_1 = arith.constant 0 : i32
    return %c0_i32, %c0_i32_0 : i32, i32
  }
  func.func @transform_6(%arg0: i32) -> (i32, i32) {
    %c0_i32 = arith.constant 0 : i32
    %c0_i32_0 = arith.constant 0 : i32
    %c0_i32_1 = arith.constant 0 : i32
    return %c0_i32, %c0_i32_0 : i32, i32
  }
  func.func @transform_7(%arg0: i32) -> (i32, i32) {
    %c0_i32 = arith.constant 0 : i32
    %c0_i32_0 = arith.constant 0 : i32
    %c0_i32_1 = arith.constant 0 : i32
    return %c0_i32, %c0_i32_0 : i32, i32
  }
  func.func @transform_8(%arg0: i32) -> (i32, i32) {
    %c0_i32 = arith.constant 0 : i32
    %c0_i32_0 = arith.constant 0 : i32
    %c0_i32_1 = arith.constant 0 : i32
    return %c0_i32, %c0_i32_0 : i32, i32
  }
  func.func @transform_9(%arg0: i32) -> (i32, i32) {
    %c0_i32 = arith.constant 0 : i32
    %c0_i32_0 = arith.constant 0 : i32
    %c0_i32_1 = arith.constant 0 : i32
    return %c0_i32, %c0_i32_0 : i32, i32
  }
  func.func @transform_10(%arg0: i32) -> (i32, i32) {
    %c0_i32 = arith.constant 0 : i32
    %c0_i32_0 = arith.constant 0 : i32
    %c0_i32_1 = arith.constant 0 : i32
    return %c0_i32, %c0_i32_0 : i32, i32
  }
  func.func @transform_11(%arg0: i32) -> (i32, i32) {
    %c0_i32 = arith.constant 0 : i32
    %c0_i32_0 = arith.constant 0 : i32
    return %arg0, %c0_i32 : i32, i32
  }
}

module attributes {stable_mosaic.version = 14 : i64} {
  func.func @body(%arg0: i32, %arg1: memref<640x128xbf16, #tpu.memory_space<vmem>>, %arg2: memref<640x128xf32, #tpu.memory_space<vmem>>, %arg3: memref<640x128xf32, #tpu.memory_space<vmem>>, %arg4: memref<128x128xbf16, #tpu.memory_space<vmem>>, %arg5: memref<128x128xbf16, #tpu.memory_space<vmem>>, %arg6: memref<128x128xbf16, #tpu.memory_space<vmem>>, %arg7: memref<1x128xf32, #tpu.memory_space<vmem>>, %arg8: memref<128x128xbf16, #tpu.memory_space<vmem>>, %arg9: memref<1x128xf32, #tpu.memory_space<vmem>>, %arg10: memref<128x128xbf16, #tpu.memory_space<vmem>>, %arg11: memref<1x128xf32, #tpu.memory_space<vmem>>, %arg12: memref<640x128xf32, #tpu.memory_space<vmem>>) attributes {dimension_semantics = [#tpu.dimension_semantics<arbitrary>], iteration_bounds = array<i64: 128>, scalar_prefetch = 0 : i64, scratch_operands = 0 : i64, tpu.core_type = #tpu.core_type<tc>, window_params = [{transform_indices = @transform_0, window_bounds = array<i64: 640, 128>}, {transform_indices = @transform_1, window_bounds = array<i64: 640, 128>}, {transform_indices = @transform_2, window_bounds = array<i64: 640, 128>}, {pipeline_mode = #tpu.pipeline_mode<synchronous>, transform_indices = @transform_3, window_bounds = array<i64: 128, 128>}, {pipeline_mode = #tpu.pipeline_mode<synchronous>, transform_indices = @transform_4, window_bounds = array<i64: 128, 128>}, {pipeline_mode = #tpu.pipeline_mode<synchronous>, transform_indices = @transform_5, window_bounds = array<i64: 128, 128>}, {pipeline_mode = #tpu.pipeline_mode<synchronous>, transform_indices = @transform_6, window_bounds = array<i64: 1, 128>}, {pipeline_mode = #tpu.pipeline_mode<synchronous>, transform_indices = @transform_7, window_bounds = array<i64: 128, 128>}, {pipeline_mode = #tpu.pipeline_mode<synchronous>, transform_indices = @transform_8, window_bounds = array<i64: 1, 128>}, {pipeline_mode = #tpu.pipeline_mode<synchronous>, transform_indices = @transform_9, window_bounds = array<i64: 128, 128>}, {pipeline_mode = #tpu.pipeline_mode<synchronous>, transform_indices = @transform_10, window_bounds = array<i64: 1, 128>}, {transform_indices = @transform_11, window_bounds = array<i64: 640, 128>}]} {
    %get3A = arith.constant 0 : index
    %get3A_0 = arith.constant 0 : index
    %get3A_1 = vector.load %arg1[%get3A, %get3A_0] : memref<640x128xbf16, #tpu.memory_space<vmem>>, vector<640x128xbf16>
    %get3A_2 = arith.constant 0 : index
    %get3A_3 = arith.constant 0 : index
    %get3A_4 = vector.load %arg2[%get3A_2, %get3A_3] : memref<640x128xf32, #tpu.memory_space<vmem>>, vector<640x128xf32>
    %get3A_5 = arith.constant 0 : index
    %get3A_6 = arith.constant 0 : index
    %get3A_7 = vector.load %arg4[%get3A_5, %get3A_6] : memref<128x128xbf16, #tpu.memory_space<vmem>>, vector<128x128xbf16>
    %convert_element_type3A = arith.truncf %get3A_4 : vector<640x128xf32> to vector<640x128xbf16>
    %dot_general3A = arith.constant dense<0.000000e+00> : vector<640x128xf32>
    %dot_general3A_8 = tpu.matmul %convert_element_type3A, %get3A_7, %dot_general3A {dimension_numbers = #tpu.dot_dimension_numbers<[1], [0], [0], [1], [0, 0, 1, 1], [], []>, transpose_lhs_hint = false} : vector<640x128xbf16>, vector<128x128xbf16>, vector<640x128xf32> -> vector<640x128xf32>
    %get3A_9 = arith.constant 0 : index
    %get3A_10 = arith.constant 0 : index
    %get3A_11 = vector.load %arg5[%get3A_9, %get3A_10] : memref<128x128xbf16, #tpu.memory_space<vmem>>, vector<128x128xbf16>
    %dot_general3A_12 = arith.constant dense<0.000000e+00> : vector<640x128xf32>
    %dot_general3A_13 = tpu.matmul %get3A_1, %get3A_11, %dot_general3A_12 {dimension_numbers = #tpu.dot_dimension_numbers<[1], [0], [0], [1], [0, 0, 1, 1], [], []>, transpose_lhs_hint = false} : vector<640x128xbf16>, vector<128x128xbf16>, vector<640x128xf32> -> vector<640x128xf32>
    %add3A = arith.addf %dot_general3A_8, %dot_general3A_13 : vector<640x128xf32>
    %get3A_14 = arith.constant 0 : index
    %get3A_15 = arith.constant 0 : index
    %get3A_16 = vector.load %arg3[%get3A_14, %get3A_15] : memref<640x128xf32, #tpu.memory_space<vmem>>, vector<640x128xf32>
    %get3A_17 = arith.constant 0 : index
    %get3A_18 = arith.constant 0 : index
    %get3A_19 = vector.load %arg6[%get3A_17, %get3A_18] : memref<128x128xbf16, #tpu.memory_space<vmem>>, vector<128x128xbf16>
    %convert_element_type3A_20 = arith.truncf %get3A_16 : vector<640x128xf32> to vector<640x128xbf16>
    %dot_general3A_21 = arith.constant dense<0.000000e+00> : vector<640x128xf32>
    %dot_general3A_22 = tpu.matmul %convert_element_type3A_20, %get3A_19, %dot_general3A_21 {dimension_numbers = #tpu.dot_dimension_numbers<[1], [0], [0], [1], [0, 0, 1, 1], [], []>, transpose_lhs_hint = false} : vector<640x128xbf16>, vector<128x128xbf16>, vector<640x128xf32> -> vector<640x128xf32>
    %add3A_23 = arith.addf %add3A, %dot_general3A_22 : vector<640x128xf32>
    %get3A_24 = arith.constant 0 : index
    %get3A_25 = arith.constant 0 : index
    %get3A_26 = vector.load %arg7[%get3A_24, %get3A_25] : memref<1x128xf32, #tpu.memory_space<vmem>>, vector<1x128xf32>
    %add3A_27 = vector.broadcast %get3A_26 : vector<1x128xf32> to vector<640x128xf32>
    %add3A_28 = arith.addf %add3A_23, %add3A_27 : vector<640x128xf32>
    %mul3A = arith.constant 5.000000e-01 : f32
    %mul3A_29 = vector.broadcast %mul3A : f32 to vector<640x128xf32>
    %mul3A_30 = arith.mulf %add3A_28, %mul3A_29 : vector<640x128xf32>
    %mul3A_31 = arith.constant 0.707106769 : f32
    %mul3A_32 = vector.broadcast %mul3A_31 : f32 to vector<640x128xf32>
    %mul3A_33 = arith.mulf %add3A_28, %mul3A_32 : vector<640x128xf32>
    %erf3A = math.erf %mul3A_33 : vector<640x128xf32>
    %add3A_34 = arith.constant 1.000000e+00 : f32
    %add3A_35 = vector.broadcast %add3A_34 : f32 to vector<640x128xf32>
    %add3A_36 = arith.addf %add3A_35, %erf3A : vector<640x128xf32>
    %mul3A_37 = arith.mulf %mul3A_30, %add3A_36 : vector<640x128xf32>
    %get3A_38 = arith.constant 0 : index
    %get3A_39 = arith.constant 0 : index
    %get3A_40 = vector.load %arg8[%get3A_38, %get3A_39] : memref<128x128xbf16, #tpu.memory_space<vmem>>, vector<128x128xbf16>
    %convert_element_type3A_41 = arith.truncf %mul3A_37 : vector<640x128xf32> to vector<640x128xbf16>
    %dot_general3A_42 = arith.constant dense<0.000000e+00> : vector<640x128xf32>
    %dot_general3A_43 = tpu.matmul %convert_element_type3A_41, %get3A_40, %dot_general3A_42 {dimension_numbers = #tpu.dot_dimension_numbers<[1], [0], [0], [1], [0, 0, 1, 1], [], []>, transpose_lhs_hint = false} : vector<640x128xbf16>, vector<128x128xbf16>, vector<640x128xf32> -> vector<640x128xf32>
    %get3A_44 = arith.constant 0 : index
    %get3A_45 = arith.constant 0 : index
    %get3A_46 = vector.load %arg9[%get3A_44, %get3A_45] : memref<1x128xf32, #tpu.memory_space<vmem>>, vector<1x128xf32>
    %add3A_47 = vector.broadcast %get3A_46 : vector<1x128xf32> to vector<640x128xf32>
    %add3A_48 = arith.addf %dot_general3A_43, %add3A_47 : vector<640x128xf32>
    %mul3A_49 = arith.constant 5.000000e-01 : f32
    %mul3A_50 = vector.broadcast %mul3A_49 : f32 to vector<640x128xf32>
    %mul3A_51 = arith.mulf %add3A_48, %mul3A_50 : vector<640x128xf32>
    %mul3A_52 = arith.constant 0.707106769 : f32
    %mul3A_53 = vector.broadcast %mul3A_52 : f32 to vector<640x128xf32>
    %mul3A_54 = arith.mulf %add3A_48, %mul3A_53 : vector<640x128xf32>
    %erf3A_55 = math.erf %mul3A_54 : vector<640x128xf32>
    %add3A_56 = arith.constant 1.000000e+00 : f32
    %add3A_57 = vector.broadcast %add3A_56 : f32 to vector<640x128xf32>
    %add3A_58 = arith.addf %add3A_57, %erf3A_55 : vector<640x128xf32>
    %mul3A_59 = arith.mulf %mul3A_51, %add3A_58 : vector<640x128xf32>
    %get3A_60 = arith.constant 0 : index
    %get3A_61 = arith.constant 0 : index
    %get3A_62 = vector.load %arg10[%get3A_60, %get3A_61] : memref<128x128xbf16, #tpu.memory_space<vmem>>, vector<128x128xbf16>
    %convert_element_type3A_63 = arith.truncf %mul3A_59 : vector<640x128xf32> to vector<640x128xbf16>
    %dot_general3A_64 = arith.constant dense<0.000000e+00> : vector<640x128xf32>
    %dot_general3A_65 = tpu.matmul %convert_element_type3A_63, %get3A_62, %dot_general3A_64 {dimension_numbers = #tpu.dot_dimension_numbers<[1], [0], [0], [1], [0, 0, 1, 1], [], []>, transpose_lhs_hint = false} : vector<640x128xbf16>, vector<128x128xbf16>, vector<640x128xf32> -> vector<640x128xf32>
    %get3A_66 = arith.constant 0 : index
    %get3A_67 = arith.constant 0 : index
    %get3A_68 = vector.load %arg11[%get3A_66, %get3A_67] : memref<1x128xf32, #tpu.memory_space<vmem>>, vector<1x128xf32>
    %add3A_69 = vector.broadcast %get3A_68 : vector<1x128xf32> to vector<640x128xf32>
    %add3A_70 = arith.addf %dot_general3A_65, %add3A_69 : vector<640x128xf32>
    %convert_element_type3A_71 = arith.extf %get3A_1 : vector<640x128xbf16> to vector<640x128xf32>
    %add3A_72 = arith.addf %convert_element_type3A_71, %add3A_70 : vector<640x128xf32>
    %mul3A_73 = arith.constant 0.999994993 : f32
    %mul3A_74 = vector.broadcast %mul3A_73 : f32 to vector<640x128xf32>
    %mul3A_75 = arith.mulf %mul3A_74, %add3A_72 : vector<640x128xf32>
    %swap3A = arith.constant 0 : index
    %swap3A_76 = arith.constant 0 : index
    %swap3A_77 = vector.load %arg12[%swap3A, %swap3A_76] : memref<640x128xf32, #tpu.memory_space<vmem>>, vector<640x128xf32>
    tpu.vector_store %arg12[%swap3A, %swap3A_76], %mul3A_75 {strides = array<i32>} : memref<640x128xf32, #tpu.memory_space<vmem>>, vector<640x128xf32>,
    return
  }
  func.func @transform_0(%arg0: i32) -> (i32, i32) {
    %c0_i32 = arith.constant 0 : i32
    %c0_i32_0 = arith.constant 0 : i32
    return %arg0, %c0_i32 : i32, i32
  }
  func.func @transform_1(%arg0: i32) -> (i32, i32) {
    %c0_i32 = arith.constant 0 : i32
    %c0_i32_0 = arith.constant 0 : i32
    return %arg0, %c0_i32 : i32, i32
  }
  func.func @transform_2(%arg0: i32) -> (i32, i32) {
    %c0_i32 = arith.constant 0 : i32
    %c0_i32_0 = arith.constant 0 : i32
    return %arg0, %c0_i32 : i32, i32
  }
  func.func @transform_3(%arg0: i32) -> (i32, i32) {
    %c0_i32 = arith.constant 0 : i32
    %c0_i32_0 = arith.constant 0 : i32
    %c0_i32_1 = arith.constant 0 : i32
    return %c0_i32, %c0_i32_0 : i32, i32
  }
  func.func @transform_4(%arg0: i32) -> (i32, i32) {
    %c0_i32 = arith.constant 0 : i32
    %c0_i32_0 = arith.constant 0 : i32
    %c0_i32_1 = arith.constant 0 : i32
    return %c0_i32, %c0_i32_0 : i32, i32
  }
  func.func @transform_5(%arg0: i32) -> (i32, i32) {
    %c0_i32 = arith.constant 0 : i32
    %c0_i32_0 = arith.constant 0 : i32
    %c0_i32_1 = arith.constant 0 : i32
    return %c0_i32, %c0_i32_0 : i32, i32
  }
  func.func @transform_6(%arg0: i32) -> (i32, i32) {
    %c0_i32 = arith.constant 0 : i32
    %c0_i32_0 = arith.constant 0 : i32
    %c0_i32_1 = arith.constant 0 : i32
    return %c0_i32, %c0_i32_0 : i32, i32
  }
  func.func @transform_7(%arg0: i32) -> (i32, i32) {
    %c0_i32 = arith.constant 0 : i32
    %c0_i32_0 = arith.constant 0 : i32
    %c0_i32_1 = arith.constant 0 : i32
    return %c0_i32, %c0_i32_0 : i32, i32
  }
  func.func @transform_8(%arg0: i32) -> (i32, i32) {
    %c0_i32 = arith.constant 0 : i32
    %c0_i32_0 = arith.constant 0 : i32
    %c0_i32_1 = arith.constant 0 : i32
    return %c0_i32, %c0_i32_0 : i32, i32
  }
  func.func @transform_9(%arg0: i32) -> (i32, i32) {
    %c0_i32 = arith.constant 0 : i32
    %c0_i32_0 = arith.constant 0 : i32
    %c0_i32_1 = arith.constant 0 : i32
    return %c0_i32, %c0_i32_0 : i32, i32
  }
  func.func @transform_10(%arg0: i32) -> (i32, i32) {
    %c0_i32 = arith.constant 0 : i32
    %c0_i32_0 = arith.constant 0 : i32
    %c0_i32_1 = arith.constant 0 : i32
    return %c0_i32, %c0_i32_0 : i32, i32
  }
  func.func @transform_11(%arg0: i32) -> (i32, i32) {
    %c0_i32 = arith.constant 0 : i32
    %c0_i32_0 = arith.constant 0 : i32
    return %arg0, %c0_i32 : i32, i32
  }
}

</mosaic_0001>

<sc_bundles>
// kernel: kernel.16.cloned.1.call-start
scs
__scs_entry_jumppad:
0x0: {  	(pc) =	sbr.rel $0x88, $3  }
0x1: {  	(tag) =	ssettag $0x0;
	lr =	simm.s32 $0x1  }
0x2: {  	[smem:$0x3F73] =	sst lr;
	_ =	strace $0xD0000000  }
0x3: {  	_ = 	snop  }
0x4: {  	_ = 	snop  }
0x5: {  	_ = 	snop  }
0x6: {  	_ = 	snop  }
0x7: {  	_ = 	snop  }
__scs_overlays_trampoline_lowered:
0x8: {  	[smem:$0x3F82] =	sst s0  }
0x9: {  	[smem:$0x3F83] =	sst s1  }
0xa: {  	[smem:$0x3F84] =	sst s2  }
0xb: {  	[smem:$0x3F85] =	sst s3  }
0xc: {  	[smem:$0x3F86] =	sst s4  }
0xd: {  	[smem:$0x3F87] =	sst s5  }
0xe: {  	[smem:$0x3F88] =	sst s6  }
0xf: {  	[smem:$0x3F89] =	sst s7  }
0x10: {  	[smem:$0x3F8A] =	sst s8  }
0x11: {  	[smem:$0x3F8B] =	sst s9;
	s0 =	simm.s32 @!p0 $0x0  }
0x12: {  	s1 =	sld [smem:$0x3F71];
	s0 =	simm.s32 @p0 $0x1  }
0x13: {  	[smem:$0x3F8C] =	sst s0;
	s0 =	simm.s32 @!p1 $0x0  }
0x14: {  	s2 =	sld [smem:$0x3F70];
	s0 =	simm.s32 @p1 $0x1  }
0x15: {  	[smem:$0x3F8D] =	sst s0;
	s0 =	simm.s32 @!p2 $0x0  }
0x16: {  	s3 =	sld [smem:$0x3FDB];
	s0 =	simm.s32 @p2 $0x1  }
0x17: {  	s4 =	simm.s32 $0x1BF5;
	[smem:$0x3F8F] =	sst s0  }
0x18: {  	s0 =	sld [smem:$0x3F72];
	_ =	swait.ge [sflag:s4], $0x0  }
0x19: {  	s7 =	sld [smem:$0x3F73]  }
0x1a: {  	s8 =	sadd.s32 $0xFFFFE003, lr  }
0x1b: {  	s9 =	sadd.s32 $0xFFFFFEF7, lr;
	s5 =	simm.s32 $0xFFFFFFFF;
	p2 =	slt.u32 s8, $0xFFFFF086  }
0x1c: {  	p1 =	slt.u32 s9, $0xF7A;
	s5 =	simm.s32 @!p2 $0x0  }
0x1d: {  	s5 =	simm.s32 @p1 $0x1;
	p0 =	seq.s32 s7, s2  }
0x1e: {  	s7 =	smul.u32 @!p0 $0xF7A, s2;
	p2 =	seq.s32 @!p0 s5, $0x0  }
0x1f: {  	s9 =	smul.u32 $0xF7A, s1;
	s8 =	simm.s32 @!p0 $0x1BF5;
	p2 =	por !p2, p0  }
0x20: {  	[sflag:s8] =	ssyncset.s32 @!p0 $0xFFFFF086;
	s6 =	sadd.s32 @!p0 s3, s7;
	s7 =	simm.s32 @!p0 $0x108  }
0x21: {  	s3 =	sadd.s32 s3, s9;
	s6 =	sadd.s32 @!p0 $0x88, s6;
	s7 =	simm.s32 @p2 $0x1082  }
0x22: {  	[simem:s7], [sflag:s8] =	dma.local @!p0 [hbm:s6], $0xF7A  }
0x23: {  	s9 =	sor.u32 $0xD0000000, s2;
	s6 =	simm.s32 $0x108;
	_ =	swait.ge @!p0 [sflag:s8], $0x0  }
0x24: {  	s3 =	sadd.s32 $0x88, s3;
	s6 =	simm.s32 @!p1 $0x1082;
	[sflag:s4] =	ssyncset.s32 $0xFFFFF086  }
0x25: {  	[simem:s6], [sflag:s4] =	dma.local [hbm:s3], $0xF7A  }
0x26: {  	[smem:$0x3F73] =	sst s1;
	(tag) =	ssettag s2;
	_ =	strace s9  }
0x27: {  	s1 =	sld [smem:$0x3F83]  }
0x28: {  	s2 =	sld [smem:$0x3F84]  }
0x29: {  	s4 =	sld [smem:$0x3F86]  }
0x2a: {  	p0 =	seq.s32 s5, $0x0;
	s5 =	sld [smem:$0x3F87]  }
0x2b: {  	s6 =	sld [smem:$0x3F88]  }
0x2c: {  	s7 =	sld [smem:$0x3F89]  }
0x2d: {  	s3 =	simm.s32 $0x108;
	s8 =	sld [smem:$0x3F8A]  }
0x2e: {  	s3 =	simm.s32 @!p0 $0x1082;
	s9 =	sld [smem:$0x3F8B]  }
0x2f: {  	lr =	sadd.s32 s0, s3;
	s0 =	sld [smem:$0x3F82]  }
0x30: {  	s3 =	sld [smem:$0x3F85]  }
0x31: {  	[smem:$0x3F8E] =	sst s10  }
0x32: {  	s10 =	sld [smem:$0x3F8C];
	_ =	sdelay $0x3  }
0x33: {  	p0 =	seq.s32 s10, $0x1;
	s10 =	sld [smem:$0x3F8E];
	_ =	sdelay $0x3  }
0x34: {  	[smem:$0x3F8E] =	sst s10  }
0x35: {  	s10 =	sld [smem:$0x3F8D];
	_ =	sdelay $0x3  }
0x36: {  	p1 =	seq.s32 s10, $0x1;
	s10 =	sld [smem:$0x3F8E];
	_ =	sdelay $0x3  }
0x37: {  	[smem:$0x3F8E] =	sst s10  }
0x38: {  	s10 =	sld [smem:$0x3F8F]  }
0x39: {  	_ = 	snop;
	(pc) =	sbr.ind lr, $3  }
0x3a: {  	_ = 	snop  }
0x3b: {  	_ = 	snop  }
0x3c: {  	p2 =	seq.s32 s10, $0x1;
	s10 =	sld [smem:$0x3F8E]  }
0x3d: {  	_ =	shalt  }
0x3e: {  	_ =	shalt  }
0x3f: {  	_ =	shalt  }
0x40: {  	_ =	shalt  }
0x41: {  	_ =	shalt  }
0x42: {  	_ =	shalt  }
0x43: {  	_ =	shalt  }
0x44: {  	_ =	shalt  }
0x45: {  	_ =	shalt  }
0x46: {  	_ =	shalt  }
0x47: {  	_ =	shalt  }
0x48: {  	_ =	shalt  }
0x49: {  	_ =	shalt  }
0x4a: {  	_ =	shalt  }
0x4b: {  	_ =	shalt  }
0x4c: {  	_ =	shalt  }
0x4d: {  	_ =	shalt  }
0x4e: {  	_ =	shalt  }
0x4f: {  	_ =	shalt  }
0x50: {  	_ =	shalt  }
0x51: {  	_ =	shalt  }
0x52: {  	_ =	shalt  }
0x53: {  	_ =	shalt  }
0x54: {  	_ =	shalt  }
0x55: {  	_ =	shalt  }
0x56: {  	_ =	shalt  }
0x57: {  	_ =	shalt  }
0x58: {  	_ =	shalt  }
0x59: {  	_ =	shalt  }
0x5a: {  	_ =	shalt  }
0x5b: {  	_ =	shalt  }
0x5c: {  	_ =	shalt  }
0x5d: {  	_ =	shalt  }
0x5e: {  	_ =	shalt  }
0x5f: {  	_ =	shalt  }
0x60: {  	_ =	shalt  }
0x61: {  	_ =	shalt  }
0x62: {  	_ =	shalt  }
0x63: {  	_ =	shalt  }
0x64: {  	_ =	shalt  }
0x65: {  	_ =	shalt  }
0x66: {  	_ =	shalt  }
0x67: {  	_ =	shalt  }
0x68: {  	_ =	shalt  }
0x69: {  	_ =	shalt  }
0x6a: {  	_ =	shalt  }
0x6b: {  	_ =	shalt  }
0x6c: {  	_ =	shalt  }
0x6d: {  	_ =	shalt  }
0x6e: {  	_ =	shalt  }
0x6f: {  	_ =	shalt  }
0x70: {  	_ =	shalt  }
0x71: {  	_ =	shalt  }
0x72: {  	_ =	shalt  }
0x73: {  	_ =	shalt  }
0x74: {  	_ =	shalt  }
0x75: {  	_ =	shalt  }
0x76: {  	_ =	shalt  }
0x77: {  	_ =	shalt  }
0x78: {  	_ =	shalt  }
0x79: {  	_ =	shalt  }
0x7a: {  	_ =	shalt  }
0x7b: {  	_ =	shalt  }
0x7c: {  	_ =	shalt  }
0x7d: {  	_ =	shalt  }
0x7e: {  	_ =	shalt  }
0x7f: {  	_ =	shalt  }
0x80: {  	_ =	shalt  }
0x81: {  	_ =	shalt  }
0x82: {  	_ =	shalt  }
0x83: {  	_ =	shalt  }
0x84: {  	_ =	shalt  }
0x85: {  	_ =	shalt  }
0x86: {  	_ =	shalt  }
0x87: {  	_ =	shalt  }
.Lfunc_end0:
.L_simem_size_0:
called_computation_lowered:
.L_overlay_start_0:
0x88: {  	s2 =	sld [smem:$0x3FD9]  }
0x89: {  	s3 =	sld [smem:$0x3FFE];
	_ =	sdelay $0x1  }
0x8a: {  	s1 =	srdreg.scid  }
0x8b: {  	s0 =	sand.u32 $0x1, s1  }
0x8c: {  	s17 =	sshll.u32 s0, $0xA;
	s2 =	sadd.s32 s3, s2  }
0x8d: {  	s2 =	sadd.s32 s2, s17  }
0x8e: {  	[smem:$0x3F9A] =	sst s2  }
0x8f: {  	_ = 	snop  }
0x90: {  	s2 =	sld [smem:$0x3FC9];
	(tm) =	ssettm $0x1  }
0x91: {  	s18 =	sld [smem:$0x3FFB];
	_ =	sdelay $0x3  }
0x92: {  	_ =	strace s18  }
0x93: {  	s3 =	sld [smem:$0x3FFC];
	_ =	sdelay $0x3  }
0x94: {  	_ =	strace s3  }
0x95: {  	s3 =	sld [smem:$0x3FFD];
	_ =	sdelay $0x3  }
0x96: {  	_ =	strace s3  }
0x97: {  	_ =	strace $0x8FFFFFFF  }
0x98: {  	s19 =	sld [smem:$0x3FDB];
	_ =	sdelay $0x1  }
0x99: {  	s4 =	simm.s32 $_scs_section_size  }
0x9a: {  	s5 =	simm.s32 $_size__tile_overlayer_lowered;
	s6 =	simm.s32 $_tile_overlayer_lowered  }
0x9b: {  	s22 =	simm.s32 $0x1BFF;
	s21 =	sshll.u32 s6, $0x1;
	s3 =	sadd.s32 s4, s19  }
0x9c: {  	s7 =	simm.s32 $0x0;
	s20 =	sshll.u32 s5, $0x1;
	s5 =	sadd.s32 s21, s3  }
0x9d: {  	[timem:s7], [sflag:s22] =	dma.local [hbm:s5], s20  }
0x9e: {  	_ =	swait.ge [sflag:s22], s20  }
0x9f: {  	s4 =	ssub.s32 $0x0, s20;
	[sflag:s22] =	ssyncset.done $0x0  }
0xa0: {  	[sflag:s22] =	ssyncadd.s32 s4;
	_ =	sdelay $0x1  }
0xa1: {  	s23 =	simm.s32 $0x1B8B  }
0xa2: {  	_ =	swait.ge [sflag:s23], $0x1  }
0xa3: {  	[sflag:s23] =	ssyncset.done $0x0  }
0xa4: {  	s25 =	simm.s32 $0x1B8E;
	s24 =	sld [smem:$0x3FFE];
	[sflag:s23] =	ssyncadd.s32 $0xFFFFFFFF  }
0xa5: {  	s26 =	simm.s32 $execute0_lowered;
	[smem:$0x3FD2] =	sst s25  }
0xa6: {  	s5 =	sshll.u32 s26, $0x1;
	_ =	strace $0x80000046;
	[dreg:$0x1] =	wrdreg $0xFFFFFFFF  }
0xa7: {  	s28 =	simm.s32 $_size_execute0_lowered;
	s3 =	sadd.s32 s3, s5;
	[dreg:$0x0] =	wrdreg $0x0  }
0xa8: {  	s5 =	sshll.u32 s28, $0x1;
	[dreg:$0x2] =	wrdreg s3  }
0xa9: {  	[dreg:$0x3] =	wrdreg s5  }
0xaa: {  	[dreg:$0x4] =	wrdreg $0xC0  }
0xab: {  	_ =	task [dreg:s7], $0x5FFFF  }
0xac: {  	[dreg:$0x1] =	wrdreg $0xFFFFFFFF  }
0xad: {  	[dreg:$0x0] =	wrdreg $0x60  }
0xae: {  	[dreg:$0x2] =	wrdreg s2  }
0xaf: {  	[dreg:$0x3] =	wrdreg s24  }
0xb0: {  	[dreg:$0x4] =	wrdreg $0xA  }
0xb1: {  	_ =	task.clear_ibuf [dreg:s7], $0x5FFFF;
	_ =	strace $0x90000046  }
0xb2: {  	s29 =	simm.s32 $0xA;
	_ =	strace $0x80000048  }
0xb3: {  	_ =	swait.ge [sflag:s29], $0x1  }
0xb4: {  	[sflag:s29] =	ssyncadd.s32 $0xFFFFFFFF  }
0xb5: {  	_ =	strace $0x90000048  }
0xb6: {  	_ =	sfence  }
0xb7: {  	s30 =	sld [smem:$0x0];
	_ =	sdelay $0x2  }
0xb8: {  	s31 =	sshll.u32 s1, $0xD;
	s1 =	sshrl.u32 s1, $0x2  }
0xb9: {  	s3 =	sand.u32 $0x4000, s31;
	s1 =	sadd.s32 s1, s30  }
0xba: {  	s0 =	sor.u32 s3, s0;
	s1 =	sshll.u32 s1, $0x11  }
0xbb: {  	s0 =	sor.u32 s1, s0  }
0xbc: {  	s0 =	sadd.s32 $0x8F2B, s0  }
0xbd: {  	[sflag:s0] =	ssyncadd.remote.s32 $0x1  }
0xbe: {  	_ =	sfence.sel $0xFFFF  }
0xbf: {  	[dreg:$0x0] =	wrdreg $0xFFFFFFFF;
	(pc) =	sbr.abs _section_cstart, $3  }
0xc0: {  	[dreg:$0x1] =	wrdreg $0xFFFFFFFF  }
0xc1: {  	_ =	task.clear_ibuf [dreg:s7], $0x2FFFF;
	_ =	strace $0x9FFFFFFF  }
0xc2: {  	(tm) =	ssettm $0x7FFFFFFF  }
0xc3: {  	_ =	shalt  }
tec
execute0_lowered:
.L_overlay_start_1:
0x0: {  	(tag) =	ssettag $0x1  }
0x1: {  	s2 =	rddreg [dreg:$0x0]  }
0x2: {  	s4 =	rddreg [dreg:$0x1];
	s3 =	srdreg.scid  }
0x3: {  	s0 =	rddreg [dreg:$0x2];
	s1 =	stileid.u32;
	s10 =	simm.s32 $0x80  }
0x4: {  	s11 =	simm.s32 $0x100;
	s12 =	simm.s32 $0x4100;
	s13 =	simm.s32 $0x1  }
0x5: {  	s14 =	simm.s32 $0x2;
	s15 =	simm.s32 $0x0;
	s5 =	sand.u32 $0x1, s3  }
0x6: {  	s3 =	simm.s32 $0x0;
	s6 =	sshll.u32 s1, $0x8;
	s9 =	sshll.u32 s1, $0xC  }
0x7: {  	s7 =	sshll.u32 s5, $0x7;
	[smem:$0x7FF] =	sst s3;
	s29 =	ssub.s32 $0x2, s5  }
0x8: {  	s30 =	sadd.s32 s9, s4;
	s31 =	sshll.u32 s5, $0xB;
	s9 =	simm.s32 $0x3  }
0x9: {  	s6 =	sor.u32 s7, s6;
	_ =	strace $0x80000047;
	s8 =	sshrl.u32 s29, $0x1  }
0xa: {  	s6 =	sshrl.u32 s6, $0x3;
	s7 =	ssub.s32 s29, s8;
	s8 =	sadd.s32 s31, s30  }
0xb: {  	s6 =	sadd.s32 s6, s4;
	s4 =	smax.u32 s7, $0x1;
	s7 =	sadd.s32 $0x158000, s8  }
0xc: {  	s8 =	sadd.s32 $0x18000, s8;
	s5 =	sadd.s32 $0xE000, s6;
	s6 =	sadd.s32 $0x13000, s6  }
.LBB2_1:
0xd: {  	s16 =	sadd.s32 $0x0, s6  }
0xe: {  	[tilespmem:s3], [sflag:$0x3] =	stream.linear.gather [hbm4b:s16+s3], $0x80, $0x38;
	[tilespmem:$0x8100] =	vst v63  }
0xf: {  	_ =	swait.ge [sflag:s9], $0x80  }
0x10: {  	[sflag:s9] =	ssyncset.done $0x0  }
0x11: {  	s31 =	sadd.s32 $0x0, s5;
	[sflag:s9] =	ssyncadd.s32 $0xFFFFFF80  }
0x12: {  	[tilespmem:s10], [sflag:$0x3] =	stream.linear.gather [hbm4b:s31+s3], $0x80, $0x38;
	[tilespmem:$0x8100] =	vst v63  }
0x13: {  	_ =	swait.ge [sflag:s9], $0x80  }
0x14: {  	[sflag:s9] =	ssyncset.done $0x0  }
0x15: {  	[sflag:s9] =	ssyncadd.s32 $0xFFFFFF80  }
0x16: {  	[tilespmem:s11], [sflag:$0x1] =	stream.indirect.gather [hbm4b:s2+s10], $0x80, s3, s10, $0xb8;
	[tilespmem:$0x8100] =	vst v63  }
0x17: {  	_ = 	snop  }
0x18: {  	[tilespmem:s12], [sflag:$0x2] =	stream.indirect.gather [hbm4b:s2+s10], $0x80, s10, s10, $0xb8;
	[tilespmem:$0x8100] =	vst v63  }
0x19: {  	_ =	swait.ge [sflag:s13], $0x4000  }
0x1a: {  	[sflag:s13] =	ssyncset.done $0x0  }
0x1b: {  	[sflag:s13] =	ssyncadd.s32 $0xFFFFC000  }
0x1c: {  	[hbm4b:s8+s3] =	stream.linear.scatter [tilespmem:s11], [sflag:$0x3], $0x4000, $0x38;
	[tilespmem:$0x8100] =	vst v63  }
0x1d: {  	_ =	swait.ge [sflag:s9], $0x4000  }
0x1e: {  	[sflag:s9] =	ssyncset.done $0x0  }
0x1f: {  	[sflag:s9] =	ssyncadd.s32 $0xFFFFC000  }
0x20: {  	_ =	swait.ge [sflag:s14], $0x4000  }
0x21: {  	[sflag:s14] =	ssyncset.done $0x0  }
0x22: {  	[sflag:s14] =	ssyncadd.s32 $0xFFFFC000  }
0x23: {  	[hbm4b:s7+s3] =	stream.linear.scatter [tilespmem:s12], [sflag:$0x3], $0x4000, $0x38;
	[tilespmem:$0x8100] =	vst v63  }
0x24: {  	s18 =	simm.s32 $0x200;
	s19 =	simm.s32 $0x400;
	_ =	swait.ge [sflag:s9], $0x4000  }
0x25: {  	s17 =	sadd.s32 $0x10000, s8;
	s16 =	sadd.s32 $0x10000, s7;
	[sflag:s9] =	ssyncset.done $0x0  }
.LBB2_2:
0x26: {  	s20 =	sadd.s32 s18, s6  }
0x27: {  	[sflag:s9] =	ssyncadd.s32 $0xFFFFC000;
	s21 =	smov.u32 s19;
	s22 =	sadd.s32 $0x200, s19  }
0x28: {  	[tilespmem:s3], [sflag:$0x3] =	stream.linear.gather [hbm4b:s20+s3], $0x80, $0x38;
	[tilespmem:$0x8100] =	vst v63  }
0x29: {  	p0 =	sne.s32 s19, $0x2600;
	_ =	swait.ge [sflag:s9], $0x80  }
0x2a: {  	[sflag:s9] =	ssyncset.done $0x0  }
0x2b: {  	s19 =	sadd.s32 s18, s5;
	s18 =	smov.u32 s21;
	[sflag:s9] =	ssyncadd.s32 $0xFFFFFF80  }
0x2c: {  	[tilespmem:s10], [sflag:$0x3] =	stream.linear.gather [hbm4b:s19+s3], $0x80, $0x38;
	[tilespmem:$0x8100] =	vst v63  }
0x2d: {  	_ =	swait.ge [sflag:s9], $0x80  }
0x2e: {  	[sflag:s9] =	ssyncset.done $0x0  }
0x2f: {  	[sflag:s9] =	ssyncadd.s32 $0xFFFFFF80  }
0x30: {  	[tilespmem:s11], [sflag:$0x1] =	stream.indirect.gather [hbm4b:s2+s10], $0x80, s3, s10, $0xb8;
	[tilespmem:$0x8100] =	vst v63  }
0x31: {  	_ = 	snop  }
0x32: {  	[tilespmem:s12], [sflag:$0x2] =	stream.indirect.gather [hbm4b:s2+s10], $0x80, s10, s10, $0xb8;
	[tilespmem:$0x8100] =	vst v63  }
0x33: {  	_ =	swait.ge [sflag:s13], $0x4000  }
0x34: {  	[sflag:s13] =	ssyncset.done $0x0  }
0x35: {  	[sflag:s13] =	ssyncadd.s32 $0xFFFFC000  }
0x36: {  	[hbm4b:s17+s3] =	stream.linear.scatter [tilespmem:s11], [sflag:$0x3], $0x4000, $0x38;
	[tilespmem:$0x8100] =	vst v63  }
0x37: {  	_ =	swait.ge [sflag:s9], $0x4000  }
0x38: {  	[sflag:s9] =	ssyncset.done $0x0  }
0x39: {  	[sflag:s9] =	ssyncadd.s32 $0xFFFFC000  }
0x3a: {  	_ =	swait.ge [sflag:s14], $0x4000  }
.Ltmp0:
0x3b: {  	[sflag:s14] =	ssyncset.done $0x0;
	(pc) =	sbr.rel @p0 .LBB2_2-.Ltmp0, $4  }
0x3c: {  	[sflag:s14] =	ssyncadd.s32 $0xFFFFC000  }
0x3d: {  	[hbm4b:s16+s3] =	stream.linear.scatter [tilespmem:s12], [sflag:$0x3], $0x4000, $0x38;
	[tilespmem:$0x8100] =	vst v63  }
0x3e: {  	s19 =	smov.u32 s22;
	_ =	swait.ge [sflag:s9], $0x4000  }
0x3f: {  	s17 =	sadd.s32 $0x10000, s17;
	s16 =	sadd.s32 $0x10000, s16;
	[sflag:s9] =	ssyncset.done $0x0  }
0x40: {  	s19 =	sadd.s32 s18, s6;
	[sflag:s9] =	ssyncadd.s32 $0xFFFFC000  }
0x41: {  	[tilespmem:s3], [sflag:$0x3] =	stream.linear.gather [hbm4b:s19+s3], $0x80, $0x38;
	[tilespmem:$0x8100] =	vst v63  }
0x42: {  	_ =	swait.ge [sflag:s9], $0x80  }
0x43: {  	[sflag:s9] =	ssyncset.done $0x0  }
0x44: {  	s31 =	sadd.s32 s18, s5;
	[sflag:s9] =	ssyncadd.s32 $0xFFFFFF80  }
0x45: {  	[tilespmem:s10], [sflag:$0x3] =	stream.linear.gather [hbm4b:s31+s3], $0x80, $0x38;
	[tilespmem:$0x8100] =	vst v63  }
0x46: {  	_ =	swait.ge [sflag:s9], $0x80  }
0x47: {  	[sflag:s9] =	ssyncset.done $0x0  }
0x48: {  	[sflag:s9] =	ssyncadd.s32 $0xFFFFFF80  }
0x49: {  	[tilespmem:s11], [sflag:$0x1] =	stream.indirect.gather [hbm4b:s2+s10], $0x80, s3, s10, $0xb8;
	[tilespmem:$0x8100] =	vst v63  }
0x4a: {  	_ = 	snop  }
0x4b: {  	[tilespmem:s12], [sflag:$0x2] =	stream.indirect.gather [hbm4b:s2+s10], $0x80, s10, s10, $0xb8;
	[tilespmem:$0x8100] =	vst v63  }
0x4c: {  	_ =	swait.ge [sflag:s13], $0x4000  }
0x4d: {  	[sflag:s13] =	ssyncset.done $0x0  }
0x4e: {  	[sflag:s13] =	ssyncadd.s32 $0xFFFFC000  }
0x4f: {  	[hbm4b:s17+s3] =	stream.linear.scatter [tilespmem:s11], [sflag:$0x3], $0x4000, $0x38;
	[tilespmem:$0x8100] =	vst v63  }
0x50: {  	_ =	swait.ge [sflag:s9], $0x4000  }
0x51: {  	[sflag:s9] =	ssyncset.done $0x0  }
0x52: {  	[sflag:s9] =	ssyncadd.s32 $0xFFFFC000  }
0x53: {  	s15 =	sadd.s32 $0x1, s15;
	_ =	swait.ge [sflag:s14], $0x4000  }
0x54: {  	p0 =	sne.s32 s15, s4;
	[sflag:s14] =	ssyncset.done $0x0  }
.Ltmp1:
0x55: {  	[sflag:s14] =	ssyncadd.s32 $0xFFFFC000;
	(pc) =	sbr.rel @p0 .LBB2_1-.Ltmp1, $4  }
0x56: {  	[hbm4b:s16+s3] =	stream.linear.scatter [tilespmem:s12], [sflag:$0x3], $0x4000, $0x38;
	[tilespmem:$0x8100] =	vst v63  }
0x57: {  	_ =	swait.ge [sflag:s9], $0x4000  }
0x58: {  	[sflag:s9] =	ssyncset.done $0x0  }
0x59: {  	[sflag:s9] =	ssyncadd.s32 $0xFFFFC000  }
0x5a: {  	_ =	sfence.sel $0x180000  }
0x5b: {  	[bflag:$0x0] =	sbarrier.arrive $0xFFFF  }
0x5c: {  	p0 =	sne.s32 s1, $0x0;
	_ =	strace $0x90000047  }
0x5d: {  	s0 =	sadd.s32 @!p0 $0x100000, s0;
	[bflag:$0x2] =	sbarrier.arrive $0xFFFF  }
0x5e: {  	[sflag:s0] =	ssyncadd.tile.s32 @!p0 $0x1;
	_ =	shalt  }
.Lfunc_end2:
_tile_overlayer_lowered:
.L_overlay_start_2:
0x5f: {  	(tag) =	ssettag $0x2  }
0x60: {  	s0 =	rddreg [dreg:$0x0];
	s2 =	stileid.u32  }
0x61: {  	s1 =	rddreg [dreg:$0x1];
	p0 =	sne.s32 s2, $0x0  }
0x62: {  	s3 =	rddreg [dreg:$0x2];
	[bflag:$0x3] =	sbarrier.arrive $0xFFFF;
	s2 =	simm.s32 @!p0 $0x1C03  }
0x63: {  	[timem:s3], [sflag:s2] =	dma.local @!p0 [hbm:s0], s1  }
0x64: {  	s0 =	simm.s32 @!p0 $0x3  }
0x65: {  	_ =	swait.ge @!p0 [sflag:s0], s1  }
0x66: {  	s1 =	ssub.s32 @!p0 $0x0, s1;
	[sflag:s0] =	ssyncset.done @!p0 $0x0  }
0x67: {  	[sflag:s0] =	ssyncadd.s32 @!p0 s1  }
0x68: {  	[bflag:$0x3] =	sbarrier.arrive $0xFFFF  }
0x69: {  	_ =	shalt  }

// kernel: kernel.19.cloned.1.call-start
scs
__scs_entry_jumppad:
0x0: {  	(pc) =	sbr.rel $0x88, $3  }
0x1: {  	(tag) =	ssettag $0x0;
	lr =	simm.s32 $0x1  }
0x2: {  	[smem:$0x3F73] =	sst lr;
	_ =	strace $0xD0000000  }
0x3: {  	_ = 	snop  }
0x4: {  	_ = 	snop  }
0x5: {  	_ = 	snop  }
0x6: {  	_ = 	snop  }
0x7: {  	_ = 	snop  }
__scs_overlays_trampoline_lowered:
0x8: {  	[smem:$0x3F82] =	sst s0  }
0x9: {  	[smem:$0x3F83] =	sst s1  }
0xa: {  	[smem:$0x3F84] =	sst s2  }
0xb: {  	[smem:$0x3F85] =	sst s3  }
0xc: {  	[smem:$0x3F86] =	sst s4  }
0xd: {  	[smem:$0x3F87] =	sst s5  }
0xe: {  	[smem:$0x3F88] =	sst s6  }
0xf: {  	[smem:$0x3F89] =	sst s7  }
0x10: {  	[smem:$0x3F8A] =	sst s8  }
0x11: {  	[smem:$0x3F8B] =	sst s9;
	s0 =	simm.s32 @!p0 $0x0  }
0x12: {  	s1 =	sld [smem:$0x3F71];
	s0 =	simm.s32 @p0 $0x1  }
0x13: {  	[smem:$0x3F8C] =	sst s0;
	s0 =	simm.s32 @!p1 $0x0  }
0x14: {  	s2 =	sld [smem:$0x3F70];
	s0 =	simm.s32 @p1 $0x1  }
0x15: {  	[smem:$0x3F8D] =	sst s0;
	s0 =	simm.s32 @!p2 $0x0  }
0x16: {  	s3 =	sld [smem:$0x3FDB];
	s0 =	simm.s32 @p2 $0x1  }
0x17: {  	s4 =	simm.s32 $0x1BF5;
	[smem:$0x3F8F] =	sst s0  }
0x18: {  	s0 =	sld [smem:$0x3F72];
	_ =	swait.ge [sflag:s4], $0x0  }
0x19: {  	s7 =	sld [smem:$0x3F73]  }
0x1a: {  	s8 =	sadd.s32 $0xFFFFE003, lr  }
0x1b: {  	s9 =	sadd.s32 $0xFFFFFEF7, lr;
	s5 =	simm.s32 $0xFFFFFFFF;
	p2 =	slt.u32 s8, $0xFFFFF086  }
0x1c: {  	p1 =	slt.u32 s9, $0xF7A;
	s5 =	simm.s32 @!p2 $0x0  }
0x1d: {  	s5 =	simm.s32 @p1 $0x1;
	p0 =	seq.s32 s7, s2  }
0x1e: {  	s7 =	smul.u32 @!p0 $0xF7A, s2;
	p2 =	seq.s32 @!p0 s5, $0x0  }
0x1f: {  	s9 =	smul.u32 $0xF7A, s1;
	s8 =	simm.s32 @!p0 $0x1BF5;
	p2 =	por !p2, p0  }
0x20: {  	[sflag:s8] =	ssyncset.s32 @!p0 $0xFFFFF086;
	s6 =	sadd.s32 @!p0 s3, s7;
	s7 =	simm.s32 @!p0 $0x108  }
0x21: {  	s3 =	sadd.s32 s3, s9;
	s6 =	sadd.s32 @!p0 $0x88, s6;
	s7 =	simm.s32 @p2 $0x1082  }
0x22: {  	[simem:s7], [sflag:s8] =	dma.local @!p0 [hbm:s6], $0xF7A  }
0x23: {  	s9 =	sor.u32 $0xD0000000, s2;
	s6 =	simm.s32 $0x108;
	_ =	swait.ge @!p0 [sflag:s8], $0x0  }
0x24: {  	s3 =	sadd.s32 $0x88, s3;
	s6 =	simm.s32 @!p1 $0x1082;
	[sflag:s4] =	ssyncset.s32 $0xFFFFF086  }
0x25: {  	[simem:s6], [sflag:s4] =	dma.local [hbm:s3], $0xF7A  }
0x26: {  	[smem:$0x3F73] =	sst s1;
	(tag) =	ssettag s2;
	_ =	strace s9  }
0x27: {  	s1 =	sld [smem:$0x3F83]  }
0x28: {  	s2 =	sld [smem:$0x3F84]  }
0x29: {  	s4 =	sld [smem:$0x3F86]  }
0x2a: {  	p0 =	seq.s32 s5, $0x0;
	s5 =	sld [smem:$0x3F87]  }
0x2b: {  	s6 =	sld [smem:$0x3F88]  }
0x2c: {  	s7 =	sld [smem:$0x3F89]  }
0x2d: {  	s3 =	simm.s32 $0x108;
	s8 =	sld [smem:$0x3F8A]  }
0x2e: {  	s3 =	simm.s32 @!p0 $0x1082;
	s9 =	sld [smem:$0x3F8B]  }
0x2f: {  	lr =	sadd.s32 s0, s3;
	s0 =	sld [smem:$0x3F82]  }
0x30: {  	s3 =	sld [smem:$0x3F85]  }
0x31: {  	[smem:$0x3F8E] =	sst s10  }
0x32: {  	s10 =	sld [smem:$0x3F8C];
	_ =	sdelay $0x3  }
0x33: {  	p0 =	seq.s32 s10, $0x1;
	s10 =	sld [smem:$0x3F8E];
	_ =	sdelay $0x3  }
0x34: {  	[smem:$0x3F8E] =	sst s10  }
0x35: {  	s10 =	sld [smem:$0x3F8D];
	_ =	sdelay $0x3  }
0x36: {  	p1 =	seq.s32 s10, $0x1;
	s10 =	sld [smem:$0x3F8E];
	_ =	sdelay $0x3  }
0x37: {  	[smem:$0x3F8E] =	sst s10  }
0x38: {  	s10 =	sld [smem:$0x3F8F]  }
0x39: {  	_ = 	snop;
	(pc) =	sbr.ind lr, $3  }
0x3a: {  	_ = 	snop  }
0x3b: {  	_ = 	snop  }
0x3c: {  	p2 =	seq.s32 s10, $0x1;
	s10 =	sld [smem:$0x3F8E]  }
0x3d: {  	_ =	shalt  }
0x3e: {  	_ =	shalt  }
0x3f: {  	_ =	shalt  }
0x40: {  	_ =	shalt  }
0x41: {  	_ =	shalt  }
0x42: {  	_ =	shalt  }
0x43: {  	_ =	shalt  }
0x44: {  	_ =	shalt  }
0x45: {  	_ =	shalt  }
0x46: {  	_ =	shalt  }
0x47: {  	_ =	shalt  }
0x48: {  	_ =	shalt  }
0x49: {  	_ =	shalt  }
0x4a: {  	_ =	shalt  }
0x4b: {  	_ =	shalt  }
0x4c: {  	_ =	shalt  }
0x4d: {  	_ =	shalt  }
0x4e: {  	_ =	shalt  }
0x4f: {  	_ =	shalt  }
0x50: {  	_ =	shalt  }
0x51: {  	_ =	shalt  }
0x52: {  	_ =	shalt  }
0x53: {  	_ =	shalt  }
0x54: {  	_ =	shalt  }
0x55: {  	_ =	shalt  }
0x56: {  	_ =	shalt  }
0x57: {  	_ =	shalt  }
0x58: {  	_ =	shalt  }
0x59: {  	_ =	shalt  }
0x5a: {  	_ =	shalt  }
0x5b: {  	_ =	shalt  }
0x5c: {  	_ =	shalt  }
0x5d: {  	_ =	shalt  }
0x5e: {  	_ =	shalt  }
0x5f: {  	_ =	shalt  }
0x60: {  	_ =	shalt  }
0x61: {  	_ =	shalt  }
0x62: {  	_ =	shalt  }
0x63: {  	_ =	shalt  }
0x64: {  	_ =	shalt  }
0x65: {  	_ =	shalt  }
0x66: {  	_ =	shalt  }
0x67: {  	_ =	shalt  }
0x68: {  	_ =	shalt  }
0x69: {  	_ =	shalt  }
0x6a: {  	_ =	shalt  }
0x6b: {  	_ =	shalt  }
0x6c: {  	_ =	shalt  }
0x6d: {  	_ =	shalt  }
0x6e: {  	_ =	shalt  }
0x6f: {  	_ =	shalt  }
0x70: {  	_ =	shalt  }
0x71: {  	_ =	shalt  }
0x72: {  	_ =	shalt  }
0x73: {  	_ =	shalt  }
0x74: {  	_ =	shalt  }
0x75: {  	_ =	shalt  }
0x76: {  	_ =	shalt  }
0x77: {  	_ =	shalt  }
0x78: {  	_ =	shalt  }
0x79: {  	_ =	shalt  }
0x7a: {  	_ =	shalt  }
0x7b: {  	_ =	shalt  }
0x7c: {  	_ =	shalt  }
0x7d: {  	_ =	shalt  }
0x7e: {  	_ =	shalt  }
0x7f: {  	_ =	shalt  }
0x80: {  	_ =	shalt  }
0x81: {  	_ =	shalt  }
0x82: {  	_ =	shalt  }
0x83: {  	_ =	shalt  }
0x84: {  	_ =	shalt  }
0x85: {  	_ =	shalt  }
0x86: {  	_ =	shalt  }
0x87: {  	_ =	shalt  }
.Lfunc_end0:
.L_simem_size_0:
called_computation.1_lowered:
.L_overlay_start_0:
0x88: {  	s2 =	sld [smem:$0x3FD9]  }
0x89: {  	s3 =	sld [smem:$0x3FFE];
	_ =	sdelay $0x1  }
0x8a: {  	s1 =	srdreg.scid  }
0x8b: {  	s0 =	sand.u32 $0x1, s1  }
0x8c: {  	s17 =	sshll.u32 s0, $0xA;
	s2 =	sadd.s32 s3, s2  }
0x8d: {  	s2 =	sadd.s32 s2, s17  }
0x8e: {  	[smem:$0x3F9A] =	sst s2  }
0x8f: {  	_ = 	snop  }
0x90: {  	s18 =	sld [smem:$0x3FC9];
	(tm) =	ssettm $0x1  }
0x91: {  	s19 =	sld [smem:$0x3FFB];
	_ =	sdelay $0x3  }
0x92: {  	_ =	strace s19  }
0x93: {  	s2 =	sld [smem:$0x3FFC];
	_ =	sdelay $0x3  }
0x94: {  	_ =	strace s2  }
0x95: {  	s2 =	sld [smem:$0x3FFD];
	_ =	sdelay $0x3  }
0x96: {  	_ =	strace s2  }
0x97: {  	_ =	strace $0x8FFFFFFF  }
0x98: {  	s20 =	sld [smem:$0x3FDB];
	_ =	sdelay $0x1  }
0x99: {  	s4 =	simm.s32 $_scs_section_size  }
0x9a: {  	s5 =	simm.s32 $_size__tile_overlayer_lowered;
	s6 =	simm.s32 $_tile_overlayer_lowered  }
0x9b: {  	s7 =	simm.s32 $0x1BFF;
	s21 =	sshll.u32 s6, $0x1;
	s4 =	sadd.s32 s4, s20  }
0x9c: {  	s22 =	simm.s32 $0x0;
	s5 =	sshll.u32 s5, $0x1;
	s6 =	sadd.s32 s21, s4  }
0x9d: {  	[timem:s22], [sflag:s7] =	dma.local [hbm:s6], s5  }
0x9e: {  	_ =	swait.ge [sflag:s7], s5  }
0x9f: {  	s5 =	ssub.s32 $0x0, s5;
	[sflag:s7] =	ssyncset.done $0x0  }
0xa0: {  	[sflag:s7] =	ssyncadd.s32 s5;
	_ =	sdelay $0x1  }
0xa1: {  	s23 =	simm.s32 $0x1B8B  }
0xa2: {  	_ =	swait.ge [sflag:s23], $0x1  }
0xa3: {  	[sflag:s23] =	ssyncset.done $0x0  }
0xa4: {  	[sflag:s23] =	ssyncadd.s32 $0xFFFFFFFF  }
0xa5: {  	s5 =	sld [smem:$0x0]  }
0xa6: {  	s6 =	sand.u32 $0xFFFFFFFE, s1  }
0xa7: {  	p0 =	sne.s32 s1, s6  }
0xa8: {  	s6 =	sshll.u32 @p0 s6, $0xE  }
0xa9: {  	s6 =	sadd.s32 @p0 $0x11B8D, s6;
	s7 =	sshll.u32 @p0 s5, $0x11  }
0xaa: {  	s6 =	sor.u32 @p0 s7, s6  }
0xab: {  	[sflag:s6] =	ssyncadd.remote.s32 @p0 $0x1;
	_ =	sdelay $0x1  }
0xac: {  	s6 =	simm.s32 @p0 $0x1B8D  }
0xad: {  	_ =	swait.eq @p0 [sflag:s6], $0x1  }
0xae: {  	[sflag:s6] =	ssyncadd.s32 @p0 $0xFFFFFFFF  }
0xaf: {  	s7 =	sshll.u32 @!p0 s1, $0xE  }
0xb0: {  	s7 =	sor.u32 @!p0 $0x4000, s7;
	s6 =	simm.s32 @!p0 $0x1B8D  }
0xb1: {  	s5 =	sshll.u32 @!p0 s5, $0x11;
	s7 =	sadd.s32 @!p0 $0x11B8D, s7;
	_ =	swait.eq @!p0 [sflag:s6], $0x1  }
0xb2: {  	s5 =	sor.u32 @!p0 s5, s7;
	[sflag:s6] =	ssyncadd.s32 @!p0 $0xFFFFFFFF  }
0xb3: {  	s25 =	simm.s32 $0x1B8E;
	s24 =	sld [smem:$0x3FFE];
	[sflag:s5] =	ssyncadd.remote.s32 @!p0 $0x1  }
0xb4: {  	s26 =	simm.s32 $execute0_lowered;
	[smem:$0x3FD2] =	sst s25  }
0xb5: {  	s6 =	sshll.u32 s26, $0x1;
	_ =	strace $0x80000049;
	[dreg:$0x1] =	wrdreg $0xFFFFFFFF  }
0xb6: {  	s28 =	simm.s32 $_size_execute0_lowered;
	s4 =	sadd.s32 s4, s6;
	[dreg:$0x0] =	wrdreg $0x0  }
0xb7: {  	s6 =	sshll.u32 s28, $0x1;
	[dreg:$0x2] =	wrdreg s4  }
0xb8: {  	[dreg:$0x3] =	wrdreg s6  }
0xb9: {  	[dreg:$0x4] =	wrdreg $0xC0  }
0xba: {  	_ =	task [dreg:s22], $0x5FFFF  }
0xbb: {  	[dreg:$0x1] =	wrdreg $0xFFFFFFFF  }
0xbc: {  	[dreg:$0x0] =	wrdreg $0x60  }
0xbd: {  	[dreg:$0x2] =	wrdreg s18  }
0xbe: {  	[dreg:$0x3] =	wrdreg s24  }
0xbf: {  	[dreg:$0x4] =	wrdreg $0x9  }
0xc0: {  	_ =	task.clear_ibuf [dreg:s22], $0x5FFFF;
	_ =	strace $0x90000049  }
0xc1: {  	s29 =	simm.s32 $0x9;
	_ =	strace $0x8000004B  }
0xc2: {  	_ =	swait.ge [sflag:s29], $0x1  }
0xc3: {  	[sflag:s29] =	ssyncadd.s32 $0xFFFFFFFF  }
0xc4: {  	_ =	strace $0x9000004B  }
0xc5: {  	_ =	sfence  }
0xc6: {  	s30 =	sld [smem:$0x0];
	_ =	sdelay $0x2  }
0xc7: {  	s31 =	sshll.u32 s1, $0xD;
	s1 =	sshrl.u32 s1, $0x2  }
0xc8: {  	s4 =	sand.u32 $0x4000, s31;
	s1 =	sadd.s32 s1, s30  }
0xc9: {  	s0 =	sor.u32 s4, s0;
	s1 =	sshll.u32 s1, $0x11  }
0xca: {  	s0 =	sor.u32 s1, s0  }
0xcb: {  	s0 =	sadd.s32 $0x8F2B, s0  }
0xcc: {  	[sflag:s0] =	ssyncadd.remote.s32 $0x1  }
0xcd: {  	_ =	sfence.sel $0xFFFF  }
0xce: {  	[dreg:$0x0] =	wrdreg $0xFFFFFFFF;
	(pc) =	sbr.abs _section_cstart, $3  }
0xcf: {  	[dreg:$0x1] =	wrdreg $0xFFFFFFFF  }
0xd0: {  	_ =	task.clear_ibuf [dreg:s22], $0x2FFFF;
	_ =	strace $0x9FFFFFFF  }
0xd1: {  	(tm) =	ssettm $0x7FFFFFFF  }
tec
execute0_lowered:
.L_overlay_start_1:
0x0: {  	(tag) =	ssettag $0x1  }
0x1: {  	s1 =	rddreg [dreg:$0x0]  }
0x2: {  	s4 =	rddreg [dreg:$0x1]  }
0x3: {  	s0 =	rddreg [dreg:$0x2];
	s2 =	simm.s32 $0x0;
	s5 =	srdreg.scid  }
0x4: {  	s3 =	stileid.u32;
	s17 =	simm.s32 $0x1;
	s18 =	simm.s32 $0x2  }
0x5: {  	s19 =	simm.s32 $0x8;
	s20 =	simm.s32 $0x0;
	[smem:$0x7FF] =	sst s2  }
0x6: {  	s10 =	sadd.s32 $0x13000, s4;
	s9 =	sadd.s32 $0xE000, s4;
	s11 =	sand.u32 $0x1, s5  }
0x7: {  	s12 =	sadd.s32 $0x298000, s4;
	s6 =	sshll.u32 s3, $0x1;
	s13 =	sadd.s32 $0x3C9000, s4  }
0x8: {  	s31 =	sshll.u32 s3, $0x8;
	s15 =	sshll.u32 s3, $0xC;
	_ =	strace $0x8000004A  }
0x9: {  	s5 =	ssub.s32 $0x2, s11;
	s6 =	sor.u32 s11, s6;
	s14 =	sshll.u32 s11, $0x7  }
0xa: {  	s16 =	sshll.u32 s11, $0xB;
	s29 =	sshrl.u32 s5, $0x1;
	s7 =	sshll.u32 s6, $0x7  }
0xb: {  	s30 =	sor.u32 $0x4E00, s6;
	s14 =	sor.u32 s14, s31;
	s8 =	ssub.s32 s5, s29  }
0xc: {  	s4 =	sadd.s32 s10, s30;
	s5 =	sadd.s32 s9, s30;
	s7 =	sor.u32 $0x130000, s7  }
0xd: {  	s14 =	sor.u32 $0x14000, s14;
	s6 =	sadd.s32 s12, s7;
	s7 =	sadd.s32 s13, s7  }
0xe: {  	s8 =	smax.u32 s8, $0x1;
	s14 =	sshrl.u32 s14, $0x3;
	s13 =	sadd.s32 s15, s13  }
0xf: {  	s12 =	sadd.s32 s15, s12;
	s15 =	simm.s32 $0x100;
	s9 =	sadd.s32 s14, s9  }
0x10: {  	s10 =	sadd.s32 s14, s10;
	s11 =	sadd.s32 s16, s13;
	s12 =	sadd.s32 s16, s12  }
0x11: {  	s13 =	simm.s32 $0x3;
	s14 =	simm.s32 $0x80;
	s16 =	simm.s32 $0x4100  }
.LBB2_1:
0x12: {  	s21 =	sadd.s32 $0x0, s10  }
0x13: {  	[tilespmem:s2], [sflag:$0x3] =	stream.linear.gather [hbm4b:s21+s2], $0x80, $0x38;
	[tilespmem:$0x8100] =	vst v63  }
0x14: {  	_ =	swait.ge [sflag:s13], $0x80  }
0x15: {  	[sflag:s13] =	ssyncset.done $0x0  }
0x16: {  	s31 =	sadd.s32 $0x0, s9;
	[sflag:s13] =	ssyncadd.s32 $0xFFFFFF80  }
0x17: {  	[tilespmem:s14], [sflag:$0x3] =	stream.linear.gather [hbm4b:s31+s2], $0x80, $0x38;
	[tilespmem:$0x8100] =	vst v63  }
0x18: {  	_ =	swait.ge [sflag:s13], $0x80  }
0x19: {  	[sflag:s13] =	ssyncset.done $0x0  }
0x1a: {  	[sflag:s13] =	ssyncadd.s32 $0xFFFFFF80  }
0x1b: {  	[tilespmem:s15], [sflag:$0x1] =	stream.indirect.gather [hbm4b:s1+s14], $0x80, s2, s14, $0xb8;
	[tilespmem:$0x8100] =	vst v63  }
0x1c: {  	_ = 	snop  }
0x1d: {  	[tilespmem:s16], [sflag:$0x2] =	stream.indirect.gather [hbm4b:s1+s14], $0x80, s14, s14, $0xb8;
	[tilespmem:$0x8100] =	vst v63  }
0x1e: {  	_ =	swait.ge [sflag:s17], $0x4000  }
0x1f: {  	[sflag:s17] =	ssyncset.done $0x0  }
0x20: {  	[sflag:s17] =	ssyncadd.s32 $0xFFFFC000  }
0x21: {  	[hbm4b:s12+s2] =	stream.linear.scatter [tilespmem:s15], [sflag:$0x3], $0x4000, $0x38;
	[tilespmem:$0x8100] =	vst v63  }
0x22: {  	_ =	swait.ge [sflag:s13], $0x4000  }
0x23: {  	[sflag:s13] =	ssyncset.done $0x0  }
0x24: {  	[sflag:s13] =	ssyncadd.s32 $0xFFFFC000  }
0x25: {  	_ =	swait.ge [sflag:s18], $0x4000  }
0x26: {  	[sflag:s18] =	ssyncset.done $0x0  }
0x27: {  	[sflag:s18] =	ssyncadd.s32 $0xFFFFC000  }
0x28: {  	[hbm4b:s11+s2] =	stream.linear.scatter [tilespmem:s16], [sflag:$0x3], $0x4000, $0x38;
	[tilespmem:$0x8100] =	vst v63  }
0x29: {  	s23 =	simm.s32 $0x200;
	s24 =	simm.s32 $0x400;
	_ =	swait.ge [sflag:s13], $0x4000  }
0x2a: {  	s22 =	sadd.s32 $0x10000, s12;
	s21 =	sadd.s32 $0x10000, s11;
	[sflag:s13] =	ssyncset.done $0x0  }
.LBB2_2:
0x2b: {  	s25 =	sadd.s32 s23, s10  }
0x2c: {  	[sflag:s13] =	ssyncadd.s32 $0xFFFFC000;
	s26 =	smov.u32 s24;
	s28 =	sadd.s32 $0x200, s24  }
0x2d: {  	[tilespmem:s2], [sflag:$0x3] =	stream.linear.gather [hbm4b:s25+s2], $0x80, $0x38;
	[tilespmem:$0x8100] =	vst v63  }
0x2e: {  	p0 =	sne.s32 s24, $0x2400;
	_ =	swait.ge [sflag:s13], $0x80  }
0x2f: {  	[sflag:s13] =	ssyncset.done $0x0  }
0x30: {  	s24 =	sadd.s32 s23, s9;
	s23 =	smov.u32 s26;
	[sflag:s13] =	ssyncadd.s32 $0xFFFFFF80  }
0x31: {  	[tilespmem:s14], [sflag:$0x3] =	stream.linear.gather [hbm4b:s24+s2], $0x80, $0x38;
	[tilespmem:$0x8100] =	vst v63  }
0x32: {  	_ =	swait.ge [sflag:s13], $0x80  }
0x33: {  	[sflag:s13] =	ssyncset.done $0x0  }
0x34: {  	[sflag:s13] =	ssyncadd.s32 $0xFFFFFF80  }
0x35: {  	[tilespmem:s15], [sflag:$0x1] =	stream.indirect.gather [hbm4b:s1+s14], $0x80, s2, s14, $0xb8;
	[tilespmem:$0x8100] =	vst v63  }
0x36: {  	_ = 	snop  }
0x37: {  	[tilespmem:s16], [sflag:$0x2] =	stream.indirect.gather [hbm4b:s1+s14], $0x80, s14, s14, $0xb8;
	[tilespmem:$0x8100] =	vst v63  }
0x38: {  	_ =	swait.ge [sflag:s17], $0x4000  }
0x39: {  	[sflag:s17] =	ssyncset.done $0x0  }
0x3a: {  	[sflag:s17] =	ssyncadd.s32 $0xFFFFC000  }
0x3b: {  	[hbm4b:s22+s2] =	stream.linear.scatter [tilespmem:s15], [sflag:$0x3], $0x4000, $0x38;
	[tilespmem:$0x8100] =	vst v63  }
0x3c: {  	_ =	swait.ge [sflag:s13], $0x4000  }
0x3d: {  	[sflag:s13] =	ssyncset.done $0x0  }
0x3e: {  	[sflag:s13] =	ssyncadd.s32 $0xFFFFC000  }
0x3f: {  	_ =	swait.ge [sflag:s18], $0x4000  }
.Ltmp0:
0x40: {  	[sflag:s18] =	ssyncset.done $0x0;
	(pc) =	sbr.rel @p0 .LBB2_2-.Ltmp0, $4  }
0x41: {  	[sflag:s18] =	ssyncadd.s32 $0xFFFFC000  }
0x42: {  	[hbm4b:s21+s2] =	stream.linear.scatter [tilespmem:s16], [sflag:$0x3], $0x4000, $0x38;
	[tilespmem:$0x8100] =	vst v63  }
0x43: {  	s24 =	smov.u32 s28;
	_ =	swait.ge [sflag:s13], $0x4000  }
0x44: {  	s22 =	sadd.s32 $0x10000, s22;
	s21 =	sadd.s32 $0x10000, s21;
	[sflag:s13] =	ssyncset.done $0x0  }
0x45: {  	s24 =	sadd.s32 s23, s10;
	[sflag:s13] =	ssyncadd.s32 $0xFFFFC000  }
0x46: {  	[tilespmem:s2], [sflag:$0x3] =	stream.linear.gather [hbm4b:s24+s2], $0x80, $0x38;
	[tilespmem:$0x8100] =	vst v63  }
0x47: {  	_ =	swait.ge [sflag:s13], $0x80  }
0x48: {  	[sflag:s13] =	ssyncset.done $0x0  }
0x49: {  	s31 =	sadd.s32 s23, s9;
	[sflag:s13] =	ssyncadd.s32 $0xFFFFFF80  }
0x4a: {  	[tilespmem:s14], [sflag:$0x3] =	stream.linear.gather [hbm4b:s31+s2], $0x80, $0x38;
	[tilespmem:$0x8100] =	vst v63  }
0x4b: {  	_ =	swait.ge [sflag:s13], $0x80  }
0x4c: {  	[sflag:s13] =	ssyncset.done $0x0  }
0x4d: {  	[sflag:s13] =	ssyncadd.s32 $0xFFFFFF80  }
0x4e: {  	[tilespmem:s15], [sflag:$0x1] =	stream.indirect.gather [hbm4b:s1+s14], $0x80, s2, s14, $0xb8;
	[tilespmem:$0x8100] =	vst v63  }
0x4f: {  	_ = 	snop  }
0x50: {  	[tilespmem:s16], [sflag:$0x2] =	stream.indirect.gather [hbm4b:s1+s14], $0x80, s14, s14, $0xb8;
	[tilespmem:$0x8100] =	vst v63  }
0x51: {  	_ =	swait.ge [sflag:s17], $0x4000  }
0x52: {  	[sflag:s17] =	ssyncset.done $0x0  }
0x53: {  	[sflag:s17] =	ssyncadd.s32 $0xFFFFC000  }
0x54: {  	[hbm4b:s22+s2] =	stream.linear.scatter [tilespmem:s15], [sflag:$0x3], $0x4000, $0x38;
	[tilespmem:$0x8100] =	vst v63  }
0x55: {  	_ =	swait.ge [sflag:s13], $0x4000  }
0x56: {  	[sflag:s13] =	ssyncset.done $0x0  }
0x57: {  	[sflag:s13] =	ssyncadd.s32 $0xFFFFC000  }
0x58: {  	_ =	swait.ge [sflag:s18], $0x4000  }
0x59: {  	[sflag:s18] =	ssyncset.done $0x0  }
0x5a: {  	[sflag:s18] =	ssyncadd.s32 $0xFFFFC000  }
0x5b: {  	[hbm4b:s21+s2] =	stream.linear.scatter [tilespmem:s16], [sflag:$0x3], $0x4000, $0x38;
	[tilespmem:$0x8100] =	vst v63  }
0x5c: {  	_ =	swait.ge [sflag:s13], $0x4000  }
0x5d: {  	[sflag:s13] =	ssyncset.done $0x0  }
0x5e: {  	[sflag:s13] =	ssyncadd.s32 $0xFFFFC000  }
0x5f: {  	[tilespmem:s2], [sflag:$0x3] =	stream.linear.gather [hbm4b:s4+s2], $0x8, $0x38;
	[tilespmem:$0x8100] =	vst v63  }
0x60: {  	_ =	swait.ge [sflag:s13], $0x8  }
0x61: {  	[sflag:s13] =	ssyncset.done $0x0  }
0x62: {  	[sflag:s13] =	ssyncadd.s32 $0xFFFFFFF8  }
0x63: {  	[tilespmem:s14], [sflag:$0x3] =	stream.linear.gather [hbm4b:s5+s2], $0x8, $0x38;
	[tilespmem:$0x8100] =	vst v63  }
0x64: {  	_ =	swait.ge [sflag:s13], $0x8  }
0x65: {  	[sflag:s13] =	ssyncset.done $0x0  }
0x66: {  	[sflag:s13] =	ssyncadd.s32 $0xFFFFFFF8  }
0x67: {  	[tilespmem:s15], [sflag:$0x1] =	stream.indirect.gather [hbm4b:s1+s19], $0x80, s2, s19, $0xb8;
	[tilespmem:$0x8100] =	vst v63  }
0x68: {  	_ = 	snop  }
0x69: {  	[tilespmem:s16], [sflag:$0x2] =	stream.indirect.gather [hbm4b:s1+s19], $0x80, s14, s19, $0xb8;
	[tilespmem:$0x8100] =	vst v63  }
0x6a: {  	_ =	swait.ge [sflag:s17], $0x400  }
0x6b: {  	[sflag:s17] =	ssyncset.done $0x0  }
0x6c: {  	[sflag:s17] =	ssyncadd.s32 $0xFFFFFC00  }
0x6d: {  	[hbm4b:s6+s2] =	stream.linear.scatter [tilespmem:s15], [sflag:$0x3], $0x400, $0x38;
	[tilespmem:$0x8100] =	vst v63  }
0x6e: {  	_ =	swait.ge [sflag:s13], $0x400  }
0x6f: {  	[sflag:s13] =	ssyncset.done $0x0  }
0x70: {  	[sflag:s13] =	ssyncadd.s32 $0xFFFFFC00  }
0x71: {  	s20 =	sadd.s32 $0x1, s20;
	_ =	swait.ge [sflag:s18], $0x400  }
0x72: {  	p0 =	sne.s32 s20, s8;
	[sflag:s18] =	ssyncset.done $0x0  }
.Ltmp1:
0x73: {  	[sflag:s18] =	ssyncadd.s32 $0xFFFFFC00;
	(pc) =	sbr.rel @p0 .LBB2_1-.Ltmp1, $4  }
0x74: {  	[hbm4b:s7+s2] =	stream.linear.scatter [tilespmem:s16], [sflag:$0x3], $0x400, $0x38;
	[tilespmem:$0x8100] =	vst v63  }
0x75: {  	_ =	swait.ge [sflag:s13], $0x400  }
0x76: {  	[sflag:s13] =	ssyncset.done $0x0  }
0x77: {  	[sflag:s13] =	ssyncadd.s32 $0xFFFFFC00  }
0x78: {  	_ =	sfence.sel $0x180000  }
0x79: {  	[bflag:$0x0] =	sbarrier.arrive $0xFFFF  }
0x7a: {  	p0 =	sne.s32 s3, $0x0;
	_ =	strace $0x9000004A  }
0x7b: {  	s0 =	sadd.s32 @!p0 $0x100000, s0;
	[bflag:$0x2] =	sbarrier.arrive $0xFFFF  }
0x7c: {  	[sflag:s0] =	ssyncadd.tile.s32 @!p0 $0x1;
	_ =	shalt  }
.Lfunc_end2:
_tile_overlayer_lowered:
.L_overlay_start_2:
0x7d: {  	(tag) =	ssettag $0x2  }
0x7e: {  	s0 =	rddreg [dreg:$0x0];
	s2 =	stileid.u32  }
0x7f: {  	s1 =	rddreg [dreg:$0x1];
	p0 =	sne.s32 s2, $0x0  }
0x80: {  	s3 =	rddreg [dreg:$0x2];
	[bflag:$0x3] =	sbarrier.arrive $0xFFFF;
	s2 =	simm.s32 @!p0 $0x1C03  }
0x81: {  	[timem:s3], [sflag:s2] =	dma.local @!p0 [hbm:s0], s1  }
0x82: {  	s0 =	simm.s32 @!p0 $0x3  }
0x83: {  	_ =	swait.ge @!p0 [sflag:s0], s1  }
0x84: {  	s1 =	ssub.s32 @!p0 $0x0, s1;
	[sflag:s0] =	ssyncset.done @!p0 $0x0  }
0x85: {  	[sflag:s0] =	ssyncadd.s32 @!p0 s1  }
0x86: {  	[bflag:$0x3] =	sbarrier.arrive $0xFFFF  }
0x87: {  	_ =	shalt  }

// kernel: kernel.22.cloned.1.call-start
scs
__scs_entry_jumppad:
0x0: {  	(pc) =	sbr.rel $0x88, $3  }
0x1: {  	(tag) =	ssettag $0x0;
	lr =	simm.s32 $0x1  }
0x2: {  	[smem:$0x3F73] =	sst lr;
	_ =	strace $0xD0000000  }
0x3: {  	_ = 	snop  }
0x4: {  	_ = 	snop  }
0x5: {  	_ = 	snop  }
0x6: {  	_ = 	snop  }
0x7: {  	_ = 	snop  }
__scs_overlays_trampoline_lowered:
0x8: {  	[smem:$0x3F82] =	sst s0  }
0x9: {  	[smem:$0x3F83] =	sst s1  }
0xa: {  	[smem:$0x3F84] =	sst s2  }
0xb: {  	[smem:$0x3F85] =	sst s3  }
0xc: {  	[smem:$0x3F86] =	sst s4  }
0xd: {  	[smem:$0x3F87] =	sst s5  }
0xe: {  	[smem:$0x3F88] =	sst s6  }
0xf: {  	[smem:$0x3F89] =	sst s7  }
0x10: {  	[smem:$0x3F8A] =	sst s8  }
0x11: {  	[smem:$0x3F8B] =	sst s9;
	s0 =	simm.s32 @!p0 $0x0  }
0x12: {  	s1 =	sld [smem:$0x3F71];
	s0 =	simm.s32 @p0 $0x1  }
0x13: {  	[smem:$0x3F8C] =	sst s0;
	s0 =	simm.s32 @!p1 $0x0  }
0x14: {  	s2 =	sld [smem:$0x3F70];
	s0 =	simm.s32 @p1 $0x1  }
0x15: {  	[smem:$0x3F8D] =	sst s0;
	s0 =	simm.s32 @!p2 $0x0  }
0x16: {  	s3 =	sld [smem:$0x3FDB];
	s0 =	simm.s32 @p2 $0x1  }
0x17: {  	s4 =	simm.s32 $0x1BF5;
	[smem:$0x3F8F] =	sst s0  }
0x18: {  	s0 =	sld [smem:$0x3F72];
	_ =	swait.ge [sflag:s4], $0x0  }
0x19: {  	s7 =	sld [smem:$0x3F73]  }
0x1a: {  	s8 =	sadd.s32 $0xFFFFE003, lr  }
0x1b: {  	s9 =	sadd.s32 $0xFFFFFEF7, lr;
	s5 =	simm.s32 $0xFFFFFFFF;
	p2 =	slt.u32 s8, $0xFFFFF086  }
0x1c: {  	p1 =	slt.u32 s9, $0xF7A;
	s5 =	simm.s32 @!p2 $0x0  }
0x1d: {  	s5 =	simm.s32 @p1 $0x1;
	p0 =	seq.s32 s7, s2  }
0x1e: {  	s7 =	smul.u32 @!p0 $0xF7A, s2;
	p2 =	seq.s32 @!p0 s5, $0x0  }
0x1f: {  	s9 =	smul.u32 $0xF7A, s1;
	s8 =	simm.s32 @!p0 $0x1BF5;
	p2 =	por !p2, p0  }
0x20: {  	[sflag:s8] =	ssyncset.s32 @!p0 $0xFFFFF086;
	s6 =	sadd.s32 @!p0 s3, s7;
	s7 =	simm.s32 @!p0 $0x108  }
0x21: {  	s3 =	sadd.s32 s3, s9;
	s6 =	sadd.s32 @!p0 $0x88, s6;
	s7 =	simm.s32 @p2 $0x1082  }
0x22: {  	[simem:s7], [sflag:s8] =	dma.local @!p0 [hbm:s6], $0xF7A  }
0x23: {  	s9 =	sor.u32 $0xD0000000, s2;
	s6 =	simm.s32 $0x108;
	_ =	swait.ge @!p0 [sflag:s8], $0x0  }
0x24: {  	s3 =	sadd.s32 $0x88, s3;
	s6 =	simm.s32 @!p1 $0x1082;
	[sflag:s4] =	ssyncset.s32 $0xFFFFF086  }
0x25: {  	[simem:s6], [sflag:s4] =	dma.local [hbm:s3], $0xF7A  }
0x26: {  	[smem:$0x3F73] =	sst s1;
	(tag) =	ssettag s2;
	_ =	strace s9  }
0x27: {  	s1 =	sld [smem:$0x3F83]  }
0x28: {  	s2 =	sld [smem:$0x3F84]  }
0x29: {  	s4 =	sld [smem:$0x3F86]  }
0x2a: {  	p0 =	seq.s32 s5, $0x0;
	s5 =	sld [smem:$0x3F87]  }
0x2b: {  	s6 =	sld [smem:$0x3F88]  }
0x2c: {  	s7 =	sld [smem:$0x3F89]  }
0x2d: {  	s3 =	simm.s32 $0x108;
	s8 =	sld [smem:$0x3F8A]  }
0x2e: {  	s3 =	simm.s32 @!p0 $0x1082;
	s9 =	sld [smem:$0x3F8B]  }
0x2f: {  	lr =	sadd.s32 s0, s3;
	s0 =	sld [smem:$0x3F82]  }
0x30: {  	s3 =	sld [smem:$0x3F85]  }
0x31: {  	[smem:$0x3F8E] =	sst s10  }
0x32: {  	s10 =	sld [smem:$0x3F8C];
	_ =	sdelay $0x3  }
0x33: {  	p0 =	seq.s32 s10, $0x1;
	s10 =	sld [smem:$0x3F8E];
	_ =	sdelay $0x3  }
0x34: {  	[smem:$0x3F8E] =	sst s10  }
0x35: {  	s10 =	sld [smem:$0x3F8D];
	_ =	sdelay $0x3  }
0x36: {  	p1 =	seq.s32 s10, $0x1;
	s10 =	sld [smem:$0x3F8E];
	_ =	sdelay $0x3  }
0x37: {  	[smem:$0x3F8E] =	sst s10  }
0x38: {  	s10 =	sld [smem:$0x3F8F]  }
0x39: {  	_ = 	snop;
	(pc) =	sbr.ind lr, $3  }
0x3a: {  	_ = 	snop  }
0x3b: {  	_ = 	snop  }
0x3c: {  	p2 =	seq.s32 s10, $0x1;
	s10 =	sld [smem:$0x3F8E]  }
0x3d: {  	_ =	shalt  }
0x3e: {  	_ =	shalt  }
0x3f: {  	_ =	shalt  }
0x40: {  	_ =	shalt  }
0x41: {  	_ =	shalt  }
0x42: {  	_ =	shalt  }
0x43: {  	_ =	shalt  }
0x44: {  	_ =	shalt  }
0x45: {  	_ =	shalt  }
0x46: {  	_ =	shalt  }
0x47: {  	_ =	shalt  }
0x48: {  	_ =	shalt  }
0x49: {  	_ =	shalt  }
0x4a: {  	_ =	shalt  }
0x4b: {  	_ =	shalt  }
0x4c: {  	_ =	shalt  }
0x4d: {  	_ =	shalt  }
0x4e: {  	_ =	shalt  }
0x4f: {  	_ =	shalt  }
0x50: {  	_ =	shalt  }
0x51: {  	_ =	shalt  }
0x52: {  	_ =	shalt  }
0x53: {  	_ =	shalt  }
0x54: {  	_ =	shalt  }
0x55: {  	_ =	shalt  }
0x56: {  	_ =	shalt  }
0x57: {  	_ =	shalt  }
0x58: {  	_ =	shalt  }
0x59: {  	_ =	shalt  }
0x5a: {  	_ =	shalt  }
0x5b: {  	_ =	shalt  }
0x5c: {  	_ =	shalt  }
0x5d: {  	_ =	shalt  }
0x5e: {  	_ =	shalt  }
0x5f: {  	_ =	shalt  }
0x60: {  	_ =	shalt  }
0x61: {  	_ =	shalt  }
0x62: {  	_ =	shalt  }
0x63: {  	_ =	shalt  }
0x64: {  	_ =	shalt  }
0x65: {  	_ =	shalt  }
0x66: {  	_ =	shalt  }
0x67: {  	_ =	shalt  }
0x68: {  	_ =	shalt  }
0x69: {  	_ =	shalt  }
0x6a: {  	_ =	shalt  }
0x6b: {  	_ =	shalt  }
0x6c: {  	_ =	shalt  }
0x6d: {  	_ =	shalt  }
0x6e: {  	_ =	shalt  }
0x6f: {  	_ =	shalt  }
0x70: {  	_ =	shalt  }
0x71: {  	_ =	shalt  }
0x72: {  	_ =	shalt  }
0x73: {  	_ =	shalt  }
0x74: {  	_ =	shalt  }
0x75: {  	_ =	shalt  }
0x76: {  	_ =	shalt  }
0x77: {  	_ =	shalt  }
0x78: {  	_ =	shalt  }
0x79: {  	_ =	shalt  }
0x7a: {  	_ =	shalt  }
0x7b: {  	_ =	shalt  }
0x7c: {  	_ =	shalt  }
0x7d: {  	_ =	shalt  }
0x7e: {  	_ =	shalt  }
0x7f: {  	_ =	shalt  }
0x80: {  	_ =	shalt  }
0x81: {  	_ =	shalt  }
0x82: {  	_ =	shalt  }
0x83: {  	_ =	shalt  }
0x84: {  	_ =	shalt  }
0x85: {  	_ =	shalt  }
0x86: {  	_ =	shalt  }
0x87: {  	_ =	shalt  }
.Lfunc_end0:
.L_simem_size_0:
called_computation.2_lowered:
.L_overlay_start_0:
0x88: {  	s2 =	sld [smem:$0x3FD9]  }
0x89: {  	s3 =	sld [smem:$0x3FFE];
	_ =	sdelay $0x1  }
0x8a: {  	s1 =	srdreg.scid  }
0x8b: {  	s0 =	sand.u32 $0x1, s1  }
0x8c: {  	s15 =	sshll.u32 s0, $0xA;
	s2 =	sadd.s32 s3, s2  }
0x8d: {  	s2 =	sadd.s32 s2, s15  }
0x8e: {  	[smem:$0x3F9A] =	sst s2  }
0x8f: {  	_ = 	snop  }
0x90: {  	s2 =	sld [smem:$0x3FD0];
	_ =	sdelay $0x2  }
0x91: {  	s16 =	simm.s32 $0xB;
	s4 =	simm.s32 $0x10  }
0x92: {  	[smem:s4], [sflag:s16] =	dma.local [hbm:s2], $0x1  }
0x93: {  	_ =	swait.eq [sflag:s16], $0x1  }
0x94: {  	[sflag:s16] =	ssyncset.done $0x0  }
0x95: {  	[sflag:s16] =	ssyncadd.s32 $0xFFFFFFFF  }
0x96: {  	s17 =	sld [smem:$0x10];
	(tm) =	ssettm $0x1  }
0x97: {  	s18 =	sld [smem:$0x3FFB];
	_ =	sdelay $0x3  }
0x98: {  	_ =	strace s18  }
0x99: {  	s2 =	sld [smem:$0x3FFC];
	_ =	sdelay $0x3  }
0x9a: {  	_ =	strace s2  }
0x9b: {  	s2 =	sld [smem:$0x3FFD];
	_ =	sdelay $0x3  }
0x9c: {  	_ =	strace s2  }
0x9d: {  	_ =	strace $0x8FFFFFFF  }
0x9e: {  	s19 =	sld [smem:$0x3FDB];
	_ =	sdelay $0x1  }
0x9f: {  	s20 =	simm.s32 $_scs_section_size  }
0xa0: {  	s5 =	simm.s32 $_size__tile_overlayer_lowered;
	s6 =	simm.s32 $_tile_overlayer_lowered  }
0xa1: {  	s7 =	simm.s32 $0x1BFF;
	s21 =	sshll.u32 s6, $0x1;
	s4 =	sadd.s32 s20, s19  }
0xa2: {  	s22 =	simm.s32 $0x0;
	s5 =	sshll.u32 s5, $0x1;
	s6 =	sadd.s32 s21, s4  }
0xa3: {  	[timem:s22], [sflag:s7] =	dma.local [hbm:s6], s5  }
0xa4: {  	_ =	swait.ge [sflag:s7], s5  }
0xa5: {  	s5 =	ssub.s32 $0x0, s5;
	[sflag:s7] =	ssyncset.done $0x0  }
0xa6: {  	[sflag:s7] =	ssyncadd.s32 s5;
	_ =	sdelay $0x1  }
0xa7: {  	s23 =	simm.s32 $0x1B8B  }
0xa8: {  	_ =	swait.ge [sflag:s23], $0x1  }
0xa9: {  	[sflag:s23] =	ssyncset.done $0x0  }
0xaa: {  	[sflag:s23] =	ssyncadd.s32 $0xFFFFFFFF  }
0xab: {  	s5 =	sld [smem:$0x0]  }
0xac: {  	s6 =	sand.u32 $0xFFFFFFFE, s1  }
0xad: {  	p0 =	sne.s32 s1, s6  }
0xae: {  	s6 =	sshll.u32 @p0 s6, $0xE  }
0xaf: {  	s6 =	sadd.s32 @p0 $0x11B8D, s6;
	s7 =	sshll.u32 @p0 s5, $0x11  }
0xb0: {  	s6 =	sor.u32 @p0 s7, s6  }
0xb1: {  	[sflag:s6] =	ssyncadd.remote.s32 @p0 $0x1;
	_ =	sdelay $0x1  }
0xb2: {  	s6 =	simm.s32 @p0 $0x1B8D  }
0xb3: {  	_ =	swait.eq @p0 [sflag:s6], $0x1  }
0xb4: {  	[sflag:s6] =	ssyncadd.s32 @p0 $0xFFFFFFFF  }
0xb5: {  	s7 =	sshll.u32 @!p0 s1, $0xE  }
0xb6: {  	s7 =	sor.u32 @!p0 $0x4000, s7;
	s6 =	simm.s32 @!p0 $0x1B8D  }
0xb7: {  	s5 =	sshll.u32 @!p0 s5, $0x11;
	s7 =	sadd.s32 @!p0 $0x11B8D, s7;
	_ =	swait.eq @!p0 [sflag:s6], $0x1  }
0xb8: {  	s5 =	sor.u32 @!p0 s5, s7;
	[sflag:s6] =	ssyncadd.s32 @!p0 $0xFFFFFFFF  }
0xb9: {  	s25 =	simm.s32 $0x1B8E;
	s24 =	sld [smem:$0x3FFE];
	[sflag:s5] =	ssyncadd.remote.s32 @!p0 $0x1  }
0xba: {  	s26 =	simm.s32 $execute0_lowered;
	[smem:$0x3FD2] =	sst s25  }
0xbb: {  	s6 =	sshll.u32 s26, $0x1;
	_ =	strace $0x8000004C;
	[dreg:$0x1] =	wrdreg $0xFFFFFFFF  }
0xbc: {  	s28 =	simm.s32 $_size_execute0_lowered;
	s4 =	sadd.s32 s4, s6;
	[dreg:$0x0] =	wrdreg $0x0  }
0xbd: {  	s6 =	sshll.u32 s28, $0x1;
	[dreg:$0x2] =	wrdreg s4  }
0xbe: {  	[dreg:$0x3] =	wrdreg s6  }
0xbf: {  	[dreg:$0x4] =	wrdreg $0xC0  }
0xc0: {  	_ =	task [dreg:s22], $0x5FFFF  }
0xc1: {  	[dreg:$0x1] =	wrdreg $0xFFFFFFFF  }
0xc2: {  	[dreg:$0x0] =	wrdreg $0x60  }
0xc3: {  	[dreg:$0x2] =	wrdreg s24  }
0xc4: {  	[dreg:$0x3] =	wrdreg s17  }
0xc5: {  	[dreg:$0x4] =	wrdreg $0x48800  }
0xc6: {  	[dreg:$0x5] =	wrdreg $0x181000  }
0xc7: {  	[dreg:$0x6] =	wrdreg $0xA  }
0xc8: {  	_ =	task.clear_ibuf [dreg:s22], $0x7FFFF;
	_ =	strace $0x9000004C  }
0xc9: {  	s29 =	simm.s32 $0xA;
	_ =	strace $0x8000004E  }
0xca: {  	_ =	swait.ge [sflag:s29], $0x1  }
0xcb: {  	[sflag:s29] =	ssyncadd.s32 $0xFFFFFFFF  }
0xcc: {  	_ =	strace $0x9000004E  }
0xcd: {  	_ =	sfence  }
0xce: {  	s30 =	sld [smem:$0x0];
	_ =	sdelay $0x2  }
0xcf: {  	s31 =	sshll.u32 s1, $0xD;
	s1 =	sshrl.u32 s1, $0x2  }
0xd0: {  	s4 =	sand.u32 $0x4000, s31;
	s1 =	sadd.s32 s1, s30  }
0xd1: {  	s0 =	sor.u32 s4, s0;
	s1 =	sshll.u32 s1, $0x11  }
0xd2: {  	s0 =	sor.u32 s1, s0  }
0xd3: {  	s0 =	sadd.s32 $0x8F2B, s0  }
0xd4: {  	[sflag:s0] =	ssyncadd.remote.s32 $0x1  }
0xd5: {  	_ =	sfence.sel $0xFFFF  }
0xd6: {  	[dreg:$0x0] =	wrdreg $0xFFFFFFFF;
	(pc) =	sbr.abs _section_cstart, $3  }
0xd7: {  	[dreg:$0x1] =	wrdreg $0xFFFFFFFF  }
0xd8: {  	_ =	task.clear_ibuf [dreg:s22], $0x2FFFF;
	_ =	strace $0x9FFFFFFF  }
0xd9: {  	(tm) =	ssettm $0x7FFFFFFF  }
tec
execute0_lowered:
.L_overlay_start_1:
0x0: {  	(tag) =	ssettag $0x1  }
0x1: {  	s5 =	rddreg [dreg:$0x0]  }
0x2: {  	s6 =	rddreg [dreg:$0x1]  }
0x3: {  	s1 =	rddreg [dreg:$0x2]  }
0x4: {  	s2 =	rddreg [dreg:$0x3]  }
0x5: {  	s0 =	rddreg [dreg:$0x4];
	s4 =	simm.s32 $0x0;
	s3 =	stileid.u32  }
0x6: {  	s8 =	srdreg.scid;
	[smem:$0x7FF] =	sst s4  }
0x7: {  	s7 =	sshll.u32 s3, $0xC;
	s9 =	smul.u32 $0x2710, s3;
	s10 =	sshll.u32 s3, $0x9  }
0x8: {  	s11 =	sand.u32 $0x1, s8;
	s18 =	smul.u32 $0x271, s3;
	s12 =	sshll.u32 s3, $0x8  }
0x9: {  	s25 =	smul.u32 $0x13880, s3;
	s29 =	sshll.u32 s3, $0x6;
	_ =	strace $0x8000004D  }
0xa: {  	s13 =	sshll.u32 s11, $0x7;
	s14 =	smul.u32 $0x2710, s11;
	s15 =	sadd.s32 s7, s5  }
0xb: {  	s16 =	sadd.s32 s10, s5;
	s24 =	ssub.s32 $0x2, s11;
	s30 =	sshll.u32 s11, $0x8  }
0xc: {  	s11 =	sshll.u32 s11, $0xB;
	s19 =	sor.u32 s13, s12;
	s20 =	sshrl.u32 s9, $0x3  }
0xd: {  	s26 =	sshrl.u32 s24, $0x1;
	s28 =	sshrl.u32 s25, $0x3;
	s31 =	sadd.s32 s30, s16  }
0xe: {  	s15 =	sadd.s32 s11, s15;
	s7 =	sshrl.u32 s19, $0x3;
	s8 =	sadd.s32 s18, s14  }
0xf: {  	s22 =	sadd.s32 s20, s5;
	s12 =	ssub.s32 s24, s26;
	s14 =	sadd.s32 s25, s1  }
0x10: {  	s18 =	sadd.s32 s9, s2;
	s11 =	sadd.s32 $0x1F8000, s31;
	s19 =	simm.s32 $0x0  }
0x11: {  	s21 =	sadd.s32 s7, s5;
	s23 =	sshll.u32 s8, $0x4;
	s8 =	sshll.u32 s8, $0x1  }
0x12: {  	s7 =	sadd.s32 $0x220000, s22;
	s14 =	sshrl.u32 s14, $0x3;
	s16 =	sshrl.u32 s18, $0x3  }
0x13: {  	s18 =	simm.s32 $0x4080;
	s10 =	sadd.s32 s23, s5;
	s17 =	sadd.s32 s8, s5  }
0x14: {  	s5 =	sadd.s32 s6, s28;
	s6 =	sor.u32 $0x1C01, s29;
	s13 =	sadd.s32 $0x13000, s21  }
0x15: {  	s8 =	sadd.s32 $0x22EE00, s10;
	s9 =	sadd.s32 $0x225000, s17;
	s10 =	smax.u32 s12, $0x1  }
0x16: {  	s12 =	sadd.s32 $0x63A200, s15;
	s15 =	simm.s32 $0x1;
	s17 =	simm.s32 $0x80  }
.LBB2_1:
0x17: {  	[spmem:s14], [sflag:s6] =	dma.local [hbm:s5], $0x2710  }
0x18: {  	_ =	swait.ge [sflag:s15], $0x2710  }
0x19: {  	[sflag:s15] =	ssyncset.done $0x0  }
0x1a: {  	[sflag:s15] =	ssyncadd.s32 $0xFFFFD8F0  }
0x1b: {  	[spmem:s16], [sflag:s6] =	dma.local [hbm:s7], $0x4E2  }
0x1c: {  	_ =	swait.ge [sflag:s15], $0x4E2  }
0x1d: {  	[sflag:s15] =	ssyncset.done $0x0  }
0x1e: {  	[sflag:s15] =	ssyncadd.s32 $0xFFFFFB1E  }
0x1f: {  	s20 =	sadd.s32 $0x0, s13;
	[bflag:$0x0] =	sbarrier.arrive $0xFFFF  }
0x20: {  	[tilespmem:s4], [sflag:$0x1] =	stream.linear.gather [hbm4b:s20+s4], $0x80, $0x38;
	[tilespmem:$0x1A810] =	vst v63  }
0x21: {  	_ =	swait.ge [sflag:s15], $0x80  }
0x22: {  	[sflag:s15] =	ssyncset.done $0x0  }
0x23: {  	[sflag:s15] =	ssyncadd.s32 $0xFFFFFF80  }
0x24: {  	[tilespmem:s17], [sflag:$0x1] =	stream.linear.gather [hbm4b:s12+s4], $0x4000, $0x38;
	[tilespmem:$0x1A810] =	vst v63  }
0x25: {  	_ =	swait.ge [sflag:s15], $0x4000  }
0x26: {  	[sflag:s15] =	ssyncset.done $0x0  }
0x27: {  	[sflag:s15] =	ssyncadd.s32 $0xFFFFC000  }
0x28: {  	[tilespmem:s18], [sflag:$0x1] =	stream.linear.gather [hbm4b:s11+s4], $0x800, $0x38;
	[tilespmem:$0x1A810] =	vst v63  }
0x29: {  	_ =	swait.ge [sflag:s15], $0x800  }
0x2a: {  	[sflag:s15] =	ssyncset.done $0x0  }
0x2b: {  	[sflag:s15] =	ssyncadd.s32 $0xFFFFF800  }
0x2c: {  	[spmem:s1] =	stream.indirect.scatter.add.f32 [tilespmem:s17], [sflag:$0x1], $0x80, s4, s17, $0xb8;
	[tilespmem:$0x1A810] =	vst v63  }
0x2d: {  	_ =	swait.ge [sflag:s15], $0x4000  }
0x2e: {  	[sflag:s15] =	ssyncset.done $0x0  }
0x2f: {  	[sflag:s15] =	ssyncadd.s32 $0xFFFFC000  }
0x30: {  	[spmem:s2] =	stream.indirect.scatter.add.f32 [tilespmem:s18], [sflag:$0x1], $0x10, s4, s17, $0xb8;
	[tilespmem:$0x1A810] =	vst v63  }
0x31: {  	s22 =	simm.s32 $0x200;
	s23 =	simm.s32 $0x400;
	_ =	swait.ge [sflag:s15], $0x800  }
0x32: {  	s21 =	sadd.s32 $0x10000, s12;
	s20 =	sadd.s32 $0x2000, s11;
	[sflag:s15] =	ssyncset.done $0x0  }
.LBB2_2:
0x33: {  	s24 =	sadd.s32 s22, s13  }
0x34: {  	[sflag:s15] =	ssyncadd.s32 $0xFFFFF800;
	s22 =	smov.u32 s23;
	s25 =	sadd.s32 $0x200, s23  }
0x35: {  	[tilespmem:s4], [sflag:$0x1] =	stream.linear.gather [hbm4b:s24+s4], $0x80, $0x38;
	[tilespmem:$0x1A810] =	vst v63  }
0x36: {  	p0 =	sne.s32 s23, $0x2600;
	_ =	swait.ge [sflag:s15], $0x80  }
0x37: {  	[sflag:s15] =	ssyncset.done $0x0  }
0x38: {  	[sflag:s15] =	ssyncadd.s32 $0xFFFFFF80  }
0x39: {  	[tilespmem:s17], [sflag:$0x1] =	stream.linear.gather [hbm4b:s21+s4], $0x4000, $0x38;
	[tilespmem:$0x1A810] =	vst v63  }
0x3a: {  	_ =	swait.ge [sflag:s15], $0x4000  }
0x3b: {  	[sflag:s15] =	ssyncset.done $0x0  }
0x3c: {  	[sflag:s15] =	ssyncadd.s32 $0xFFFFC000  }
0x3d: {  	[tilespmem:s18], [sflag:$0x1] =	stream.linear.gather [hbm4b:s20+s4], $0x800, $0x38;
	[tilespmem:$0x1A810] =	vst v63  }
0x3e: {  	_ =	swait.ge [sflag:s15], $0x800  }
0x3f: {  	[sflag:s15] =	ssyncset.done $0x0  }
0x40: {  	[sflag:s15] =	ssyncadd.s32 $0xFFFFF800  }
0x41: {  	[spmem:s1] =	stream.indirect.scatter.add.f32 [tilespmem:s17], [sflag:$0x1], $0x80, s4, s17, $0xb8;
	[tilespmem:$0x1A810] =	vst v63  }
0x42: {  	_ =	swait.ge [sflag:s15], $0x4000  }
.Ltmp0:
0x43: {  	[sflag:s15] =	ssyncset.done $0x0;
	(pc) =	sbr.rel @p0 .LBB2_2-.Ltmp0, $4  }
0x44: {  	[sflag:s15] =	ssyncadd.s32 $0xFFFFC000  }
0x45: {  	[spmem:s2] =	stream.indirect.scatter.add.f32 [tilespmem:s18], [sflag:$0x1], $0x10, s4, s17, $0xb8;
	[tilespmem:$0x1A810] =	vst v63  }
0x46: {  	s23 =	smov.u32 s25;
	_ =	swait.ge [sflag:s15], $0x800  }
0x47: {  	s21 =	sadd.s32 $0x10000, s21;
	s20 =	sadd.s32 $0x2000, s20;
	[sflag:s15] =	ssyncset.done $0x0  }
0x48: {  	s22 =	sadd.s32 s22, s13;
	[sflag:s15] =	ssyncadd.s32 $0xFFFFF800  }
0x49: {  	[tilespmem:s4], [sflag:$0x1] =	stream.linear.gather [hbm4b:s22+s4], $0x80, $0x38;
	[tilespmem:$0x1A810] =	vst v63  }
0x4a: {  	_ =	swait.ge [sflag:s15], $0x80  }
0x4b: {  	[sflag:s15] =	ssyncset.done $0x0  }
0x4c: {  	[sflag:s15] =	ssyncadd.s32 $0xFFFFFF80  }
0x4d: {  	[tilespmem:s17], [sflag:$0x1] =	stream.linear.gather [hbm4b:s21+s4], $0x4000, $0x38;
	[tilespmem:$0x1A810] =	vst v63  }
0x4e: {  	_ =	swait.ge [sflag:s15], $0x4000  }
0x4f: {  	[sflag:s15] =	ssyncset.done $0x0  }
0x50: {  	[sflag:s15] =	ssyncadd.s32 $0xFFFFC000  }
0x51: {  	[tilespmem:s18], [sflag:$0x1] =	stream.linear.gather [hbm4b:s20+s4], $0x800, $0x38;
	[tilespmem:$0x1A810] =	vst v63  }
0x52: {  	_ =	swait.ge [sflag:s15], $0x800  }
0x53: {  	[sflag:s15] =	ssyncset.done $0x0  }
0x54: {  	[sflag:s15] =	ssyncadd.s32 $0xFFFFF800  }
0x55: {  	[spmem:s1] =	stream.indirect.scatter.add.f32 [tilespmem:s17], [sflag:$0x1], $0x80, s4, s17, $0xb8;
	[tilespmem:$0x1A810] =	vst v63  }
0x56: {  	_ =	swait.ge [sflag:s15], $0x4000  }
0x57: {  	[sflag:s15] =	ssyncset.done $0x0  }
0x58: {  	[sflag:s15] =	ssyncadd.s32 $0xFFFFC000  }
0x59: {  	[spmem:s2] =	stream.indirect.scatter.add.f32 [tilespmem:s18], [sflag:$0x1], $0x10, s4, s17, $0xb8;
	[tilespmem:$0x1A810] =	vst v63  }
0x5a: {  	_ =	swait.ge [sflag:s15], $0x800  }
0x5b: {  	[sflag:s15] =	ssyncset.done $0x0  }
0x5c: {  	[sflag:s15] =	ssyncadd.s32 $0xFFFFF800  }
0x5d: {  	[bflag:$0x0] =	sbarrier.arrive $0xFFFF  }
0x5e: {  	[hbm:s8], [sflag:s6] =	dma.local [spmem:s14], $0x2710  }
0x5f: {  	s19 =	sadd.s32 $0x1, s19;
	_ =	swait.ge [sflag:s15], $0x2710  }
0x60: {  	p0 =	sne.s32 s19, s10;
	[sflag:s15] =	ssyncset.done $0x0  }
.Ltmp1:
0x61: {  	[sflag:s15] =	ssyncadd.s32 $0xFFFFD8F0;
	(pc) =	sbr.rel @p0 .LBB2_1-.Ltmp1, $4  }
0x62: {  	[hbm:s9], [sflag:s6] =	dma.local [spmem:s16], $0x4E2  }
0x63: {  	_ =	swait.ge [sflag:s15], $0x4E2  }
0x64: {  	[sflag:s15] =	ssyncset.done $0x0  }
0x65: {  	[sflag:s15] =	ssyncadd.s32 $0xFFFFFB1E  }
0x66: {  	_ =	sfence.sel $0x180000  }
0x67: {  	[bflag:$0x0] =	sbarrier.arrive $0xFFFF  }
0x68: {  	p0 =	sne.s32 s3, $0x0;
	_ =	strace $0x9000004D  }
0x69: {  	s0 =	sadd.s32 @!p0 $0x100000, s0;
	[bflag:$0x2] =	sbarrier.arrive $0xFFFF  }
0x6a: {  	[sflag:s0] =	ssyncadd.tile.s32 @!p0 $0x1;
	_ =	shalt  }
.Lfunc_end2:
_tile_overlayer_lowered:
.L_overlay_start_2:
0x6b: {  	(tag) =	ssettag $0x2  }
0x6c: {  	s0 =	rddreg [dreg:$0x0];
	s2 =	stileid.u32  }
0x6d: {  	s1 =	rddreg [dreg:$0x1];
	p0 =	sne.s32 s2, $0x0  }
0x6e: {  	s3 =	rddreg [dreg:$0x2];
	[bflag:$0x3] =	sbarrier.arrive $0xFFFF;
	s2 =	simm.s32 @!p0 $0x1C01  }
0x6f: {  	[timem:s3], [sflag:s2] =	dma.local @!p0 [hbm:s0], s1  }
0x70: {  	s0 =	simm.s32 @!p0 $0x1  }
0x71: {  	_ =	swait.ge @!p0 [sflag:s0], s1  }
0x72: {  	s1 =	ssub.s32 @!p0 $0x0, s1;
	[sflag:s0] =	ssyncset.done @!p0 $0x0  }
0x73: {  	[sflag:s0] =	ssyncadd.s32 @!p0 s1  }
0x74: {  	[bflag:$0x3] =	sbarrier.arrive $0xFFFF  }
0x75: {  	_ =	shalt  }

// kernel: kernel.25.cloned.1.call-start
scs
__scs_entry_jumppad:
0x0: {  	(pc) =	sbr.rel $0x88, $3  }
0x1: {  	(tag) =	ssettag $0x0;
	lr =	simm.s32 $0x1  }
0x2: {  	[smem:$0x3F73] =	sst lr;
	_ =	strace $0xD0000000  }
0x3: {  	_ = 	snop  }
0x4: {  	_ = 	snop  }
0x5: {  	_ = 	snop  }
0x6: {  	_ = 	snop  }
0x7: {  	_ = 	snop  }
__scs_overlays_trampoline_lowered:
0x8: {  	[smem:$0x3F82] =	sst s0  }
0x9: {  	[smem:$0x3F83] =	sst s1  }
0xa: {  	[smem:$0x3F84] =	sst s2  }
0xb: {  	[smem:$0x3F85] =	sst s3  }
0xc: {  	[smem:$0x3F86] =	sst s4  }
0xd: {  	[smem:$0x3F87] =	sst s5  }
0xe: {  	[smem:$0x3F88] =	sst s6  }
0xf: {  	[smem:$0x3F89] =	sst s7  }
0x10: {  	[smem:$0x3F8A] =	sst s8  }
0x11: {  	[smem:$0x3F8B] =	sst s9;
	s0 =	simm.s32 @!p0 $0x0  }
0x12: {  	s1 =	sld [smem:$0x3F71];
	s0 =	simm.s32 @p0 $0x1  }
0x13: {  	[smem:$0x3F8C] =	sst s0;
	s0 =	simm.s32 @!p1 $0x0  }
0x14: {  	s2 =	sld [smem:$0x3F70];
	s0 =	simm.s32 @p1 $0x1  }
0x15: {  	[smem:$0x3F8D] =	sst s0;
	s0 =	simm.s32 @!p2 $0x0  }
0x16: {  	s3 =	sld [smem:$0x3FDB];
	s0 =	simm.s32 @p2 $0x1  }
0x17: {  	s4 =	simm.s32 $0x1BF5;
	[smem:$0x3F8F] =	sst s0  }
0x18: {  	s0 =	sld [smem:$0x3F72];
	_ =	swait.ge [sflag:s4], $0x0  }
0x19: {  	s7 =	sld [smem:$0x3F73]  }
0x1a: {  	s8 =	sadd.s32 $0xFFFFE003, lr  }
0x1b: {  	s9 =	sadd.s32 $0xFFFFFEF7, lr;
	s5 =	simm.s32 $0xFFFFFFFF;
	p2 =	slt.u32 s8, $0xFFFFF086  }
0x1c: {  	p1 =	slt.u32 s9, $0xF7A;
	s5 =	simm.s32 @!p2 $0x0  }
0x1d: {  	s5 =	simm.s32 @p1 $0x1;
	p0 =	seq.s32 s7, s2  }
0x1e: {  	s7 =	smul.u32 @!p0 $0xF7A, s2;
	p2 =	seq.s32 @!p0 s5, $0x0  }
0x1f: {  	s9 =	smul.u32 $0xF7A, s1;
	s8 =	simm.s32 @!p0 $0x1BF5;
	p2 =	por !p2, p0  }
0x20: {  	[sflag:s8] =	ssyncset.s32 @!p0 $0xFFFFF086;
	s6 =	sadd.s32 @!p0 s3, s7;
	s7 =	simm.s32 @!p0 $0x108  }
0x21: {  	s3 =	sadd.s32 s3, s9;
	s6 =	sadd.s32 @!p0 $0x88, s6;
	s7 =	simm.s32 @p2 $0x1082  }
0x22: {  	[simem:s7], [sflag:s8] =	dma.local @!p0 [hbm:s6], $0xF7A  }
0x23: {  	s9 =	sor.u32 $0xD0000000, s2;
	s6 =	simm.s32 $0x108;
	_ =	swait.ge @!p0 [sflag:s8], $0x0  }
0x24: {  	s3 =	sadd.s32 $0x88, s3;
	s6 =	simm.s32 @!p1 $0x1082;
	[sflag:s4] =	ssyncset.s32 $0xFFFFF086  }
0x25: {  	[simem:s6], [sflag:s4] =	dma.local [hbm:s3], $0xF7A  }
0x26: {  	[smem:$0x3F73] =	sst s1;
	(tag) =	ssettag s2;
	_ =	strace s9  }
0x27: {  	s1 =	sld [smem:$0x3F83]  }
0x28: {  	s2 =	sld [smem:$0x3F84]  }
0x29: {  	s4 =	sld [smem:$0x3F86]  }
0x2a: {  	p0 =	seq.s32 s5, $0x0;
	s5 =	sld [smem:$0x3F87]  }
0x2b: {  	s6 =	sld [smem:$0x3F88]  }
0x2c: {  	s7 =	sld [smem:$0x3F89]  }
0x2d: {  	s3 =	simm.s32 $0x108;
	s8 =	sld [smem:$0x3F8A]  }
0x2e: {  	s3 =	simm.s32 @!p0 $0x1082;
	s9 =	sld [smem:$0x3F8B]  }
0x2f: {  	lr =	sadd.s32 s0, s3;
	s0 =	sld [smem:$0x3F82]  }
0x30: {  	s3 =	sld [smem:$0x3F85]  }
0x31: {  	[smem:$0x3F8E] =	sst s10  }
0x32: {  	s10 =	sld [smem:$0x3F8C];
	_ =	sdelay $0x3  }
0x33: {  	p0 =	seq.s32 s10, $0x1;
	s10 =	sld [smem:$0x3F8E];
	_ =	sdelay $0x3  }
0x34: {  	[smem:$0x3F8E] =	sst s10  }
0x35: {  	s10 =	sld [smem:$0x3F8D];
	_ =	sdelay $0x3  }
0x36: {  	p1 =	seq.s32 s10, $0x1;
	s10 =	sld [smem:$0x3F8E];
	_ =	sdelay $0x3  }
0x37: {  	[smem:$0x3F8E] =	sst s10  }
0x38: {  	s10 =	sld [smem:$0x3F8F]  }
0x39: {  	_ = 	snop;
	(pc) =	sbr.ind lr, $3  }
0x3a: {  	_ = 	snop  }
0x3b: {  	_ = 	snop  }
0x3c: {  	p2 =	seq.s32 s10, $0x1;
	s10 =	sld [smem:$0x3F8E]  }
0x3d: {  	_ =	shalt  }
0x3e: {  	_ =	shalt  }
0x3f: {  	_ =	shalt  }
0x40: {  	_ =	shalt  }
0x41: {  	_ =	shalt  }
0x42: {  	_ =	shalt  }
0x43: {  	_ =	shalt  }
0x44: {  	_ =	shalt  }
0x45: {  	_ =	shalt  }
0x46: {  	_ =	shalt  }
0x47: {  	_ =	shalt  }
0x48: {  	_ =	shalt  }
0x49: {  	_ =	shalt  }
0x4a: {  	_ =	shalt  }
0x4b: {  	_ =	shalt  }
0x4c: {  	_ =	shalt  }
0x4d: {  	_ =	shalt  }
0x4e: {  	_ =	shalt  }
0x4f: {  	_ =	shalt  }
0x50: {  	_ =	shalt  }
0x51: {  	_ =	shalt  }
0x52: {  	_ =	shalt  }
0x53: {  	_ =	shalt  }
0x54: {  	_ =	shalt  }
0x55: {  	_ =	shalt  }
0x56: {  	_ =	shalt  }
0x57: {  	_ =	shalt  }
0x58: {  	_ =	shalt  }
0x59: {  	_ =	shalt  }
0x5a: {  	_ =	shalt  }
0x5b: {  	_ =	shalt  }
0x5c: {  	_ =	shalt  }
0x5d: {  	_ =	shalt  }
0x5e: {  	_ =	shalt  }
0x5f: {  	_ =	shalt  }
0x60: {  	_ =	shalt  }
0x61: {  	_ =	shalt  }
0x62: {  	_ =	shalt  }
0x63: {  	_ =	shalt  }
0x64: {  	_ =	shalt  }
0x65: {  	_ =	shalt  }
0x66: {  	_ =	shalt  }
0x67: {  	_ =	shalt  }
0x68: {  	_ =	shalt  }
0x69: {  	_ =	shalt  }
0x6a: {  	_ =	shalt  }
0x6b: {  	_ =	shalt  }
0x6c: {  	_ =	shalt  }
0x6d: {  	_ =	shalt  }
0x6e: {  	_ =	shalt  }
0x6f: {  	_ =	shalt  }
0x70: {  	_ =	shalt  }
0x71: {  	_ =	shalt  }
0x72: {  	_ =	shalt  }
0x73: {  	_ =	shalt  }
0x74: {  	_ =	shalt  }
0x75: {  	_ =	shalt  }
0x76: {  	_ =	shalt  }
0x77: {  	_ =	shalt  }
0x78: {  	_ =	shalt  }
0x79: {  	_ =	shalt  }
0x7a: {  	_ =	shalt  }
0x7b: {  	_ =	shalt  }
0x7c: {  	_ =	shalt  }
0x7d: {  	_ =	shalt  }
0x7e: {  	_ =	shalt  }
0x7f: {  	_ =	shalt  }
0x80: {  	_ =	shalt  }
0x81: {  	_ =	shalt  }
0x82: {  	_ =	shalt  }
0x83: {  	_ =	shalt  }
0x84: {  	_ =	shalt  }
0x85: {  	_ =	shalt  }
0x86: {  	_ =	shalt  }
0x87: {  	_ =	shalt  }
.Lfunc_end0:
.L_simem_size_0:
called_computation.3_lowered:
.L_overlay_start_0:
0x88: {  	s2 =	sld [smem:$0x3FD9]  }
0x89: {  	s3 =	sld [smem:$0x3FFE];
	_ =	sdelay $0x1  }
0x8a: {  	s1 =	srdreg.scid  }
0x8b: {  	s0 =	sand.u32 $0x1, s1  }
0x8c: {  	s15 =	sshll.u32 s0, $0xA;
	s2 =	sadd.s32 s3, s2  }
0x8d: {  	s2 =	sadd.s32 s2, s15  }
0x8e: {  	[smem:$0x3F9A] =	sst s2  }
0x8f: {  	_ = 	snop  }
0x90: {  	s2 =	sld [smem:$0x3FD0];
	_ =	sdelay $0x2  }
0x91: {  	s4 =	simm.s32 $0xB;
	s16 =	simm.s32 $0x10  }
0x92: {  	[smem:s16], [sflag:s4] =	dma.local [hbm:s2], $0x1  }
0x93: {  	_ =	swait.eq [sflag:s4], $0x1  }
0x94: {  	[sflag:s4] =	ssyncset.done $0x0  }
0x95: {  	s17 =	sld [smem:$0x10];
	[sflag:s4] =	ssyncadd.s32 $0xFFFFFFFF  }
0x96: {  	s18 =	sld [smem:$0x11];
	(tm) =	ssettm $0x1  }
0x97: {  	s19 =	sld [smem:$0x3FFB];
	_ =	sdelay $0x3  }
0x98: {  	_ =	strace s19  }
0x99: {  	s2 =	sld [smem:$0x3FFC];
	_ =	sdelay $0x3  }
0x9a: {  	_ =	strace s2  }
0x9b: {  	s2 =	sld [smem:$0x3FFD];
	_ =	sdelay $0x3  }
0x9c: {  	_ =	strace s2  }
0x9d: {  	_ =	strace $0x8FFFFFFF  }
0x9e: {  	s20 =	sld [smem:$0x3FDB];
	_ =	sdelay $0x1  }
0x9f: {  	s5 =	simm.s32 $_scs_section_size  }
0xa0: {  	s6 =	simm.s32 $_size__tile_overlayer_lowered;
	s7 =	simm.s32 $_tile_overlayer_lowered  }
0xa1: {  	s8 =	simm.s32 $0x1BFF;
	s21 =	sshll.u32 s7, $0x1;
	s5 =	sadd.s32 s5, s20  }
0xa2: {  	s22 =	simm.s32 $0x0;
	s6 =	sshll.u32 s6, $0x1;
	s7 =	sadd.s32 s21, s5  }
0xa3: {  	[timem:s22], [sflag:s8] =	dma.local [hbm:s7], s6  }
0xa4: {  	_ =	swait.ge [sflag:s8], s6  }
0xa5: {  	s6 =	ssub.s32 $0x0, s6;
	[sflag:s8] =	ssyncset.done $0x0  }
0xa6: {  	[sflag:s8] =	ssyncadd.s32 s6;
	_ =	sdelay $0x1  }
0xa7: {  	s23 =	simm.s32 $0x1B8B  }
0xa8: {  	_ =	swait.ge [sflag:s23], $0x1  }
0xa9: {  	[sflag:s23] =	ssyncset.done $0x0  }
0xaa: {  	[sflag:s23] =	ssyncadd.s32 $0xFFFFFFFF  }
0xab: {  	s6 =	sld [smem:$0x0]  }
0xac: {  	s7 =	sand.u32 $0xFFFFFFFE, s1  }
0xad: {  	p0 =	sne.s32 s1, s7  }
0xae: {  	s7 =	sshll.u32 @p0 s7, $0xE  }
0xaf: {  	s7 =	sadd.s32 @p0 $0x11B8D, s7;
	s8 =	sshll.u32 @p0 s6, $0x11  }
0xb0: {  	s7 =	sor.u32 @p0 s8, s7  }
0xb1: {  	[sflag:s7] =	ssyncadd.remote.s32 @p0 $0x1;
	_ =	sdelay $0x1  }
0xb2: {  	s7 =	simm.s32 @p0 $0x1B8D  }
0xb3: {  	_ =	swait.eq @p0 [sflag:s7], $0x1  }
0xb4: {  	[sflag:s7] =	ssyncadd.s32 @p0 $0xFFFFFFFF  }
0xb5: {  	s8 =	sshll.u32 @!p0 s1, $0xE  }
0xb6: {  	s8 =	sor.u32 @!p0 $0x4000, s8;
	s7 =	simm.s32 @!p0 $0x1B8D  }
0xb7: {  	s6 =	sshll.u32 @!p0 s6, $0x11;
	s8 =	sadd.s32 @!p0 $0x11B8D, s8;
	_ =	swait.eq @!p0 [sflag:s7], $0x1  }
0xb8: {  	s6 =	sor.u32 @!p0 s6, s8;
	[sflag:s7] =	ssyncadd.s32 @!p0 $0xFFFFFFFF  }
0xb9: {  	s25 =	simm.s32 $0x1B8E;
	s24 =	sld [smem:$0x3FFE];
	[sflag:s6] =	ssyncadd.remote.s32 @!p0 $0x1  }
0xba: {  	s26 =	simm.s32 $execute0_lowered;
	[smem:$0x3FD2] =	sst s25  }
0xbb: {  	s7 =	sshll.u32 s26, $0x1;
	_ =	strace $0x8000004F;
	[dreg:$0x1] =	wrdreg $0xFFFFFFFF  }
0xbc: {  	s28 =	simm.s32 $_size_execute0_lowered;
	s5 =	sadd.s32 s5, s7;
	[dreg:$0x0] =	wrdreg $0x0  }
0xbd: {  	s7 =	sshll.u32 s28, $0x1;
	[dreg:$0x2] =	wrdreg s5  }
0xbe: {  	[dreg:$0x3] =	wrdreg s7  }
0xbf: {  	[dreg:$0x4] =	wrdreg $0xC0  }
0xc0: {  	_ =	task [dreg:s22], $0x5FFFF  }
0xc1: {  	[dreg:$0x1] =	wrdreg $0xFFFFFFFF  }
0xc2: {  	[dreg:$0x0] =	wrdreg $0x60  }
0xc3: {  	[dreg:$0x2] =	wrdreg s18  }
0xc4: {  	[dreg:$0x3] =	wrdreg s24  }
0xc5: {  	[dreg:$0x4] =	wrdreg s17  }
0xc6: {  	[dreg:$0x5] =	wrdreg $0x48800  }
0xc7: {  	[dreg:$0x6] =	wrdreg $0x181000  }
0xc8: {  	[dreg:$0x7] =	wrdreg $0x9  }
0xc9: {  	_ =	task.clear_ibuf [dreg:s22], $0x8FFFF;
	_ =	strace $0x9000004F  }
0xca: {  	s29 =	simm.s32 $0x9;
	_ =	strace $0x80000051  }
0xcb: {  	_ =	swait.ge [sflag:s29], $0x1  }
0xcc: {  	[sflag:s29] =	ssyncadd.s32 $0xFFFFFFFF  }
0xcd: {  	_ =	strace $0x90000051  }
0xce: {  	_ =	sfence  }
0xcf: {  	s30 =	sld [smem:$0x0];
	_ =	sdelay $0x2  }
0xd0: {  	s31 =	sshll.u32 s1, $0xD;
	s1 =	sshrl.u32 s1, $0x2  }
0xd1: {  	s4 =	sand.u32 $0x4000, s31;
	s1 =	sadd.s32 s1, s30  }
0xd2: {  	s0 =	sor.u32 s4, s0;
	s1 =	sshll.u32 s1, $0x11  }
0xd3: {  	s0 =	sor.u32 s1, s0  }
0xd4: {  	s0 =	sadd.s32 $0x8F2B, s0  }
0xd5: {  	[sflag:s0] =	ssyncadd.remote.s32 $0x1  }
0xd6: {  	_ =	sfence.sel $0xFFFF  }
0xd7: {  	[dreg:$0x0] =	wrdreg $0xFFFFFFFF;
	(pc) =	sbr.abs _section_cstart, $3  }
0xd8: {  	[dreg:$0x1] =	wrdreg $0xFFFFFFFF  }
0xd9: {  	_ =	task.clear_ibuf [dreg:s22], $0x2FFFF;
	_ =	strace $0x9FFFFFFF  }
0xda: {  	(tm) =	ssettm $0x7FFFFFFF  }
0xdb: {  	_ =	shalt  }
tec
execute0_lowered:
.L_overlay_start_1:
0x0: {  	(tag) =	ssettag $0x1  }
0x1: {  	s15 =	rddreg [dreg:$0x0]  }
0x2: {  	s5 =	rddreg [dreg:$0x1]  }
0x3: {  	s6 =	rddreg [dreg:$0x2]  }
0x4: {  	s2 =	rddreg [dreg:$0x3];
	s0 =	stileid.u32  }
0x5: {  	s1 =	srdreg.scid;
	s3 =	rddreg [dreg:$0x4];
	s4 =	simm.s32 $0x0  }
0x6: {  	s16 =	sand.u32 $0x1, s1;
	s7 =	smul.u32 $0x271, s0;
	s1 =	rddreg [dreg:$0x5]  }
0x7: {  	[smem:$0x7FF] =	sst s4;
	s9 =	smul.u32 $0x2710, s0;
	s17 =	sadd.s32 $0xB8000, s5  }
0x8: {  	s18 =	sadd.s32 $0x13000, s5;
	s13 =	smul.u32 $0x13880, s0;
	s20 =	sshll.u32 s0, $0x1  }
0x9: {  	s23 =	sshll.u32 s0, $0x6;
	s29 =	sshll.u32 s0, $0xC;
	s30 =	sshll.u32 s0, $0x9  }
0xa: {  	s8 =	smul.u32 $0x2710, s16;
	_ =	strace $0x80000050;
	s19 =	ssub.s32 $0x2, s16  }
0xb: {  	s21 =	sor.u32 s16, s20;
	s31 =	sshll.u32 s16, $0xB;
	s14 =	sshrl.u32 s9, $0x3  }
0xc: {  	s11 =	sshrl.u32 s19, $0x1;
	s20 =	sadd.s32 s13, s2;
	s22 =	sshrl.u32 s13, $0x3  }
0xd: {  	s24 =	sshll.u32 s21, $0x3;
	s25 =	sadd.s32 s21, s18;
	s21 =	sshll.u32 s0, $0x8  }
0xe: {  	s7 =	sadd.s32 s7, s8;
	s8 =	sadd.s32 s14, s5;
	s19 =	ssub.s32 s19, s11  }
0xf: {  	s11 =	sor.u32 $0x13000, s24;
	s10 =	sshll.u32 s7, $0x4;
	s7 =	sshll.u32 s7, $0x1  }
0x10: {  	s8 =	sadd.s32 $0x220000, s8;
	s26 =	sshll.u32 s11, $0x4;
	s11 =	sshll.u32 s11, $0x1  }
0x11: {  	s12 =	sadd.s32 s10, s5;
	s14 =	sadd.s32 s7, s5;
	s5 =	sadd.s32 s6, s22  }
0x12: {  	s6 =	sor.u32 $0x1C01, s23;
	s7 =	sadd.s32 s9, s3;
	s9 =	sadd.s32 $0x4E00, s25  }
0x13: {  	s10 =	sadd.s32 s15, s26;
	s11 =	sadd.s32 s17, s11;
	s22 =	sshll.u32 s16, $0x7  }
0x14: {  	s17 =	sadd.s32 s30, s17;
	s23 =	sshll.u32 s16, $0x8;
	s12 =	sadd.s32 $0xDE200, s12  }
0x15: {  	s13 =	sadd.s32 $0x1E9200, s14;
	s21 =	sor.u32 s22, s21;
	s14 =	smax.u32 s19, $0x1  }
0x16: {  	s17 =	sadd.s32 s23, s17;
	s22 =	simm.s32 $0x8;
	s28 =	sor.u32 $0x14000, s21  }
0x17: {  	s23 =	simm.s32 $0x0;
	s21 =	sadd.s32 s29, s15;
	s19 =	sshrl.u32 s28, $0x3  }
0x18: {  	s16 =	sadd.s32 s31, s21;
	s21 =	simm.s32 $0x4080;
	s15 =	sadd.s32 s19, s18  }
0x19: {  	s18 =	sshrl.u32 s20, $0x3;
	s19 =	simm.s32 $0x1;
	s20 =	simm.s32 $0x80  }
.LBB2_1:
0x1a: {  	[spmem:s18], [sflag:s6] =	dma.local [hbm:s5], $0x2710  }
0x1b: {  	_ =	swait.ge [sflag:s19], $0x2710  }
0x1c: {  	[sflag:s19] =	ssyncset.done $0x0  }
0x1d: {  	s24 =	sshrl.u32 s7, $0x3;
	[sflag:s19] =	ssyncadd.s32 $0xFFFFD8F0  }
0x1e: {  	[spmem:s24], [sflag:s6] =	dma.local [hbm:s8], $0x4E2  }
0x1f: {  	_ =	swait.ge [sflag:s19], $0x4E2  }
0x20: {  	[sflag:s19] =	ssyncset.done $0x0  }
0x21: {  	[sflag:s19] =	ssyncadd.s32 $0xFFFFFB1E  }
0x22: {  	s25 =	sadd.s32 $0x0, s15;
	[bflag:$0x0] =	sbarrier.arrive $0xFFFF  }
0x23: {  	[tilespmem:s4], [sflag:$0x1] =	stream.linear.gather [hbm4b:s25+s4], $0x80, $0x38;
	[tilespmem:$0x1A810] =	vst v63  }
0x24: {  	_ =	swait.ge [sflag:s19], $0x80  }
0x25: {  	[sflag:s19] =	ssyncset.done $0x0  }
0x26: {  	[sflag:s19] =	ssyncadd.s32 $0xFFFFFF80  }
0x27: {  	[tilespmem:s20], [sflag:$0x1] =	stream.linear.gather [hbm4b:s16+s4], $0x4000, $0x38;
	[tilespmem:$0x1A810] =	vst v63  }
0x28: {  	_ =	swait.ge [sflag:s19], $0x4000  }
0x29: {  	[sflag:s19] =	ssyncset.done $0x0  }
0x2a: {  	[sflag:s19] =	ssyncadd.s32 $0xFFFFC000  }
0x2b: {  	[tilespmem:s21], [sflag:$0x1] =	stream.linear.gather [hbm4b:s17+s4], $0x800, $0x38;
	[tilespmem:$0x1A810] =	vst v63  }
0x2c: {  	_ =	swait.ge [sflag:s19], $0x800  }
0x2d: {  	[sflag:s19] =	ssyncset.done $0x0  }
0x2e: {  	[sflag:s19] =	ssyncadd.s32 $0xFFFFF800  }
0x2f: {  	[spmem:s2] =	stream.indirect.scatter.add.f32 [tilespmem:s20], [sflag:$0x1], $0x80, s4, s20, $0xb8;
	[tilespmem:$0x1A810] =	vst v63  }
0x30: {  	_ =	swait.ge [sflag:s19], $0x4000  }
0x31: {  	[sflag:s19] =	ssyncset.done $0x0  }
0x32: {  	[sflag:s19] =	ssyncadd.s32 $0xFFFFC000  }
0x33: {  	[spmem:s3] =	stream.indirect.scatter.add.f32 [tilespmem:s21], [sflag:$0x1], $0x10, s4, s20, $0xb8;
	[tilespmem:$0x1A810] =	vst v63  }
0x34: {  	s28 =	simm.s32 $0x200;
	s29 =	simm.s32 $0x400;
	_ =	swait.ge [sflag:s19], $0x800  }
0x35: {  	s26 =	sadd.s32 $0x10000, s16;
	s25 =	sadd.s32 $0x2000, s17;
	[sflag:s19] =	ssyncset.done $0x0  }
.LBB2_2:
0x36: {  	s30 =	sadd.s32 s28, s15  }
0x37: {  	[sflag:s19] =	ssyncadd.s32 $0xFFFFF800;
	s28 =	smov.u32 s29;
	s31 =	sadd.s32 $0x200, s29  }
0x38: {  	[tilespmem:s4], [sflag:$0x1] =	stream.linear.gather [hbm4b:s30+s4], $0x80, $0x38;
	[tilespmem:$0x1A810] =	vst v63  }
0x39: {  	p0 =	sne.s32 s29, $0x2400;
	_ =	swait.ge [sflag:s19], $0x80  }
0x3a: {  	[sflag:s19] =	ssyncset.done $0x0  }
0x3b: {  	[sflag:s19] =	ssyncadd.s32 $0xFFFFFF80  }
0x3c: {  	[tilespmem:s20], [sflag:$0x1] =	stream.linear.gather [hbm4b:s26+s4], $0x4000, $0x38;
	[tilespmem:$0x1A810] =	vst v63  }
0x3d: {  	_ =	swait.ge [sflag:s19], $0x4000  }
0x3e: {  	[sflag:s19] =	ssyncset.done $0x0  }
0x3f: {  	[sflag:s19] =	ssyncadd.s32 $0xFFFFC000  }
0x40: {  	[tilespmem:s21], [sflag:$0x1] =	stream.linear.gather [hbm4b:s25+s4], $0x800, $0x38;
	[tilespmem:$0x1A810] =	vst v63  }
0x41: {  	_ =	swait.ge [sflag:s19], $0x800  }
0x42: {  	[sflag:s19] =	ssyncset.done $0x0  }
0x43: {  	[sflag:s19] =	ssyncadd.s32 $0xFFFFF800  }
0x44: {  	[spmem:s2] =	stream.indirect.scatter.add.f32 [tilespmem:s20], [sflag:$0x1], $0x80, s4, s20, $0xb8;
	[tilespmem:$0x1A810] =	vst v63  }
0x45: {  	_ =	swait.ge [sflag:s19], $0x4000  }
.Ltmp0:
0x46: {  	[sflag:s19] =	ssyncset.done $0x0;
	(pc) =	sbr.rel @p0 .LBB2_2-.Ltmp0, $4  }
0x47: {  	[sflag:s19] =	ssyncadd.s32 $0xFFFFC000  }
0x48: {  	[spmem:s3] =	stream.indirect.scatter.add.f32 [tilespmem:s21], [sflag:$0x1], $0x10, s4, s20, $0xb8;
	[tilespmem:$0x1A810] =	vst v63  }
0x49: {  	s29 =	smov.u32 s31;
	_ =	swait.ge [sflag:s19], $0x800  }
0x4a: {  	s26 =	sadd.s32 $0x10000, s26;
	s25 =	sadd.s32 $0x2000, s25;
	[sflag:s19] =	ssyncset.done $0x0  }
0x4b: {  	s28 =	sadd.s32 s28, s15;
	[sflag:s19] =	ssyncadd.s32 $0xFFFFF800  }
0x4c: {  	[tilespmem:s4], [sflag:$0x1] =	stream.linear.gather [hbm4b:s28+s4], $0x80, $0x38;
	[tilespmem:$0x1A810] =	vst v63  }
0x4d: {  	_ =	swait.ge [sflag:s19], $0x80  }
0x4e: {  	[sflag:s19] =	ssyncset.done $0x0  }
0x4f: {  	[sflag:s19] =	ssyncadd.s32 $0xFFFFFF80  }
0x50: {  	[tilespmem:s20], [sflag:$0x1] =	stream.linear.gather [hbm4b:s26+s4], $0x4000, $0x38;
	[tilespmem:$0x1A810] =	vst v63  }
0x51: {  	_ =	swait.ge [sflag:s19], $0x4000  }
0x52: {  	[sflag:s19] =	ssyncset.done $0x0  }
0x53: {  	[sflag:s19] =	ssyncadd.s32 $0xFFFFC000  }
0x54: {  	[tilespmem:s21], [sflag:$0x1] =	stream.linear.gather [hbm4b:s25+s4], $0x800, $0x38;
	[tilespmem:$0x1A810] =	vst v63  }
0x55: {  	_ =	swait.ge [sflag:s19], $0x800  }
0x56: {  	[sflag:s19] =	ssyncset.done $0x0  }
0x57: {  	[sflag:s19] =	ssyncadd.s32 $0xFFFFF800  }
0x58: {  	[spmem:s2] =	stream.indirect.scatter.add.f32 [tilespmem:s20], [sflag:$0x1], $0x80, s4, s20, $0xb8;
	[tilespmem:$0x1A810] =	vst v63  }
0x59: {  	_ =	swait.ge [sflag:s19], $0x4000  }
0x5a: {  	[sflag:s19] =	ssyncset.done $0x0  }
0x5b: {  	[sflag:s19] =	ssyncadd.s32 $0xFFFFC000  }
0x5c: {  	[spmem:s3] =	stream.indirect.scatter.add.f32 [tilespmem:s21], [sflag:$0x1], $0x10, s4, s20, $0xb8;
	[tilespmem:$0x1A810] =	vst v63  }
0x5d: {  	_ =	swait.ge [sflag:s19], $0x800  }
0x5e: {  	[sflag:s19] =	ssyncset.done $0x0  }
0x5f: {  	[sflag:s19] =	ssyncadd.s32 $0xFFFFF800  }
0x60: {  	[tilespmem:s4], [sflag:$0x1] =	stream.linear.gather [hbm4b:s9+s4], $0x8, $0x38;
	[tilespmem:$0x1A810] =	vst v63  }
0x61: {  	_ =	swait.ge [sflag:s19], $0x8  }
0x62: {  	[sflag:s19] =	ssyncset.done $0x0  }
0x63: {  	[sflag:s19] =	ssyncadd.s32 $0xFFFFFFF8  }
0x64: {  	[tilespmem:s20], [sflag:$0x1] =	stream.linear.gather [hbm4b:s10+s4], $0x400, $0x38;
	[tilespmem:$0x1A810] =	vst v63  }
0x65: {  	_ =	swait.ge [sflag:s19], $0x400  }
0x66: {  	[sflag:s19] =	ssyncset.done $0x0  }
0x67: {  	[sflag:s19] =	ssyncadd.s32 $0xFFFFFC00  }
0x68: {  	[spmem:s2] =	stream.indirect.scatter.add.f32 [tilespmem:s20], [sflag:$0x1], $0x80, s4, s22, $0xb8;
	[tilespmem:$0x1A810] =	vst v63  }
0x69: {  	_ =	swait.ge [sflag:s19], $0x400  }
0x6a: {  	[sflag:s19] =	ssyncset.done $0x0  }
0x6b: {  	[sflag:s19] =	ssyncadd.s32 $0xFFFFFC00  }
0x6c: {  	[tilespmem:s21], [sflag:$0x1] =	stream.linear.gather [hbm4b:s11+s4], $0x80, $0x38;
	[tilespmem:$0x1A810] =	vst v63  }
0x6d: {  	_ =	swait.ge [sflag:s19], $0x80  }
0x6e: {  	[sflag:s19] =	ssyncset.done $0x0  }
0x6f: {  	[sflag:s19] =	ssyncadd.s32 $0xFFFFFF80  }
0x70: {  	[spmem:s3] =	stream.indirect.scatter.add.f32 [tilespmem:s21], [sflag:$0x1], $0x10, s4, s22, $0xb8;
	[tilespmem:$0x1A810] =	vst v63  }
0x71: {  	_ =	swait.ge [sflag:s19], $0x80  }
0x72: {  	[sflag:s19] =	ssyncset.done $0x0  }
0x73: {  	[sflag:s19] =	ssyncadd.s32 $0xFFFFFF80  }
0x74: {  	[bflag:$0x0] =	sbarrier.arrive $0xFFFF  }
0x75: {  	[hbm:s12], [sflag:s6] =	dma.local [spmem:s18], $0x2710  }
0x76: {  	s23 =	sadd.s32 $0x1, s23;
	_ =	swait.ge [sflag:s19], $0x2710  }
0x77: {  	p0 =	sne.s32 s23, s14;
	[sflag:s19] =	ssyncset.done $0x0  }
.Ltmp1:
0x78: {  	[sflag:s19] =	ssyncadd.s32 $0xFFFFD8F0;
	(pc) =	sbr.rel @p0 .LBB2_1-.Ltmp1, $4  }
0x79: {  	[hbm:s13], [sflag:s6] =	dma.local [spmem:s24], $0x4E2  }
0x7a: {  	_ =	swait.ge [sflag:s19], $0x4E2  }
0x7b: {  	[sflag:s19] =	ssyncset.done $0x0  }
0x7c: {  	[sflag:s19] =	ssyncadd.s32 $0xFFFFFB1E  }
0x7d: {  	_ =	sfence.sel $0x180000  }
0x7e: {  	[bflag:$0x0] =	sbarrier.arrive $0xFFFF  }
0x7f: {  	p0 =	sne.s32 s0, $0x0;
	_ =	strace $0x90000050  }
0x80: {  	s0 =	sadd.s32 @!p0 $0x100000, s1;
	[bflag:$0x2] =	sbarrier.arrive $0xFFFF  }
0x81: {  	[sflag:s0] =	ssyncadd.tile.s32 @!p0 $0x1;
	_ =	shalt  }
.Lfunc_end2:
_tile_overlayer_lowered:
.L_overlay_start_2:
0x82: {  	(tag) =	ssettag $0x2  }
0x83: {  	s0 =	rddreg [dreg:$0x0];
	s2 =	stileid.u32  }
0x84: {  	s1 =	rddreg [dreg:$0x1];
	p0 =	sne.s32 s2, $0x0  }
0x85: {  	s3 =	rddreg [dreg:$0x2];
	[bflag:$0x3] =	sbarrier.arrive $0xFFFF;
	s2 =	simm.s32 @!p0 $0x1C01  }
0x86: {  	[timem:s3], [sflag:s2] =	dma.local @!p0 [hbm:s0], s1  }
0x87: {  	s0 =	simm.s32 @!p0 $0x1  }
0x88: {  	_ =	swait.ge @!p0 [sflag:s0], s1  }
0x89: {  	s1 =	ssub.s32 @!p0 $0x0, s1;
	[sflag:s0] =	ssyncset.done @!p0 $0x0  }
0x8a: {  	[sflag:s0] =	ssyncadd.s32 @!p0 s1  }
0x8b: {  	[bflag:$0x3] =	sbarrier.arrive $0xFFFF  }
0x8c: {  	_ =	shalt  }

// kernel: kernel.28.cloned.1.call-start
scs
__scs_entry_jumppad:
0x0: {  	(pc) =	sbr.rel $0x88, $3  }
0x1: {  	(tag) =	ssettag $0x0;
	lr =	simm.s32 $0x1  }
0x2: {  	[smem:$0x3F73] =	sst lr;
	_ =	strace $0xD0000000  }
0x3: {  	_ = 	snop  }
0x4: {  	_ = 	snop  }
0x5: {  	_ = 	snop  }
0x6: {  	_ = 	snop  }
0x7: {  	_ = 	snop  }
__scs_overlays_trampoline_lowered:
0x8: {  	[smem:$0x3F82] =	sst s0  }
0x9: {  	[smem:$0x3F83] =	sst s1  }
0xa: {  	[smem:$0x3F84] =	sst s2  }
0xb: {  	[smem:$0x3F85] =	sst s3  }
0xc: {  	[smem:$0x3F86] =	sst s4  }
0xd: {  	[smem:$0x3F87] =	sst s5  }
0xe: {  	[smem:$0x3F88] =	sst s6  }
0xf: {  	[smem:$0x3F89] =	sst s7  }
0x10: {  	[smem:$0x3F8A] =	sst s8  }
0x11: {  	[smem:$0x3F8B] =	sst s9;
	s0 =	simm.s32 @!p0 $0x0  }
0x12: {  	s1 =	sld [smem:$0x3F71];
	s0 =	simm.s32 @p0 $0x1  }
0x13: {  	[smem:$0x3F8C] =	sst s0;
	s0 =	simm.s32 @!p1 $0x0  }
0x14: {  	s2 =	sld [smem:$0x3F70];
	s0 =	simm.s32 @p1 $0x1  }
0x15: {  	[smem:$0x3F8D] =	sst s0;
	s0 =	simm.s32 @!p2 $0x0  }
0x16: {  	s3 =	sld [smem:$0x3FDB];
	s0 =	simm.s32 @p2 $0x1  }
0x17: {  	s4 =	simm.s32 $0x1BF5;
	[smem:$0x3F8F] =	sst s0  }
0x18: {  	s0 =	sld [smem:$0x3F72];
	_ =	swait.ge [sflag:s4], $0x0  }
0x19: {  	s7 =	sld [smem:$0x3F73]  }
0x1a: {  	s8 =	sadd.s32 $0xFFFFE003, lr  }
0x1b: {  	s9 =	sadd.s32 $0xFFFFFEF7, lr;
	s5 =	simm.s32 $0xFFFFFFFF;
	p2 =	slt.u32 s8, $0xFFFFF086  }
0x1c: {  	p1 =	slt.u32 s9, $0xF7A;
	s5 =	simm.s32 @!p2 $0x0  }
0x1d: {  	s5 =	simm.s32 @p1 $0x1;
	p0 =	seq.s32 s7, s2  }
0x1e: {  	s7 =	smul.u32 @!p0 $0xF7A, s2;
	p2 =	seq.s32 @!p0 s5, $0x0  }
0x1f: {  	s9 =	smul.u32 $0xF7A, s1;
	s8 =	simm.s32 @!p0 $0x1BF5;
	p2 =	por !p2, p0  }
0x20: {  	[sflag:s8] =	ssyncset.s32 @!p0 $0xFFFFF086;
	s6 =	sadd.s32 @!p0 s3, s7;
	s7 =	simm.s32 @!p0 $0x108  }
0x21: {  	s3 =	sadd.s32 s3, s9;
	s6 =	sadd.s32 @!p0 $0x88, s6;
	s7 =	simm.s32 @p2 $0x1082  }
0x22: {  	[simem:s7], [sflag:s8] =	dma.local @!p0 [hbm:s6], $0xF7A  }
0x23: {  	s9 =	sor.u32 $0xD0000000, s2;
	s6 =	simm.s32 $0x108;
	_ =	swait.ge @!p0 [sflag:s8], $0x0  }
0x24: {  	s3 =	sadd.s32 $0x88, s3;
	s6 =	simm.s32 @!p1 $0x1082;
	[sflag:s4] =	ssyncset.s32 $0xFFFFF086  }
0x25: {  	[simem:s6], [sflag:s4] =	dma.local [hbm:s3], $0xF7A  }
0x26: {  	[smem:$0x3F73] =	sst s1;
	(tag) =	ssettag s2;
	_ =	strace s9  }
0x27: {  	s1 =	sld [smem:$0x3F83]  }
0x28: {  	s2 =	sld [smem:$0x3F84]  }
0x29: {  	s4 =	sld [smem:$0x3F86]  }
0x2a: {  	p0 =	seq.s32 s5, $0x0;
	s5 =	sld [smem:$0x3F87]  }
0x2b: {  	s6 =	sld [smem:$0x3F88]  }
0x2c: {  	s7 =	sld [smem:$0x3F89]  }
0x2d: {  	s3 =	simm.s32 $0x108;
	s8 =	sld [smem:$0x3F8A]  }
0x2e: {  	s3 =	simm.s32 @!p0 $0x1082;
	s9 =	sld [smem:$0x3F8B]  }
0x2f: {  	lr =	sadd.s32 s0, s3;
	s0 =	sld [smem:$0x3F82]  }
0x30: {  	s3 =	sld [smem:$0x3F85]  }
0x31: {  	[smem:$0x3F8E] =	sst s10  }
0x32: {  	s10 =	sld [smem:$0x3F8C];
	_ =	sdelay $0x3  }
0x33: {  	p0 =	seq.s32 s10, $0x1;
	s10 =	sld [smem:$0x3F8E];
	_ =	sdelay $0x3  }
0x34: {  	[smem:$0x3F8E] =	sst s10  }
0x35: {  	s10 =	sld [smem:$0x3F8D];
	_ =	sdelay $0x3  }
0x36: {  	p1 =	seq.s32 s10, $0x1;
	s10 =	sld [smem:$0x3F8E];
	_ =	sdelay $0x3  }
0x37: {  	[smem:$0x3F8E] =	sst s10  }
0x38: {  	s10 =	sld [smem:$0x3F8F]  }
0x39: {  	_ = 	snop;
	(pc) =	sbr.ind lr, $3  }
0x3a: {  	_ = 	snop  }
0x3b: {  	_ = 	snop  }
0x3c: {  	p2 =	seq.s32 s10, $0x1;
	s10 =	sld [smem:$0x3F8E]  }
0x3d: {  	_ =	shalt  }
0x3e: {  	_ =	shalt  }
0x3f: {  	_ =	shalt  }
0x40: {  	_ =	shalt  }
0x41: {  	_ =	shalt  }
0x42: {  	_ =	shalt  }
0x43: {  	_ =	shalt  }
0x44: {  	_ =	shalt  }
0x45: {  	_ =	shalt  }
0x46: {  	_ =	shalt  }
0x47: {  	_ =	shalt  }
0x48: {  	_ =	shalt  }
0x49: {  	_ =	shalt  }
0x4a: {  	_ =	shalt  }
0x4b: {  	_ =	shalt  }
0x4c: {  	_ =	shalt  }
0x4d: {  	_ =	shalt  }
0x4e: {  	_ =	shalt  }
0x4f: {  	_ =	shalt  }
0x50: {  	_ =	shalt  }
0x51: {  	_ =	shalt  }
0x52: {  	_ =	shalt  }
0x53: {  	_ =	shalt  }
0x54: {  	_ =	shalt  }
0x55: {  	_ =	shalt  }
0x56: {  	_ =	shalt  }
0x57: {  	_ =	shalt  }
0x58: {  	_ =	shalt  }
0x59: {  	_ =	shalt  }
0x5a: {  	_ =	shalt  }
0x5b: {  	_ =	shalt  }
0x5c: {  	_ =	shalt  }
0x5d: {  	_ =	shalt  }
0x5e: {  	_ =	shalt  }
0x5f: {  	_ =	shalt  }
0x60: {  	_ =	shalt  }
0x61: {  	_ =	shalt  }
0x62: {  	_ =	shalt  }
0x63: {  	_ =	shalt  }
0x64: {  	_ =	shalt  }
0x65: {  	_ =	shalt  }
0x66: {  	_ =	shalt  }
0x67: {  	_ =	shalt  }
0x68: {  	_ =	shalt  }
0x69: {  	_ =	shalt  }
0x6a: {  	_ =	shalt  }
0x6b: {  	_ =	shalt  }
0x6c: {  	_ =	shalt  }
0x6d: {  	_ =	shalt  }
0x6e: {  	_ =	shalt  }
0x6f: {  	_ =	shalt  }
0x70: {  	_ =	shalt  }
0x71: {  	_ =	shalt  }
0x72: {  	_ =	shalt  }
0x73: {  	_ =	shalt  }
0x74: {  	_ =	shalt  }
0x75: {  	_ =	shalt  }
0x76: {  	_ =	shalt  }
0x77: {  	_ =	shalt  }
0x78: {  	_ =	shalt  }
0x79: {  	_ =	shalt  }
0x7a: {  	_ =	shalt  }
0x7b: {  	_ =	shalt  }
0x7c: {  	_ =	shalt  }
0x7d: {  	_ =	shalt  }
0x7e: {  	_ =	shalt  }
0x7f: {  	_ =	shalt  }
0x80: {  	_ =	shalt  }
0x81: {  	_ =	shalt  }
0x82: {  	_ =	shalt  }
0x83: {  	_ =	shalt  }
0x84: {  	_ =	shalt  }
0x85: {  	_ =	shalt  }
0x86: {  	_ =	shalt  }
0x87: {  	_ =	shalt  }
.Lfunc_end0:
.L_simem_size_0:
called_computation.4_lowered:
.L_overlay_start_0:
0x88: {  	s2 =	sld [smem:$0x3FD9]  }
0x89: {  	s3 =	sld [smem:$0x3FFE];
	_ =	sdelay $0x1  }
0x8a: {  	s1 =	srdreg.scid  }
0x8b: {  	s0 =	sand.u32 $0x1, s1  }
0x8c: {  	s15 =	sshll.u32 s0, $0xA;
	s2 =	sadd.s32 s3, s2  }
0x8d: {  	s2 =	sadd.s32 s2, s15  }
0x8e: {  	[smem:$0x3F9A] =	sst s2  }
0x8f: {  	_ = 	snop  }
0x90: {  	s2 =	sld [smem:$0x3FD0];
	_ =	sdelay $0x2  }
0x91: {  	s16 =	simm.s32 $0xB;
	s4 =	simm.s32 $0x10  }
0x92: {  	[smem:s4], [sflag:s16] =	dma.local [hbm:s2], $0x1  }
0x93: {  	_ =	swait.eq [sflag:s16], $0x1  }
0x94: {  	[sflag:s16] =	ssyncset.done $0x0  }
0x95: {  	s17 =	sld [smem:$0x10];
	[sflag:s16] =	ssyncadd.s32 $0xFFFFFFFF  }
0x96: {  	s18 =	sld [smem:$0x11];
	(tm) =	ssettm $0x1  }
0x97: {  	s19 =	sld [smem:$0x3FFB];
	_ =	sdelay $0x3  }
0x98: {  	_ =	strace s19  }
0x99: {  	s2 =	sld [smem:$0x3FFC];
	_ =	sdelay $0x3  }
0x9a: {  	_ =	strace s2  }
0x9b: {  	s2 =	sld [smem:$0x3FFD];
	_ =	sdelay $0x3  }
0x9c: {  	_ =	strace s2  }
0x9d: {  	_ =	strace $0x8FFFFFFF  }
0x9e: {  	s20 =	sld [smem:$0x3FDB];
	_ =	sdelay $0x1  }
0x9f: {  	s5 =	simm.s32 $_scs_section_size  }
0xa0: {  	s6 =	simm.s32 $_size__tile_overlayer_lowered;
	s7 =	simm.s32 $_tile_overlayer_lowered  }
0xa1: {  	s8 =	simm.s32 $0x1BFF;
	s21 =	sshll.u32 s7, $0x1;
	s5 =	sadd.s32 s5, s20  }
0xa2: {  	s22 =	simm.s32 $0x0;
	s6 =	sshll.u32 s6, $0x1;
	s7 =	sadd.s32 s21, s5  }
0xa3: {  	[timem:s22], [sflag:s8] =	dma.local [hbm:s7], s6  }
0xa4: {  	_ =	swait.ge [sflag:s8], s6  }
0xa5: {  	s6 =	ssub.s32 $0x0, s6;
	[sflag:s8] =	ssyncset.done $0x0  }
0xa6: {  	[sflag:s8] =	ssyncadd.s32 s6;
	_ =	sdelay $0x1  }
0xa7: {  	s23 =	simm.s32 $0x1B8B  }
0xa8: {  	_ =	swait.ge [sflag:s23], $0x1  }
0xa9: {  	[sflag:s23] =	ssyncset.done $0x0  }
0xaa: {  	[sflag:s23] =	ssyncadd.s32 $0xFFFFFFFF  }
0xab: {  	s6 =	sld [smem:$0x0]  }
0xac: {  	s7 =	sand.u32 $0xFFFFFFFE, s1  }
0xad: {  	p0 =	sne.s32 s1, s7  }
0xae: {  	s7 =	sshll.u32 @p0 s7, $0xE  }
0xaf: {  	s7 =	sadd.s32 @p0 $0x11B8D, s7;
	s8 =	sshll.u32 @p0 s6, $0x11  }
0xb0: {  	s7 =	sor.u32 @p0 s8, s7  }
0xb1: {  	[sflag:s7] =	ssyncadd.remote.s32 @p0 $0x1;
	_ =	sdelay $0x1  }
0xb2: {  	s7 =	simm.s32 @p0 $0x1B8D  }
0xb3: {  	_ =	swait.eq @p0 [sflag:s7], $0x1  }
0xb4: {  	[sflag:s7] =	ssyncadd.s32 @p0 $0xFFFFFFFF  }
0xb5: {  	s8 =	sshll.u32 @!p0 s1, $0xE  }
0xb6: {  	s8 =	sor.u32 @!p0 $0x4000, s8;
	s7 =	simm.s32 @!p0 $0x1B8D  }
0xb7: {  	s6 =	sshll.u32 @!p0 s6, $0x11;
	s8 =	sadd.s32 @!p0 $0x11B8D, s8;
	_ =	swait.eq @!p0 [sflag:s7], $0x1  }
0xb8: {  	s6 =	sor.u32 @!p0 s6, s8;
	[sflag:s7] =	ssyncadd.s32 @!p0 $0xFFFFFFFF  }
0xb9: {  	s25 =	simm.s32 $0x1B8E;
	s24 =	sld [smem:$0x3FFE];
	[sflag:s6] =	ssyncadd.remote.s32 @!p0 $0x1  }
0xba: {  	s26 =	simm.s32 $execute0_lowered;
	[smem:$0x3FD2] =	sst s25  }
0xbb: {  	s7 =	sshll.u32 s26, $0x1;
	_ =	strace $0x80000055;
	[dreg:$0x1] =	wrdreg $0xFFFFFFFF  }
0xbc: {  	s28 =	simm.s32 $_size_execute0_lowered;
	s5 =	sadd.s32 s5, s7;
	[dreg:$0x0] =	wrdreg $0x0  }
0xbd: {  	s7 =	sshll.u32 s28, $0x1;
	[dreg:$0x2] =	wrdreg s5  }
0xbe: {  	[dreg:$0x3] =	wrdreg s7  }
0xbf: {  	[dreg:$0x4] =	wrdreg $0xC0  }
0xc0: {  	_ =	task [dreg:s22], $0x5FFFF  }
0xc1: {  	[dreg:$0x1] =	wrdreg $0xFFFFFFFF  }
0xc2: {  	[dreg:$0x0] =	wrdreg $0x60  }
0xc3: {  	[dreg:$0x2] =	wrdreg s17  }
0xc4: {  	[dreg:$0x3] =	wrdreg s24  }
0xc5: {  	[dreg:$0x4] =	wrdreg s18  }
0xc6: {  	[dreg:$0x5] =	wrdreg $0x9  }
0xc7: {  	_ =	task.clear_ibuf [dreg:s22], $0x6FFFF;
	_ =	strace $0x90000055  }
0xc8: {  	s29 =	simm.s32 $0x9;
	_ =	strace $0x80000057  }
0xc9: {  	_ =	swait.ge [sflag:s29], $0x1  }
0xca: {  	[sflag:s29] =	ssyncadd.s32 $0xFFFFFFFF  }
0xcb: {  	_ =	strace $0x90000057  }
0xcc: {  	_ =	sfence  }
0xcd: {  	s30 =	sld [smem:$0x0];
	_ =	sdelay $0x2  }
0xce: {  	s31 =	sshll.u32 s1, $0xD;
	s1 =	sshrl.u32 s1, $0x2  }
0xcf: {  	s4 =	sand.u32 $0x4000, s31;
	s1 =	sadd.s32 s1, s30  }
0xd0: {  	s0 =	sor.u32 s4, s0;
	s1 =	sshll.u32 s1, $0x11  }
0xd1: {  	s0 =	sor.u32 s1, s0  }
0xd2: {  	s0 =	sadd.s32 $0x8F2B, s0  }
0xd3: {  	[sflag:s0] =	ssyncadd.remote.s32 $0x1  }
0xd4: {  	_ =	sfence.sel $0xFFFF  }
0xd5: {  	[dreg:$0x0] =	wrdreg $0xFFFFFFFF;
	(pc) =	sbr.abs _section_cstart, $3  }
0xd6: {  	[dreg:$0x1] =	wrdreg $0xFFFFFFFF  }
0xd7: {  	_ =	task.clear_ibuf [dreg:s22], $0x2FFFF;
	_ =	strace $0x9FFFFFFF  }
0xd8: {  	(tm) =	ssettm $0x7FFFFFFF  }
0xd9: {  	_ =	shalt  }
tec
execute0_lowered:
.L_overlay_start_1:
0x0: {  	(tag) =	ssettag $0x1  }
0x1: {  	s1 =	rddreg [dreg:$0x0]  }
0x2: {  	s4 =	rddreg [dreg:$0x1]  }
0x3: {  	s7 =	rddreg [dreg:$0x2]  }
0x4: {  	s0 =	rddreg [dreg:$0x3];
	s5 =	srdreg.scid  }
0x5: {  	s3 =	simm.s32 $0x0;
	s2 =	stileid.u32;
	s13 =	simm.s32 $0x1  }
0x6: {  	s14 =	simm.s32 $0x2;
	s15 =	simm.s32 $0x0;
	s6 =	sand.u32 $0x1, s5  }
0x7: {  	[smem:$0x7FF] =	sst s3;
	s26 =	sshll.u32 s2, $0x8;
	s9 =	sshll.u32 s2, $0xC  }
0x8: {  	s8 =	sshll.u32 s6, $0x7;
	_ =	strace $0x80000056;
	s28 =	ssub.s32 $0x2, s6  }
0x9: {  	s12 =	sadd.s32 s9, s4;
	s30 =	sshll.u32 s6, $0xB;
	s9 =	sadd.s32 s9, s7  }
0xa: {  	s5 =	sor.u32 s8, s26;
	s10 =	sshrl.u32 s28, $0x1;
	s31 =	sadd.s32 s30, s12  }
0xb: {  	s8 =	sadd.s32 s30, s9;
	s9 =	simm.s32 $0x3;
	s12 =	simm.s32 $0x4100  }
0xc: {  	s5 =	sshrl.u32 s5, $0x3;
	s29 =	ssub.s32 s28, s10;
	s7 =	sadd.s32 $0x446800, s31  }
0xd: {  	s10 =	simm.s32 $0x80;
	s11 =	sadd.s32 s5, s4;
	s4 =	smax.u32 s29, $0x1  }
0xe: {  	s5 =	sadd.s32 $0xE000, s11;
	s6 =	sadd.s32 $0x13000, s11;
	s11 =	simm.s32 $0x100  }
.LBB2_1:
0xf: {  	s16 =	sadd.s32 $0x0, s6  }
0x10: {  	[tilespmem:s3], [sflag:$0x3] =	stream.linear.gather [hbm4b:s16+s3], $0x80, $0x38;
	[tilespmem:$0x8100] =	vst v63  }
0x11: {  	_ =	swait.ge [sflag:s9], $0x80  }
0x12: {  	[sflag:s9] =	ssyncset.done $0x0  }
0x13: {  	s31 =	sadd.s32 $0x0, s5;
	[sflag:s9] =	ssyncadd.s32 $0xFFFFFF80  }
0x14: {  	[tilespmem:s10], [sflag:$0x3] =	stream.linear.gather [hbm4b:s31+s3], $0x80, $0x38;
	[tilespmem:$0x8100] =	vst v63  }
0x15: {  	_ =	swait.ge [sflag:s9], $0x80  }
0x16: {  	[sflag:s9] =	ssyncset.done $0x0  }
0x17: {  	[sflag:s9] =	ssyncadd.s32 $0xFFFFFF80  }
0x18: {  	[tilespmem:s11], [sflag:$0x1] =	stream.indirect.gather [hbm4b:s1+s10], $0x80, s3, s10, $0xb8;
	[tilespmem:$0x8100] =	vst v63  }
0x19: {  	_ = 	snop  }
0x1a: {  	[tilespmem:s12], [sflag:$0x2] =	stream.indirect.gather [hbm4b:s1+s10], $0x80, s10, s10, $0xb8;
	[tilespmem:$0x8100] =	vst v63  }
0x1b: {  	_ =	swait.ge [sflag:s13], $0x4000  }
0x1c: {  	[sflag:s13] =	ssyncset.done $0x0  }
0x1d: {  	[sflag:s13] =	ssyncadd.s32 $0xFFFFC000  }
0x1e: {  	[hbm4b:s8+s3] =	stream.linear.scatter [tilespmem:s11], [sflag:$0x3], $0x4000, $0x38;
	[tilespmem:$0x8100] =	vst v63  }
0x1f: {  	_ =	swait.ge [sflag:s9], $0x4000  }
0x20: {  	[sflag:s9] =	ssyncset.done $0x0  }
0x21: {  	[sflag:s9] =	ssyncadd.s32 $0xFFFFC000  }
0x22: {  	_ =	swait.ge [sflag:s14], $0x4000  }
0x23: {  	[sflag:s14] =	ssyncset.done $0x0  }
0x24: {  	[sflag:s14] =	ssyncadd.s32 $0xFFFFC000  }
0x25: {  	[hbm4b:s7+s3] =	stream.linear.scatter [tilespmem:s12], [sflag:$0x3], $0x4000, $0x38;
	[tilespmem:$0x8100] =	vst v63  }
0x26: {  	s18 =	simm.s32 $0x200;
	s19 =	simm.s32 $0x400;
	_ =	swait.ge [sflag:s9], $0x4000  }
0x27: {  	s17 =	sadd.s32 $0x10000, s8;
	s16 =	sadd.s32 $0x10000, s7;
	[sflag:s9] =	ssyncset.done $0x0  }
.LBB2_2:
0x28: {  	s20 =	sadd.s32 s18, s6  }
0x29: {  	[sflag:s9] =	ssyncadd.s32 $0xFFFFC000;
	s21 =	smov.u32 s19;
	s22 =	sadd.s32 $0x200, s19  }
0x2a: {  	[tilespmem:s3], [sflag:$0x3] =	stream.linear.gather [hbm4b:s20+s3], $0x80, $0x38;
	[tilespmem:$0x8100] =	vst v63  }
0x2b: {  	p0 =	sne.s32 s19, $0x2600;
	_ =	swait.ge [sflag:s9], $0x80  }
0x2c: {  	[sflag:s9] =	ssyncset.done $0x0  }
0x2d: {  	s19 =	sadd.s32 s18, s5;
	s18 =	smov.u32 s21;
	[sflag:s9] =	ssyncadd.s32 $0xFFFFFF80  }
0x2e: {  	[tilespmem:s10], [sflag:$0x3] =	stream.linear.gather [hbm4b:s19+s3], $0x80, $0x38;
	[tilespmem:$0x8100] =	vst v63  }
0x2f: {  	_ =	swait.ge [sflag:s9], $0x80  }
0x30: {  	[sflag:s9] =	ssyncset.done $0x0  }
0x31: {  	[sflag:s9] =	ssyncadd.s32 $0xFFFFFF80  }
0x32: {  	[tilespmem:s11], [sflag:$0x1] =	stream.indirect.gather [hbm4b:s1+s10], $0x80, s3, s10, $0xb8;
	[tilespmem:$0x8100] =	vst v63  }
0x33: {  	_ = 	snop  }
0x34: {  	[tilespmem:s12], [sflag:$0x2] =	stream.indirect.gather [hbm4b:s1+s10], $0x80, s10, s10, $0xb8;
	[tilespmem:$0x8100] =	vst v63  }
0x35: {  	_ =	swait.ge [sflag:s13], $0x4000  }
0x36: {  	[sflag:s13] =	ssyncset.done $0x0  }
0x37: {  	[sflag:s13] =	ssyncadd.s32 $0xFFFFC000  }
0x38: {  	[hbm4b:s17+s3] =	stream.linear.scatter [tilespmem:s11], [sflag:$0x3], $0x4000, $0x38;
	[tilespmem:$0x8100] =	vst v63  }
0x39: {  	_ =	swait.ge [sflag:s9], $0x4000  }
0x3a: {  	[sflag:s9] =	ssyncset.done $0x0  }
0x3b: {  	[sflag:s9] =	ssyncadd.s32 $0xFFFFC000  }
0x3c: {  	_ =	swait.ge [sflag:s14], $0x4000  }
.Ltmp0:
0x3d: {  	[sflag:s14] =	ssyncset.done $0x0;
	(pc) =	sbr.rel @p0 .LBB2_2-.Ltmp0, $4  }
0x3e: {  	[sflag:s14] =	ssyncadd.s32 $0xFFFFC000  }
0x3f: {  	[hbm4b:s16+s3] =	stream.linear.scatter [tilespmem:s12], [sflag:$0x3], $0x4000, $0x38;
	[tilespmem:$0x8100] =	vst v63  }
0x40: {  	s19 =	smov.u32 s22;
	_ =	swait.ge [sflag:s9], $0x4000  }
0x41: {  	s17 =	sadd.s32 $0x10000, s17;
	s16 =	sadd.s32 $0x10000, s16;
	[sflag:s9] =	ssyncset.done $0x0  }
0x42: {  	s19 =	sadd.s32 s18, s6;
	[sflag:s9] =	ssyncadd.s32 $0xFFFFC000  }
0x43: {  	[tilespmem:s3], [sflag:$0x3] =	stream.linear.gather [hbm4b:s19+s3], $0x80, $0x38;
	[tilespmem:$0x8100] =	vst v63  }
0x44: {  	_ =	swait.ge [sflag:s9], $0x80  }
0x45: {  	[sflag:s9] =	ssyncset.done $0x0  }
0x46: {  	s31 =	sadd.s32 s18, s5;
	[sflag:s9] =	ssyncadd.s32 $0xFFFFFF80  }
0x47: {  	[tilespmem:s10], [sflag:$0x3] =	stream.linear.gather [hbm4b:s31+s3], $0x80, $0x38;
	[tilespmem:$0x8100] =	vst v63  }
0x48: {  	_ =	swait.ge [sflag:s9], $0x80  }
0x49: {  	[sflag:s9] =	ssyncset.done $0x0  }
0x4a: {  	[sflag:s9] =	ssyncadd.s32 $0xFFFFFF80  }
0x4b: {  	[tilespmem:s11], [sflag:$0x1] =	stream.indirect.gather [hbm4b:s1+s10], $0x80, s3, s10, $0xb8;
	[tilespmem:$0x8100] =	vst v63  }
0x4c: {  	_ = 	snop  }
0x4d: {  	[tilespmem:s12], [sflag:$0x2] =	stream.indirect.gather [hbm4b:s1+s10], $0x80, s10, s10, $0xb8;
	[tilespmem:$0x8100] =	vst v63  }
0x4e: {  	_ =	swait.ge [sflag:s13], $0x4000  }
0x4f: {  	[sflag:s13] =	ssyncset.done $0x0  }
0x50: {  	[sflag:s13] =	ssyncadd.s32 $0xFFFFC000  }
0x51: {  	[hbm4b:s17+s3] =	stream.linear.scatter [tilespmem:s11], [sflag:$0x3], $0x4000, $0x38;
	[tilespmem:$0x8100] =	vst v63  }
0x52: {  	_ =	swait.ge [sflag:s9], $0x4000  }
0x53: {  	[sflag:s9] =	ssyncset.done $0x0  }
0x54: {  	[sflag:s9] =	ssyncadd.s32 $0xFFFFC000  }
0x55: {  	s15 =	sadd.s32 $0x1, s15;
	_ =	swait.ge [sflag:s14], $0x4000  }
0x56: {  	p0 =	sne.s32 s15, s4;
	[sflag:s14] =	ssyncset.done $0x0  }
.Ltmp1:
0x57: {  	[sflag:s14] =	ssyncadd.s32 $0xFFFFC000;
	(pc) =	sbr.rel @p0 .LBB2_1-.Ltmp1, $4  }
0x58: {  	[hbm4b:s16+s3] =	stream.linear.scatter [tilespmem:s12], [sflag:$0x3], $0x4000, $0x38;
	[tilespmem:$0x8100] =	vst v63  }
0x59: {  	_ =	swait.ge [sflag:s9], $0x4000  }
0x5a: {  	[sflag:s9] =	ssyncset.done $0x0  }
0x5b: {  	[sflag:s9] =	ssyncadd.s32 $0xFFFFC000  }
0x5c: {  	_ =	sfence.sel $0x180000  }
0x5d: {  	[bflag:$0x0] =	sbarrier.arrive $0xFFFF  }
0x5e: {  	p0 =	sne.s32 s2, $0x0;
	_ =	strace $0x90000056  }
0x5f: {  	s0 =	sadd.s32 @!p0 $0x100000, s0;
	[bflag:$0x2] =	sbarrier.arrive $0xFFFF  }
0x60: {  	[sflag:s0] =	ssyncadd.tile.s32 @!p0 $0x1;
	_ =	shalt  }
.Lfunc_end2:
_tile_overlayer_lowered:
.L_overlay_start_2:
0x61: {  	(tag) =	ssettag $0x2  }
0x62: {  	s0 =	rddreg [dreg:$0x0];
	s2 =	stileid.u32  }
0x63: {  	s1 =	rddreg [dreg:$0x1];
	p0 =	sne.s32 s2, $0x0  }
0x64: {  	s3 =	rddreg [dreg:$0x2];
	[bflag:$0x3] =	sbarrier.arrive $0xFFFF;
	s2 =	simm.s32 @!p0 $0x1C03  }
0x65: {  	[timem:s3], [sflag:s2] =	dma.local @!p0 [hbm:s0], s1  }
0x66: {  	s0 =	simm.s32 @!p0 $0x3  }
0x67: {  	_ =	swait.ge @!p0 [sflag:s0], s1  }
0x68: {  	s1 =	ssub.s32 @!p0 $0x0, s1;
	[sflag:s0] =	ssyncset.done @!p0 $0x0  }
0x69: {  	[sflag:s0] =	ssyncadd.s32 @!p0 s1  }
0x6a: {  	[bflag:$0x3] =	sbarrier.arrive $0xFFFF  }
0x6b: {  	_ =	shalt  }

// kernel: kernel.31.cloned.1.call-start
scs
__scs_entry_jumppad:
0x0: {  	(pc) =	sbr.rel $0x88, $3  }
0x1: {  	(tag) =	ssettag $0x0;
	lr =	simm.s32 $0x1  }
0x2: {  	[smem:$0x3F73] =	sst lr;
	_ =	strace $0xD0000000  }
0x3: {  	_ = 	snop  }
0x4: {  	_ = 	snop  }
0x5: {  	_ = 	snop  }
0x6: {  	_ = 	snop  }
0x7: {  	_ = 	snop  }
__scs_overlays_trampoline_lowered:
0x8: {  	[smem:$0x3F82] =	sst s0  }
0x9: {  	[smem:$0x3F83] =	sst s1  }
0xa: {  	[smem:$0x3F84] =	sst s2  }
0xb: {  	[smem:$0x3F85] =	sst s3  }
0xc: {  	[smem:$0x3F86] =	sst s4  }
0xd: {  	[smem:$0x3F87] =	sst s5  }
0xe: {  	[smem:$0x3F88] =	sst s6  }
0xf: {  	[smem:$0x3F89] =	sst s7  }
0x10: {  	[smem:$0x3F8A] =	sst s8  }
0x11: {  	[smem:$0x3F8B] =	sst s9;
	s0 =	simm.s32 @!p0 $0x0  }
0x12: {  	s1 =	sld [smem:$0x3F71];
	s0 =	simm.s32 @p0 $0x1  }
0x13: {  	[smem:$0x3F8C] =	sst s0;
	s0 =	simm.s32 @!p1 $0x0  }
0x14: {  	s2 =	sld [smem:$0x3F70];
	s0 =	simm.s32 @p1 $0x1  }
0x15: {  	[smem:$0x3F8D] =	sst s0;
	s0 =	simm.s32 @!p2 $0x0  }
0x16: {  	s3 =	sld [smem:$0x3FDB];
	s0 =	simm.s32 @p2 $0x1  }
0x17: {  	s4 =	simm.s32 $0x1BF5;
	[smem:$0x3F8F] =	sst s0  }
0x18: {  	s0 =	sld [smem:$0x3F72];
	_ =	swait.ge [sflag:s4], $0x0  }
0x19: {  	s7 =	sld [smem:$0x3F73]  }
0x1a: {  	s8 =	sadd.s32 $0xFFFFE003, lr  }
0x1b: {  	s9 =	sadd.s32 $0xFFFFFEF7, lr;
	s5 =	simm.s32 $0xFFFFFFFF;
	p2 =	slt.u32 s8, $0xFFFFF086  }
0x1c: {  	p1 =	slt.u32 s9, $0xF7A;
	s5 =	simm.s32 @!p2 $0x0  }
0x1d: {  	s5 =	simm.s32 @p1 $0x1;
	p0 =	seq.s32 s7, s2  }
0x1e: {  	s7 =	smul.u32 @!p0 $0xF7A, s2;
	p2 =	seq.s32 @!p0 s5, $0x0  }
0x1f: {  	s9 =	smul.u32 $0xF7A, s1;
	s8 =	simm.s32 @!p0 $0x1BF5;
	p2 =	por !p2, p0  }
0x20: {  	[sflag:s8] =	ssyncset.s32 @!p0 $0xFFFFF086;
	s6 =	sadd.s32 @!p0 s3, s7;
	s7 =	simm.s32 @!p0 $0x108  }
0x21: {  	s3 =	sadd.s32 s3, s9;
	s6 =	sadd.s32 @!p0 $0x88, s6;
	s7 =	simm.s32 @p2 $0x1082  }
0x22: {  	[simem:s7], [sflag:s8] =	dma.local @!p0 [hbm:s6], $0xF7A  }
0x23: {  	s9 =	sor.u32 $0xD0000000, s2;
	s6 =	simm.s32 $0x108;
	_ =	swait.ge @!p0 [sflag:s8], $0x0  }
0x24: {  	s3 =	sadd.s32 $0x88, s3;
	s6 =	simm.s32 @!p1 $0x1082;
	[sflag:s4] =	ssyncset.s32 $0xFFFFF086  }
0x25: {  	[simem:s6], [sflag:s4] =	dma.local [hbm:s3], $0xF7A  }
0x26: {  	[smem:$0x3F73] =	sst s1;
	(tag) =	ssettag s2;
	_ =	strace s9  }
0x27: {  	s1 =	sld [smem:$0x3F83]  }
0x28: {  	s2 =	sld [smem:$0x3F84]  }
0x29: {  	s4 =	sld [smem:$0x3F86]  }
0x2a: {  	p0 =	seq.s32 s5, $0x0;
	s5 =	sld [smem:$0x3F87]  }
0x2b: {  	s6 =	sld [smem:$0x3F88]  }
0x2c: {  	s7 =	sld [smem:$0x3F89]  }
0x2d: {  	s3 =	simm.s32 $0x108;
	s8 =	sld [smem:$0x3F8A]  }
0x2e: {  	s3 =	simm.s32 @!p0 $0x1082;
	s9 =	sld [smem:$0x3F8B]  }
0x2f: {  	lr =	sadd.s32 s0, s3;
	s0 =	sld [smem:$0x3F82]  }
0x30: {  	s3 =	sld [smem:$0x3F85]  }
0x31: {  	[smem:$0x3F8E] =	sst s10  }
0x32: {  	s10 =	sld [smem:$0x3F8C];
	_ =	sdelay $0x3  }
0x33: {  	p0 =	seq.s32 s10, $0x1;
	s10 =	sld [smem:$0x3F8E];
	_ =	sdelay $0x3  }
0x34: {  	[smem:$0x3F8E] =	sst s10  }
0x35: {  	s10 =	sld [smem:$0x3F8D];
	_ =	sdelay $0x3  }
0x36: {  	p1 =	seq.s32 s10, $0x1;
	s10 =	sld [smem:$0x3F8E];
	_ =	sdelay $0x3  }
0x37: {  	[smem:$0x3F8E] =	sst s10  }
0x38: {  	s10 =	sld [smem:$0x3F8F]  }
0x39: {  	_ = 	snop;
	(pc) =	sbr.ind lr, $3  }
0x3a: {  	_ = 	snop  }
0x3b: {  	_ = 	snop  }
0x3c: {  	p2 =	seq.s32 s10, $0x1;
	s10 =	sld [smem:$0x3F8E]  }
0x3d: {  	_ =	shalt  }
0x3e: {  	_ =	shalt  }
0x3f: {  	_ =	shalt  }
0x40: {  	_ =	shalt  }
0x41: {  	_ =	shalt  }
0x42: {  	_ =	shalt  }
0x43: {  	_ =	shalt  }
0x44: {  	_ =	shalt  }
0x45: {  	_ =	shalt  }
0x46: {  	_ =	shalt  }
0x47: {  	_ =	shalt  }
0x48: {  	_ =	shalt  }
0x49: {  	_ =	shalt  }
0x4a: {  	_ =	shalt  }
0x4b: {  	_ =	shalt  }
0x4c: {  	_ =	shalt  }
0x4d: {  	_ =	shalt  }
0x4e: {  	_ =	shalt  }
0x4f: {  	_ =	shalt  }
0x50: {  	_ =	shalt  }
0x51: {  	_ =	shalt  }
0x52: {  	_ =	shalt  }
0x53: {  	_ =	shalt  }
0x54: {  	_ =	shalt  }
0x55: {  	_ =	shalt  }
0x56: {  	_ =	shalt  }
0x57: {  	_ =	shalt  }
0x58: {  	_ =	shalt  }
0x59: {  	_ =	shalt  }
0x5a: {  	_ =	shalt  }
0x5b: {  	_ =	shalt  }
0x5c: {  	_ =	shalt  }
0x5d: {  	_ =	shalt  }
0x5e: {  	_ =	shalt  }
0x5f: {  	_ =	shalt  }
0x60: {  	_ =	shalt  }
0x61: {  	_ =	shalt  }
0x62: {  	_ =	shalt  }
0x63: {  	_ =	shalt  }
0x64: {  	_ =	shalt  }
0x65: {  	_ =	shalt  }
0x66: {  	_ =	shalt  }
0x67: {  	_ =	shalt  }
0x68: {  	_ =	shalt  }
0x69: {  	_ =	shalt  }
0x6a: {  	_ =	shalt  }
0x6b: {  	_ =	shalt  }
0x6c: {  	_ =	shalt  }
0x6d: {  	_ =	shalt  }
0x6e: {  	_ =	shalt  }
0x6f: {  	_ =	shalt  }
0x70: {  	_ =	shalt  }
0x71: {  	_ =	shalt  }
0x72: {  	_ =	shalt  }
0x73: {  	_ =	shalt  }
0x74: {  	_ =	shalt  }
0x75: {  	_ =	shalt  }
0x76: {  	_ =	shalt  }
0x77: {  	_ =	shalt  }
0x78: {  	_ =	shalt  }
0x79: {  	_ =	shalt  }
0x7a: {  	_ =	shalt  }
0x7b: {  	_ =	shalt  }
0x7c: {  	_ =	shalt  }
0x7d: {  	_ =	shalt  }
0x7e: {  	_ =	shalt  }
0x7f: {  	_ =	shalt  }
0x80: {  	_ =	shalt  }
0x81: {  	_ =	shalt  }
0x82: {  	_ =	shalt  }
0x83: {  	_ =	shalt  }
0x84: {  	_ =	shalt  }
0x85: {  	_ =	shalt  }
0x86: {  	_ =	shalt  }
0x87: {  	_ =	shalt  }
.Lfunc_end0:
.L_simem_size_0:
called_computation.5_lowered:
.L_overlay_start_0:
0x88: {  	s2 =	sld [smem:$0x3FD9]  }
0x89: {  	s3 =	sld [smem:$0x3FFE];
	_ =	sdelay $0x1  }
0x8a: {  	s1 =	srdreg.scid  }
0x8b: {  	s0 =	sand.u32 $0x1, s1  }
0x8c: {  	s14 =	sshll.u32 s0, $0xA;
	s2 =	sadd.s32 s3, s2  }
0x8d: {  	s2 =	sadd.s32 s2, s14  }
0x8e: {  	[smem:$0x3F9A] =	sst s2  }
0x8f: {  	_ = 	snop  }
0x90: {  	s2 =	sld [smem:$0x3FD0];
	_ =	sdelay $0x2  }
0x91: {  	s15 =	simm.s32 $0xB;
	s4 =	simm.s32 $0x10  }
0x92: {  	[smem:s4], [sflag:s15] =	dma.local [hbm:s2], $0x1  }
0x93: {  	_ =	swait.eq [sflag:s15], $0x1  }
0x94: {  	[sflag:s15] =	ssyncset.done $0x0  }
0x95: {  	[sflag:s15] =	ssyncadd.s32 $0xFFFFFFFF  }
0x96: {  	s16 =	sld [smem:$0x10];
	(tm) =	ssettm $0x1  }
0x97: {  	s17 =	sld [smem:$0x3FFB];
	_ =	sdelay $0x3  }
0x98: {  	_ =	strace s17  }
0x99: {  	s3 =	sld [smem:$0x3FFC];
	_ =	sdelay $0x3  }
0x9a: {  	_ =	strace s3  }
0x9b: {  	s3 =	sld [smem:$0x3FFD];
	_ =	sdelay $0x3  }
0x9c: {  	_ =	strace s3  }
0x9d: {  	_ =	strace $0x8FFFFFFF  }
0x9e: {  	s18 =	sld [smem:$0x3FDB];
	_ =	sdelay $0x1  }
0x9f: {  	s19 =	simm.s32 $_scs_section_size  }
0xa0: {  	s5 =	simm.s32 $_size__tile_overlayer_lowered;
	s6 =	simm.s32 $_tile_overlayer_lowered  }
0xa1: {  	s22 =	simm.s32 $0x1BFF;
	s21 =	sshll.u32 s6, $0x1;
	s3 =	sadd.s32 s19, s18  }
0xa2: {  	s7 =	simm.s32 $0x0;
	s20 =	sshll.u32 s5, $0x1;
	s5 =	sadd.s32 s21, s3  }
0xa3: {  	[timem:s7], [sflag:s22] =	dma.local [hbm:s5], s20  }
0xa4: {  	_ =	swait.ge [sflag:s22], s20  }
0xa5: {  	s4 =	ssub.s32 $0x0, s20;
	[sflag:s22] =	ssyncset.done $0x0  }
0xa6: {  	[sflag:s22] =	ssyncadd.s32 s4;
	_ =	sdelay $0x1  }
0xa7: {  	s23 =	simm.s32 $0x1B8B  }
0xa8: {  	_ =	swait.ge [sflag:s23], $0x1  }
0xa9: {  	[sflag:s23] =	ssyncset.done $0x0  }
0xaa: {  	s25 =	simm.s32 $0x1B8E;
	s24 =	sld [smem:$0x3FFE];
	[sflag:s23] =	ssyncadd.s32 $0xFFFFFFFF  }
0xab: {  	s26 =	simm.s32 $execute0_lowered;
	[smem:$0x3FD2] =	sst s25  }
0xac: {  	s5 =	sshll.u32 s26, $0x1;
	_ =	strace $0x80000052;
	[dreg:$0x1] =	wrdreg $0xFFFFFFFF  }
0xad: {  	s28 =	simm.s32 $_size_execute0_lowered;
	s3 =	sadd.s32 s3, s5;
	[dreg:$0x0] =	wrdreg $0x0  }
0xae: {  	s5 =	sshll.u32 s28, $0x1;
	[dreg:$0x2] =	wrdreg s3  }
0xaf: {  	[dreg:$0x3] =	wrdreg s5  }
0xb0: {  	[dreg:$0x4] =	wrdreg $0xC0  }
0xb1: {  	_ =	task [dreg:s7], $0x5FFFF  }
0xb2: {  	[dreg:$0x1] =	wrdreg $0xFFFFFFFF  }
0xb3: {  	[dreg:$0x0] =	wrdreg $0x60  }
0xb4: {  	[dreg:$0x2] =	wrdreg s16  }
0xb5: {  	[dreg:$0x3] =	wrdreg s24  }
0xb6: {  	[dreg:$0x4] =	wrdreg $0xA  }
0xb7: {  	_ =	task.clear_ibuf [dreg:s7], $0x5FFFF;
	_ =	strace $0x90000052  }
0xb8: {  	s29 =	simm.s32 $0xA;
	_ =	strace $0x80000054  }
0xb9: {  	_ =	swait.ge [sflag:s29], $0x1  }
0xba: {  	[sflag:s29] =	ssyncadd.s32 $0xFFFFFFFF  }
0xbb: {  	_ =	strace $0x90000054  }
0xbc: {  	_ =	sfence  }
0xbd: {  	s30 =	sld [smem:$0x0];
	_ =	sdelay $0x2  }
0xbe: {  	s31 =	sshll.u32 s1, $0xD;
	s1 =	sshrl.u32 s1, $0x2  }
0xbf: {  	s3 =	sand.u32 $0x4000, s31;
	s1 =	sadd.s32 s1, s30  }
0xc0: {  	s0 =	sor.u32 s3, s0;
	s1 =	sshll.u32 s1, $0x11  }
0xc1: {  	s0 =	sor.u32 s1, s0  }
0xc2: {  	s0 =	sadd.s32 $0x8F2B, s0  }
0xc3: {  	[sflag:s0] =	ssyncadd.remote.s32 $0x1  }
0xc4: {  	_ =	sfence.sel $0xFFFF  }
0xc5: {  	[dreg:$0x0] =	wrdreg $0xFFFFFFFF;
	(pc) =	sbr.abs _section_cstart, $3  }
0xc6: {  	[dreg:$0x1] =	wrdreg $0xFFFFFFFF  }
0xc7: {  	_ =	task.clear_ibuf [dreg:s7], $0x2FFFF;
	_ =	strace $0x9FFFFFFF  }
0xc8: {  	(tm) =	ssettm $0x7FFFFFFF  }
0xc9: {  	_ =	shalt  }
tec
execute0_lowered:
.L_overlay_start_1:
0x0: {  	(tag) =	ssettag $0x1  }
0x1: {  	s1 =	rddreg [dreg:$0x0]  }
0x2: {  	s4 =	rddreg [dreg:$0x1]  }
0x3: {  	s0 =	rddreg [dreg:$0x2];
	s2 =	simm.s32 $0x0;
	s5 =	srdreg.scid  }
0x4: {  	s3 =	stileid.u32;
	s17 =	simm.s32 $0x1;
	s18 =	simm.s32 $0x2  }
0x5: {  	s19 =	simm.s32 $0x8;
	s20 =	simm.s32 $0x0;
	[smem:$0x7FF] =	sst s2  }
0x6: {  	s10 =	sadd.s32 $0x13000, s4;
	s9 =	sadd.s32 $0xE000, s4;
	s11 =	sand.u32 $0x1, s5  }
0x7: {  	s12 =	sadd.s32 $0xB8000, s4;
	s6 =	sshll.u32 s3, $0x1;
	s13 =	sadd.s32 $0x315800, s4  }
0x8: {  	s31 =	sshll.u32 s3, $0x8;
	s15 =	sshll.u32 s3, $0xC;
	_ =	strace $0x80000053  }
0x9: {  	s5 =	ssub.s32 $0x2, s11;
	s6 =	sor.u32 s11, s6;
	s14 =	sshll.u32 s11, $0x7  }
0xa: {  	s16 =	sshll.u32 s11, $0xB;
	s29 =	sshrl.u32 s5, $0x1;
	s7 =	sshll.u32 s6, $0x7  }
0xb: {  	s30 =	sor.u32 $0x4E00, s6;
	s14 =	sor.u32 s14, s31;
	s8 =	ssub.s32 s5, s29  }
0xc: {  	s4 =	sadd.s32 s10, s30;
	s5 =	sadd.s32 s9, s30;
	s7 =	sor.u32 $0x130000, s7  }
0xd: {  	s14 =	sor.u32 $0x14000, s14;
	s6 =	sadd.s32 s12, s7;
	s7 =	sadd.s32 s13, s7  }
0xe: {  	s8 =	smax.u32 s8, $0x1;
	s14 =	sshrl.u32 s14, $0x3;
	s13 =	sadd.s32 s15, s13  }
0xf: {  	s12 =	sadd.s32 s15, s12;
	s15 =	simm.s32 $0x100;
	s9 =	sadd.s32 s14, s9  }
0x10: {  	s10 =	sadd.s32 s14, s10;
	s11 =	sadd.s32 s16, s13;
	s12 =	sadd.s32 s16, s12  }
0x11: {  	s13 =	simm.s32 $0x3;
	s14 =	simm.s32 $0x80;
	s16 =	simm.s32 $0x4100  }
.LBB2_1:
0x12: {  	s21 =	sadd.s32 $0x0, s10  }
0x13: {  	[tilespmem:s2], [sflag:$0x3] =	stream.linear.gather [hbm4b:s21+s2], $0x80, $0x38;
	[tilespmem:$0x8100] =	vst v63  }
0x14: {  	_ =	swait.ge [sflag:s13], $0x80  }
0x15: {  	[sflag:s13] =	ssyncset.done $0x0  }
0x16: {  	s31 =	sadd.s32 $0x0, s9;
	[sflag:s13] =	ssyncadd.s32 $0xFFFFFF80  }
0x17: {  	[tilespmem:s14], [sflag:$0x3] =	stream.linear.gather [hbm4b:s31+s2], $0x80, $0x38;
	[tilespmem:$0x8100] =	vst v63  }
0x18: {  	_ =	swait.ge [sflag:s13], $0x80  }
0x19: {  	[sflag:s13] =	ssyncset.done $0x0  }
0x1a: {  	[sflag:s13] =	ssyncadd.s32 $0xFFFFFF80  }
0x1b: {  	[tilespmem:s15], [sflag:$0x1] =	stream.indirect.gather [hbm4b:s1+s14], $0x80, s2, s14, $0xb8;
	[tilespmem:$0x8100] =	vst v63  }
0x1c: {  	_ = 	snop  }
0x1d: {  	[tilespmem:s16], [sflag:$0x2] =	stream.indirect.gather [hbm4b:s1+s14], $0x80, s14, s14, $0xb8;
	[tilespmem:$0x8100] =	vst v63  }
0x1e: {  	_ =	swait.ge [sflag:s17], $0x4000  }
0x1f: {  	[sflag:s17] =	ssyncset.done $0x0  }
0x20: {  	[sflag:s17] =	ssyncadd.s32 $0xFFFFC000  }
0x21: {  	[hbm4b:s12+s2] =	stream.linear.scatter [tilespmem:s15], [sflag:$0x3], $0x4000, $0x38;
	[tilespmem:$0x8100] =	vst v63  }
0x22: {  	_ =	swait.ge [sflag:s13], $0x4000  }
0x23: {  	[sflag:s13] =	ssyncset.done $0x0  }
0x24: {  	[sflag:s13] =	ssyncadd.s32 $0xFFFFC000  }
0x25: {  	_ =	swait.ge [sflag:s18], $0x4000  }
0x26: {  	[sflag:s18] =	ssyncset.done $0x0  }
0x27: {  	[sflag:s18] =	ssyncadd.s32 $0xFFFFC000  }
0x28: {  	[hbm4b:s11+s2] =	stream.linear.scatter [tilespmem:s16], [sflag:$0x3], $0x4000, $0x38;
	[tilespmem:$0x8100] =	vst v63  }
0x29: {  	s23 =	simm.s32 $0x200;
	s24 =	simm.s32 $0x400;
	_ =	swait.ge [sflag:s13], $0x4000  }
0x2a: {  	s22 =	sadd.s32 $0x10000, s12;
	s21 =	sadd.s32 $0x10000, s11;
	[sflag:s13] =	ssyncset.done $0x0  }
.LBB2_2:
0x2b: {  	s25 =	sadd.s32 s23, s10  }
0x2c: {  	[sflag:s13] =	ssyncadd.s32 $0xFFFFC000;
	s26 =	smov.u32 s24;
	s28 =	sadd.s32 $0x200, s24  }
0x2d: {  	[tilespmem:s2], [sflag:$0x3] =	stream.linear.gather [hbm4b:s25+s2], $0x80, $0x38;
	[tilespmem:$0x8100] =	vst v63  }
0x2e: {  	p0 =	sne.s32 s24, $0x2400;
	_ =	swait.ge [sflag:s13], $0x80  }
0x2f: {  	[sflag:s13] =	ssyncset.done $0x0  }
0x30: {  	s24 =	sadd.s32 s23, s9;
	s23 =	smov.u32 s26;
	[sflag:s13] =	ssyncadd.s32 $0xFFFFFF80  }
0x31: {  	[tilespmem:s14], [sflag:$0x3] =	stream.linear.gather [hbm4b:s24+s2], $0x80, $0x38;
	[tilespmem:$0x8100] =	vst v63  }
0x32: {  	_ =	swait.ge [sflag:s13], $0x80  }
0x33: {  	[sflag:s13] =	ssyncset.done $0x0  }
0x34: {  	[sflag:s13] =	ssyncadd.s32 $0xFFFFFF80  }
0x35: {  	[tilespmem:s15], [sflag:$0x1] =	stream.indirect.gather [hbm4b:s1+s14], $0x80, s2, s14, $0xb8;
	[tilespmem:$0x8100] =	vst v63  }
0x36: {  	_ = 	snop  }
0x37: {  	[tilespmem:s16], [sflag:$0x2] =	stream.indirect.gather [hbm4b:s1+s14], $0x80, s14, s14, $0xb8;
	[tilespmem:$0x8100] =	vst v63  }
0x38: {  	_ =	swait.ge [sflag:s17], $0x4000  }
0x39: {  	[sflag:s17] =	ssyncset.done $0x0  }
0x3a: {  	[sflag:s17] =	ssyncadd.s32 $0xFFFFC000  }
0x3b: {  	[hbm4b:s22+s2] =	stream.linear.scatter [tilespmem:s15], [sflag:$0x3], $0x4000, $0x38;
	[tilespmem:$0x8100] =	vst v63  }
0x3c: {  	_ =	swait.ge [sflag:s13], $0x4000  }
0x3d: {  	[sflag:s13] =	ssyncset.done $0x0  }
0x3e: {  	[sflag:s13] =	ssyncadd.s32 $0xFFFFC000  }
0x3f: {  	_ =	swait.ge [sflag:s18], $0x4000  }
.Ltmp0:
0x40: {  	[sflag:s18] =	ssyncset.done $0x0;
	(pc) =	sbr.rel @p0 .LBB2_2-.Ltmp0, $4  }
0x41: {  	[sflag:s18] =	ssyncadd.s32 $0xFFFFC000  }
0x42: {  	[hbm4b:s21+s2] =	stream.linear.scatter [tilespmem:s16], [sflag:$0x3], $0x4000, $0x38;
	[tilespmem:$0x8100] =	vst v63  }
0x43: {  	s24 =	smov.u32 s28;
	_ =	swait.ge [sflag:s13], $0x4000  }
0x44: {  	s22 =	sadd.s32 $0x10000, s22;
	s21 =	sadd.s32 $0x10000, s21;
	[sflag:s13] =	ssyncset.done $0x0  }
0x45: {  	s24 =	sadd.s32 s23, s10;
	[sflag:s13] =	ssyncadd.s32 $0xFFFFC000  }
0x46: {  	[tilespmem:s2], [sflag:$0x3] =	stream.linear.gather [hbm4b:s24+s2], $0x80, $0x38;
	[tilespmem:$0x8100] =	vst v63  }
0x47: {  	_ =	swait.ge [sflag:s13], $0x80  }
0x48: {  	[sflag:s13] =	ssyncset.done $0x0  }
0x49: {  	s31 =	sadd.s32 s23, s9;
	[sflag:s13] =	ssyncadd.s32 $0xFFFFFF80  }
0x4a: {  	[tilespmem:s14], [sflag:$0x3] =	stream.linear.gather [hbm4b:s31+s2], $0x80, $0x38;
	[tilespmem:$0x8100] =	vst v63  }
0x4b: {  	_ =	swait.ge [sflag:s13], $0x80  }
0x4c: {  	[sflag:s13] =	ssyncset.done $0x0  }
0x4d: {  	[sflag:s13] =	ssyncadd.s32 $0xFFFFFF80  }
0x4e: {  	[tilespmem:s15], [sflag:$0x1] =	stream.indirect.gather [hbm4b:s1+s14], $0x80, s2, s14, $0xb8;
	[tilespmem:$0x8100] =	vst v63  }
0x4f: {  	_ = 	snop  }
0x50: {  	[tilespmem:s16], [sflag:$0x2] =	stream.indirect.gather [hbm4b:s1+s14], $0x80, s14, s14, $0xb8;
	[tilespmem:$0x8100] =	vst v63  }
0x51: {  	_ =	swait.ge [sflag:s17], $0x4000  }
0x52: {  	[sflag:s17] =	ssyncset.done $0x0  }
0x53: {  	[sflag:s17] =	ssyncadd.s32 $0xFFFFC000  }
0x54: {  	[hbm4b:s22+s2] =	stream.linear.scatter [tilespmem:s15], [sflag:$0x3], $0x4000, $0x38;
	[tilespmem:$0x8100] =	vst v63  }
0x55: {  	_ =	swait.ge [sflag:s13], $0x4000  }
0x56: {  	[sflag:s13] =	ssyncset.done $0x0  }
0x57: {  	[sflag:s13] =	ssyncadd.s32 $0xFFFFC000  }
0x58: {  	_ =	swait.ge [sflag:s18], $0x4000  }
0x59: {  	[sflag:s18] =	ssyncset.done $0x0  }
0x5a: {  	[sflag:s18] =	ssyncadd.s32 $0xFFFFC000  }
0x5b: {  	[hbm4b:s21+s2] =	stream.linear.scatter [tilespmem:s16], [sflag:$0x3], $0x4000, $0x38;
	[tilespmem:$0x8100] =	vst v63  }
0x5c: {  	_ =	swait.ge [sflag:s13], $0x4000  }
0x5d: {  	[sflag:s13] =	ssyncset.done $0x0  }
0x5e: {  	[sflag:s13] =	ssyncadd.s32 $0xFFFFC000  }
0x5f: {  	[tilespmem:s2], [sflag:$0x3] =	stream.linear.gather [hbm4b:s4+s2], $0x8, $0x38;
	[tilespmem:$0x8100] =	vst v63  }
0x60: {  	_ =	swait.ge [sflag:s13], $0x8  }
0x61: {  	[sflag:s13] =	ssyncset.done $0x0  }
0x62: {  	[sflag:s13] =	ssyncadd.s32 $0xFFFFFFF8  }
0x63: {  	[tilespmem:s14], [sflag:$0x3] =	stream.linear.gather [hbm4b:s5+s2], $0x8, $0x38;
	[tilespmem:$0x8100] =	vst v63  }
0x64: {  	_ =	swait.ge [sflag:s13], $0x8  }
0x65: {  	[sflag:s13] =	ssyncset.done $0x0  }
0x66: {  	[sflag:s13] =	ssyncadd.s32 $0xFFFFFFF8  }
0x67: {  	[tilespmem:s15], [sflag:$0x1] =	stream.indirect.gather [hbm4b:s1+s19], $0x80, s2, s19, $0xb8;
	[tilespmem:$0x8100] =	vst v63  }
0x68: {  	_ = 	snop  }
0x69: {  	[tilespmem:s16], [sflag:$0x2] =	stream.indirect.gather [hbm4b:s1+s19], $0x80, s14, s19, $0xb8;
	[tilespmem:$0x8100] =	vst v63  }
0x6a: {  	_ =	swait.ge [sflag:s17], $0x400  }
0x6b: {  	[sflag:s17] =	ssyncset.done $0x0  }
0x6c: {  	[sflag:s17] =	ssyncadd.s32 $0xFFFFFC00  }
0x6d: {  	[hbm4b:s6+s2] =	stream.linear.scatter [tilespmem:s15], [sflag:$0x3], $0x400, $0x38;
	[tilespmem:$0x8100] =	vst v63  }
0x6e: {  	_ =	swait.ge [sflag:s13], $0x400  }
0x6f: {  	[sflag:s13] =	ssyncset.done $0x0  }
0x70: {  	[sflag:s13] =	ssyncadd.s32 $0xFFFFFC00  }
0x71: {  	s20 =	sadd.s32 $0x1, s20;
	_ =	swait.ge [sflag:s18], $0x400  }
0x72: {  	p0 =	sne.s32 s20, s8;
	[sflag:s18] =	ssyncset.done $0x0  }
.Ltmp1:
0x73: {  	[sflag:s18] =	ssyncadd.s32 $0xFFFFFC00;
	(pc) =	sbr.rel @p0 .LBB2_1-.Ltmp1, $4  }
0x74: {  	[hbm4b:s7+s2] =	stream.linear.scatter [tilespmem:s16], [sflag:$0x3], $0x400, $0x38;
	[tilespmem:$0x8100] =	vst v63  }
0x75: {  	_ =	swait.ge [sflag:s13], $0x400  }
0x76: {  	[sflag:s13] =	ssyncset.done $0x0  }
0x77: {  	[sflag:s13] =	ssyncadd.s32 $0xFFFFFC00  }
0x78: {  	_ =	sfence.sel $0x180000  }
0x79: {  	[bflag:$0x0] =	sbarrier.arrive $0xFFFF  }
0x7a: {  	p0 =	sne.s32 s3, $0x0;
	_ =	strace $0x90000053  }
0x7b: {  	s0 =	sadd.s32 @!p0 $0x100000, s0;
	[bflag:$0x2] =	sbarrier.arrive $0xFFFF  }
0x7c: {  	[sflag:s0] =	ssyncadd.tile.s32 @!p0 $0x1;
	_ =	shalt  }
.Lfunc_end2:
_tile_overlayer_lowered:
.L_overlay_start_2:
0x7d: {  	(tag) =	ssettag $0x2  }
0x7e: {  	s0 =	rddreg [dreg:$0x0];
	s2 =	stileid.u32  }
0x7f: {  	s1 =	rddreg [dreg:$0x1];
	p0 =	sne.s32 s2, $0x0  }
0x80: {  	s3 =	rddreg [dreg:$0x2];
	[bflag:$0x3] =	sbarrier.arrive $0xFFFF;
	s2 =	simm.s32 @!p0 $0x1C03  }
0x81: {  	[timem:s3], [sflag:s2] =	dma.local @!p0 [hbm:s0], s1  }
0x82: {  	s0 =	simm.s32 @!p0 $0x3  }
0x83: {  	_ =	swait.ge @!p0 [sflag:s0], s1  }
0x84: {  	s1 =	ssub.s32 @!p0 $0x0, s1;
	[sflag:s0] =	ssyncset.done @!p0 $0x0  }
0x85: {  	[sflag:s0] =	ssyncadd.s32 @!p0 s1  }
0x86: {  	[bflag:$0x3] =	sbarrier.arrive $0xFFFF  }
0x87: {  	_ =	shalt  }

</sc_bundles>
